<compile_context>
chip_gen: v7x
topology: tpu7x:2x2x1
jax: 0.10.2.dev20260603
libtpu: 0.0.44.dev20260713+nightly
codegen_flags: <defaults>
</compile_context>

<pallas_src>
import functools

import jax
import jax.numpy as jnp
from jax import lax
from jax.experimental import pallas as pl
from jax.experimental.pallas import tpu as pltpu
from jax.experimental.pallas import tpu_sc as plsc

OBS = 64
ACT = 16
RET = 16
MEMD = OBS + ACT + RET
N = 1000000
KNN = 16
B = 32
TILE = 16384
GRID = (N + TILE - 1) // TILE
NPAD = GRID * TILE
CHUNK = 128
CPT = TILE // CHUNK
NCH = GRID * CPT
LANES = 16
NEG = float("-inf")


def _score_body(obs_ref, memo_ref, memr_ref, scores_ref, summ_ref, ret_ref):
    i = pl.program_id(0)
    xo = memo_ref[...]
    s1 = jnp.sum(xo * xo, axis=0)
    xn = xo / jnp.maximum(jnp.sqrt(s1), 1e-12)[None, :]
    m2 = jnp.sum(xn * xn, axis=0)
    dot = lax.dot_general(
        obs_ref[...].astype(jnp.bfloat16), xn.astype(jnp.bfloat16),
        (((1,), (0,)), ((), ())),
        preferred_element_type=jnp.float32)
    key = 2.0 * dot - m2[None, :]
    col = i * TILE + lax.broadcasted_iota(jnp.int32, (B, TILE), 1)
    key = jnp.where(col < N, key, NEG)
    k3 = key.reshape(B, CPT, CHUNK)
    scores_ref[...] = k3
    summ_ref[...] = jnp.max(k3, axis=2)
    rs = jnp.sum(memr_ref[...], axis=0)
    ret_ref[...] = rs.reshape(CPT, CHUNK)


def _scores(obs, memt):
    return pl.pallas_call(
        _score_body,
        grid=(GRID,),
        in_specs=[
            pl.BlockSpec((B, OBS), lambda i: (0, 0)),
            pl.BlockSpec((OBS, TILE), lambda i: (0, i)),
            pl.BlockSpec((RET, TILE), lambda i: ((OBS + ACT) // RET, i)),
        ],
        out_specs=[
            pl.BlockSpec((B, CPT, CHUNK), lambda i: (0, i, 0)),
            pl.BlockSpec((B, CPT), lambda i: (0, i)),
            pl.BlockSpec((CPT, CHUNK), lambda i: (i, 0)),
        ],
        out_shape=[
            jax.ShapeDtypeStruct((B, NCH, CHUNK), jnp.float32),
            jax.ShapeDtypeStruct((B, NCH), jnp.float32),
            jax.ShapeDtypeStruct((NCH, CHUNK), jnp.float32),
        ],
    )(obs, memt, memt)


def _merge16(rk, ri, vk, vi):
    vk, vi = plsc.sort_key_val(vk, vi, descending=True)
    take = vk > rk
    nk = jnp.where(take, vk, rk)
    ni = jnp.where(take, vi, ri)
    nk, ni = plsc.sort_key_val(nk, ni)
    return nk, ni


def _select_kernel(summ_hbm, scores_hbm, ret_hbm, win_hbm,
                   summ_v, cand_v, retc_v, cidx_v, ridx_v, win_v, sem):
    r = lax.axis_index("s") * 2 + lax.axis_index("c")
    lane = lax.iota(jnp.int32, LANES)

    pltpu.sync_copy(summ_hbm.at[r], summ_v)

    def body(i, carry):
        rk, ri = carry
        vk = summ_v[pl.ds(i * LANES, LANES)]
        vi = i * LANES + lane
        return _merge16(rk, ri, vk, vi)

    rk0 = jnp.full((LANES,), NEG, jnp.float32)
    ri0 = jnp.zeros((LANES,), jnp.int32)
    rk, ri = lax.fori_loop(0, NCH // LANES, body, (rk0, ri0))

    cidx_v[...] = r * NCH + ri
    ridx_v[...] = ri
    cp = pltpu.async_copy(scores_hbm.at[cidx_v], cand_v, sem)
    pltpu.async_copy(ret_hbm.at[ridx_v], retc_v, sem).wait()
    cp.wait()

    fk = jnp.full((LANES,), NEG, jnp.float32)
    fi = jnp.zeros((LANES,), jnp.int32)
    for j in range(KNN):
        cj = jnp.sum(jnp.where(lane == j, ri, 0))
        for k in range(CHUNK // LANES):
            vk = cand_v[j, pl.ds(k * LANES, LANES)]
            vi = cj * CHUNK + k * LANES + lane
            fk, fi = _merge16(fk, fi, vk, vi)

    fc = fi // CHUNK
    fo = fi % CHUNK
    jvec = jnp.zeros((LANES,), jnp.int32)
    for j in range(KNN):
        cj = jnp.sum(jnp.where(lane == j, ri, 0))
        jvec = jnp.where(fc == cj, j, jvec)
    acc = plsc.load_gather(retc_v, [jvec, fo])
    m = jnp.max(acc)
    fs = (jnp.cumsum((acc >= m).astype(jnp.int32)) == 1) & (acc >= m)
    w = jnp.sum(jnp.where(fs, fi, 0))
    win_v[...] = jnp.zeros((LANES,), jnp.int32) + w
    pltpu.sync_copy(win_v, win_hbm.at[r])


def _select(summary, scores2d, ret2d):
    f = functools.partial(
        pl.kernel,
        out_type=jax.ShapeDtypeStruct((B, LANES), jnp.int32),
        mesh=plsc.VectorSubcoreMesh(
            core_axis_name="c", subcore_axis_name="s"),
        compiler_params=pltpu.CompilerParams(
            needs_layout_passes=False, use_tc_tiling_on_sc=False),
        scratch_types=[
            pltpu.VMEM((NCH,), jnp.float32),
            pltpu.VMEM((KNN, CHUNK), jnp.float32),
            pltpu.VMEM((KNN, CHUNK), jnp.float32),
            pltpu.VMEM((LANES,), jnp.int32),
            pltpu.VMEM((LANES,), jnp.int32),
            pltpu.VMEM((LANES,), jnp.int32),
            pltpu.SemaphoreType.DMA,
        ],
    )(_select_kernel)
    return f(summary, scores2d, ret2d)


def _dot_bf(a, b):
    return lax.dot_general(
        a.astype(jnp.bfloat16), b.astype(jnp.bfloat16),
        (((1,), (1,)), ((), ())), preferred_element_type=jnp.float32)


def _finish_body(win_ref, act_hbm, winv_ref, obs_ref, w1_ref, b1_ref,
                 w2a_ref, w2b_ref, b2_ref, out_ref, buf_ref, sem):
    for r in range(B):
        base = (win_ref[r, 0] // CHUNK) * CHUNK
        pltpu.make_async_copy(
            act_hbm.at[:, pl.ds(base, CHUNK)], buf_ref.at[r], sem).start()
    for r in range(B):
        pltpu.make_async_copy(
            act_hbm.at[:, pl.ds(0, CHUNK)], buf_ref.at[r], sem).wait()
    off = winv_ref[...][:, 0] % CHUNK
    mask = (lax.broadcasted_iota(jnp.int32, (B, ACT, CHUNK), 2)
            == off[:, None, None])
    bact = jnp.sum(jnp.where(mask, buf_ref[...], 0.0), axis=2)
    e = jnp.tanh(_dot_bf(obs_ref[...], w1_ref[...]) + b1_ref[...])
    z = (_dot_bf(e, w2a_ref[...]) + _dot_bf(bact, w2b_ref[...])
         + b2_ref[...])
    out_ref[...] = jnp.tanh(z)


def _finish(winners, act_t, obs, W1, b1, W2, b2):
    grid_spec = pltpu.PrefetchScalarGridSpec(
        num_scalar_prefetch=1,
        grid=(1,),
        in_specs=[
            pl.BlockSpec(memory_space=pl.ANY),
            pl.BlockSpec((B, KNN), lambda i, w: (0, 0)),
            pl.BlockSpec((B, OBS), lambda i, w: (0, 0)),
            pl.BlockSpec((OBS, OBS), lambda i, w: (0, 0)),
            pl.BlockSpec((1, OBS), lambda i, w: (0, 0)),
            pl.BlockSpec((OBS, OBS), lambda i, w: (0, 0)),
            pl.BlockSpec((OBS, ACT), lambda i, w: (0, 0)),
            pl.BlockSpec((1, OBS), lambda i, w: (0, 0)),
        ],
        out_specs=pl.BlockSpec((B, OBS), lambda i, w: (0, 0)),
        scratch_shapes=[
            pltpu.VMEM((B, ACT, CHUNK), jnp.float32),
            pltpu.SemaphoreType.DMA,
        ],
    )
    return pl.pallas_call(
        _finish_body,
        grid_spec=grid_spec,
        out_shape=jax.ShapeDtypeStruct((B, OBS), jnp.float32),
    )(winners, act_t, winners, obs, W1, b1.reshape(1, -1),
      W2[:, :OBS], W2[:, OBS:], b2.reshape(1, -1))


def kernel(obs, memories, W_obs_embed, b_obs_embed, W_best_act, b_best_act):
    memt = memories.T
    scores, summary, ret2d = _scores(obs, memt)
    scores2d = scores.reshape(B * NCH, CHUNK)
    winners = _select(summary, scores2d, ret2d)
    return _finish(winners, memt[OBS:OBS + ACT, :], obs,
                   W_obs_embed, b_obs_embed, W_best_act, b_best_act)

# --- scband reference (transcript-rebuilt; emitter-appended) ---
"""Pipeline reference for scband-mem-net-46411416600664 (READ-ONLY COPY).

The authoritative reference and input builder live on the scoring server;
editing this copy changes nothing except your own understanding.
"""

import jax, jax.numpy as jnp
import numpy as np

OBS_LEN = 64
ACT_LEN = 16
RET_LEN = 16
NUM_MEMS = 1000000
K = 16
EMBED_DIM = 64
OUTPUT_DIM = 64
BATCH = 32


def setup_inputs(seed: int = 0) -> dict:
    key = jax.random.key(seed)
    ks = jax.random.split(key, 6)
    mem_dim = OBS_LEN + ACT_LEN + RET_LEN
    obs = jax.random.normal(ks[0], (BATCH, OBS_LEN), dtype=jnp.float32)
    memories = jax.random.normal(ks[1], (NUM_MEMS, mem_dim), dtype=jnp.float32)
    W_obs_embed = jax.random.normal(ks[2], (EMBED_DIM, OBS_LEN), dtype=jnp.float32) * (1.0 / np.sqrt(OBS_LEN))
    b_obs_embed = jnp.zeros((EMBED_DIM,), dtype=jnp.float32)
    W_best_act = jax.random.normal(ks[3], (OUTPUT_DIM, EMBED_DIM + ACT_LEN), dtype=jnp.float32) * (1.0 / np.sqrt(EMBED_DIM + ACT_LEN))
    b_best_act = jnp.zeros((OUTPUT_DIM,), dtype=jnp.float32)
    return {
        "obs": obs,
        "memories": memories,
        "W_obs_embed": W_obs_embed,
        "b_obs_embed": b_obs_embed,
        "W_best_act": W_best_act,
        "b_best_act": b_best_act,
    }


def reference(obs, memories, W_obs_embed, b_obs_embed, W_best_act, b_best_act):
    # slice the observation part of each stored memory row
    obs_mem = memories[:, :OBS_LEN]
    # f.normalize over the feature dim (intended semantics of the module)
    nrm = jnp.linalg.norm(obs_mem, axis=1, keepdims=True)
    obs_mem_n = obs_mem / jnp.maximum(nrm, 1e-12)
    # L2 distance between each query obs and every normalized memory obs.
    # ||a-b||^2 = ||a||^2 + ||b||^2 - 2 a.b  (exact same math, avoids
    # materializing the [B, N, D] broadcasted difference tensor)
    q2 = jnp.sum(obs * obs, axis=1, keepdims=True)
    m2 = jnp.sum(obs_mem_n * obs_mem_n, axis=1)[None, :]
    d2 = q2 + m2 - 2.0 * (obs @ obs_mem_n.T)
    dist = jnp.sqrt(jnp.maximum(d2, 0.0))  # [B, N]
    # k smallest distances -> top_k of negated distances
    _, knn_idx = jax.lax.top_k(-dist, K)  # [B, K]
    # gather the full memory rows of the k nearest neighbours
    sim_mems = jnp.take(memories, knn_idx, axis=0)  # [B, K, obs+act+ret]
    sim_act_ret = sim_mems[..., OBS_LEN:]
    sim_act = sim_act_ret[..., :ACT_LEN]  # [B, K, act]
    sim_ret = jnp.sum(sim_act_ret[..., ACT_LEN:], axis=-1)  # einsum 'ijk->ij'
    maxes = jnp.argmax(sim_ret, axis=1)  # [B]
    best_acts = jnp.take_along_axis(sim_act, maxes[:, None, None], axis=1)[:, 0, :]  # [B, act]
    obs_embeded = jnp.tanh(obs @ W_obs_embed.T + b_obs_embed)
    embed_best = jnp.concatenate([obs_embeded, best_acts], axis=1)
    logits = jnp.tanh(embed_best @ W_best_act.T + b_best_act)
    return logits

if __name__ == "__main__":
    import jax
    _d = setup_inputs()
    print(jax.jit(kernel)(*tuple(_d.values())))

</pallas_src>

<mosaic_0001>
#map = affine_map<(d0, d1) -> (0, 0)>
module attributes {stable_mosaic.version = 14 : i64} {
  func.func @_select_kernel(%arg0: i32, %arg1: i32, %arg2: memref<32x7936xf32, #tpu.memory_space<hbm>>, %arg3: memref<253952x128xf32, #tpu.memory_space<hbm>>, %arg4: memref<7936x128xf32, #tpu.memory_space<hbm>>, %arg5: memref<32x16xi32, #tpu.memory_space<hbm>>, %arg6: memref<7936xf32, #tpu.memory_space<vmem>>, %arg7: memref<16x128xf32, #tpu.memory_space<vmem>>, %arg8: memref<16x128xf32, #tpu.memory_space<vmem>>, %arg9: memref<16xi32, #tpu.memory_space<vmem>>, %arg10: memref<16xi32, #tpu.memory_space<vmem>>, %arg11: memref<16xi32, #tpu.memory_space<vmem>>, %arg12: memref<!tpu.dma_semaphore, #tpu.memory_space<semaphore_mem>>) attributes {dimension_semantics = [#tpu.dimension_semantics<core_parallel>, #tpu.dimension_semantics<subcore_parallel>], iteration_bounds = array<i64: 2, 16>, scalar_prefetch = 0 : i64, scratch_operands = 7 : i64, tpu.core_type = #tpu.core_type<sc_vector_subcore>, window_params = [{transform_indices = #map}, {transform_indices = #map}, {transform_indices = #map}, {transform_indices = #map}]} {
    %mul3A = arith.constant 2 : i32
    %mul3A_0 = arith.muli %arg1, %mul3A : i32
    %add3A = arith.addi %mul3A_0, %arg0 : i32
    %iota3A = tpu.iota {dimensions = array<i32: 0>} : vector<16xi32>
    "tpu.region"() ({
      %run_scoped3A = tpu.sem_alloc : memref<!tpu.dma_semaphore, #tpu.memory_space<semaphore_mem>>
      %dma_start3A_3184 = arith.constant 0 : i32
      %dma_start3A_3185 = tpu.memref_slice %arg2[%add3A, %dma_start3A_3184] : memref<32x7936xf32, #tpu.memory_space<hbm>> -> memref<1x7936xf32, #tpu.memory_space<hbm>>
      %dma_start3A_3186 = tpu.memref_squeeze %dma_start3A_3185 : memref<1x7936xf32, #tpu.memory_space<hbm>> -> memref<7936xf32, #tpu.memory_space<hbm>>
      %dma_start3A_3187 = arith.constant 0 : i32
      %dma_start3A_3188 = tpu.memref_slice %arg2[%add3A, %dma_start3A_3187] : memref<32x7936xf32, #tpu.memory_space<hbm>> -> memref<1x7936xf32, #tpu.memory_space<hbm>>
      %dma_start3A_3189 = tpu.memref_squeeze %dma_start3A_3188 : memref<1x7936xf32, #tpu.memory_space<hbm>> -> memref<7936xf32, #tpu.memory_space<hbm>>
      tpu.enqueue_dma source(%dma_start3A_3189 : memref<7936xf32, #tpu.memory_space<hbm>>) target(%arg6 : memref<7936xf32, #tpu.memory_space<vmem>>) target_semaphore(%run_scoped3A : memref<!tpu.dma_semaphore, #tpu.memory_space<semaphore_mem>>)
      %dma_wait3A_3190 = arith.constant 0 : i32
      %dma_wait3A_3191 = tpu.memref_slice %arg2[%add3A, %dma_wait3A_3190] : memref<32x7936xf32, #tpu.memory_space<hbm>> -> memref<1x7936xf32, #tpu.memory_space<hbm>>
      %dma_wait3A_3192 = tpu.memref_squeeze %dma_wait3A_3191 : memref<1x7936xf32, #tpu.memory_space<hbm>> -> memref<7936xf32, #tpu.memory_space<hbm>>
      %dma_wait3A_3193 = arith.constant 0 : i32
      %dma_wait3A_3194 = tpu.memref_slice %arg2[%add3A, %dma_wait3A_3193] : memref<32x7936xf32, #tpu.memory_space<hbm>> -> memref<1x7936xf32, #tpu.memory_space<hbm>>
      %dma_wait3A_3195 = tpu.memref_squeeze %dma_wait3A_3194 : memref<1x7936xf32, #tpu.memory_space<hbm>> -> memref<7936xf32, #tpu.memory_space<hbm>>
      tpu.wait_dma2 semaphore(%run_scoped3A : memref<!tpu.dma_semaphore, #tpu.memory_space<semaphore_mem>>) src(%dma_wait3A_3195 : memref<7936xf32, #tpu.memory_space<hbm>>) dst(%arg6 : memref<7936xf32, #tpu.memory_space<vmem>>)
      tpu.yield
    }) : () -> ()
    %broadcast_in_dim3A = arith.constant 0xFF800000 : f32
    %broadcast_in_dim3A_1 = vector.broadcast %broadcast_in_dim3A : f32 to vector<16xf32>
    %broadcast_in_dim3A_2 = arith.constant 0 : i32
    %broadcast_in_dim3A_3 = vector.broadcast %broadcast_in_dim3A_2 : i32 to vector<16xi32>
    %scan3A = arith.constant 0 : i32
    %scan3A_4 = arith.constant 496 : i32
    %scan3A_5 = arith.addi %scan3A, %scan3A_4 : i32
    %scan3A_6 = arith.constant 1 : i32
    %scan3A_7:2 = scf.for %scan3A_3184 = %scan3A to %scan3A_5 step %scan3A_6 iter_args(%scan3A_3185 = %broadcast_in_dim3A_1, %scan3A_3186 = %broadcast_in_dim3A_3) -> (vector<16xf32>, vector<16xi32>)  : i32 {
      %mul3A_3187 = arith.constant 16 : i32
      %mul3A_3188 = arith.muli %scan3A_3184, %mul3A_3187 : i32
      %get3A_3189 = arith.index_cast %mul3A_3188 : i32 to index
      %get3A_3190 = tpu.vector_load %arg6[%get3A_3189] {strides = array<i32>} : memref<7936xf32, #tpu.memory_space<vmem>>, vector<16xf32>,
      %mul3A_3191 = arith.constant 16 : i32
      %mul3A_3192 = arith.muli %scan3A_3184, %mul3A_3191 : i32
      %add3A_3193 = vector.broadcast %mul3A_3192 : i32 to vector<16xi32>
      %add3A_3194 = arith.addi %add3A_3193, %iota3A : vector<16xi32>
      %masked_sort3A_3195 = arith.constant dense<true> : vector<16xi1>
      %masked_sort3A_3196, %masked_sort3A_3197, %masked_sort3A_3198 = tpu.sort %get3A_3190, %add3A_3194 masked %masked_sort3A_3195 {descending = true} : (vector<16xf32>, vector<16xi32>, vector<16xi1>) -> (vector<16xi1>, vector<16xf32>, vector<16xi32>)
      %gt3A_3199 = arith.cmpf ogt, %masked_sort3A_3197, %scan3A_3185 : vector<16xf32>
      %select_n3A_3200 = arith.select %gt3A_3199, %masked_sort3A_3197, %scan3A_3185 : vector<16xi1>, vector<16xf32>
      %select_n3A_3201 = arith.select %gt3A_3199, %masked_sort3A_3198, %scan3A_3186 : vector<16xi1>, vector<16xi32>
      %masked_sort3A_3202 = arith.constant dense<true> : vector<16xi1>
      %masked_sort3A_3203, %masked_sort3A_3204, %masked_sort3A_3205 = tpu.sort %select_n3A_3200, %select_n3A_3201 masked %masked_sort3A_3202 : (vector<16xf32>, vector<16xi32>, vector<16xi1>) -> (vector<16xi1>, vector<16xf32>, vector<16xi32>)
      scf.yield %masked_sort3A_3204, %masked_sort3A_3205 : vector<16xf32>, vector<16xi32>
    }
    %scan3A_8 = arith.constant 496 : i32
    %mul3A_9 = arith.constant 7936 : i32
    %mul3A_10 = arith.muli %add3A, %mul3A_9 : i32
    %add3A_11 = vector.broadcast %mul3A_10 : i32 to vector<16xi32>
    %add3A_12 = arith.addi %add3A_11, %scan3A_7#1 : vector<16xi32>
    %swap3A = arith.constant 0 : index
    %swap3A_13 = tpu.vector_load %arg9[%swap3A] {strides = array<i32>} : memref<16xi32, #tpu.memory_space<vmem>>, vector<16xi32>,
    tpu.vector_store %arg9[%swap3A], %add3A_12 {strides = array<i32>} : memref<16xi32, #tpu.memory_space<vmem>>, vector<16xi32>,
    %swap3A_14 = arith.constant 0 : index
    %swap3A_15 = tpu.vector_load %arg10[%swap3A_14] {strides = array<i32>} : memref<16xi32, #tpu.memory_space<vmem>>, vector<16xi32>,
    tpu.vector_store %arg10[%swap3A_14], %scan3A_7#1 {strides = array<i32>} : memref<16xi32, #tpu.memory_space<vmem>>, vector<16xi32>,
    %dma_start3A = arith.constant 0 : i32
    %dma_start3A_16 = arith.constant 0 : i32
    %dma_start3A_17 = tpu.memref_slice %arg3[%dma_start3A, %dma_start3A_16] : memref<253952x128xf32, #tpu.memory_space<hbm>> -> memref<253952x128xf32, #tpu.memory_space<hbm>>
    tpu.enqueue_indirect_dma source(%dma_start3A_17 : memref<253952x128xf32, #tpu.memory_space<hbm>>) target(%arg7 : memref<16x128xf32, #tpu.memory_space<vmem>>) offsets(%arg9 : memref<16xi32, #tpu.memory_space<vmem>>) semaphore(%arg12 : memref<!tpu.dma_semaphore, #tpu.memory_space<semaphore_mem>>)
    %dma_start3A_18 = arith.constant 0 : i32
    %dma_start3A_19 = arith.constant 0 : i32
    %dma_start3A_20 = tpu.memref_slice %arg4[%dma_start3A_18, %dma_start3A_19] : memref<7936x128xf32, #tpu.memory_space<hbm>> -> memref<7936x128xf32, #tpu.memory_space<hbm>>
    tpu.enqueue_indirect_dma source(%dma_start3A_20 : memref<7936x128xf32, #tpu.memory_space<hbm>>) target(%arg8 : memref<16x128xf32, #tpu.memory_space<vmem>>) offsets(%arg10 : memref<16xi32, #tpu.memory_space<vmem>>) semaphore(%arg12 : memref<!tpu.dma_semaphore, #tpu.memory_space<semaphore_mem>>)
    %dma_wait3A = arith.constant 0 : i32
    %dma_wait3A_21 = arith.constant 0 : i32
    %dma_wait3A_22 = tpu.memref_slice %arg4[%dma_wait3A, %dma_wait3A_21] : memref<7936x128xf32, #tpu.memory_space<hbm>> -> memref<7936x128xf32, #tpu.memory_space<hbm>>
    tpu.wait_indirect_dma semaphore(%arg12 : memref<!tpu.dma_semaphore, #tpu.memory_space<semaphore_mem>>) src(%dma_wait3A_22 : memref<7936x128xf32, #tpu.memory_space<hbm>>) dst(%arg8 : memref<16x128xf32, #tpu.memory_space<vmem>>)
    %dma_wait3A_23 = arith.constant 0 : i32
    %dma_wait3A_24 = arith.constant 0 : i32
    %dma_wait3A_25 = tpu.memref_slice %arg3[%dma_wait3A_23, %dma_wait3A_24] : memref<253952x128xf32, #tpu.memory_space<hbm>> -> memref<253952x128xf32, #tpu.memory_space<hbm>>
    tpu.wait_indirect_dma semaphore(%arg12 : memref<!tpu.dma_semaphore, #tpu.memory_space<semaphore_mem>>) src(%dma_wait3A_25 : memref<253952x128xf32, #tpu.memory_space<hbm>>) dst(%arg7 : memref<16x128xf32, #tpu.memory_space<vmem>>)
    %broadcast_in_dim3A_26 = arith.constant 0xFF800000 : f32
    %broadcast_in_dim3A_27 = vector.broadcast %broadcast_in_dim3A_26 : f32 to vector<16xf32>
    %broadcast_in_dim3A_28 = arith.constant 0 : i32
    %broadcast_in_dim3A_29 = vector.broadcast %broadcast_in_dim3A_28 : i32 to vector<16xi32>
    %eq3A = arith.constant 0 : i32
    %eq3A_30 = vector.broadcast %eq3A : i32 to vector<16xi32>
    %eq3A_31 = arith.cmpi eq, %iota3A, %eq3A_30 : vector<16xi32>
    %jit3A = arith.constant 0 : i32
    %broadcast_in_dim3A_32 = vector.broadcast %jit3A : i32 to vector<16xi32>
    %select_n3A = arith.select %eq3A_31, %scan3A_7#1, %broadcast_in_dim3A_32 : vector<16xi1>, vector<16xi32>
    %reduce_sum3A = arith.constant true
    %reduce_sum3A_33 = vector.broadcast %reduce_sum3A : i1 to vector<16xi1>
    %reduce_sum3A_34 = tpu.scan <sum>, %select_n3A masked %reduce_sum3A_33 : vector<16xi32>, vector<16xi1> -> vector<16xi32>
    %reduce_sum3A_35 = vector.extract %reduce_sum3A_34[15] : i32 from vector<16xi32>
    %get3A = arith.constant 0 : i32
    %get3A_36 = arith.index_cast %get3A : i32 to index
    %get3A_37 = arith.constant 0 : index
    %get3A_38 = tpu.vector_load %arg7[%get3A_36, %get3A_37] {strides = array<i32>} : memref<16x128xf32, #tpu.memory_space<vmem>>, vector<16xf32>,
    %mul3A_39 = arith.constant 128 : i32
    %mul3A_40 = arith.muli %reduce_sum3A_35, %mul3A_39 : i32
    %add3A_41 = arith.constant 0 : i32
    %add3A_42 = arith.addi %mul3A_40, %add3A_41 : i32
    %add3A_43 = vector.broadcast %add3A_42 : i32 to vector<16xi32>
    %add3A_44 = arith.addi %add3A_43, %iota3A : vector<16xi32>
    %masked_sort3A = arith.constant dense<true> : vector<16xi1>
    %masked_sort3A_45, %masked_sort3A_46, %masked_sort3A_47 = tpu.sort %get3A_38, %add3A_44 masked %masked_sort3A {descending = true} : (vector<16xf32>, vector<16xi32>, vector<16xi1>) -> (vector<16xi1>, vector<16xf32>, vector<16xi32>)
    %gt3A = arith.cmpf ogt, %masked_sort3A_46, %broadcast_in_dim3A_27 : vector<16xf32>
    %select_n3A_48 = arith.select %gt3A, %masked_sort3A_46, %broadcast_in_dim3A_27 : vector<16xi1>, vector<16xf32>
    %select_n3A_49 = arith.select %gt3A, %masked_sort3A_47, %broadcast_in_dim3A_29 : vector<16xi1>, vector<16xi32>
    %masked_sort3A_50 = arith.constant dense<true> : vector<16xi1>
    %masked_sort3A_51, %masked_sort3A_52, %masked_sort3A_53 = tpu.sort %select_n3A_48, %select_n3A_49 masked %masked_sort3A_50 : (vector<16xf32>, vector<16xi32>, vector<16xi1>) -> (vector<16xi1>, vector<16xf32>, vector<16xi32>)
    %get3A_54 = arith.constant 0 : i32
    %get3A_55 = arith.index_cast %get3A_54 : i32 to index
    %get3A_56 = arith.constant 16 : index
    %get3A_57 = tpu.vector_load %arg7[%get3A_55, %get3A_56] {strides = array<i32>} : memref<16x128xf32, #tpu.memory_space<vmem>>, vector<16xf32>,
    %mul3A_58 = arith.constant 128 : i32
    %mul3A_59 = arith.muli %reduce_sum3A_35, %mul3A_58 : i32
    %add3A_60 = arith.constant 16 : i32
    %add3A_61 = arith.addi %mul3A_59, %add3A_60 : i32
    %add3A_62 = vector.broadcast %add3A_61 : i32 to vector<16xi32>
    %add3A_63 = arith.addi %add3A_62, %iota3A : vector<16xi32>
    %masked_sort3A_64 = arith.constant dense<true> : vector<16xi1>
    %masked_sort3A_65, %masked_sort3A_66, %masked_sort3A_67 = tpu.sort %get3A_57, %add3A_63 masked %masked_sort3A_64 {descending = true} : (vector<16xf32>, vector<16xi32>, vector<16xi1>) -> (vector<16xi1>, vector<16xf32>, vector<16xi32>)
    %gt3A_68 = arith.cmpf ogt, %masked_sort3A_66, %masked_sort3A_52 : vector<16xf32>
    %select_n3A_69 = arith.select %gt3A_68, %masked_sort3A_66, %masked_sort3A_52 : vector<16xi1>, vector<16xf32>
    %select_n3A_70 = arith.select %gt3A_68, %masked_sort3A_67, %masked_sort3A_53 : vector<16xi1>, vector<16xi32>
    %masked_sort3A_71 = arith.constant dense<true> : vector<16xi1>
    %masked_sort3A_72, %masked_sort3A_73, %masked_sort3A_74 = tpu.sort %select_n3A_69, %select_n3A_70 masked %masked_sort3A_71 : (vector<16xf32>, vector<16xi32>, vector<16xi1>) -> (vector<16xi1>, vector<16xf32>, vector<16xi32>)
    %get3A_75 = arith.constant 0 : i32
    %get3A_76 = arith.index_cast %get3A_75 : i32 to index
    %get3A_77 = arith.constant 32 : index
    %get3A_78 = tpu.vector_load %arg7[%get3A_76, %get3A_77] {strides = array<i32>} : memref<16x128xf32, #tpu.memory_space<vmem>>, vector<16xf32>,
    %mul3A_79 = arith.constant 128 : i32
    %mul3A_80 = arith.muli %reduce_sum3A_35, %mul3A_79 : i32
    %add3A_81 = arith.constant 32 : i32
    %add3A_82 = arith.addi %mul3A_80, %add3A_81 : i32
    %add3A_83 = vector.broadcast %add3A_82 : i32 to vector<16xi32>
    %add3A_84 = arith.addi %add3A_83, %iota3A : vector<16xi32>
    %masked_sort3A_85 = arith.constant dense<true> : vector<16xi1>
    %masked_sort3A_86, %masked_sort3A_87, %masked_sort3A_88 = tpu.sort %get3A_78, %add3A_84 masked %masked_sort3A_85 {descending = true} : (vector<16xf32>, vector<16xi32>, vector<16xi1>) -> (vector<16xi1>, vector<16xf32>, vector<16xi32>)
    %gt3A_89 = arith.cmpf ogt, %masked_sort3A_87, %masked_sort3A_73 : vector<16xf32>
    %select_n3A_90 = arith.select %gt3A_89, %masked_sort3A_87, %masked_sort3A_73 : vector<16xi1>, vector<16xf32>
    %select_n3A_91 = arith.select %gt3A_89, %masked_sort3A_88, %masked_sort3A_74 : vector<16xi1>, vector<16xi32>
    %masked_sort3A_92 = arith.constant dense<true> : vector<16xi1>
    %masked_sort3A_93, %masked_sort3A_94, %masked_sort3A_95 = tpu.sort %select_n3A_90, %select_n3A_91 masked %masked_sort3A_92 : (vector<16xf32>, vector<16xi32>, vector<16xi1>) -> (vector<16xi1>, vector<16xf32>, vector<16xi32>)
    %get3A_96 = arith.constant 0 : i32
    %get3A_97 = arith.index_cast %get3A_96 : i32 to index
    %get3A_98 = arith.constant 48 : index
    %get3A_99 = tpu.vector_load %arg7[%get3A_97, %get3A_98] {strides = array<i32>} : memref<16x128xf32, #tpu.memory_space<vmem>>, vector<16xf32>,
    %mul3A_100 = arith.constant 128 : i32
    %mul3A_101 = arith.muli %reduce_sum3A_35, %mul3A_100 : i32
    %add3A_102 = arith.constant 48 : i32
    %add3A_103 = arith.addi %mul3A_101, %add3A_102 : i32
    %add3A_104 = vector.broadcast %add3A_103 : i32 to vector<16xi32>
    %add3A_105 = arith.addi %add3A_104, %iota3A : vector<16xi32>
    %masked_sort3A_106 = arith.constant dense<true> : vector<16xi1>
    %masked_sort3A_107, %masked_sort3A_108, %masked_sort3A_109 = tpu.sort %get3A_99, %add3A_105 masked %masked_sort3A_106 {descending = true} : (vector<16xf32>, vector<16xi32>, vector<16xi1>) -> (vector<16xi1>, vector<16xf32>, vector<16xi32>)
    %gt3A_110 = arith.cmpf ogt, %masked_sort3A_108, %masked_sort3A_94 : vector<16xf32>
    %select_n3A_111 = arith.select %gt3A_110, %masked_sort3A_108, %masked_sort3A_94 : vector<16xi1>, vector<16xf32>
    %select_n3A_112 = arith.select %gt3A_110, %masked_sort3A_109, %masked_sort3A_95 : vector<16xi1>, vector<16xi32>
    %masked_sort3A_113 = arith.constant dense<true> : vector<16xi1>
    %masked_sort3A_114, %masked_sort3A_115, %masked_sort3A_116 = tpu.sort %select_n3A_111, %select_n3A_112 masked %masked_sort3A_113 : (vector<16xf32>, vector<16xi32>, vector<16xi1>) -> (vector<16xi1>, vector<16xf32>, vector<16xi32>)
    %get3A_117 = arith.constant 0 : i32
    %get3A_118 = arith.index_cast %get3A_117 : i32 to index
    %get3A_119 = arith.constant 64 : index
    %get3A_120 = tpu.vector_load %arg7[%get3A_118, %get3A_119] {strides = array<i32>} : memref<16x128xf32, #tpu.memory_space<vmem>>, vector<16xf32>,
    %mul3A_121 = arith.constant 128 : i32
    %mul3A_122 = arith.muli %reduce_sum3A_35, %mul3A_121 : i32
    %add3A_123 = arith.constant 64 : i32
    %add3A_124 = arith.addi %mul3A_122, %add3A_123 : i32
    %add3A_125 = vector.broadcast %add3A_124 : i32 to vector<16xi32>
    %add3A_126 = arith.addi %add3A_125, %iota3A : vector<16xi32>
    %masked_sort3A_127 = arith.constant dense<true> : vector<16xi1>
    %masked_sort3A_128, %masked_sort3A_129, %masked_sort3A_130 = tpu.sort %get3A_120, %add3A_126 masked %masked_sort3A_127 {descending = true} : (vector<16xf32>, vector<16xi32>, vector<16xi1>) -> (vector<16xi1>, vector<16xf32>, vector<16xi32>)
    %gt3A_131 = arith.cmpf ogt, %masked_sort3A_129, %masked_sort3A_115 : vector<16xf32>
    %select_n3A_132 = arith.select %gt3A_131, %masked_sort3A_129, %masked_sort3A_115 : vector<16xi1>, vector<16xf32>
    %select_n3A_133 = arith.select %gt3A_131, %masked_sort3A_130, %masked_sort3A_116 : vector<16xi1>, vector<16xi32>
    %masked_sort3A_134 = arith.constant dense<true> : vector<16xi1>
    %masked_sort3A_135, %masked_sort3A_136, %masked_sort3A_137 = tpu.sort %select_n3A_132, %select_n3A_133 masked %masked_sort3A_134 : (vector<16xf32>, vector<16xi32>, vector<16xi1>) -> (vector<16xi1>, vector<16xf32>, vector<16xi32>)
    %get3A_138 = arith.constant 0 : i32
    %get3A_139 = arith.index_cast %get3A_138 : i32 to index
    %get3A_140 = arith.constant 80 : index
    %get3A_141 = tpu.vector_load %arg7[%get3A_139, %get3A_140] {strides = array<i32>} : memref<16x128xf32, #tpu.memory_space<vmem>>, vector<16xf32>,
    %mul3A_142 = arith.constant 128 : i32
    %mul3A_143 = arith.muli %reduce_sum3A_35, %mul3A_142 : i32
    %add3A_144 = arith.constant 80 : i32
    %add3A_145 = arith.addi %mul3A_143, %add3A_144 : i32
    %add3A_146 = vector.broadcast %add3A_145 : i32 to vector<16xi32>
    %add3A_147 = arith.addi %add3A_146, %iota3A : vector<16xi32>
    %masked_sort3A_148 = arith.constant dense<true> : vector<16xi1>
    %masked_sort3A_149, %masked_sort3A_150, %masked_sort3A_151 = tpu.sort %get3A_141, %add3A_147 masked %masked_sort3A_148 {descending = true} : (vector<16xf32>, vector<16xi32>, vector<16xi1>) -> (vector<16xi1>, vector<16xf32>, vector<16xi32>)
    %gt3A_152 = arith.cmpf ogt, %masked_sort3A_150, %masked_sort3A_136 : vector<16xf32>
    %select_n3A_153 = arith.select %gt3A_152, %masked_sort3A_150, %masked_sort3A_136 : vector<16xi1>, vector<16xf32>
    %select_n3A_154 = arith.select %gt3A_152, %masked_sort3A_151, %masked_sort3A_137 : vector<16xi1>, vector<16xi32>
    %masked_sort3A_155 = arith.constant dense<true> : vector<16xi1>
    %masked_sort3A_156, %masked_sort3A_157, %masked_sort3A_158 = tpu.sort %select_n3A_153, %select_n3A_154 masked %masked_sort3A_155 : (vector<16xf32>, vector<16xi32>, vector<16xi1>) -> (vector<16xi1>, vector<16xf32>, vector<16xi32>)
    %get3A_159 = arith.constant 0 : i32
    %get3A_160 = arith.index_cast %get3A_159 : i32 to index
    %get3A_161 = arith.constant 96 : index
    %get3A_162 = tpu.vector_load %arg7[%get3A_160, %get3A_161] {strides = array<i32>} : memref<16x128xf32, #tpu.memory_space<vmem>>, vector<16xf32>,
    %mul3A_163 = arith.constant 128 : i32
    %mul3A_164 = arith.muli %reduce_sum3A_35, %mul3A_163 : i32
    %add3A_165 = arith.constant 96 : i32
    %add3A_166 = arith.addi %mul3A_164, %add3A_165 : i32
    %add3A_167 = vector.broadcast %add3A_166 : i32 to vector<16xi32>
    %add3A_168 = arith.addi %add3A_167, %iota3A : vector<16xi32>
    %masked_sort3A_169 = arith.constant dense<true> : vector<16xi1>
    %masked_sort3A_170, %masked_sort3A_171, %masked_sort3A_172 = tpu.sort %get3A_162, %add3A_168 masked %masked_sort3A_169 {descending = true} : (vector<16xf32>, vector<16xi32>, vector<16xi1>) -> (vector<16xi1>, vector<16xf32>, vector<16xi32>)
    %gt3A_173 = arith.cmpf ogt, %masked_sort3A_171, %masked_sort3A_157 : vector<16xf32>
    %select_n3A_174 = arith.select %gt3A_173, %masked_sort3A_171, %masked_sort3A_157 : vector<16xi1>, vector<16xf32>
    %select_n3A_175 = arith.select %gt3A_173, %masked_sort3A_172, %masked_sort3A_158 : vector<16xi1>, vector<16xi32>
    %masked_sort3A_176 = arith.constant dense<true> : vector<16xi1>
    %masked_sort3A_177, %masked_sort3A_178, %masked_sort3A_179 = tpu.sort %select_n3A_174, %select_n3A_175 masked %masked_sort3A_176 : (vector<16xf32>, vector<16xi32>, vector<16xi1>) -> (vector<16xi1>, vector<16xf32>, vector<16xi32>)
    %get3A_180 = arith.constant 0 : i32
    %get3A_181 = arith.index_cast %get3A_180 : i32 to index
    %get3A_182 = arith.constant 112 : index
    %get3A_183 = tpu.vector_load %arg7[%get3A_181, %get3A_182] {strides = array<i32>} : memref<16x128xf32, #tpu.memory_space<vmem>>, vector<16xf32>,
    %mul3A_184 = arith.constant 128 : i32
    %mul3A_185 = arith.muli %reduce_sum3A_35, %mul3A_184 : i32
    %add3A_186 = arith.constant 112 : i32
    %add3A_187 = arith.addi %mul3A_185, %add3A_186 : i32
    %add3A_188 = vector.broadcast %add3A_187 : i32 to vector<16xi32>
    %add3A_189 = arith.addi %add3A_188, %iota3A : vector<16xi32>
    %masked_sort3A_190 = arith.constant dense<true> : vector<16xi1>
    %masked_sort3A_191, %masked_sort3A_192, %masked_sort3A_193 = tpu.sort %get3A_183, %add3A_189 masked %masked_sort3A_190 {descending = true} : (vector<16xf32>, vector<16xi32>, vector<16xi1>) -> (vector<16xi1>, vector<16xf32>, vector<16xi32>)
    %gt3A_194 = arith.cmpf ogt, %masked_sort3A_192, %masked_sort3A_178 : vector<16xf32>
    %select_n3A_195 = arith.select %gt3A_194, %masked_sort3A_192, %masked_sort3A_178 : vector<16xi1>, vector<16xf32>
    %select_n3A_196 = arith.select %gt3A_194, %masked_sort3A_193, %masked_sort3A_179 : vector<16xi1>, vector<16xi32>
    %masked_sort3A_197 = arith.constant dense<true> : vector<16xi1>
    %masked_sort3A_198, %masked_sort3A_199, %masked_sort3A_200 = tpu.sort %select_n3A_195, %select_n3A_196 masked %masked_sort3A_197 : (vector<16xf32>, vector<16xi32>, vector<16xi1>) -> (vector<16xi1>, vector<16xf32>, vector<16xi32>)
    %eq3A_201 = arith.constant 1 : i32
    %eq3A_202 = vector.broadcast %eq3A_201 : i32 to vector<16xi32>
    %eq3A_203 = arith.cmpi eq, %iota3A, %eq3A_202 : vector<16xi32>
    %jit3A_204 = arith.constant 0 : i32
    %broadcast_in_dim3A_205 = vector.broadcast %jit3A_204 : i32 to vector<16xi32>
    %select_n3A_206 = arith.select %eq3A_203, %scan3A_7#1, %broadcast_in_dim3A_205 : vector<16xi1>, vector<16xi32>
    %reduce_sum3A_207 = arith.constant true
    %reduce_sum3A_208 = vector.broadcast %reduce_sum3A_207 : i1 to vector<16xi1>
    %reduce_sum3A_209 = tpu.scan <sum>, %select_n3A_206 masked %reduce_sum3A_208 : vector<16xi32>, vector<16xi1> -> vector<16xi32>
    %reduce_sum3A_210 = vector.extract %reduce_sum3A_209[15] : i32 from vector<16xi32>
    %get3A_211 = arith.constant 1 : i32
    %get3A_212 = arith.index_cast %get3A_211 : i32 to index
    %get3A_213 = arith.constant 0 : index
    %get3A_214 = tpu.vector_load %arg7[%get3A_212, %get3A_213] {strides = array<i32>} : memref<16x128xf32, #tpu.memory_space<vmem>>, vector<16xf32>,
    %mul3A_215 = arith.constant 128 : i32
    %mul3A_216 = arith.muli %reduce_sum3A_210, %mul3A_215 : i32
    %add3A_217 = arith.constant 0 : i32
    %add3A_218 = arith.addi %mul3A_216, %add3A_217 : i32
    %add3A_219 = vector.broadcast %add3A_218 : i32 to vector<16xi32>
    %add3A_220 = arith.addi %add3A_219, %iota3A : vector<16xi32>
    %masked_sort3A_221 = arith.constant dense<true> : vector<16xi1>
    %masked_sort3A_222, %masked_sort3A_223, %masked_sort3A_224 = tpu.sort %get3A_214, %add3A_220 masked %masked_sort3A_221 {descending = true} : (vector<16xf32>, vector<16xi32>, vector<16xi1>) -> (vector<16xi1>, vector<16xf32>, vector<16xi32>)
    %gt3A_225 = arith.cmpf ogt, %masked_sort3A_223, %masked_sort3A_199 : vector<16xf32>
    %select_n3A_226 = arith.select %gt3A_225, %masked_sort3A_223, %masked_sort3A_199 : vector<16xi1>, vector<16xf32>
    %select_n3A_227 = arith.select %gt3A_225, %masked_sort3A_224, %masked_sort3A_200 : vector<16xi1>, vector<16xi32>
    %masked_sort3A_228 = arith.constant dense<true> : vector<16xi1>
    %masked_sort3A_229, %masked_sort3A_230, %masked_sort3A_231 = tpu.sort %select_n3A_226, %select_n3A_227 masked %masked_sort3A_228 : (vector<16xf32>, vector<16xi32>, vector<16xi1>) -> (vector<16xi1>, vector<16xf32>, vector<16xi32>)
    %get3A_232 = arith.constant 1 : i32
    %get3A_233 = arith.index_cast %get3A_232 : i32 to index
    %get3A_234 = arith.constant 16 : index
    %get3A_235 = tpu.vector_load %arg7[%get3A_233, %get3A_234] {strides = array<i32>} : memref<16x128xf32, #tpu.memory_space<vmem>>, vector<16xf32>,
    %mul3A_236 = arith.constant 128 : i32
    %mul3A_237 = arith.muli %reduce_sum3A_210, %mul3A_236 : i32
    %add3A_238 = arith.constant 16 : i32
    %add3A_239 = arith.addi %mul3A_237, %add3A_238 : i32
    %add3A_240 = vector.broadcast %add3A_239 : i32 to vector<16xi32>
    %add3A_241 = arith.addi %add3A_240, %iota3A : vector<16xi32>
    %masked_sort3A_242 = arith.constant dense<true> : vector<16xi1>
    %masked_sort3A_243, %masked_sort3A_244, %masked_sort3A_245 = tpu.sort %get3A_235, %add3A_241 masked %masked_sort3A_242 {descending = true} : (vector<16xf32>, vector<16xi32>, vector<16xi1>) -> (vector<16xi1>, vector<16xf32>, vector<16xi32>)
    %gt3A_246 = arith.cmpf ogt, %masked_sort3A_244, %masked_sort3A_230 : vector<16xf32>
    %select_n3A_247 = arith.select %gt3A_246, %masked_sort3A_244, %masked_sort3A_230 : vector<16xi1>, vector<16xf32>
    %select_n3A_248 = arith.select %gt3A_246, %masked_sort3A_245, %masked_sort3A_231 : vector<16xi1>, vector<16xi32>
    %masked_sort3A_249 = arith.constant dense<true> : vector<16xi1>
    %masked_sort3A_250, %masked_sort3A_251, %masked_sort3A_252 = tpu.sort %select_n3A_247, %select_n3A_248 masked %masked_sort3A_249 : (vector<16xf32>, vector<16xi32>, vector<16xi1>) -> (vector<16xi1>, vector<16xf32>, vector<16xi32>)
    %get3A_253 = arith.constant 1 : i32
    %get3A_254 = arith.index_cast %get3A_253 : i32 to index
    %get3A_255 = arith.constant 32 : index
    %get3A_256 = tpu.vector_load %arg7[%get3A_254, %get3A_255] {strides = array<i32>} : memref<16x128xf32, #tpu.memory_space<vmem>>, vector<16xf32>,
    %mul3A_257 = arith.constant 128 : i32
    %mul3A_258 = arith.muli %reduce_sum3A_210, %mul3A_257 : i32
    %add3A_259 = arith.constant 32 : i32
    %add3A_260 = arith.addi %mul3A_258, %add3A_259 : i32
    %add3A_261 = vector.broadcast %add3A_260 : i32 to vector<16xi32>
    %add3A_262 = arith.addi %add3A_261, %iota3A : vector<16xi32>
    %masked_sort3A_263 = arith.constant dense<true> : vector<16xi1>
    %masked_sort3A_264, %masked_sort3A_265, %masked_sort3A_266 = tpu.sort %get3A_256, %add3A_262 masked %masked_sort3A_263 {descending = true} : (vector<16xf32>, vector<16xi32>, vector<16xi1>) -> (vector<16xi1>, vector<16xf32>, vector<16xi32>)
    %gt3A_267 = arith.cmpf ogt, %masked_sort3A_265, %masked_sort3A_251 : vector<16xf32>
    %select_n3A_268 = arith.select %gt3A_267, %masked_sort3A_265, %masked_sort3A_251 : vector<16xi1>, vector<16xf32>
    %select_n3A_269 = arith.select %gt3A_267, %masked_sort3A_266, %masked_sort3A_252 : vector<16xi1>, vector<16xi32>
    %masked_sort3A_270 = arith.constant dense<true> : vector<16xi1>
    %masked_sort3A_271, %masked_sort3A_272, %masked_sort3A_273 = tpu.sort %select_n3A_268, %select_n3A_269 masked %masked_sort3A_270 : (vector<16xf32>, vector<16xi32>, vector<16xi1>) -> (vector<16xi1>, vector<16xf32>, vector<16xi32>)
    %get3A_274 = arith.constant 1 : i32
    %get3A_275 = arith.index_cast %get3A_274 : i32 to index
    %get3A_276 = arith.constant 48 : index
    %get3A_277 = tpu.vector_load %arg7[%get3A_275, %get3A_276] {strides = array<i32>} : memref<16x128xf32, #tpu.memory_space<vmem>>, vector<16xf32>,
    %mul3A_278 = arith.constant 128 : i32
    %mul3A_279 = arith.muli %reduce_sum3A_210, %mul3A_278 : i32
    %add3A_280 = arith.constant 48 : i32
    %add3A_281 = arith.addi %mul3A_279, %add3A_280 : i32
    %add3A_282 = vector.broadcast %add3A_281 : i32 to vector<16xi32>
    %add3A_283 = arith.addi %add3A_282, %iota3A : vector<16xi32>
    %masked_sort3A_284 = arith.constant dense<true> : vector<16xi1>
    %masked_sort3A_285, %masked_sort3A_286, %masked_sort3A_287 = tpu.sort %get3A_277, %add3A_283 masked %masked_sort3A_284 {descending = true} : (vector<16xf32>, vector<16xi32>, vector<16xi1>) -> (vector<16xi1>, vector<16xf32>, vector<16xi32>)
    %gt3A_288 = arith.cmpf ogt, %masked_sort3A_286, %masked_sort3A_272 : vector<16xf32>
    %select_n3A_289 = arith.select %gt3A_288, %masked_sort3A_286, %masked_sort3A_272 : vector<16xi1>, vector<16xf32>
    %select_n3A_290 = arith.select %gt3A_288, %masked_sort3A_287, %masked_sort3A_273 : vector<16xi1>, vector<16xi32>
    %masked_sort3A_291 = arith.constant dense<true> : vector<16xi1>
    %masked_sort3A_292, %masked_sort3A_293, %masked_sort3A_294 = tpu.sort %select_n3A_289, %select_n3A_290 masked %masked_sort3A_291 : (vector<16xf32>, vector<16xi32>, vector<16xi1>) -> (vector<16xi1>, vector<16xf32>, vector<16xi32>)
    %get3A_295 = arith.constant 1 : i32
    %get3A_296 = arith.index_cast %get3A_295 : i32 to index
    %get3A_297 = arith.constant 64 : index
    %get3A_298 = tpu.vector_load %arg7[%get3A_296, %get3A_297] {strides = array<i32>} : memref<16x128xf32, #tpu.memory_space<vmem>>, vector<16xf32>,
    %mul3A_299 = arith.constant 128 : i32
    %mul3A_300 = arith.muli %reduce_sum3A_210, %mul3A_299 : i32
    %add3A_301 = arith.constant 64 : i32
    %add3A_302 = arith.addi %mul3A_300, %add3A_301 : i32
    %add3A_303 = vector.broadcast %add3A_302 : i32 to vector<16xi32>
    %add3A_304 = arith.addi %add3A_303, %iota3A : vector<16xi32>
    %masked_sort3A_305 = arith.constant dense<true> : vector<16xi1>
    %masked_sort3A_306, %masked_sort3A_307, %masked_sort3A_308 = tpu.sort %get3A_298, %add3A_304 masked %masked_sort3A_305 {descending = true} : (vector<16xf32>, vector<16xi32>, vector<16xi1>) -> (vector<16xi1>, vector<16xf32>, vector<16xi32>)
    %gt3A_309 = arith.cmpf ogt, %masked_sort3A_307, %masked_sort3A_293 : vector<16xf32>
    %select_n3A_310 = arith.select %gt3A_309, %masked_sort3A_307, %masked_sort3A_293 : vector<16xi1>, vector<16xf32>
    %select_n3A_311 = arith.select %gt3A_309, %masked_sort3A_308, %masked_sort3A_294 : vector<16xi1>, vector<16xi32>
    %masked_sort3A_312 = arith.constant dense<true> : vector<16xi1>
    %masked_sort3A_313, %masked_sort3A_314, %masked_sort3A_315 = tpu.sort %select_n3A_310, %select_n3A_311 masked %masked_sort3A_312 : (vector<16xf32>, vector<16xi32>, vector<16xi1>) -> (vector<16xi1>, vector<16xf32>, vector<16xi32>)
    %get3A_316 = arith.constant 1 : i32
    %get3A_317 = arith.index_cast %get3A_316 : i32 to index
    %get3A_318 = arith.constant 80 : index
    %get3A_319 = tpu.vector_load %arg7[%get3A_317, %get3A_318] {strides = array<i32>} : memref<16x128xf32, #tpu.memory_space<vmem>>, vector<16xf32>,
    %mul3A_320 = arith.constant 128 : i32
    %mul3A_321 = arith.muli %reduce_sum3A_210, %mul3A_320 : i32
    %add3A_322 = arith.constant 80 : i32
    %add3A_323 = arith.addi %mul3A_321, %add3A_322 : i32
    %add3A_324 = vector.broadcast %add3A_323 : i32 to vector<16xi32>
    %add3A_325 = arith.addi %add3A_324, %iota3A : vector<16xi32>
    %masked_sort3A_326 = arith.constant dense<true> : vector<16xi1>
    %masked_sort3A_327, %masked_sort3A_328, %masked_sort3A_329 = tpu.sort %get3A_319, %add3A_325 masked %masked_sort3A_326 {descending = true} : (vector<16xf32>, vector<16xi32>, vector<16xi1>) -> (vector<16xi1>, vector<16xf32>, vector<16xi32>)
    %gt3A_330 = arith.cmpf ogt, %masked_sort3A_328, %masked_sort3A_314 : vector<16xf32>
    %select_n3A_331 = arith.select %gt3A_330, %masked_sort3A_328, %masked_sort3A_314 : vector<16xi1>, vector<16xf32>
    %select_n3A_332 = arith.select %gt3A_330, %masked_sort3A_329, %masked_sort3A_315 : vector<16xi1>, vector<16xi32>
    %masked_sort3A_333 = arith.constant dense<true> : vector<16xi1>
    %masked_sort3A_334, %masked_sort3A_335, %masked_sort3A_336 = tpu.sort %select_n3A_331, %select_n3A_332 masked %masked_sort3A_333 : (vector<16xf32>, vector<16xi32>, vector<16xi1>) -> (vector<16xi1>, vector<16xf32>, vector<16xi32>)
    %get3A_337 = arith.constant 1 : i32
    %get3A_338 = arith.index_cast %get3A_337 : i32 to index
    %get3A_339 = arith.constant 96 : index
    %get3A_340 = tpu.vector_load %arg7[%get3A_338, %get3A_339] {strides = array<i32>} : memref<16x128xf32, #tpu.memory_space<vmem>>, vector<16xf32>,
    %mul3A_341 = arith.constant 128 : i32
    %mul3A_342 = arith.muli %reduce_sum3A_210, %mul3A_341 : i32
    %add3A_343 = arith.constant 96 : i32
    %add3A_344 = arith.addi %mul3A_342, %add3A_343 : i32
    %add3A_345 = vector.broadcast %add3A_344 : i32 to vector<16xi32>
    %add3A_346 = arith.addi %add3A_345, %iota3A : vector<16xi32>
    %masked_sort3A_347 = arith.constant dense<true> : vector<16xi1>
    %masked_sort3A_348, %masked_sort3A_349, %masked_sort3A_350 = tpu.sort %get3A_340, %add3A_346 masked %masked_sort3A_347 {descending = true} : (vector<16xf32>, vector<16xi32>, vector<16xi1>) -> (vector<16xi1>, vector<16xf32>, vector<16xi32>)
    %gt3A_351 = arith.cmpf ogt, %masked_sort3A_349, %masked_sort3A_335 : vector<16xf32>
    %select_n3A_352 = arith.select %gt3A_351, %masked_sort3A_349, %masked_sort3A_335 : vector<16xi1>, vector<16xf32>
    %select_n3A_353 = arith.select %gt3A_351, %masked_sort3A_350, %masked_sort3A_336 : vector<16xi1>, vector<16xi32>
    %masked_sort3A_354 = arith.constant dense<true> : vector<16xi1>
    %masked_sort3A_355, %masked_sort3A_356, %masked_sort3A_357 = tpu.sort %select_n3A_352, %select_n3A_353 masked %masked_sort3A_354 : (vector<16xf32>, vector<16xi32>, vector<16xi1>) -> (vector<16xi1>, vector<16xf32>, vector<16xi32>)
    %get3A_358 = arith.constant 1 : i32
    %get3A_359 = arith.index_cast %get3A_358 : i32 to index
    %get3A_360 = arith.constant 112 : index
    %get3A_361 = tpu.vector_load %arg7[%get3A_359, %get3A_360] {strides = array<i32>} : memref<16x128xf32, #tpu.memory_space<vmem>>, vector<16xf32>,
    %mul3A_362 = arith.constant 128 : i32
    %mul3A_363 = arith.muli %reduce_sum3A_210, %mul3A_362 : i32
    %add3A_364 = arith.constant 112 : i32
    %add3A_365 = arith.addi %mul3A_363, %add3A_364 : i32
    %add3A_366 = vector.broadcast %add3A_365 : i32 to vector<16xi32>
    %add3A_367 = arith.addi %add3A_366, %iota3A : vector<16xi32>
    %masked_sort3A_368 = arith.constant dense<true> : vector<16xi1>
    %masked_sort3A_369, %masked_sort3A_370, %masked_sort3A_371 = tpu.sort %get3A_361, %add3A_367 masked %masked_sort3A_368 {descending = true} : (vector<16xf32>, vector<16xi32>, vector<16xi1>) -> (vector<16xi1>, vector<16xf32>, vector<16xi32>)
    %gt3A_372 = arith.cmpf ogt, %masked_sort3A_370, %masked_sort3A_356 : vector<16xf32>
    %select_n3A_373 = arith.select %gt3A_372, %masked_sort3A_370, %masked_sort3A_356 : vector<16xi1>, vector<16xf32>
    %select_n3A_374 = arith.select %gt3A_372, %masked_sort3A_371, %masked_sort3A_357 : vector<16xi1>, vector<16xi32>
    %masked_sort3A_375 = arith.constant dense<true> : vector<16xi1>
    %masked_sort3A_376, %masked_sort3A_377, %masked_sort3A_378 = tpu.sort %select_n3A_373, %select_n3A_374 masked %masked_sort3A_375 : (vector<16xf32>, vector<16xi32>, vector<16xi1>) -> (vector<16xi1>, vector<16xf32>, vector<16xi32>)
    %eq3A_379 = arith.constant 2 : i32
    %eq3A_380 = vector.broadcast %eq3A_379 : i32 to vector<16xi32>
    %eq3A_381 = arith.cmpi eq, %iota3A, %eq3A_380 : vector<16xi32>
    %jit3A_382 = arith.constant 0 : i32
    %broadcast_in_dim3A_383 = vector.broadcast %jit3A_382 : i32 to vector<16xi32>
    %select_n3A_384 = arith.select %eq3A_381, %scan3A_7#1, %broadcast_in_dim3A_383 : vector<16xi1>, vector<16xi32>
    %reduce_sum3A_385 = arith.constant true
    %reduce_sum3A_386 = vector.broadcast %reduce_sum3A_385 : i1 to vector<16xi1>
    %reduce_sum3A_387 = tpu.scan <sum>, %select_n3A_384 masked %reduce_sum3A_386 : vector<16xi32>, vector<16xi1> -> vector<16xi32>
    %reduce_sum3A_388 = vector.extract %reduce_sum3A_387[15] : i32 from vector<16xi32>
    %get3A_389 = arith.constant 2 : i32
    %get3A_390 = arith.index_cast %get3A_389 : i32 to index
    %get3A_391 = arith.constant 0 : index
    %get3A_392 = tpu.vector_load %arg7[%get3A_390, %get3A_391] {strides = array<i32>} : memref<16x128xf32, #tpu.memory_space<vmem>>, vector<16xf32>,
    %mul3A_393 = arith.constant 128 : i32
    %mul3A_394 = arith.muli %reduce_sum3A_388, %mul3A_393 : i32
    %add3A_395 = arith.constant 0 : i32
    %add3A_396 = arith.addi %mul3A_394, %add3A_395 : i32
    %add3A_397 = vector.broadcast %add3A_396 : i32 to vector<16xi32>
    %add3A_398 = arith.addi %add3A_397, %iota3A : vector<16xi32>
    %masked_sort3A_399 = arith.constant dense<true> : vector<16xi1>
    %masked_sort3A_400, %masked_sort3A_401, %masked_sort3A_402 = tpu.sort %get3A_392, %add3A_398 masked %masked_sort3A_399 {descending = true} : (vector<16xf32>, vector<16xi32>, vector<16xi1>) -> (vector<16xi1>, vector<16xf32>, vector<16xi32>)
    %gt3A_403 = arith.cmpf ogt, %masked_sort3A_401, %masked_sort3A_377 : vector<16xf32>
    %select_n3A_404 = arith.select %gt3A_403, %masked_sort3A_401, %masked_sort3A_377 : vector<16xi1>, vector<16xf32>
    %select_n3A_405 = arith.select %gt3A_403, %masked_sort3A_402, %masked_sort3A_378 : vector<16xi1>, vector<16xi32>
    %masked_sort3A_406 = arith.constant dense<true> : vector<16xi1>
    %masked_sort3A_407, %masked_sort3A_408, %masked_sort3A_409 = tpu.sort %select_n3A_404, %select_n3A_405 masked %masked_sort3A_406 : (vector<16xf32>, vector<16xi32>, vector<16xi1>) -> (vector<16xi1>, vector<16xf32>, vector<16xi32>)
    %get3A_410 = arith.constant 2 : i32
    %get3A_411 = arith.index_cast %get3A_410 : i32 to index
    %get3A_412 = arith.constant 16 : index
    %get3A_413 = tpu.vector_load %arg7[%get3A_411, %get3A_412] {strides = array<i32>} : memref<16x128xf32, #tpu.memory_space<vmem>>, vector<16xf32>,
    %mul3A_414 = arith.constant 128 : i32
    %mul3A_415 = arith.muli %reduce_sum3A_388, %mul3A_414 : i32
    %add3A_416 = arith.constant 16 : i32
    %add3A_417 = arith.addi %mul3A_415, %add3A_416 : i32
    %add3A_418 = vector.broadcast %add3A_417 : i32 to vector<16xi32>
    %add3A_419 = arith.addi %add3A_418, %iota3A : vector<16xi32>
    %masked_sort3A_420 = arith.constant dense<true> : vector<16xi1>
    %masked_sort3A_421, %masked_sort3A_422, %masked_sort3A_423 = tpu.sort %get3A_413, %add3A_419 masked %masked_sort3A_420 {descending = true} : (vector<16xf32>, vector<16xi32>, vector<16xi1>) -> (vector<16xi1>, vector<16xf32>, vector<16xi32>)
    %gt3A_424 = arith.cmpf ogt, %masked_sort3A_422, %masked_sort3A_408 : vector<16xf32>
    %select_n3A_425 = arith.select %gt3A_424, %masked_sort3A_422, %masked_sort3A_408 : vector<16xi1>, vector<16xf32>
    %select_n3A_426 = arith.select %gt3A_424, %masked_sort3A_423, %masked_sort3A_409 : vector<16xi1>, vector<16xi32>
    %masked_sort3A_427 = arith.constant dense<true> : vector<16xi1>
    %masked_sort3A_428, %masked_sort3A_429, %masked_sort3A_430 = tpu.sort %select_n3A_425, %select_n3A_426 masked %masked_sort3A_427 : (vector<16xf32>, vector<16xi32>, vector<16xi1>) -> (vector<16xi1>, vector<16xf32>, vector<16xi32>)
    %get3A_431 = arith.constant 2 : i32
    %get3A_432 = arith.index_cast %get3A_431 : i32 to index
    %get3A_433 = arith.constant 32 : index
    %get3A_434 = tpu.vector_load %arg7[%get3A_432, %get3A_433] {strides = array<i32>} : memref<16x128xf32, #tpu.memory_space<vmem>>, vector<16xf32>,
    %mul3A_435 = arith.constant 128 : i32
    %mul3A_436 = arith.muli %reduce_sum3A_388, %mul3A_435 : i32
    %add3A_437 = arith.constant 32 : i32
    %add3A_438 = arith.addi %mul3A_436, %add3A_437 : i32
    %add3A_439 = vector.broadcast %add3A_438 : i32 to vector<16xi32>
    %add3A_440 = arith.addi %add3A_439, %iota3A : vector<16xi32>
    %masked_sort3A_441 = arith.constant dense<true> : vector<16xi1>
    %masked_sort3A_442, %masked_sort3A_443, %masked_sort3A_444 = tpu.sort %get3A_434, %add3A_440 masked %masked_sort3A_441 {descending = true} : (vector<16xf32>, vector<16xi32>, vector<16xi1>) -> (vector<16xi1>, vector<16xf32>, vector<16xi32>)
    %gt3A_445 = arith.cmpf ogt, %masked_sort3A_443, %masked_sort3A_429 : vector<16xf32>
    %select_n3A_446 = arith.select %gt3A_445, %masked_sort3A_443, %masked_sort3A_429 : vector<16xi1>, vector<16xf32>
    %select_n3A_447 = arith.select %gt3A_445, %masked_sort3A_444, %masked_sort3A_430 : vector<16xi1>, vector<16xi32>
    %masked_sort3A_448 = arith.constant dense<true> : vector<16xi1>
    %masked_sort3A_449, %masked_sort3A_450, %masked_sort3A_451 = tpu.sort %select_n3A_446, %select_n3A_447 masked %masked_sort3A_448 : (vector<16xf32>, vector<16xi32>, vector<16xi1>) -> (vector<16xi1>, vector<16xf32>, vector<16xi32>)
    %get3A_452 = arith.constant 2 : i32
    %get3A_453 = arith.index_cast %get3A_452 : i32 to index
    %get3A_454 = arith.constant 48 : index
    %get3A_455 = tpu.vector_load %arg7[%get3A_453, %get3A_454] {strides = array<i32>} : memref<16x128xf32, #tpu.memory_space<vmem>>, vector<16xf32>,
    %mul3A_456 = arith.constant 128 : i32
    %mul3A_457 = arith.muli %reduce_sum3A_388, %mul3A_456 : i32
    %add3A_458 = arith.constant 48 : i32
    %add3A_459 = arith.addi %mul3A_457, %add3A_458 : i32
    %add3A_460 = vector.broadcast %add3A_459 : i32 to vector<16xi32>
    %add3A_461 = arith.addi %add3A_460, %iota3A : vector<16xi32>
    %masked_sort3A_462 = arith.constant dense<true> : vector<16xi1>
    %masked_sort3A_463, %masked_sort3A_464, %masked_sort3A_465 = tpu.sort %get3A_455, %add3A_461 masked %masked_sort3A_462 {descending = true} : (vector<16xf32>, vector<16xi32>, vector<16xi1>) -> (vector<16xi1>, vector<16xf32>, vector<16xi32>)
    %gt3A_466 = arith.cmpf ogt, %masked_sort3A_464, %masked_sort3A_450 : vector<16xf32>
    %select_n3A_467 = arith.select %gt3A_466, %masked_sort3A_464, %masked_sort3A_450 : vector<16xi1>, vector<16xf32>
    %select_n3A_468 = arith.select %gt3A_466, %masked_sort3A_465, %masked_sort3A_451 : vector<16xi1>, vector<16xi32>
    %masked_sort3A_469 = arith.constant dense<true> : vector<16xi1>
    %masked_sort3A_470, %masked_sort3A_471, %masked_sort3A_472 = tpu.sort %select_n3A_467, %select_n3A_468 masked %masked_sort3A_469 : (vector<16xf32>, vector<16xi32>, vector<16xi1>) -> (vector<16xi1>, vector<16xf32>, vector<16xi32>)
    %get3A_473 = arith.constant 2 : i32
    %get3A_474 = arith.index_cast %get3A_473 : i32 to index
    %get3A_475 = arith.constant 64 : index
    %get3A_476 = tpu.vector_load %arg7[%get3A_474, %get3A_475] {strides = array<i32>} : memref<16x128xf32, #tpu.memory_space<vmem>>, vector<16xf32>,
    %mul3A_477 = arith.constant 128 : i32
    %mul3A_478 = arith.muli %reduce_sum3A_388, %mul3A_477 : i32
    %add3A_479 = arith.constant 64 : i32
    %add3A_480 = arith.addi %mul3A_478, %add3A_479 : i32
    %add3A_481 = vector.broadcast %add3A_480 : i32 to vector<16xi32>
    %add3A_482 = arith.addi %add3A_481, %iota3A : vector<16xi32>
    %masked_sort3A_483 = arith.constant dense<true> : vector<16xi1>
    %masked_sort3A_484, %masked_sort3A_485, %masked_sort3A_486 = tpu.sort %get3A_476, %add3A_482 masked %masked_sort3A_483 {descending = true} : (vector<16xf32>, vector<16xi32>, vector<16xi1>) -> (vector<16xi1>, vector<16xf32>, vector<16xi32>)
    %gt3A_487 = arith.cmpf ogt, %masked_sort3A_485, %masked_sort3A_471 : vector<16xf32>
    %select_n3A_488 = arith.select %gt3A_487, %masked_sort3A_485, %masked_sort3A_471 : vector<16xi1>, vector<16xf32>
    %select_n3A_489 = arith.select %gt3A_487, %masked_sort3A_486, %masked_sort3A_472 : vector<16xi1>, vector<16xi32>
    %masked_sort3A_490 = arith.constant dense<true> : vector<16xi1>
    %masked_sort3A_491, %masked_sort3A_492, %masked_sort3A_493 = tpu.sort %select_n3A_488, %select_n3A_489 masked %masked_sort3A_490 : (vector<16xf32>, vector<16xi32>, vector<16xi1>) -> (vector<16xi1>, vector<16xf32>, vector<16xi32>)
    %get3A_494 = arith.constant 2 : i32
    %get3A_495 = arith.index_cast %get3A_494 : i32 to index
    %get3A_496 = arith.constant 80 : index
    %get3A_497 = tpu.vector_load %arg7[%get3A_495, %get3A_496] {strides = array<i32>} : memref<16x128xf32, #tpu.memory_space<vmem>>, vector<16xf32>,
    %mul3A_498 = arith.constant 128 : i32
    %mul3A_499 = arith.muli %reduce_sum3A_388, %mul3A_498 : i32
    %add3A_500 = arith.constant 80 : i32
    %add3A_501 = arith.addi %mul3A_499, %add3A_500 : i32
    %add3A_502 = vector.broadcast %add3A_501 : i32 to vector<16xi32>
    %add3A_503 = arith.addi %add3A_502, %iota3A : vector<16xi32>
    %masked_sort3A_504 = arith.constant dense<true> : vector<16xi1>
    %masked_sort3A_505, %masked_sort3A_506, %masked_sort3A_507 = tpu.sort %get3A_497, %add3A_503 masked %masked_sort3A_504 {descending = true} : (vector<16xf32>, vector<16xi32>, vector<16xi1>) -> (vector<16xi1>, vector<16xf32>, vector<16xi32>)
    %gt3A_508 = arith.cmpf ogt, %masked_sort3A_506, %masked_sort3A_492 : vector<16xf32>
    %select_n3A_509 = arith.select %gt3A_508, %masked_sort3A_506, %masked_sort3A_492 : vector<16xi1>, vector<16xf32>
    %select_n3A_510 = arith.select %gt3A_508, %masked_sort3A_507, %masked_sort3A_493 : vector<16xi1>, vector<16xi32>
    %masked_sort3A_511 = arith.constant dense<true> : vector<16xi1>
    %masked_sort3A_512, %masked_sort3A_513, %masked_sort3A_514 = tpu.sort %select_n3A_509, %select_n3A_510 masked %masked_sort3A_511 : (vector<16xf32>, vector<16xi32>, vector<16xi1>) -> (vector<16xi1>, vector<16xf32>, vector<16xi32>)
    %get3A_515 = arith.constant 2 : i32
    %get3A_516 = arith.index_cast %get3A_515 : i32 to index
    %get3A_517 = arith.constant 96 : index
    %get3A_518 = tpu.vector_load %arg7[%get3A_516, %get3A_517] {strides = array<i32>} : memref<16x128xf32, #tpu.memory_space<vmem>>, vector<16xf32>,
    %mul3A_519 = arith.constant 128 : i32
    %mul3A_520 = arith.muli %reduce_sum3A_388, %mul3A_519 : i32
    %add3A_521 = arith.constant 96 : i32
    %add3A_522 = arith.addi %mul3A_520, %add3A_521 : i32
    %add3A_523 = vector.broadcast %add3A_522 : i32 to vector<16xi32>
    %add3A_524 = arith.addi %add3A_523, %iota3A : vector<16xi32>
    %masked_sort3A_525 = arith.constant dense<true> : vector<16xi1>
    %masked_sort3A_526, %masked_sort3A_527, %masked_sort3A_528 = tpu.sort %get3A_518, %add3A_524 masked %masked_sort3A_525 {descending = true} : (vector<16xf32>, vector<16xi32>, vector<16xi1>) -> (vector<16xi1>, vector<16xf32>, vector<16xi32>)
    %gt3A_529 = arith.cmpf ogt, %masked_sort3A_527, %masked_sort3A_513 : vector<16xf32>
    %select_n3A_530 = arith.select %gt3A_529, %masked_sort3A_527, %masked_sort3A_513 : vector<16xi1>, vector<16xf32>
    %select_n3A_531 = arith.select %gt3A_529, %masked_sort3A_528, %masked_sort3A_514 : vector<16xi1>, vector<16xi32>
    %masked_sort3A_532 = arith.constant dense<true> : vector<16xi1>
    %masked_sort3A_533, %masked_sort3A_534, %masked_sort3A_535 = tpu.sort %select_n3A_530, %select_n3A_531 masked %masked_sort3A_532 : (vector<16xf32>, vector<16xi32>, vector<16xi1>) -> (vector<16xi1>, vector<16xf32>, vector<16xi32>)
    %get3A_536 = arith.constant 2 : i32
    %get3A_537 = arith.index_cast %get3A_536 : i32 to index
    %get3A_538 = arith.constant 112 : index
    %get3A_539 = tpu.vector_load %arg7[%get3A_537, %get3A_538] {strides = array<i32>} : memref<16x128xf32, #tpu.memory_space<vmem>>, vector<16xf32>,
    %mul3A_540 = arith.constant 128 : i32
    %mul3A_541 = arith.muli %reduce_sum3A_388, %mul3A_540 : i32
    %add3A_542 = arith.constant 112 : i32
    %add3A_543 = arith.addi %mul3A_541, %add3A_542 : i32
    %add3A_544 = vector.broadcast %add3A_543 : i32 to vector<16xi32>
    %add3A_545 = arith.addi %add3A_544, %iota3A : vector<16xi32>
    %masked_sort3A_546 = arith.constant dense<true> : vector<16xi1>
    %masked_sort3A_547, %masked_sort3A_548, %masked_sort3A_549 = tpu.sort %get3A_539, %add3A_545 masked %masked_sort3A_546 {descending = true} : (vector<16xf32>, vector<16xi32>, vector<16xi1>) -> (vector<16xi1>, vector<16xf32>, vector<16xi32>)
    %gt3A_550 = arith.cmpf ogt, %masked_sort3A_548, %masked_sort3A_534 : vector<16xf32>
    %select_n3A_551 = arith.select %gt3A_550, %masked_sort3A_548, %masked_sort3A_534 : vector<16xi1>, vector<16xf32>
    %select_n3A_552 = arith.select %gt3A_550, %masked_sort3A_549, %masked_sort3A_535 : vector<16xi1>, vector<16xi32>
    %masked_sort3A_553 = arith.constant dense<true> : vector<16xi1>
    %masked_sort3A_554, %masked_sort3A_555, %masked_sort3A_556 = tpu.sort %select_n3A_551, %select_n3A_552 masked %masked_sort3A_553 : (vector<16xf32>, vector<16xi32>, vector<16xi1>) -> (vector<16xi1>, vector<16xf32>, vector<16xi32>)
    %eq3A_557 = arith.constant 3 : i32
    %eq3A_558 = vector.broadcast %eq3A_557 : i32 to vector<16xi32>
    %eq3A_559 = arith.cmpi eq, %iota3A, %eq3A_558 : vector<16xi32>
    %jit3A_560 = arith.constant 0 : i32
    %broadcast_in_dim3A_561 = vector.broadcast %jit3A_560 : i32 to vector<16xi32>
    %select_n3A_562 = arith.select %eq3A_559, %scan3A_7#1, %broadcast_in_dim3A_561 : vector<16xi1>, vector<16xi32>
    %reduce_sum3A_563 = arith.constant true
    %reduce_sum3A_564 = vector.broadcast %reduce_sum3A_563 : i1 to vector<16xi1>
    %reduce_sum3A_565 = tpu.scan <sum>, %select_n3A_562 masked %reduce_sum3A_564 : vector<16xi32>, vector<16xi1> -> vector<16xi32>
    %reduce_sum3A_566 = vector.extract %reduce_sum3A_565[15] : i32 from vector<16xi32>
    %get3A_567 = arith.constant 3 : i32
    %get3A_568 = arith.index_cast %get3A_567 : i32 to index
    %get3A_569 = arith.constant 0 : index
    %get3A_570 = tpu.vector_load %arg7[%get3A_568, %get3A_569] {strides = array<i32>} : memref<16x128xf32, #tpu.memory_space<vmem>>, vector<16xf32>,
    %mul3A_571 = arith.constant 128 : i32
    %mul3A_572 = arith.muli %reduce_sum3A_566, %mul3A_571 : i32
    %add3A_573 = arith.constant 0 : i32
    %add3A_574 = arith.addi %mul3A_572, %add3A_573 : i32
    %add3A_575 = vector.broadcast %add3A_574 : i32 to vector<16xi32>
    %add3A_576 = arith.addi %add3A_575, %iota3A : vector<16xi32>
    %masked_sort3A_577 = arith.constant dense<true> : vector<16xi1>
    %masked_sort3A_578, %masked_sort3A_579, %masked_sort3A_580 = tpu.sort %get3A_570, %add3A_576 masked %masked_sort3A_577 {descending = true} : (vector<16xf32>, vector<16xi32>, vector<16xi1>) -> (vector<16xi1>, vector<16xf32>, vector<16xi32>)
    %gt3A_581 = arith.cmpf ogt, %masked_sort3A_579, %masked_sort3A_555 : vector<16xf32>
    %select_n3A_582 = arith.select %gt3A_581, %masked_sort3A_579, %masked_sort3A_555 : vector<16xi1>, vector<16xf32>
    %select_n3A_583 = arith.select %gt3A_581, %masked_sort3A_580, %masked_sort3A_556 : vector<16xi1>, vector<16xi32>
    %masked_sort3A_584 = arith.constant dense<true> : vector<16xi1>
    %masked_sort3A_585, %masked_sort3A_586, %masked_sort3A_587 = tpu.sort %select_n3A_582, %select_n3A_583 masked %masked_sort3A_584 : (vector<16xf32>, vector<16xi32>, vector<16xi1>) -> (vector<16xi1>, vector<16xf32>, vector<16xi32>)
    %get3A_588 = arith.constant 3 : i32
    %get3A_589 = arith.index_cast %get3A_588 : i32 to index
    %get3A_590 = arith.constant 16 : index
    %get3A_591 = tpu.vector_load %arg7[%get3A_589, %get3A_590] {strides = array<i32>} : memref<16x128xf32, #tpu.memory_space<vmem>>, vector<16xf32>,
    %mul3A_592 = arith.constant 128 : i32
    %mul3A_593 = arith.muli %reduce_sum3A_566, %mul3A_592 : i32
    %add3A_594 = arith.constant 16 : i32
    %add3A_595 = arith.addi %mul3A_593, %add3A_594 : i32
    %add3A_596 = vector.broadcast %add3A_595 : i32 to vector<16xi32>
    %add3A_597 = arith.addi %add3A_596, %iota3A : vector<16xi32>
    %masked_sort3A_598 = arith.constant dense<true> : vector<16xi1>
    %masked_sort3A_599, %masked_sort3A_600, %masked_sort3A_601 = tpu.sort %get3A_591, %add3A_597 masked %masked_sort3A_598 {descending = true} : (vector<16xf32>, vector<16xi32>, vector<16xi1>) -> (vector<16xi1>, vector<16xf32>, vector<16xi32>)
    %gt3A_602 = arith.cmpf ogt, %masked_sort3A_600, %masked_sort3A_586 : vector<16xf32>
    %select_n3A_603 = arith.select %gt3A_602, %masked_sort3A_600, %masked_sort3A_586 : vector<16xi1>, vector<16xf32>
    %select_n3A_604 = arith.select %gt3A_602, %masked_sort3A_601, %masked_sort3A_587 : vector<16xi1>, vector<16xi32>
    %masked_sort3A_605 = arith.constant dense<true> : vector<16xi1>
    %masked_sort3A_606, %masked_sort3A_607, %masked_sort3A_608 = tpu.sort %select_n3A_603, %select_n3A_604 masked %masked_sort3A_605 : (vector<16xf32>, vector<16xi32>, vector<16xi1>) -> (vector<16xi1>, vector<16xf32>, vector<16xi32>)
    %get3A_609 = arith.constant 3 : i32
    %get3A_610 = arith.index_cast %get3A_609 : i32 to index
    %get3A_611 = arith.constant 32 : index
    %get3A_612 = tpu.vector_load %arg7[%get3A_610, %get3A_611] {strides = array<i32>} : memref<16x128xf32, #tpu.memory_space<vmem>>, vector<16xf32>,
    %mul3A_613 = arith.constant 128 : i32
    %mul3A_614 = arith.muli %reduce_sum3A_566, %mul3A_613 : i32
    %add3A_615 = arith.constant 32 : i32
    %add3A_616 = arith.addi %mul3A_614, %add3A_615 : i32
    %add3A_617 = vector.broadcast %add3A_616 : i32 to vector<16xi32>
    %add3A_618 = arith.addi %add3A_617, %iota3A : vector<16xi32>
    %masked_sort3A_619 = arith.constant dense<true> : vector<16xi1>
    %masked_sort3A_620, %masked_sort3A_621, %masked_sort3A_622 = tpu.sort %get3A_612, %add3A_618 masked %masked_sort3A_619 {descending = true} : (vector<16xf32>, vector<16xi32>, vector<16xi1>) -> (vector<16xi1>, vector<16xf32>, vector<16xi32>)
    %gt3A_623 = arith.cmpf ogt, %masked_sort3A_621, %masked_sort3A_607 : vector<16xf32>
    %select_n3A_624 = arith.select %gt3A_623, %masked_sort3A_621, %masked_sort3A_607 : vector<16xi1>, vector<16xf32>
    %select_n3A_625 = arith.select %gt3A_623, %masked_sort3A_622, %masked_sort3A_608 : vector<16xi1>, vector<16xi32>
    %masked_sort3A_626 = arith.constant dense<true> : vector<16xi1>
    %masked_sort3A_627, %masked_sort3A_628, %masked_sort3A_629 = tpu.sort %select_n3A_624, %select_n3A_625 masked %masked_sort3A_626 : (vector<16xf32>, vector<16xi32>, vector<16xi1>) -> (vector<16xi1>, vector<16xf32>, vector<16xi32>)
    %get3A_630 = arith.constant 3 : i32
    %get3A_631 = arith.index_cast %get3A_630 : i32 to index
    %get3A_632 = arith.constant 48 : index
    %get3A_633 = tpu.vector_load %arg7[%get3A_631, %get3A_632] {strides = array<i32>} : memref<16x128xf32, #tpu.memory_space<vmem>>, vector<16xf32>,
    %mul3A_634 = arith.constant 128 : i32
    %mul3A_635 = arith.muli %reduce_sum3A_566, %mul3A_634 : i32
    %add3A_636 = arith.constant 48 : i32
    %add3A_637 = arith.addi %mul3A_635, %add3A_636 : i32
    %add3A_638 = vector.broadcast %add3A_637 : i32 to vector<16xi32>
    %add3A_639 = arith.addi %add3A_638, %iota3A : vector<16xi32>
    %masked_sort3A_640 = arith.constant dense<true> : vector<16xi1>
    %masked_sort3A_641, %masked_sort3A_642, %masked_sort3A_643 = tpu.sort %get3A_633, %add3A_639 masked %masked_sort3A_640 {descending = true} : (vector<16xf32>, vector<16xi32>, vector<16xi1>) -> (vector<16xi1>, vector<16xf32>, vector<16xi32>)
    %gt3A_644 = arith.cmpf ogt, %masked_sort3A_642, %masked_sort3A_628 : vector<16xf32>
    %select_n3A_645 = arith.select %gt3A_644, %masked_sort3A_642, %masked_sort3A_628 : vector<16xi1>, vector<16xf32>
    %select_n3A_646 = arith.select %gt3A_644, %masked_sort3A_643, %masked_sort3A_629 : vector<16xi1>, vector<16xi32>
    %masked_sort3A_647 = arith.constant dense<true> : vector<16xi1>
    %masked_sort3A_648, %masked_sort3A_649, %masked_sort3A_650 = tpu.sort %select_n3A_645, %select_n3A_646 masked %masked_sort3A_647 : (vector<16xf32>, vector<16xi32>, vector<16xi1>) -> (vector<16xi1>, vector<16xf32>, vector<16xi32>)
    %get3A_651 = arith.constant 3 : i32
    %get3A_652 = arith.index_cast %get3A_651 : i32 to index
    %get3A_653 = arith.constant 64 : index
    %get3A_654 = tpu.vector_load %arg7[%get3A_652, %get3A_653] {strides = array<i32>} : memref<16x128xf32, #tpu.memory_space<vmem>>, vector<16xf32>,
    %mul3A_655 = arith.constant 128 : i32
    %mul3A_656 = arith.muli %reduce_sum3A_566, %mul3A_655 : i32
    %add3A_657 = arith.constant 64 : i32
    %add3A_658 = arith.addi %mul3A_656, %add3A_657 : i32
    %add3A_659 = vector.broadcast %add3A_658 : i32 to vector<16xi32>
    %add3A_660 = arith.addi %add3A_659, %iota3A : vector<16xi32>
    %masked_sort3A_661 = arith.constant dense<true> : vector<16xi1>
    %masked_sort3A_662, %masked_sort3A_663, %masked_sort3A_664 = tpu.sort %get3A_654, %add3A_660 masked %masked_sort3A_661 {descending = true} : (vector<16xf32>, vector<16xi32>, vector<16xi1>) -> (vector<16xi1>, vector<16xf32>, vector<16xi32>)
    %gt3A_665 = arith.cmpf ogt, %masked_sort3A_663, %masked_sort3A_649 : vector<16xf32>
    %select_n3A_666 = arith.select %gt3A_665, %masked_sort3A_663, %masked_sort3A_649 : vector<16xi1>, vector<16xf32>
    %select_n3A_667 = arith.select %gt3A_665, %masked_sort3A_664, %masked_sort3A_650 : vector<16xi1>, vector<16xi32>
    %masked_sort3A_668 = arith.constant dense<true> : vector<16xi1>
    %masked_sort3A_669, %masked_sort3A_670, %masked_sort3A_671 = tpu.sort %select_n3A_666, %select_n3A_667 masked %masked_sort3A_668 : (vector<16xf32>, vector<16xi32>, vector<16xi1>) -> (vector<16xi1>, vector<16xf32>, vector<16xi32>)
    %get3A_672 = arith.constant 3 : i32
    %get3A_673 = arith.index_cast %get3A_672 : i32 to index
    %get3A_674 = arith.constant 80 : index
    %get3A_675 = tpu.vector_load %arg7[%get3A_673, %get3A_674] {strides = array<i32>} : memref<16x128xf32, #tpu.memory_space<vmem>>, vector<16xf32>,
    %mul3A_676 = arith.constant 128 : i32
    %mul3A_677 = arith.muli %reduce_sum3A_566, %mul3A_676 : i32
    %add3A_678 = arith.constant 80 : i32
    %add3A_679 = arith.addi %mul3A_677, %add3A_678 : i32
    %add3A_680 = vector.broadcast %add3A_679 : i32 to vector<16xi32>
    %add3A_681 = arith.addi %add3A_680, %iota3A : vector<16xi32>
    %masked_sort3A_682 = arith.constant dense<true> : vector<16xi1>
    %masked_sort3A_683, %masked_sort3A_684, %masked_sort3A_685 = tpu.sort %get3A_675, %add3A_681 masked %masked_sort3A_682 {descending = true} : (vector<16xf32>, vector<16xi32>, vector<16xi1>) -> (vector<16xi1>, vector<16xf32>, vector<16xi32>)
    %gt3A_686 = arith.cmpf ogt, %masked_sort3A_684, %masked_sort3A_670 : vector<16xf32>
    %select_n3A_687 = arith.select %gt3A_686, %masked_sort3A_684, %masked_sort3A_670 : vector<16xi1>, vector<16xf32>
    %select_n3A_688 = arith.select %gt3A_686, %masked_sort3A_685, %masked_sort3A_671 : vector<16xi1>, vector<16xi32>
    %masked_sort3A_689 = arith.constant dense<true> : vector<16xi1>
    %masked_sort3A_690, %masked_sort3A_691, %masked_sort3A_692 = tpu.sort %select_n3A_687, %select_n3A_688 masked %masked_sort3A_689 : (vector<16xf32>, vector<16xi32>, vector<16xi1>) -> (vector<16xi1>, vector<16xf32>, vector<16xi32>)
    %get3A_693 = arith.constant 3 : i32
    %get3A_694 = arith.index_cast %get3A_693 : i32 to index
    %get3A_695 = arith.constant 96 : index
    %get3A_696 = tpu.vector_load %arg7[%get3A_694, %get3A_695] {strides = array<i32>} : memref<16x128xf32, #tpu.memory_space<vmem>>, vector<16xf32>,
    %mul3A_697 = arith.constant 128 : i32
    %mul3A_698 = arith.muli %reduce_sum3A_566, %mul3A_697 : i32
    %add3A_699 = arith.constant 96 : i32
    %add3A_700 = arith.addi %mul3A_698, %add3A_699 : i32
    %add3A_701 = vector.broadcast %add3A_700 : i32 to vector<16xi32>
    %add3A_702 = arith.addi %add3A_701, %iota3A : vector<16xi32>
    %masked_sort3A_703 = arith.constant dense<true> : vector<16xi1>
    %masked_sort3A_704, %masked_sort3A_705, %masked_sort3A_706 = tpu.sort %get3A_696, %add3A_702 masked %masked_sort3A_703 {descending = true} : (vector<16xf32>, vector<16xi32>, vector<16xi1>) -> (vector<16xi1>, vector<16xf32>, vector<16xi32>)
    %gt3A_707 = arith.cmpf ogt, %masked_sort3A_705, %masked_sort3A_691 : vector<16xf32>
    %select_n3A_708 = arith.select %gt3A_707, %masked_sort3A_705, %masked_sort3A_691 : vector<16xi1>, vector<16xf32>
    %select_n3A_709 = arith.select %gt3A_707, %masked_sort3A_706, %masked_sort3A_692 : vector<16xi1>, vector<16xi32>
    %masked_sort3A_710 = arith.constant dense<true> : vector<16xi1>
    %masked_sort3A_711, %masked_sort3A_712, %masked_sort3A_713 = tpu.sort %select_n3A_708, %select_n3A_709 masked %masked_sort3A_710 : (vector<16xf32>, vector<16xi32>, vector<16xi1>) -> (vector<16xi1>, vector<16xf32>, vector<16xi32>)
    %get3A_714 = arith.constant 3 : i32
    %get3A_715 = arith.index_cast %get3A_714 : i32 to index
    %get3A_716 = arith.constant 112 : index
    %get3A_717 = tpu.vector_load %arg7[%get3A_715, %get3A_716] {strides = array<i32>} : memref<16x128xf32, #tpu.memory_space<vmem>>, vector<16xf32>,
    %mul3A_718 = arith.constant 128 : i32
    %mul3A_719 = arith.muli %reduce_sum3A_566, %mul3A_718 : i32
    %add3A_720 = arith.constant 112 : i32
    %add3A_721 = arith.addi %mul3A_719, %add3A_720 : i32
    %add3A_722 = vector.broadcast %add3A_721 : i32 to vector<16xi32>
    %add3A_723 = arith.addi %add3A_722, %iota3A : vector<16xi32>
    %masked_sort3A_724 = arith.constant dense<true> : vector<16xi1>
    %masked_sort3A_725, %masked_sort3A_726, %masked_sort3A_727 = tpu.sort %get3A_717, %add3A_723 masked %masked_sort3A_724 {descending = true} : (vector<16xf32>, vector<16xi32>, vector<16xi1>) -> (vector<16xi1>, vector<16xf32>, vector<16xi32>)
    %gt3A_728 = arith.cmpf ogt, %masked_sort3A_726, %masked_sort3A_712 : vector<16xf32>
    %select_n3A_729 = arith.select %gt3A_728, %masked_sort3A_726, %masked_sort3A_712 : vector<16xi1>, vector<16xf32>
    %select_n3A_730 = arith.select %gt3A_728, %masked_sort3A_727, %masked_sort3A_713 : vector<16xi1>, vector<16xi32>
    %masked_sort3A_731 = arith.constant dense<true> : vector<16xi1>
    %masked_sort3A_732, %masked_sort3A_733, %masked_sort3A_734 = tpu.sort %select_n3A_729, %select_n3A_730 masked %masked_sort3A_731 : (vector<16xf32>, vector<16xi32>, vector<16xi1>) -> (vector<16xi1>, vector<16xf32>, vector<16xi32>)
    %eq3A_735 = arith.constant 4 : i32
    %eq3A_736 = vector.broadcast %eq3A_735 : i32 to vector<16xi32>
    %eq3A_737 = arith.cmpi eq, %iota3A, %eq3A_736 : vector<16xi32>
    %jit3A_738 = arith.constant 0 : i32
    %broadcast_in_dim3A_739 = vector.broadcast %jit3A_738 : i32 to vector<16xi32>
    %select_n3A_740 = arith.select %eq3A_737, %scan3A_7#1, %broadcast_in_dim3A_739 : vector<16xi1>, vector<16xi32>
    %reduce_sum3A_741 = arith.constant true
    %reduce_sum3A_742 = vector.broadcast %reduce_sum3A_741 : i1 to vector<16xi1>
    %reduce_sum3A_743 = tpu.scan <sum>, %select_n3A_740 masked %reduce_sum3A_742 : vector<16xi32>, vector<16xi1> -> vector<16xi32>
    %reduce_sum3A_744 = vector.extract %reduce_sum3A_743[15] : i32 from vector<16xi32>
    %get3A_745 = arith.constant 4 : i32
    %get3A_746 = arith.index_cast %get3A_745 : i32 to index
    %get3A_747 = arith.constant 0 : index
    %get3A_748 = tpu.vector_load %arg7[%get3A_746, %get3A_747] {strides = array<i32>} : memref<16x128xf32, #tpu.memory_space<vmem>>, vector<16xf32>,
    %mul3A_749 = arith.constant 128 : i32
    %mul3A_750 = arith.muli %reduce_sum3A_744, %mul3A_749 : i32
    %add3A_751 = arith.constant 0 : i32
    %add3A_752 = arith.addi %mul3A_750, %add3A_751 : i32
    %add3A_753 = vector.broadcast %add3A_752 : i32 to vector<16xi32>
    %add3A_754 = arith.addi %add3A_753, %iota3A : vector<16xi32>
    %masked_sort3A_755 = arith.constant dense<true> : vector<16xi1>
    %masked_sort3A_756, %masked_sort3A_757, %masked_sort3A_758 = tpu.sort %get3A_748, %add3A_754 masked %masked_sort3A_755 {descending = true} : (vector<16xf32>, vector<16xi32>, vector<16xi1>) -> (vector<16xi1>, vector<16xf32>, vector<16xi32>)
    %gt3A_759 = arith.cmpf ogt, %masked_sort3A_757, %masked_sort3A_733 : vector<16xf32>
    %select_n3A_760 = arith.select %gt3A_759, %masked_sort3A_757, %masked_sort3A_733 : vector<16xi1>, vector<16xf32>
    %select_n3A_761 = arith.select %gt3A_759, %masked_sort3A_758, %masked_sort3A_734 : vector<16xi1>, vector<16xi32>
    %masked_sort3A_762 = arith.constant dense<true> : vector<16xi1>
    %masked_sort3A_763, %masked_sort3A_764, %masked_sort3A_765 = tpu.sort %select_n3A_760, %select_n3A_761 masked %masked_sort3A_762 : (vector<16xf32>, vector<16xi32>, vector<16xi1>) -> (vector<16xi1>, vector<16xf32>, vector<16xi32>)
    %get3A_766 = arith.constant 4 : i32
    %get3A_767 = arith.index_cast %get3A_766 : i32 to index
    %get3A_768 = arith.constant 16 : index
    %get3A_769 = tpu.vector_load %arg7[%get3A_767, %get3A_768] {strides = array<i32>} : memref<16x128xf32, #tpu.memory_space<vmem>>, vector<16xf32>,
    %mul3A_770 = arith.constant 128 : i32
    %mul3A_771 = arith.muli %reduce_sum3A_744, %mul3A_770 : i32
    %add3A_772 = arith.constant 16 : i32
    %add3A_773 = arith.addi %mul3A_771, %add3A_772 : i32
    %add3A_774 = vector.broadcast %add3A_773 : i32 to vector<16xi32>
    %add3A_775 = arith.addi %add3A_774, %iota3A : vector<16xi32>
    %masked_sort3A_776 = arith.constant dense<true> : vector<16xi1>
    %masked_sort3A_777, %masked_sort3A_778, %masked_sort3A_779 = tpu.sort %get3A_769, %add3A_775 masked %masked_sort3A_776 {descending = true} : (vector<16xf32>, vector<16xi32>, vector<16xi1>) -> (vector<16xi1>, vector<16xf32>, vector<16xi32>)
    %gt3A_780 = arith.cmpf ogt, %masked_sort3A_778, %masked_sort3A_764 : vector<16xf32>
    %select_n3A_781 = arith.select %gt3A_780, %masked_sort3A_778, %masked_sort3A_764 : vector<16xi1>, vector<16xf32>
    %select_n3A_782 = arith.select %gt3A_780, %masked_sort3A_779, %masked_sort3A_765 : vector<16xi1>, vector<16xi32>
    %masked_sort3A_783 = arith.constant dense<true> : vector<16xi1>
    %masked_sort3A_784, %masked_sort3A_785, %masked_sort3A_786 = tpu.sort %select_n3A_781, %select_n3A_782 masked %masked_sort3A_783 : (vector<16xf32>, vector<16xi32>, vector<16xi1>) -> (vector<16xi1>, vector<16xf32>, vector<16xi32>)
    %get3A_787 = arith.constant 4 : i32
    %get3A_788 = arith.index_cast %get3A_787 : i32 to index
    %get3A_789 = arith.constant 32 : index
    %get3A_790 = tpu.vector_load %arg7[%get3A_788, %get3A_789] {strides = array<i32>} : memref<16x128xf32, #tpu.memory_space<vmem>>, vector<16xf32>,
    %mul3A_791 = arith.constant 128 : i32
    %mul3A_792 = arith.muli %reduce_sum3A_744, %mul3A_791 : i32
    %add3A_793 = arith.constant 32 : i32
    %add3A_794 = arith.addi %mul3A_792, %add3A_793 : i32
    %add3A_795 = vector.broadcast %add3A_794 : i32 to vector<16xi32>
    %add3A_796 = arith.addi %add3A_795, %iota3A : vector<16xi32>
    %masked_sort3A_797 = arith.constant dense<true> : vector<16xi1>
    %masked_sort3A_798, %masked_sort3A_799, %masked_sort3A_800 = tpu.sort %get3A_790, %add3A_796 masked %masked_sort3A_797 {descending = true} : (vector<16xf32>, vector<16xi32>, vector<16xi1>) -> (vector<16xi1>, vector<16xf32>, vector<16xi32>)
    %gt3A_801 = arith.cmpf ogt, %masked_sort3A_799, %masked_sort3A_785 : vector<16xf32>
    %select_n3A_802 = arith.select %gt3A_801, %masked_sort3A_799, %masked_sort3A_785 : vector<16xi1>, vector<16xf32>
    %select_n3A_803 = arith.select %gt3A_801, %masked_sort3A_800, %masked_sort3A_786 : vector<16xi1>, vector<16xi32>
    %masked_sort3A_804 = arith.constant dense<true> : vector<16xi1>
    %masked_sort3A_805, %masked_sort3A_806, %masked_sort3A_807 = tpu.sort %select_n3A_802, %select_n3A_803 masked %masked_sort3A_804 : (vector<16xf32>, vector<16xi32>, vector<16xi1>) -> (vector<16xi1>, vector<16xf32>, vector<16xi32>)
    %get3A_808 = arith.constant 4 : i32
    %get3A_809 = arith.index_cast %get3A_808 : i32 to index
    %get3A_810 = arith.constant 48 : index
    %get3A_811 = tpu.vector_load %arg7[%get3A_809, %get3A_810] {strides = array<i32>} : memref<16x128xf32, #tpu.memory_space<vmem>>, vector<16xf32>,
    %mul3A_812 = arith.constant 128 : i32
    %mul3A_813 = arith.muli %reduce_sum3A_744, %mul3A_812 : i32
    %add3A_814 = arith.constant 48 : i32
    %add3A_815 = arith.addi %mul3A_813, %add3A_814 : i32
    %add3A_816 = vector.broadcast %add3A_815 : i32 to vector<16xi32>
    %add3A_817 = arith.addi %add3A_816, %iota3A : vector<16xi32>
    %masked_sort3A_818 = arith.constant dense<true> : vector<16xi1>
    %masked_sort3A_819, %masked_sort3A_820, %masked_sort3A_821 = tpu.sort %get3A_811, %add3A_817 masked %masked_sort3A_818 {descending = true} : (vector<16xf32>, vector<16xi32>, vector<16xi1>) -> (vector<16xi1>, vector<16xf32>, vector<16xi32>)
    %gt3A_822 = arith.cmpf ogt, %masked_sort3A_820, %masked_sort3A_806 : vector<16xf32>
    %select_n3A_823 = arith.select %gt3A_822, %masked_sort3A_820, %masked_sort3A_806 : vector<16xi1>, vector<16xf32>
    %select_n3A_824 = arith.select %gt3A_822, %masked_sort3A_821, %masked_sort3A_807 : vector<16xi1>, vector<16xi32>
    %masked_sort3A_825 = arith.constant dense<true> : vector<16xi1>
    %masked_sort3A_826, %masked_sort3A_827, %masked_sort3A_828 = tpu.sort %select_n3A_823, %select_n3A_824 masked %masked_sort3A_825 : (vector<16xf32>, vector<16xi32>, vector<16xi1>) -> (vector<16xi1>, vector<16xf32>, vector<16xi32>)
    %get3A_829 = arith.constant 4 : i32
    %get3A_830 = arith.index_cast %get3A_829 : i32 to index
    %get3A_831 = arith.constant 64 : index
    %get3A_832 = tpu.vector_load %arg7[%get3A_830, %get3A_831] {strides = array<i32>} : memref<16x128xf32, #tpu.memory_space<vmem>>, vector<16xf32>,
    %mul3A_833 = arith.constant 128 : i32
    %mul3A_834 = arith.muli %reduce_sum3A_744, %mul3A_833 : i32
    %add3A_835 = arith.constant 64 : i32
    %add3A_836 = arith.addi %mul3A_834, %add3A_835 : i32
    %add3A_837 = vector.broadcast %add3A_836 : i32 to vector<16xi32>
    %add3A_838 = arith.addi %add3A_837, %iota3A : vector<16xi32>
    %masked_sort3A_839 = arith.constant dense<true> : vector<16xi1>
    %masked_sort3A_840, %masked_sort3A_841, %masked_sort3A_842 = tpu.sort %get3A_832, %add3A_838 masked %masked_sort3A_839 {descending = true} : (vector<16xf32>, vector<16xi32>, vector<16xi1>) -> (vector<16xi1>, vector<16xf32>, vector<16xi32>)
    %gt3A_843 = arith.cmpf ogt, %masked_sort3A_841, %masked_sort3A_827 : vector<16xf32>
    %select_n3A_844 = arith.select %gt3A_843, %masked_sort3A_841, %masked_sort3A_827 : vector<16xi1>, vector<16xf32>
    %select_n3A_845 = arith.select %gt3A_843, %masked_sort3A_842, %masked_sort3A_828 : vector<16xi1>, vector<16xi32>
    %masked_sort3A_846 = arith.constant dense<true> : vector<16xi1>
    %masked_sort3A_847, %masked_sort3A_848, %masked_sort3A_849 = tpu.sort %select_n3A_844, %select_n3A_845 masked %masked_sort3A_846 : (vector<16xf32>, vector<16xi32>, vector<16xi1>) -> (vector<16xi1>, vector<16xf32>, vector<16xi32>)
    %get3A_850 = arith.constant 4 : i32
    %get3A_851 = arith.index_cast %get3A_850 : i32 to index
    %get3A_852 = arith.constant 80 : index
    %get3A_853 = tpu.vector_load %arg7[%get3A_851, %get3A_852] {strides = array<i32>} : memref<16x128xf32, #tpu.memory_space<vmem>>, vector<16xf32>,
    %mul3A_854 = arith.constant 128 : i32
    %mul3A_855 = arith.muli %reduce_sum3A_744, %mul3A_854 : i32
    %add3A_856 = arith.constant 80 : i32
    %add3A_857 = arith.addi %mul3A_855, %add3A_856 : i32
    %add3A_858 = vector.broadcast %add3A_857 : i32 to vector<16xi32>
    %add3A_859 = arith.addi %add3A_858, %iota3A : vector<16xi32>
    %masked_sort3A_860 = arith.constant dense<true> : vector<16xi1>
    %masked_sort3A_861, %masked_sort3A_862, %masked_sort3A_863 = tpu.sort %get3A_853, %add3A_859 masked %masked_sort3A_860 {descending = true} : (vector<16xf32>, vector<16xi32>, vector<16xi1>) -> (vector<16xi1>, vector<16xf32>, vector<16xi32>)
    %gt3A_864 = arith.cmpf ogt, %masked_sort3A_862, %masked_sort3A_848 : vector<16xf32>
    %select_n3A_865 = arith.select %gt3A_864, %masked_sort3A_862, %masked_sort3A_848 : vector<16xi1>, vector<16xf32>
    %select_n3A_866 = arith.select %gt3A_864, %masked_sort3A_863, %masked_sort3A_849 : vector<16xi1>, vector<16xi32>
    %masked_sort3A_867 = arith.constant dense<true> : vector<16xi1>
    %masked_sort3A_868, %masked_sort3A_869, %masked_sort3A_870 = tpu.sort %select_n3A_865, %select_n3A_866 masked %masked_sort3A_867 : (vector<16xf32>, vector<16xi32>, vector<16xi1>) -> (vector<16xi1>, vector<16xf32>, vector<16xi32>)
    %get3A_871 = arith.constant 4 : i32
    %get3A_872 = arith.index_cast %get3A_871 : i32 to index
    %get3A_873 = arith.constant 96 : index
    %get3A_874 = tpu.vector_load %arg7[%get3A_872, %get3A_873] {strides = array<i32>} : memref<16x128xf32, #tpu.memory_space<vmem>>, vector<16xf32>,
    %mul3A_875 = arith.constant 128 : i32
    %mul3A_876 = arith.muli %reduce_sum3A_744, %mul3A_875 : i32
    %add3A_877 = arith.constant 96 : i32
    %add3A_878 = arith.addi %mul3A_876, %add3A_877 : i32
    %add3A_879 = vector.broadcast %add3A_878 : i32 to vector<16xi32>
    %add3A_880 = arith.addi %add3A_879, %iota3A : vector<16xi32>
    %masked_sort3A_881 = arith.constant dense<true> : vector<16xi1>
    %masked_sort3A_882, %masked_sort3A_883, %masked_sort3A_884 = tpu.sort %get3A_874, %add3A_880 masked %masked_sort3A_881 {descending = true} : (vector<16xf32>, vector<16xi32>, vector<16xi1>) -> (vector<16xi1>, vector<16xf32>, vector<16xi32>)
    %gt3A_885 = arith.cmpf ogt, %masked_sort3A_883, %masked_sort3A_869 : vector<16xf32>
    %select_n3A_886 = arith.select %gt3A_885, %masked_sort3A_883, %masked_sort3A_869 : vector<16xi1>, vector<16xf32>
    %select_n3A_887 = arith.select %gt3A_885, %masked_sort3A_884, %masked_sort3A_870 : vector<16xi1>, vector<16xi32>
    %masked_sort3A_888 = arith.constant dense<true> : vector<16xi1>
    %masked_sort3A_889, %masked_sort3A_890, %masked_sort3A_891 = tpu.sort %select_n3A_886, %select_n3A_887 masked %masked_sort3A_888 : (vector<16xf32>, vector<16xi32>, vector<16xi1>) -> (vector<16xi1>, vector<16xf32>, vector<16xi32>)
    %get3A_892 = arith.constant 4 : i32
    %get3A_893 = arith.index_cast %get3A_892 : i32 to index
    %get3A_894 = arith.constant 112 : index
    %get3A_895 = tpu.vector_load %arg7[%get3A_893, %get3A_894] {strides = array<i32>} : memref<16x128xf32, #tpu.memory_space<vmem>>, vector<16xf32>,
    %mul3A_896 = arith.constant 128 : i32
    %mul3A_897 = arith.muli %reduce_sum3A_744, %mul3A_896 : i32
    %add3A_898 = arith.constant 112 : i32
    %add3A_899 = arith.addi %mul3A_897, %add3A_898 : i32
    %add3A_900 = vector.broadcast %add3A_899 : i32 to vector<16xi32>
    %add3A_901 = arith.addi %add3A_900, %iota3A : vector<16xi32>
    %masked_sort3A_902 = arith.constant dense<true> : vector<16xi1>
    %masked_sort3A_903, %masked_sort3A_904, %masked_sort3A_905 = tpu.sort %get3A_895, %add3A_901 masked %masked_sort3A_902 {descending = true} : (vector<16xf32>, vector<16xi32>, vector<16xi1>) -> (vector<16xi1>, vector<16xf32>, vector<16xi32>)
    %gt3A_906 = arith.cmpf ogt, %masked_sort3A_904, %masked_sort3A_890 : vector<16xf32>
    %select_n3A_907 = arith.select %gt3A_906, %masked_sort3A_904, %masked_sort3A_890 : vector<16xi1>, vector<16xf32>
    %select_n3A_908 = arith.select %gt3A_906, %masked_sort3A_905, %masked_sort3A_891 : vector<16xi1>, vector<16xi32>
    %masked_sort3A_909 = arith.constant dense<true> : vector<16xi1>
    %masked_sort3A_910, %masked_sort3A_911, %masked_sort3A_912 = tpu.sort %select_n3A_907, %select_n3A_908 masked %masked_sort3A_909 : (vector<16xf32>, vector<16xi32>, vector<16xi1>) -> (vector<16xi1>, vector<16xf32>, vector<16xi32>)
    %eq3A_913 = arith.constant 5 : i32
    %eq3A_914 = vector.broadcast %eq3A_913 : i32 to vector<16xi32>
    %eq3A_915 = arith.cmpi eq, %iota3A, %eq3A_914 : vector<16xi32>
    %jit3A_916 = arith.constant 0 : i32
    %broadcast_in_dim3A_917 = vector.broadcast %jit3A_916 : i32 to vector<16xi32>
    %select_n3A_918 = arith.select %eq3A_915, %scan3A_7#1, %broadcast_in_dim3A_917 : vector<16xi1>, vector<16xi32>
    %reduce_sum3A_919 = arith.constant true
    %reduce_sum3A_920 = vector.broadcast %reduce_sum3A_919 : i1 to vector<16xi1>
    %reduce_sum3A_921 = tpu.scan <sum>, %select_n3A_918 masked %reduce_sum3A_920 : vector<16xi32>, vector<16xi1> -> vector<16xi32>
    %reduce_sum3A_922 = vector.extract %reduce_sum3A_921[15] : i32 from vector<16xi32>
    %get3A_923 = arith.constant 5 : i32
    %get3A_924 = arith.index_cast %get3A_923 : i32 to index
    %get3A_925 = arith.constant 0 : index
    %get3A_926 = tpu.vector_load %arg7[%get3A_924, %get3A_925] {strides = array<i32>} : memref<16x128xf32, #tpu.memory_space<vmem>>, vector<16xf32>,
    %mul3A_927 = arith.constant 128 : i32
    %mul3A_928 = arith.muli %reduce_sum3A_922, %mul3A_927 : i32
    %add3A_929 = arith.constant 0 : i32
    %add3A_930 = arith.addi %mul3A_928, %add3A_929 : i32
    %add3A_931 = vector.broadcast %add3A_930 : i32 to vector<16xi32>
    %add3A_932 = arith.addi %add3A_931, %iota3A : vector<16xi32>
    %masked_sort3A_933 = arith.constant dense<true> : vector<16xi1>
    %masked_sort3A_934, %masked_sort3A_935, %masked_sort3A_936 = tpu.sort %get3A_926, %add3A_932 masked %masked_sort3A_933 {descending = true} : (vector<16xf32>, vector<16xi32>, vector<16xi1>) -> (vector<16xi1>, vector<16xf32>, vector<16xi32>)
    %gt3A_937 = arith.cmpf ogt, %masked_sort3A_935, %masked_sort3A_911 : vector<16xf32>
    %select_n3A_938 = arith.select %gt3A_937, %masked_sort3A_935, %masked_sort3A_911 : vector<16xi1>, vector<16xf32>
    %select_n3A_939 = arith.select %gt3A_937, %masked_sort3A_936, %masked_sort3A_912 : vector<16xi1>, vector<16xi32>
    %masked_sort3A_940 = arith.constant dense<true> : vector<16xi1>
    %masked_sort3A_941, %masked_sort3A_942, %masked_sort3A_943 = tpu.sort %select_n3A_938, %select_n3A_939 masked %masked_sort3A_940 : (vector<16xf32>, vector<16xi32>, vector<16xi1>) -> (vector<16xi1>, vector<16xf32>, vector<16xi32>)
    %get3A_944 = arith.constant 5 : i32
    %get3A_945 = arith.index_cast %get3A_944 : i32 to index
    %get3A_946 = arith.constant 16 : index
    %get3A_947 = tpu.vector_load %arg7[%get3A_945, %get3A_946] {strides = array<i32>} : memref<16x128xf32, #tpu.memory_space<vmem>>, vector<16xf32>,
    %mul3A_948 = arith.constant 128 : i32
    %mul3A_949 = arith.muli %reduce_sum3A_922, %mul3A_948 : i32
    %add3A_950 = arith.constant 16 : i32
    %add3A_951 = arith.addi %mul3A_949, %add3A_950 : i32
    %add3A_952 = vector.broadcast %add3A_951 : i32 to vector<16xi32>
    %add3A_953 = arith.addi %add3A_952, %iota3A : vector<16xi32>
    %masked_sort3A_954 = arith.constant dense<true> : vector<16xi1>
    %masked_sort3A_955, %masked_sort3A_956, %masked_sort3A_957 = tpu.sort %get3A_947, %add3A_953 masked %masked_sort3A_954 {descending = true} : (vector<16xf32>, vector<16xi32>, vector<16xi1>) -> (vector<16xi1>, vector<16xf32>, vector<16xi32>)
    %gt3A_958 = arith.cmpf ogt, %masked_sort3A_956, %masked_sort3A_942 : vector<16xf32>
    %select_n3A_959 = arith.select %gt3A_958, %masked_sort3A_956, %masked_sort3A_942 : vector<16xi1>, vector<16xf32>
    %select_n3A_960 = arith.select %gt3A_958, %masked_sort3A_957, %masked_sort3A_943 : vector<16xi1>, vector<16xi32>
    %masked_sort3A_961 = arith.constant dense<true> : vector<16xi1>
    %masked_sort3A_962, %masked_sort3A_963, %masked_sort3A_964 = tpu.sort %select_n3A_959, %select_n3A_960 masked %masked_sort3A_961 : (vector<16xf32>, vector<16xi32>, vector<16xi1>) -> (vector<16xi1>, vector<16xf32>, vector<16xi32>)
    %get3A_965 = arith.constant 5 : i32
    %get3A_966 = arith.index_cast %get3A_965 : i32 to index
    %get3A_967 = arith.constant 32 : index
    %get3A_968 = tpu.vector_load %arg7[%get3A_966, %get3A_967] {strides = array<i32>} : memref<16x128xf32, #tpu.memory_space<vmem>>, vector<16xf32>,
    %mul3A_969 = arith.constant 128 : i32
    %mul3A_970 = arith.muli %reduce_sum3A_922, %mul3A_969 : i32
    %add3A_971 = arith.constant 32 : i32
    %add3A_972 = arith.addi %mul3A_970, %add3A_971 : i32
    %add3A_973 = vector.broadcast %add3A_972 : i32 to vector<16xi32>
    %add3A_974 = arith.addi %add3A_973, %iota3A : vector<16xi32>
    %masked_sort3A_975 = arith.constant dense<true> : vector<16xi1>
    %masked_sort3A_976, %masked_sort3A_977, %masked_sort3A_978 = tpu.sort %get3A_968, %add3A_974 masked %masked_sort3A_975 {descending = true} : (vector<16xf32>, vector<16xi32>, vector<16xi1>) -> (vector<16xi1>, vector<16xf32>, vector<16xi32>)
    %gt3A_979 = arith.cmpf ogt, %masked_sort3A_977, %masked_sort3A_963 : vector<16xf32>
    %select_n3A_980 = arith.select %gt3A_979, %masked_sort3A_977, %masked_sort3A_963 : vector<16xi1>, vector<16xf32>
    %select_n3A_981 = arith.select %gt3A_979, %masked_sort3A_978, %masked_sort3A_964 : vector<16xi1>, vector<16xi32>
    %masked_sort3A_982 = arith.constant dense<true> : vector<16xi1>
    %masked_sort3A_983, %masked_sort3A_984, %masked_sort3A_985 = tpu.sort %select_n3A_980, %select_n3A_981 masked %masked_sort3A_982 : (vector<16xf32>, vector<16xi32>, vector<16xi1>) -> (vector<16xi1>, vector<16xf32>, vector<16xi32>)
    %get3A_986 = arith.constant 5 : i32
    %get3A_987 = arith.index_cast %get3A_986 : i32 to index
    %get3A_988 = arith.constant 48 : index
    %get3A_989 = tpu.vector_load %arg7[%get3A_987, %get3A_988] {strides = array<i32>} : memref<16x128xf32, #tpu.memory_space<vmem>>, vector<16xf32>,
    %mul3A_990 = arith.constant 128 : i32
    %mul3A_991 = arith.muli %reduce_sum3A_922, %mul3A_990 : i32
    %add3A_992 = arith.constant 48 : i32
    %add3A_993 = arith.addi %mul3A_991, %add3A_992 : i32
    %add3A_994 = vector.broadcast %add3A_993 : i32 to vector<16xi32>
    %add3A_995 = arith.addi %add3A_994, %iota3A : vector<16xi32>
    %masked_sort3A_996 = arith.constant dense<true> : vector<16xi1>
    %masked_sort3A_997, %masked_sort3A_998, %masked_sort3A_999 = tpu.sort %get3A_989, %add3A_995 masked %masked_sort3A_996 {descending = true} : (vector<16xf32>, vector<16xi32>, vector<16xi1>) -> (vector<16xi1>, vector<16xf32>, vector<16xi32>)
    %gt3A_1000 = arith.cmpf ogt, %masked_sort3A_998, %masked_sort3A_984 : vector<16xf32>
    %select_n3A_1001 = arith.select %gt3A_1000, %masked_sort3A_998, %masked_sort3A_984 : vector<16xi1>, vector<16xf32>
    %select_n3A_1002 = arith.select %gt3A_1000, %masked_sort3A_999, %masked_sort3A_985 : vector<16xi1>, vector<16xi32>
    %masked_sort3A_1003 = arith.constant dense<true> : vector<16xi1>
    %masked_sort3A_1004, %masked_sort3A_1005, %masked_sort3A_1006 = tpu.sort %select_n3A_1001, %select_n3A_1002 masked %masked_sort3A_1003 : (vector<16xf32>, vector<16xi32>, vector<16xi1>) -> (vector<16xi1>, vector<16xf32>, vector<16xi32>)
    %get3A_1007 = arith.constant 5 : i32
    %get3A_1008 = arith.index_cast %get3A_1007 : i32 to index
    %get3A_1009 = arith.constant 64 : index
    %get3A_1010 = tpu.vector_load %arg7[%get3A_1008, %get3A_1009] {strides = array<i32>} : memref<16x128xf32, #tpu.memory_space<vmem>>, vector<16xf32>,
    %mul3A_1011 = arith.constant 128 : i32
    %mul3A_1012 = arith.muli %reduce_sum3A_922, %mul3A_1011 : i32
    %add3A_1013 = arith.constant 64 : i32
    %add3A_1014 = arith.addi %mul3A_1012, %add3A_1013 : i32
    %add3A_1015 = vector.broadcast %add3A_1014 : i32 to vector<16xi32>
    %add3A_1016 = arith.addi %add3A_1015, %iota3A : vector<16xi32>
    %masked_sort3A_1017 = arith.constant dense<true> : vector<16xi1>
    %masked_sort3A_1018, %masked_sort3A_1019, %masked_sort3A_1020 = tpu.sort %get3A_1010, %add3A_1016 masked %masked_sort3A_1017 {descending = true} : (vector<16xf32>, vector<16xi32>, vector<16xi1>) -> (vector<16xi1>, vector<16xf32>, vector<16xi32>)
    %gt3A_1021 = arith.cmpf ogt, %masked_sort3A_1019, %masked_sort3A_1005 : vector<16xf32>
    %select_n3A_1022 = arith.select %gt3A_1021, %masked_sort3A_1019, %masked_sort3A_1005 : vector<16xi1>, vector<16xf32>
    %select_n3A_1023 = arith.select %gt3A_1021, %masked_sort3A_1020, %masked_sort3A_1006 : vector<16xi1>, vector<16xi32>
    %masked_sort3A_1024 = arith.constant dense<true> : vector<16xi1>
    %masked_sort3A_1025, %masked_sort3A_1026, %masked_sort3A_1027 = tpu.sort %select_n3A_1022, %select_n3A_1023 masked %masked_sort3A_1024 : (vector<16xf32>, vector<16xi32>, vector<16xi1>) -> (vector<16xi1>, vector<16xf32>, vector<16xi32>)
    %get3A_1028 = arith.constant 5 : i32
    %get3A_1029 = arith.index_cast %get3A_1028 : i32 to index
    %get3A_1030 = arith.constant 80 : index
    %get3A_1031 = tpu.vector_load %arg7[%get3A_1029, %get3A_1030] {strides = array<i32>} : memref<16x128xf32, #tpu.memory_space<vmem>>, vector<16xf32>,
    %mul3A_1032 = arith.constant 128 : i32
    %mul3A_1033 = arith.muli %reduce_sum3A_922, %mul3A_1032 : i32
    %add3A_1034 = arith.constant 80 : i32
    %add3A_1035 = arith.addi %mul3A_1033, %add3A_1034 : i32
    %add3A_1036 = vector.broadcast %add3A_1035 : i32 to vector<16xi32>
    %add3A_1037 = arith.addi %add3A_1036, %iota3A : vector<16xi32>
    %masked_sort3A_1038 = arith.constant dense<true> : vector<16xi1>
    %masked_sort3A_1039, %masked_sort3A_1040, %masked_sort3A_1041 = tpu.sort %get3A_1031, %add3A_1037 masked %masked_sort3A_1038 {descending = true} : (vector<16xf32>, vector<16xi32>, vector<16xi1>) -> (vector<16xi1>, vector<16xf32>, vector<16xi32>)
    %gt3A_1042 = arith.cmpf ogt, %masked_sort3A_1040, %masked_sort3A_1026 : vector<16xf32>
    %select_n3A_1043 = arith.select %gt3A_1042, %masked_sort3A_1040, %masked_sort3A_1026 : vector<16xi1>, vector<16xf32>
    %select_n3A_1044 = arith.select %gt3A_1042, %masked_sort3A_1041, %masked_sort3A_1027 : vector<16xi1>, vector<16xi32>
    %masked_sort3A_1045 = arith.constant dense<true> : vector<16xi1>
    %masked_sort3A_1046, %masked_sort3A_1047, %masked_sort3A_1048 = tpu.sort %select_n3A_1043, %select_n3A_1044 masked %masked_sort3A_1045 : (vector<16xf32>, vector<16xi32>, vector<16xi1>) -> (vector<16xi1>, vector<16xf32>, vector<16xi32>)
    %get3A_1049 = arith.constant 5 : i32
    %get3A_1050 = arith.index_cast %get3A_1049 : i32 to index
    %get3A_1051 = arith.constant 96 : index
    %get3A_1052 = tpu.vector_load %arg7[%get3A_1050, %get3A_1051] {strides = array<i32>} : memref<16x128xf32, #tpu.memory_space<vmem>>, vector<16xf32>,
    %mul3A_1053 = arith.constant 128 : i32
    %mul3A_1054 = arith.muli %reduce_sum3A_922, %mul3A_1053 : i32
    %add3A_1055 = arith.constant 96 : i32
    %add3A_1056 = arith.addi %mul3A_1054, %add3A_1055 : i32
    %add3A_1057 = vector.broadcast %add3A_1056 : i32 to vector<16xi32>
    %add3A_1058 = arith.addi %add3A_1057, %iota3A : vector<16xi32>
    %masked_sort3A_1059 = arith.constant dense<true> : vector<16xi1>
    %masked_sort3A_1060, %masked_sort3A_1061, %masked_sort3A_1062 = tpu.sort %get3A_1052, %add3A_1058 masked %masked_sort3A_1059 {descending = true} : (vector<16xf32>, vector<16xi32>, vector<16xi1>) -> (vector<16xi1>, vector<16xf32>, vector<16xi32>)
    %gt3A_1063 = arith.cmpf ogt, %masked_sort3A_1061, %masked_sort3A_1047 : vector<16xf32>
    %select_n3A_1064 = arith.select %gt3A_1063, %masked_sort3A_1061, %masked_sort3A_1047 : vector<16xi1>, vector<16xf32>
    %select_n3A_1065 = arith.select %gt3A_1063, %masked_sort3A_1062, %masked_sort3A_1048 : vector<16xi1>, vector<16xi32>
    %masked_sort3A_1066 = arith.constant dense<true> : vector<16xi1>
    %masked_sort3A_1067, %masked_sort3A_1068, %masked_sort3A_1069 = tpu.sort %select_n3A_1064, %select_n3A_1065 masked %masked_sort3A_1066 : (vector<16xf32>, vector<16xi32>, vector<16xi1>) -> (vector<16xi1>, vector<16xf32>, vector<16xi32>)
    %get3A_1070 = arith.constant 5 : i32
    %get3A_1071 = arith.index_cast %get3A_1070 : i32 to index
    %get3A_1072 = arith.constant 112 : index
    %get3A_1073 = tpu.vector_load %arg7[%get3A_1071, %get3A_1072] {strides = array<i32>} : memref<16x128xf32, #tpu.memory_space<vmem>>, vector<16xf32>,
    %mul3A_1074 = arith.constant 128 : i32
    %mul3A_1075 = arith.muli %reduce_sum3A_922, %mul3A_1074 : i32
    %add3A_1076 = arith.constant 112 : i32
    %add3A_1077 = arith.addi %mul3A_1075, %add3A_1076 : i32
    %add3A_1078 = vector.broadcast %add3A_1077 : i32 to vector<16xi32>
    %add3A_1079 = arith.addi %add3A_1078, %iota3A : vector<16xi32>
    %masked_sort3A_1080 = arith.constant dense<true> : vector<16xi1>
    %masked_sort3A_1081, %masked_sort3A_1082, %masked_sort3A_1083 = tpu.sort %get3A_1073, %add3A_1079 masked %masked_sort3A_1080 {descending = true} : (vector<16xf32>, vector<16xi32>, vector<16xi1>) -> (vector<16xi1>, vector<16xf32>, vector<16xi32>)
    %gt3A_1084 = arith.cmpf ogt, %masked_sort3A_1082, %masked_sort3A_1068 : vector<16xf32>
    %select_n3A_1085 = arith.select %gt3A_1084, %masked_sort3A_1082, %masked_sort3A_1068 : vector<16xi1>, vector<16xf32>
    %select_n3A_1086 = arith.select %gt3A_1084, %masked_sort3A_1083, %masked_sort3A_1069 : vector<16xi1>, vector<16xi32>
    %masked_sort3A_1087 = arith.constant dense<true> : vector<16xi1>
    %masked_sort3A_1088, %masked_sort3A_1089, %masked_sort3A_1090 = tpu.sort %select_n3A_1085, %select_n3A_1086 masked %masked_sort3A_1087 : (vector<16xf32>, vector<16xi32>, vector<16xi1>) -> (vector<16xi1>, vector<16xf32>, vector<16xi32>)
    %eq3A_1091 = arith.constant 6 : i32
    %eq3A_1092 = vector.broadcast %eq3A_1091 : i32 to vector<16xi32>
    %eq3A_1093 = arith.cmpi eq, %iota3A, %eq3A_1092 : vector<16xi32>
    %jit3A_1094 = arith.constant 0 : i32
    %broadcast_in_dim3A_1095 = vector.broadcast %jit3A_1094 : i32 to vector<16xi32>
    %select_n3A_1096 = arith.select %eq3A_1093, %scan3A_7#1, %broadcast_in_dim3A_1095 : vector<16xi1>, vector<16xi32>
    %reduce_sum3A_1097 = arith.constant true
    %reduce_sum3A_1098 = vector.broadcast %reduce_sum3A_1097 : i1 to vector<16xi1>
    %reduce_sum3A_1099 = tpu.scan <sum>, %select_n3A_1096 masked %reduce_sum3A_1098 : vector<16xi32>, vector<16xi1> -> vector<16xi32>
    %reduce_sum3A_1100 = vector.extract %reduce_sum3A_1099[15] : i32 from vector<16xi32>
    %get3A_1101 = arith.constant 6 : i32
    %get3A_1102 = arith.index_cast %get3A_1101 : i32 to index
    %get3A_1103 = arith.constant 0 : index
    %get3A_1104 = tpu.vector_load %arg7[%get3A_1102, %get3A_1103] {strides = array<i32>} : memref<16x128xf32, #tpu.memory_space<vmem>>, vector<16xf32>,
    %mul3A_1105 = arith.constant 128 : i32
    %mul3A_1106 = arith.muli %reduce_sum3A_1100, %mul3A_1105 : i32
    %add3A_1107 = arith.constant 0 : i32
    %add3A_1108 = arith.addi %mul3A_1106, %add3A_1107 : i32
    %add3A_1109 = vector.broadcast %add3A_1108 : i32 to vector<16xi32>
    %add3A_1110 = arith.addi %add3A_1109, %iota3A : vector<16xi32>
    %masked_sort3A_1111 = arith.constant dense<true> : vector<16xi1>
    %masked_sort3A_1112, %masked_sort3A_1113, %masked_sort3A_1114 = tpu.sort %get3A_1104, %add3A_1110 masked %masked_sort3A_1111 {descending = true} : (vector<16xf32>, vector<16xi32>, vector<16xi1>) -> (vector<16xi1>, vector<16xf32>, vector<16xi32>)
    %gt3A_1115 = arith.cmpf ogt, %masked_sort3A_1113, %masked_sort3A_1089 : vector<16xf32>
    %select_n3A_1116 = arith.select %gt3A_1115, %masked_sort3A_1113, %masked_sort3A_1089 : vector<16xi1>, vector<16xf32>
    %select_n3A_1117 = arith.select %gt3A_1115, %masked_sort3A_1114, %masked_sort3A_1090 : vector<16xi1>, vector<16xi32>
    %masked_sort3A_1118 = arith.constant dense<true> : vector<16xi1>
    %masked_sort3A_1119, %masked_sort3A_1120, %masked_sort3A_1121 = tpu.sort %select_n3A_1116, %select_n3A_1117 masked %masked_sort3A_1118 : (vector<16xf32>, vector<16xi32>, vector<16xi1>) -> (vector<16xi1>, vector<16xf32>, vector<16xi32>)
    %get3A_1122 = arith.constant 6 : i32
    %get3A_1123 = arith.index_cast %get3A_1122 : i32 to index
    %get3A_1124 = arith.constant 16 : index
    %get3A_1125 = tpu.vector_load %arg7[%get3A_1123, %get3A_1124] {strides = array<i32>} : memref<16x128xf32, #tpu.memory_space<vmem>>, vector<16xf32>,
    %mul3A_1126 = arith.constant 128 : i32
    %mul3A_1127 = arith.muli %reduce_sum3A_1100, %mul3A_1126 : i32
    %add3A_1128 = arith.constant 16 : i32
    %add3A_1129 = arith.addi %mul3A_1127, %add3A_1128 : i32
    %add3A_1130 = vector.broadcast %add3A_1129 : i32 to vector<16xi32>
    %add3A_1131 = arith.addi %add3A_1130, %iota3A : vector<16xi32>
    %masked_sort3A_1132 = arith.constant dense<true> : vector<16xi1>
    %masked_sort3A_1133, %masked_sort3A_1134, %masked_sort3A_1135 = tpu.sort %get3A_1125, %add3A_1131 masked %masked_sort3A_1132 {descending = true} : (vector<16xf32>, vector<16xi32>, vector<16xi1>) -> (vector<16xi1>, vector<16xf32>, vector<16xi32>)
    %gt3A_1136 = arith.cmpf ogt, %masked_sort3A_1134, %masked_sort3A_1120 : vector<16xf32>
    %select_n3A_1137 = arith.select %gt3A_1136, %masked_sort3A_1134, %masked_sort3A_1120 : vector<16xi1>, vector<16xf32>
    %select_n3A_1138 = arith.select %gt3A_1136, %masked_sort3A_1135, %masked_sort3A_1121 : vector<16xi1>, vector<16xi32>
    %masked_sort3A_1139 = arith.constant dense<true> : vector<16xi1>
    %masked_sort3A_1140, %masked_sort3A_1141, %masked_sort3A_1142 = tpu.sort %select_n3A_1137, %select_n3A_1138 masked %masked_sort3A_1139 : (vector<16xf32>, vector<16xi32>, vector<16xi1>) -> (vector<16xi1>, vector<16xf32>, vector<16xi32>)
    %get3A_1143 = arith.constant 6 : i32
    %get3A_1144 = arith.index_cast %get3A_1143 : i32 to index
    %get3A_1145 = arith.constant 32 : index
    %get3A_1146 = tpu.vector_load %arg7[%get3A_1144, %get3A_1145] {strides = array<i32>} : memref<16x128xf32, #tpu.memory_space<vmem>>, vector<16xf32>,
    %mul3A_1147 = arith.constant 128 : i32
    %mul3A_1148 = arith.muli %reduce_sum3A_1100, %mul3A_1147 : i32
    %add3A_1149 = arith.constant 32 : i32
    %add3A_1150 = arith.addi %mul3A_1148, %add3A_1149 : i32
    %add3A_1151 = vector.broadcast %add3A_1150 : i32 to vector<16xi32>
    %add3A_1152 = arith.addi %add3A_1151, %iota3A : vector<16xi32>
    %masked_sort3A_1153 = arith.constant dense<true> : vector<16xi1>
    %masked_sort3A_1154, %masked_sort3A_1155, %masked_sort3A_1156 = tpu.sort %get3A_1146, %add3A_1152 masked %masked_sort3A_1153 {descending = true} : (vector<16xf32>, vector<16xi32>, vector<16xi1>) -> (vector<16xi1>, vector<16xf32>, vector<16xi32>)
    %gt3A_1157 = arith.cmpf ogt, %masked_sort3A_1155, %masked_sort3A_1141 : vector<16xf32>
    %select_n3A_1158 = arith.select %gt3A_1157, %masked_sort3A_1155, %masked_sort3A_1141 : vector<16xi1>, vector<16xf32>
    %select_n3A_1159 = arith.select %gt3A_1157, %masked_sort3A_1156, %masked_sort3A_1142 : vector<16xi1>, vector<16xi32>
    %masked_sort3A_1160 = arith.constant dense<true> : vector<16xi1>
    %masked_sort3A_1161, %masked_sort3A_1162, %masked_sort3A_1163 = tpu.sort %select_n3A_1158, %select_n3A_1159 masked %masked_sort3A_1160 : (vector<16xf32>, vector<16xi32>, vector<16xi1>) -> (vector<16xi1>, vector<16xf32>, vector<16xi32>)
    %get3A_1164 = arith.constant 6 : i32
    %get3A_1165 = arith.index_cast %get3A_1164 : i32 to index
    %get3A_1166 = arith.constant 48 : index
    %get3A_1167 = tpu.vector_load %arg7[%get3A_1165, %get3A_1166] {strides = array<i32>} : memref<16x128xf32, #tpu.memory_space<vmem>>, vector<16xf32>,
    %mul3A_1168 = arith.constant 128 : i32
    %mul3A_1169 = arith.muli %reduce_sum3A_1100, %mul3A_1168 : i32
    %add3A_1170 = arith.constant 48 : i32
    %add3A_1171 = arith.addi %mul3A_1169, %add3A_1170 : i32
    %add3A_1172 = vector.broadcast %add3A_1171 : i32 to vector<16xi32>
    %add3A_1173 = arith.addi %add3A_1172, %iota3A : vector<16xi32>
    %masked_sort3A_1174 = arith.constant dense<true> : vector<16xi1>
    %masked_sort3A_1175, %masked_sort3A_1176, %masked_sort3A_1177 = tpu.sort %get3A_1167, %add3A_1173 masked %masked_sort3A_1174 {descending = true} : (vector<16xf32>, vector<16xi32>, vector<16xi1>) -> (vector<16xi1>, vector<16xf32>, vector<16xi32>)
    %gt3A_1178 = arith.cmpf ogt, %masked_sort3A_1176, %masked_sort3A_1162 : vector<16xf32>
    %select_n3A_1179 = arith.select %gt3A_1178, %masked_sort3A_1176, %masked_sort3A_1162 : vector<16xi1>, vector<16xf32>
    %select_n3A_1180 = arith.select %gt3A_1178, %masked_sort3A_1177, %masked_sort3A_1163 : vector<16xi1>, vector<16xi32>
    %masked_sort3A_1181 = arith.constant dense<true> : vector<16xi1>
    %masked_sort3A_1182, %masked_sort3A_1183, %masked_sort3A_1184 = tpu.sort %select_n3A_1179, %select_n3A_1180 masked %masked_sort3A_1181 : (vector<16xf32>, vector<16xi32>, vector<16xi1>) -> (vector<16xi1>, vector<16xf32>, vector<16xi32>)
    %get3A_1185 = arith.constant 6 : i32
    %get3A_1186 = arith.index_cast %get3A_1185 : i32 to index
    %get3A_1187 = arith.constant 64 : index
    %get3A_1188 = tpu.vector_load %arg7[%get3A_1186, %get3A_1187] {strides = array<i32>} : memref<16x128xf32, #tpu.memory_space<vmem>>, vector<16xf32>,
    %mul3A_1189 = arith.constant 128 : i32
    %mul3A_1190 = arith.muli %reduce_sum3A_1100, %mul3A_1189 : i32
    %add3A_1191 = arith.constant 64 : i32
    %add3A_1192 = arith.addi %mul3A_1190, %add3A_1191 : i32
    %add3A_1193 = vector.broadcast %add3A_1192 : i32 to vector<16xi32>
    %add3A_1194 = arith.addi %add3A_1193, %iota3A : vector<16xi32>
    %masked_sort3A_1195 = arith.constant dense<true> : vector<16xi1>
    %masked_sort3A_1196, %masked_sort3A_1197, %masked_sort3A_1198 = tpu.sort %get3A_1188, %add3A_1194 masked %masked_sort3A_1195 {descending = true} : (vector<16xf32>, vector<16xi32>, vector<16xi1>) -> (vector<16xi1>, vector<16xf32>, vector<16xi32>)
    %gt3A_1199 = arith.cmpf ogt, %masked_sort3A_1197, %masked_sort3A_1183 : vector<16xf32>
    %select_n3A_1200 = arith.select %gt3A_1199, %masked_sort3A_1197, %masked_sort3A_1183 : vector<16xi1>, vector<16xf32>
    %select_n3A_1201 = arith.select %gt3A_1199, %masked_sort3A_1198, %masked_sort3A_1184 : vector<16xi1>, vector<16xi32>
    %masked_sort3A_1202 = arith.constant dense<true> : vector<16xi1>
    %masked_sort3A_1203, %masked_sort3A_1204, %masked_sort3A_1205 = tpu.sort %select_n3A_1200, %select_n3A_1201 masked %masked_sort3A_1202 : (vector<16xf32>, vector<16xi32>, vector<16xi1>) -> (vector<16xi1>, vector<16xf32>, vector<16xi32>)
    %get3A_1206 = arith.constant 6 : i32
    %get3A_1207 = arith.index_cast %get3A_1206 : i32 to index
    %get3A_1208 = arith.constant 80 : index
    %get3A_1209 = tpu.vector_load %arg7[%get3A_1207, %get3A_1208] {strides = array<i32>} : memref<16x128xf32, #tpu.memory_space<vmem>>, vector<16xf32>,
    %mul3A_1210 = arith.constant 128 : i32
    %mul3A_1211 = arith.muli %reduce_sum3A_1100, %mul3A_1210 : i32
    %add3A_1212 = arith.constant 80 : i32
    %add3A_1213 = arith.addi %mul3A_1211, %add3A_1212 : i32
    %add3A_1214 = vector.broadcast %add3A_1213 : i32 to vector<16xi32>
    %add3A_1215 = arith.addi %add3A_1214, %iota3A : vector<16xi32>
    %masked_sort3A_1216 = arith.constant dense<true> : vector<16xi1>
    %masked_sort3A_1217, %masked_sort3A_1218, %masked_sort3A_1219 = tpu.sort %get3A_1209, %add3A_1215 masked %masked_sort3A_1216 {descending = true} : (vector<16xf32>, vector<16xi32>, vector<16xi1>) -> (vector<16xi1>, vector<16xf32>, vector<16xi32>)
    %gt3A_1220 = arith.cmpf ogt, %masked_sort3A_1218, %masked_sort3A_1204 : vector<16xf32>
    %select_n3A_1221 = arith.select %gt3A_1220, %masked_sort3A_1218, %masked_sort3A_1204 : vector<16xi1>, vector<16xf32>
    %select_n3A_1222 = arith.select %gt3A_1220, %masked_sort3A_1219, %masked_sort3A_1205 : vector<16xi1>, vector<16xi32>
    %masked_sort3A_1223 = arith.constant dense<true> : vector<16xi1>
    %masked_sort3A_1224, %masked_sort3A_1225, %masked_sort3A_1226 = tpu.sort %select_n3A_1221, %select_n3A_1222 masked %masked_sort3A_1223 : (vector<16xf32>, vector<16xi32>, vector<16xi1>) -> (vector<16xi1>, vector<16xf32>, vector<16xi32>)
    %get3A_1227 = arith.constant 6 : i32
    %get3A_1228 = arith.index_cast %get3A_1227 : i32 to index
    %get3A_1229 = arith.constant 96 : index
    %get3A_1230 = tpu.vector_load %arg7[%get3A_1228, %get3A_1229] {strides = array<i32>} : memref<16x128xf32, #tpu.memory_space<vmem>>, vector<16xf32>,
    %mul3A_1231 = arith.constant 128 : i32
    %mul3A_1232 = arith.muli %reduce_sum3A_1100, %mul3A_1231 : i32
    %add3A_1233 = arith.constant 96 : i32
    %add3A_1234 = arith.addi %mul3A_1232, %add3A_1233 : i32
    %add3A_1235 = vector.broadcast %add3A_1234 : i32 to vector<16xi32>
    %add3A_1236 = arith.addi %add3A_1235, %iota3A : vector<16xi32>
    %masked_sort3A_1237 = arith.constant dense<true> : vector<16xi1>
    %masked_sort3A_1238, %masked_sort3A_1239, %masked_sort3A_1240 = tpu.sort %get3A_1230, %add3A_1236 masked %masked_sort3A_1237 {descending = true} : (vector<16xf32>, vector<16xi32>, vector<16xi1>) -> (vector<16xi1>, vector<16xf32>, vector<16xi32>)
    %gt3A_1241 = arith.cmpf ogt, %masked_sort3A_1239, %masked_sort3A_1225 : vector<16xf32>
    %select_n3A_1242 = arith.select %gt3A_1241, %masked_sort3A_1239, %masked_sort3A_1225 : vector<16xi1>, vector<16xf32>
    %select_n3A_1243 = arith.select %gt3A_1241, %masked_sort3A_1240, %masked_sort3A_1226 : vector<16xi1>, vector<16xi32>
    %masked_sort3A_1244 = arith.constant dense<true> : vector<16xi1>
    %masked_sort3A_1245, %masked_sort3A_1246, %masked_sort3A_1247 = tpu.sort %select_n3A_1242, %select_n3A_1243 masked %masked_sort3A_1244 : (vector<16xf32>, vector<16xi32>, vector<16xi1>) -> (vector<16xi1>, vector<16xf32>, vector<16xi32>)
    %get3A_1248 = arith.constant 6 : i32
    %get3A_1249 = arith.index_cast %get3A_1248 : i32 to index
    %get3A_1250 = arith.constant 112 : index
    %get3A_1251 = tpu.vector_load %arg7[%get3A_1249, %get3A_1250] {strides = array<i32>} : memref<16x128xf32, #tpu.memory_space<vmem>>, vector<16xf32>,
    %mul3A_1252 = arith.constant 128 : i32
    %mul3A_1253 = arith.muli %reduce_sum3A_1100, %mul3A_1252 : i32
    %add3A_1254 = arith.constant 112 : i32
    %add3A_1255 = arith.addi %mul3A_1253, %add3A_1254 : i32
    %add3A_1256 = vector.broadcast %add3A_1255 : i32 to vector<16xi32>
    %add3A_1257 = arith.addi %add3A_1256, %iota3A : vector<16xi32>
    %masked_sort3A_1258 = arith.constant dense<true> : vector<16xi1>
    %masked_sort3A_1259, %masked_sort3A_1260, %masked_sort3A_1261 = tpu.sort %get3A_1251, %add3A_1257 masked %masked_sort3A_1258 {descending = true} : (vector<16xf32>, vector<16xi32>, vector<16xi1>) -> (vector<16xi1>, vector<16xf32>, vector<16xi32>)
    %gt3A_1262 = arith.cmpf ogt, %masked_sort3A_1260, %masked_sort3A_1246 : vector<16xf32>
    %select_n3A_1263 = arith.select %gt3A_1262, %masked_sort3A_1260, %masked_sort3A_1246 : vector<16xi1>, vector<16xf32>
    %select_n3A_1264 = arith.select %gt3A_1262, %masked_sort3A_1261, %masked_sort3A_1247 : vector<16xi1>, vector<16xi32>
    %masked_sort3A_1265 = arith.constant dense<true> : vector<16xi1>
    %masked_sort3A_1266, %masked_sort3A_1267, %masked_sort3A_1268 = tpu.sort %select_n3A_1263, %select_n3A_1264 masked %masked_sort3A_1265 : (vector<16xf32>, vector<16xi32>, vector<16xi1>) -> (vector<16xi1>, vector<16xf32>, vector<16xi32>)
    %eq3A_1269 = arith.constant 7 : i32
    %eq3A_1270 = vector.broadcast %eq3A_1269 : i32 to vector<16xi32>
    %eq3A_1271 = arith.cmpi eq, %iota3A, %eq3A_1270 : vector<16xi32>
    %jit3A_1272 = arith.constant 0 : i32
    %broadcast_in_dim3A_1273 = vector.broadcast %jit3A_1272 : i32 to vector<16xi32>
    %select_n3A_1274 = arith.select %eq3A_1271, %scan3A_7#1, %broadcast_in_dim3A_1273 : vector<16xi1>, vector<16xi32>
    %reduce_sum3A_1275 = arith.constant true
    %reduce_sum3A_1276 = vector.broadcast %reduce_sum3A_1275 : i1 to vector<16xi1>
    %reduce_sum3A_1277 = tpu.scan <sum>, %select_n3A_1274 masked %reduce_sum3A_1276 : vector<16xi32>, vector<16xi1> -> vector<16xi32>
    %reduce_sum3A_1278 = vector.extract %reduce_sum3A_1277[15] : i32 from vector<16xi32>
    %get3A_1279 = arith.constant 7 : i32
    %get3A_1280 = arith.index_cast %get3A_1279 : i32 to index
    %get3A_1281 = arith.constant 0 : index
    %get3A_1282 = tpu.vector_load %arg7[%get3A_1280, %get3A_1281] {strides = array<i32>} : memref<16x128xf32, #tpu.memory_space<vmem>>, vector<16xf32>,
    %mul3A_1283 = arith.constant 128 : i32
    %mul3A_1284 = arith.muli %reduce_sum3A_1278, %mul3A_1283 : i32
    %add3A_1285 = arith.constant 0 : i32
    %add3A_1286 = arith.addi %mul3A_1284, %add3A_1285 : i32
    %add3A_1287 = vector.broadcast %add3A_1286 : i32 to vector<16xi32>
    %add3A_1288 = arith.addi %add3A_1287, %iota3A : vector<16xi32>
    %masked_sort3A_1289 = arith.constant dense<true> : vector<16xi1>
    %masked_sort3A_1290, %masked_sort3A_1291, %masked_sort3A_1292 = tpu.sort %get3A_1282, %add3A_1288 masked %masked_sort3A_1289 {descending = true} : (vector<16xf32>, vector<16xi32>, vector<16xi1>) -> (vector<16xi1>, vector<16xf32>, vector<16xi32>)
    %gt3A_1293 = arith.cmpf ogt, %masked_sort3A_1291, %masked_sort3A_1267 : vector<16xf32>
    %select_n3A_1294 = arith.select %gt3A_1293, %masked_sort3A_1291, %masked_sort3A_1267 : vector<16xi1>, vector<16xf32>
    %select_n3A_1295 = arith.select %gt3A_1293, %masked_sort3A_1292, %masked_sort3A_1268 : vector<16xi1>, vector<16xi32>
    %masked_sort3A_1296 = arith.constant dense<true> : vector<16xi1>
    %masked_sort3A_1297, %masked_sort3A_1298, %masked_sort3A_1299 = tpu.sort %select_n3A_1294, %select_n3A_1295 masked %masked_sort3A_1296 : (vector<16xf32>, vector<16xi32>, vector<16xi1>) -> (vector<16xi1>, vector<16xf32>, vector<16xi32>)
    %get3A_1300 = arith.constant 7 : i32
    %get3A_1301 = arith.index_cast %get3A_1300 : i32 to index
    %get3A_1302 = arith.constant 16 : index
    %get3A_1303 = tpu.vector_load %arg7[%get3A_1301, %get3A_1302] {strides = array<i32>} : memref<16x128xf32, #tpu.memory_space<vmem>>, vector<16xf32>,
    %mul3A_1304 = arith.constant 128 : i32
    %mul3A_1305 = arith.muli %reduce_sum3A_1278, %mul3A_1304 : i32
    %add3A_1306 = arith.constant 16 : i32
    %add3A_1307 = arith.addi %mul3A_1305, %add3A_1306 : i32
    %add3A_1308 = vector.broadcast %add3A_1307 : i32 to vector<16xi32>
    %add3A_1309 = arith.addi %add3A_1308, %iota3A : vector<16xi32>
    %masked_sort3A_1310 = arith.constant dense<true> : vector<16xi1>
    %masked_sort3A_1311, %masked_sort3A_1312, %masked_sort3A_1313 = tpu.sort %get3A_1303, %add3A_1309 masked %masked_sort3A_1310 {descending = true} : (vector<16xf32>, vector<16xi32>, vector<16xi1>) -> (vector<16xi1>, vector<16xf32>, vector<16xi32>)
    %gt3A_1314 = arith.cmpf ogt, %masked_sort3A_1312, %masked_sort3A_1298 : vector<16xf32>
    %select_n3A_1315 = arith.select %gt3A_1314, %masked_sort3A_1312, %masked_sort3A_1298 : vector<16xi1>, vector<16xf32>
    %select_n3A_1316 = arith.select %gt3A_1314, %masked_sort3A_1313, %masked_sort3A_1299 : vector<16xi1>, vector<16xi32>
    %masked_sort3A_1317 = arith.constant dense<true> : vector<16xi1>
    %masked_sort3A_1318, %masked_sort3A_1319, %masked_sort3A_1320 = tpu.sort %select_n3A_1315, %select_n3A_1316 masked %masked_sort3A_1317 : (vector<16xf32>, vector<16xi32>, vector<16xi1>) -> (vector<16xi1>, vector<16xf32>, vector<16xi32>)
    %get3A_1321 = arith.constant 7 : i32
    %get3A_1322 = arith.index_cast %get3A_1321 : i32 to index
    %get3A_1323 = arith.constant 32 : index
    %get3A_1324 = tpu.vector_load %arg7[%get3A_1322, %get3A_1323] {strides = array<i32>} : memref<16x128xf32, #tpu.memory_space<vmem>>, vector<16xf32>,
    %mul3A_1325 = arith.constant 128 : i32
    %mul3A_1326 = arith.muli %reduce_sum3A_1278, %mul3A_1325 : i32
    %add3A_1327 = arith.constant 32 : i32
    %add3A_1328 = arith.addi %mul3A_1326, %add3A_1327 : i32
    %add3A_1329 = vector.broadcast %add3A_1328 : i32 to vector<16xi32>
    %add3A_1330 = arith.addi %add3A_1329, %iota3A : vector<16xi32>
    %masked_sort3A_1331 = arith.constant dense<true> : vector<16xi1>
    %masked_sort3A_1332, %masked_sort3A_1333, %masked_sort3A_1334 = tpu.sort %get3A_1324, %add3A_1330 masked %masked_sort3A_1331 {descending = true} : (vector<16xf32>, vector<16xi32>, vector<16xi1>) -> (vector<16xi1>, vector<16xf32>, vector<16xi32>)
    %gt3A_1335 = arith.cmpf ogt, %masked_sort3A_1333, %masked_sort3A_1319 : vector<16xf32>
    %select_n3A_1336 = arith.select %gt3A_1335, %masked_sort3A_1333, %masked_sort3A_1319 : vector<16xi1>, vector<16xf32>
    %select_n3A_1337 = arith.select %gt3A_1335, %masked_sort3A_1334, %masked_sort3A_1320 : vector<16xi1>, vector<16xi32>
    %masked_sort3A_1338 = arith.constant dense<true> : vector<16xi1>
    %masked_sort3A_1339, %masked_sort3A_1340, %masked_sort3A_1341 = tpu.sort %select_n3A_1336, %select_n3A_1337 masked %masked_sort3A_1338 : (vector<16xf32>, vector<16xi32>, vector<16xi1>) -> (vector<16xi1>, vector<16xf32>, vector<16xi32>)
    %get3A_1342 = arith.constant 7 : i32
    %get3A_1343 = arith.index_cast %get3A_1342 : i32 to index
    %get3A_1344 = arith.constant 48 : index
    %get3A_1345 = tpu.vector_load %arg7[%get3A_1343, %get3A_1344] {strides = array<i32>} : memref<16x128xf32, #tpu.memory_space<vmem>>, vector<16xf32>,
    %mul3A_1346 = arith.constant 128 : i32
    %mul3A_1347 = arith.muli %reduce_sum3A_1278, %mul3A_1346 : i32
    %add3A_1348 = arith.constant 48 : i32
    %add3A_1349 = arith.addi %mul3A_1347, %add3A_1348 : i32
    %add3A_1350 = vector.broadcast %add3A_1349 : i32 to vector<16xi32>
    %add3A_1351 = arith.addi %add3A_1350, %iota3A : vector<16xi32>
    %masked_sort3A_1352 = arith.constant dense<true> : vector<16xi1>
    %masked_sort3A_1353, %masked_sort3A_1354, %masked_sort3A_1355 = tpu.sort %get3A_1345, %add3A_1351 masked %masked_sort3A_1352 {descending = true} : (vector<16xf32>, vector<16xi32>, vector<16xi1>) -> (vector<16xi1>, vector<16xf32>, vector<16xi32>)
    %gt3A_1356 = arith.cmpf ogt, %masked_sort3A_1354, %masked_sort3A_1340 : vector<16xf32>
    %select_n3A_1357 = arith.select %gt3A_1356, %masked_sort3A_1354, %masked_sort3A_1340 : vector<16xi1>, vector<16xf32>
    %select_n3A_1358 = arith.select %gt3A_1356, %masked_sort3A_1355, %masked_sort3A_1341 : vector<16xi1>, vector<16xi32>
    %masked_sort3A_1359 = arith.constant dense<true> : vector<16xi1>
    %masked_sort3A_1360, %masked_sort3A_1361, %masked_sort3A_1362 = tpu.sort %select_n3A_1357, %select_n3A_1358 masked %masked_sort3A_1359 : (vector<16xf32>, vector<16xi32>, vector<16xi1>) -> (vector<16xi1>, vector<16xf32>, vector<16xi32>)
    %get3A_1363 = arith.constant 7 : i32
    %get3A_1364 = arith.index_cast %get3A_1363 : i32 to index
    %get3A_1365 = arith.constant 64 : index
    %get3A_1366 = tpu.vector_load %arg7[%get3A_1364, %get3A_1365] {strides = array<i32>} : memref<16x128xf32, #tpu.memory_space<vmem>>, vector<16xf32>,
    %mul3A_1367 = arith.constant 128 : i32
    %mul3A_1368 = arith.muli %reduce_sum3A_1278, %mul3A_1367 : i32
    %add3A_1369 = arith.constant 64 : i32
    %add3A_1370 = arith.addi %mul3A_1368, %add3A_1369 : i32
    %add3A_1371 = vector.broadcast %add3A_1370 : i32 to vector<16xi32>
    %add3A_1372 = arith.addi %add3A_1371, %iota3A : vector<16xi32>
    %masked_sort3A_1373 = arith.constant dense<true> : vector<16xi1>
    %masked_sort3A_1374, %masked_sort3A_1375, %masked_sort3A_1376 = tpu.sort %get3A_1366, %add3A_1372 masked %masked_sort3A_1373 {descending = true} : (vector<16xf32>, vector<16xi32>, vector<16xi1>) -> (vector<16xi1>, vector<16xf32>, vector<16xi32>)
    %gt3A_1377 = arith.cmpf ogt, %masked_sort3A_1375, %masked_sort3A_1361 : vector<16xf32>
    %select_n3A_1378 = arith.select %gt3A_1377, %masked_sort3A_1375, %masked_sort3A_1361 : vector<16xi1>, vector<16xf32>
    %select_n3A_1379 = arith.select %gt3A_1377, %masked_sort3A_1376, %masked_sort3A_1362 : vector<16xi1>, vector<16xi32>
    %masked_sort3A_1380 = arith.constant dense<true> : vector<16xi1>
    %masked_sort3A_1381, %masked_sort3A_1382, %masked_sort3A_1383 = tpu.sort %select_n3A_1378, %select_n3A_1379 masked %masked_sort3A_1380 : (vector<16xf32>, vector<16xi32>, vector<16xi1>) -> (vector<16xi1>, vector<16xf32>, vector<16xi32>)
    %get3A_1384 = arith.constant 7 : i32
    %get3A_1385 = arith.index_cast %get3A_1384 : i32 to index
    %get3A_1386 = arith.constant 80 : index
    %get3A_1387 = tpu.vector_load %arg7[%get3A_1385, %get3A_1386] {strides = array<i32>} : memref<16x128xf32, #tpu.memory_space<vmem>>, vector<16xf32>,
    %mul3A_1388 = arith.constant 128 : i32
    %mul3A_1389 = arith.muli %reduce_sum3A_1278, %mul3A_1388 : i32
    %add3A_1390 = arith.constant 80 : i32
    %add3A_1391 = arith.addi %mul3A_1389, %add3A_1390 : i32
    %add3A_1392 = vector.broadcast %add3A_1391 : i32 to vector<16xi32>
    %add3A_1393 = arith.addi %add3A_1392, %iota3A : vector<16xi32>
    %masked_sort3A_1394 = arith.constant dense<true> : vector<16xi1>
    %masked_sort3A_1395, %masked_sort3A_1396, %masked_sort3A_1397 = tpu.sort %get3A_1387, %add3A_1393 masked %masked_sort3A_1394 {descending = true} : (vector<16xf32>, vector<16xi32>, vector<16xi1>) -> (vector<16xi1>, vector<16xf32>, vector<16xi32>)
    %gt3A_1398 = arith.cmpf ogt, %masked_sort3A_1396, %masked_sort3A_1382 : vector<16xf32>
    %select_n3A_1399 = arith.select %gt3A_1398, %masked_sort3A_1396, %masked_sort3A_1382 : vector<16xi1>, vector<16xf32>
    %select_n3A_1400 = arith.select %gt3A_1398, %masked_sort3A_1397, %masked_sort3A_1383 : vector<16xi1>, vector<16xi32>
    %masked_sort3A_1401 = arith.constant dense<true> : vector<16xi1>
    %masked_sort3A_1402, %masked_sort3A_1403, %masked_sort3A_1404 = tpu.sort %select_n3A_1399, %select_n3A_1400 masked %masked_sort3A_1401 : (vector<16xf32>, vector<16xi32>, vector<16xi1>) -> (vector<16xi1>, vector<16xf32>, vector<16xi32>)
    %get3A_1405 = arith.constant 7 : i32
    %get3A_1406 = arith.index_cast %get3A_1405 : i32 to index
    %get3A_1407 = arith.constant 96 : index
    %get3A_1408 = tpu.vector_load %arg7[%get3A_1406, %get3A_1407] {strides = array<i32>} : memref<16x128xf32, #tpu.memory_space<vmem>>, vector<16xf32>,
    %mul3A_1409 = arith.constant 128 : i32
    %mul3A_1410 = arith.muli %reduce_sum3A_1278, %mul3A_1409 : i32
    %add3A_1411 = arith.constant 96 : i32
    %add3A_1412 = arith.addi %mul3A_1410, %add3A_1411 : i32
    %add3A_1413 = vector.broadcast %add3A_1412 : i32 to vector<16xi32>
    %add3A_1414 = arith.addi %add3A_1413, %iota3A : vector<16xi32>
    %masked_sort3A_1415 = arith.constant dense<true> : vector<16xi1>
    %masked_sort3A_1416, %masked_sort3A_1417, %masked_sort3A_1418 = tpu.sort %get3A_1408, %add3A_1414 masked %masked_sort3A_1415 {descending = true} : (vector<16xf32>, vector<16xi32>, vector<16xi1>) -> (vector<16xi1>, vector<16xf32>, vector<16xi32>)
    %gt3A_1419 = arith.cmpf ogt, %masked_sort3A_1417, %masked_sort3A_1403 : vector<16xf32>
    %select_n3A_1420 = arith.select %gt3A_1419, %masked_sort3A_1417, %masked_sort3A_1403 : vector<16xi1>, vector<16xf32>
    %select_n3A_1421 = arith.select %gt3A_1419, %masked_sort3A_1418, %masked_sort3A_1404 : vector<16xi1>, vector<16xi32>
    %masked_sort3A_1422 = arith.constant dense<true> : vector<16xi1>
    %masked_sort3A_1423, %masked_sort3A_1424, %masked_sort3A_1425 = tpu.sort %select_n3A_1420, %select_n3A_1421 masked %masked_sort3A_1422 : (vector<16xf32>, vector<16xi32>, vector<16xi1>) -> (vector<16xi1>, vector<16xf32>, vector<16xi32>)
    %get3A_1426 = arith.constant 7 : i32
    %get3A_1427 = arith.index_cast %get3A_1426 : i32 to index
    %get3A_1428 = arith.constant 112 : index
    %get3A_1429 = tpu.vector_load %arg7[%get3A_1427, %get3A_1428] {strides = array<i32>} : memref<16x128xf32, #tpu.memory_space<vmem>>, vector<16xf32>,
    %mul3A_1430 = arith.constant 128 : i32
    %mul3A_1431 = arith.muli %reduce_sum3A_1278, %mul3A_1430 : i32
    %add3A_1432 = arith.constant 112 : i32
    %add3A_1433 = arith.addi %mul3A_1431, %add3A_1432 : i32
    %add3A_1434 = vector.broadcast %add3A_1433 : i32 to vector<16xi32>
    %add3A_1435 = arith.addi %add3A_1434, %iota3A : vector<16xi32>
    %masked_sort3A_1436 = arith.constant dense<true> : vector<16xi1>
    %masked_sort3A_1437, %masked_sort3A_1438, %masked_sort3A_1439 = tpu.sort %get3A_1429, %add3A_1435 masked %masked_sort3A_1436 {descending = true} : (vector<16xf32>, vector<16xi32>, vector<16xi1>) -> (vector<16xi1>, vector<16xf32>, vector<16xi32>)
    %gt3A_1440 = arith.cmpf ogt, %masked_sort3A_1438, %masked_sort3A_1424 : vector<16xf32>
    %select_n3A_1441 = arith.select %gt3A_1440, %masked_sort3A_1438, %masked_sort3A_1424 : vector<16xi1>, vector<16xf32>
    %select_n3A_1442 = arith.select %gt3A_1440, %masked_sort3A_1439, %masked_sort3A_1425 : vector<16xi1>, vector<16xi32>
    %masked_sort3A_1443 = arith.constant dense<true> : vector<16xi1>
    %masked_sort3A_1444, %masked_sort3A_1445, %masked_sort3A_1446 = tpu.sort %select_n3A_1441, %select_n3A_1442 masked %masked_sort3A_1443 : (vector<16xf32>, vector<16xi32>, vector<16xi1>) -> (vector<16xi1>, vector<16xf32>, vector<16xi32>)
    %eq3A_1447 = arith.constant 8 : i32
    %eq3A_1448 = vector.broadcast %eq3A_1447 : i32 to vector<16xi32>
    %eq3A_1449 = arith.cmpi eq, %iota3A, %eq3A_1448 : vector<16xi32>
    %jit3A_1450 = arith.constant 0 : i32
    %broadcast_in_dim3A_1451 = vector.broadcast %jit3A_1450 : i32 to vector<16xi32>
    %select_n3A_1452 = arith.select %eq3A_1449, %scan3A_7#1, %broadcast_in_dim3A_1451 : vector<16xi1>, vector<16xi32>
    %reduce_sum3A_1453 = arith.constant true
    %reduce_sum3A_1454 = vector.broadcast %reduce_sum3A_1453 : i1 to vector<16xi1>
    %reduce_sum3A_1455 = tpu.scan <sum>, %select_n3A_1452 masked %reduce_sum3A_1454 : vector<16xi32>, vector<16xi1> -> vector<16xi32>
    %reduce_sum3A_1456 = vector.extract %reduce_sum3A_1455[15] : i32 from vector<16xi32>
    %get3A_1457 = arith.constant 8 : i32
    %get3A_1458 = arith.index_cast %get3A_1457 : i32 to index
    %get3A_1459 = arith.constant 0 : index
    %get3A_1460 = tpu.vector_load %arg7[%get3A_1458, %get3A_1459] {strides = array<i32>} : memref<16x128xf32, #tpu.memory_space<vmem>>, vector<16xf32>,
    %mul3A_1461 = arith.constant 128 : i32
    %mul3A_1462 = arith.muli %reduce_sum3A_1456, %mul3A_1461 : i32
    %add3A_1463 = arith.constant 0 : i32
    %add3A_1464 = arith.addi %mul3A_1462, %add3A_1463 : i32
    %add3A_1465 = vector.broadcast %add3A_1464 : i32 to vector<16xi32>
    %add3A_1466 = arith.addi %add3A_1465, %iota3A : vector<16xi32>
    %masked_sort3A_1467 = arith.constant dense<true> : vector<16xi1>
    %masked_sort3A_1468, %masked_sort3A_1469, %masked_sort3A_1470 = tpu.sort %get3A_1460, %add3A_1466 masked %masked_sort3A_1467 {descending = true} : (vector<16xf32>, vector<16xi32>, vector<16xi1>) -> (vector<16xi1>, vector<16xf32>, vector<16xi32>)
    %gt3A_1471 = arith.cmpf ogt, %masked_sort3A_1469, %masked_sort3A_1445 : vector<16xf32>
    %select_n3A_1472 = arith.select %gt3A_1471, %masked_sort3A_1469, %masked_sort3A_1445 : vector<16xi1>, vector<16xf32>
    %select_n3A_1473 = arith.select %gt3A_1471, %masked_sort3A_1470, %masked_sort3A_1446 : vector<16xi1>, vector<16xi32>
    %masked_sort3A_1474 = arith.constant dense<true> : vector<16xi1>
    %masked_sort3A_1475, %masked_sort3A_1476, %masked_sort3A_1477 = tpu.sort %select_n3A_1472, %select_n3A_1473 masked %masked_sort3A_1474 : (vector<16xf32>, vector<16xi32>, vector<16xi1>) -> (vector<16xi1>, vector<16xf32>, vector<16xi32>)
    %get3A_1478 = arith.constant 8 : i32
    %get3A_1479 = arith.index_cast %get3A_1478 : i32 to index
    %get3A_1480 = arith.constant 16 : index
    %get3A_1481 = tpu.vector_load %arg7[%get3A_1479, %get3A_1480] {strides = array<i32>} : memref<16x128xf32, #tpu.memory_space<vmem>>, vector<16xf32>,
    %mul3A_1482 = arith.constant 128 : i32
    %mul3A_1483 = arith.muli %reduce_sum3A_1456, %mul3A_1482 : i32
    %add3A_1484 = arith.constant 16 : i32
    %add3A_1485 = arith.addi %mul3A_1483, %add3A_1484 : i32
    %add3A_1486 = vector.broadcast %add3A_1485 : i32 to vector<16xi32>
    %add3A_1487 = arith.addi %add3A_1486, %iota3A : vector<16xi32>
    %masked_sort3A_1488 = arith.constant dense<true> : vector<16xi1>
    %masked_sort3A_1489, %masked_sort3A_1490, %masked_sort3A_1491 = tpu.sort %get3A_1481, %add3A_1487 masked %masked_sort3A_1488 {descending = true} : (vector<16xf32>, vector<16xi32>, vector<16xi1>) -> (vector<16xi1>, vector<16xf32>, vector<16xi32>)
    %gt3A_1492 = arith.cmpf ogt, %masked_sort3A_1490, %masked_sort3A_1476 : vector<16xf32>
    %select_n3A_1493 = arith.select %gt3A_1492, %masked_sort3A_1490, %masked_sort3A_1476 : vector<16xi1>, vector<16xf32>
    %select_n3A_1494 = arith.select %gt3A_1492, %masked_sort3A_1491, %masked_sort3A_1477 : vector<16xi1>, vector<16xi32>
    %masked_sort3A_1495 = arith.constant dense<true> : vector<16xi1>
    %masked_sort3A_1496, %masked_sort3A_1497, %masked_sort3A_1498 = tpu.sort %select_n3A_1493, %select_n3A_1494 masked %masked_sort3A_1495 : (vector<16xf32>, vector<16xi32>, vector<16xi1>) -> (vector<16xi1>, vector<16xf32>, vector<16xi32>)
    %get3A_1499 = arith.constant 8 : i32
    %get3A_1500 = arith.index_cast %get3A_1499 : i32 to index
    %get3A_1501 = arith.constant 32 : index
    %get3A_1502 = tpu.vector_load %arg7[%get3A_1500, %get3A_1501] {strides = array<i32>} : memref<16x128xf32, #tpu.memory_space<vmem>>, vector<16xf32>,
    %mul3A_1503 = arith.constant 128 : i32
    %mul3A_1504 = arith.muli %reduce_sum3A_1456, %mul3A_1503 : i32
    %add3A_1505 = arith.constant 32 : i32
    %add3A_1506 = arith.addi %mul3A_1504, %add3A_1505 : i32
    %add3A_1507 = vector.broadcast %add3A_1506 : i32 to vector<16xi32>
    %add3A_1508 = arith.addi %add3A_1507, %iota3A : vector<16xi32>
    %masked_sort3A_1509 = arith.constant dense<true> : vector<16xi1>
    %masked_sort3A_1510, %masked_sort3A_1511, %masked_sort3A_1512 = tpu.sort %get3A_1502, %add3A_1508 masked %masked_sort3A_1509 {descending = true} : (vector<16xf32>, vector<16xi32>, vector<16xi1>) -> (vector<16xi1>, vector<16xf32>, vector<16xi32>)
    %gt3A_1513 = arith.cmpf ogt, %masked_sort3A_1511, %masked_sort3A_1497 : vector<16xf32>
    %select_n3A_1514 = arith.select %gt3A_1513, %masked_sort3A_1511, %masked_sort3A_1497 : vector<16xi1>, vector<16xf32>
    %select_n3A_1515 = arith.select %gt3A_1513, %masked_sort3A_1512, %masked_sort3A_1498 : vector<16xi1>, vector<16xi32>
    %masked_sort3A_1516 = arith.constant dense<true> : vector<16xi1>
    %masked_sort3A_1517, %masked_sort3A_1518, %masked_sort3A_1519 = tpu.sort %select_n3A_1514, %select_n3A_1515 masked %masked_sort3A_1516 : (vector<16xf32>, vector<16xi32>, vector<16xi1>) -> (vector<16xi1>, vector<16xf32>, vector<16xi32>)
    %get3A_1520 = arith.constant 8 : i32
    %get3A_1521 = arith.index_cast %get3A_1520 : i32 to index
    %get3A_1522 = arith.constant 48 : index
    %get3A_1523 = tpu.vector_load %arg7[%get3A_1521, %get3A_1522] {strides = array<i32>} : memref<16x128xf32, #tpu.memory_space<vmem>>, vector<16xf32>,
    %mul3A_1524 = arith.constant 128 : i32
    %mul3A_1525 = arith.muli %reduce_sum3A_1456, %mul3A_1524 : i32
    %add3A_1526 = arith.constant 48 : i32
    %add3A_1527 = arith.addi %mul3A_1525, %add3A_1526 : i32
    %add3A_1528 = vector.broadcast %add3A_1527 : i32 to vector<16xi32>
    %add3A_1529 = arith.addi %add3A_1528, %iota3A : vector<16xi32>
    %masked_sort3A_1530 = arith.constant dense<true> : vector<16xi1>
    %masked_sort3A_1531, %masked_sort3A_1532, %masked_sort3A_1533 = tpu.sort %get3A_1523, %add3A_1529 masked %masked_sort3A_1530 {descending = true} : (vector<16xf32>, vector<16xi32>, vector<16xi1>) -> (vector<16xi1>, vector<16xf32>, vector<16xi32>)
    %gt3A_1534 = arith.cmpf ogt, %masked_sort3A_1532, %masked_sort3A_1518 : vector<16xf32>
    %select_n3A_1535 = arith.select %gt3A_1534, %masked_sort3A_1532, %masked_sort3A_1518 : vector<16xi1>, vector<16xf32>
    %select_n3A_1536 = arith.select %gt3A_1534, %masked_sort3A_1533, %masked_sort3A_1519 : vector<16xi1>, vector<16xi32>
    %masked_sort3A_1537 = arith.constant dense<true> : vector<16xi1>
    %masked_sort3A_1538, %masked_sort3A_1539, %masked_sort3A_1540 = tpu.sort %select_n3A_1535, %select_n3A_1536 masked %masked_sort3A_1537 : (vector<16xf32>, vector<16xi32>, vector<16xi1>) -> (vector<16xi1>, vector<16xf32>, vector<16xi32>)
    %get3A_1541 = arith.constant 8 : i32
    %get3A_1542 = arith.index_cast %get3A_1541 : i32 to index
    %get3A_1543 = arith.constant 64 : index
    %get3A_1544 = tpu.vector_load %arg7[%get3A_1542, %get3A_1543] {strides = array<i32>} : memref<16x128xf32, #tpu.memory_space<vmem>>, vector<16xf32>,
    %mul3A_1545 = arith.constant 128 : i32
    %mul3A_1546 = arith.muli %reduce_sum3A_1456, %mul3A_1545 : i32
    %add3A_1547 = arith.constant 64 : i32
    %add3A_1548 = arith.addi %mul3A_1546, %add3A_1547 : i32
    %add3A_1549 = vector.broadcast %add3A_1548 : i32 to vector<16xi32>
    %add3A_1550 = arith.addi %add3A_1549, %iota3A : vector<16xi32>
    %masked_sort3A_1551 = arith.constant dense<true> : vector<16xi1>
    %masked_sort3A_1552, %masked_sort3A_1553, %masked_sort3A_1554 = tpu.sort %get3A_1544, %add3A_1550 masked %masked_sort3A_1551 {descending = true} : (vector<16xf32>, vector<16xi32>, vector<16xi1>) -> (vector<16xi1>, vector<16xf32>, vector<16xi32>)
    %gt3A_1555 = arith.cmpf ogt, %masked_sort3A_1553, %masked_sort3A_1539 : vector<16xf32>
    %select_n3A_1556 = arith.select %gt3A_1555, %masked_sort3A_1553, %masked_sort3A_1539 : vector<16xi1>, vector<16xf32>
    %select_n3A_1557 = arith.select %gt3A_1555, %masked_sort3A_1554, %masked_sort3A_1540 : vector<16xi1>, vector<16xi32>
    %masked_sort3A_1558 = arith.constant dense<true> : vector<16xi1>
    %masked_sort3A_1559, %masked_sort3A_1560, %masked_sort3A_1561 = tpu.sort %select_n3A_1556, %select_n3A_1557 masked %masked_sort3A_1558 : (vector<16xf32>, vector<16xi32>, vector<16xi1>) -> (vector<16xi1>, vector<16xf32>, vector<16xi32>)
    %get3A_1562 = arith.constant 8 : i32
    %get3A_1563 = arith.index_cast %get3A_1562 : i32 to index
    %get3A_1564 = arith.constant 80 : index
    %get3A_1565 = tpu.vector_load %arg7[%get3A_1563, %get3A_1564] {strides = array<i32>} : memref<16x128xf32, #tpu.memory_space<vmem>>, vector<16xf32>,
    %mul3A_1566 = arith.constant 128 : i32
    %mul3A_1567 = arith.muli %reduce_sum3A_1456, %mul3A_1566 : i32
    %add3A_1568 = arith.constant 80 : i32
    %add3A_1569 = arith.addi %mul3A_1567, %add3A_1568 : i32
    %add3A_1570 = vector.broadcast %add3A_1569 : i32 to vector<16xi32>
    %add3A_1571 = arith.addi %add3A_1570, %iota3A : vector<16xi32>
    %masked_sort3A_1572 = arith.constant dense<true> : vector<16xi1>
    %masked_sort3A_1573, %masked_sort3A_1574, %masked_sort3A_1575 = tpu.sort %get3A_1565, %add3A_1571 masked %masked_sort3A_1572 {descending = true} : (vector<16xf32>, vector<16xi32>, vector<16xi1>) -> (vector<16xi1>, vector<16xf32>, vector<16xi32>)
    %gt3A_1576 = arith.cmpf ogt, %masked_sort3A_1574, %masked_sort3A_1560 : vector<16xf32>
    %select_n3A_1577 = arith.select %gt3A_1576, %masked_sort3A_1574, %masked_sort3A_1560 : vector<16xi1>, vector<16xf32>
    %select_n3A_1578 = arith.select %gt3A_1576, %masked_sort3A_1575, %masked_sort3A_1561 : vector<16xi1>, vector<16xi32>
    %masked_sort3A_1579 = arith.constant dense<true> : vector<16xi1>
    %masked_sort3A_1580, %masked_sort3A_1581, %masked_sort3A_1582 = tpu.sort %select_n3A_1577, %select_n3A_1578 masked %masked_sort3A_1579 : (vector<16xf32>, vector<16xi32>, vector<16xi1>) -> (vector<16xi1>, vector<16xf32>, vector<16xi32>)
    %get3A_1583 = arith.constant 8 : i32
    %get3A_1584 = arith.index_cast %get3A_1583 : i32 to index
    %get3A_1585 = arith.constant 96 : index
    %get3A_1586 = tpu.vector_load %arg7[%get3A_1584, %get3A_1585] {strides = array<i32>} : memref<16x128xf32, #tpu.memory_space<vmem>>, vector<16xf32>,
    %mul3A_1587 = arith.constant 128 : i32
    %mul3A_1588 = arith.muli %reduce_sum3A_1456, %mul3A_1587 : i32
    %add3A_1589 = arith.constant 96 : i32
    %add3A_1590 = arith.addi %mul3A_1588, %add3A_1589 : i32
    %add3A_1591 = vector.broadcast %add3A_1590 : i32 to vector<16xi32>
    %add3A_1592 = arith.addi %add3A_1591, %iota3A : vector<16xi32>
    %masked_sort3A_1593 = arith.constant dense<true> : vector<16xi1>
    %masked_sort3A_1594, %masked_sort3A_1595, %masked_sort3A_1596 = tpu.sort %get3A_1586, %add3A_1592 masked %masked_sort3A_1593 {descending = true} : (vector<16xf32>, vector<16xi32>, vector<16xi1>) -> (vector<16xi1>, vector<16xf32>, vector<16xi32>)
    %gt3A_1597 = arith.cmpf ogt, %masked_sort3A_1595, %masked_sort3A_1581 : vector<16xf32>
    %select_n3A_1598 = arith.select %gt3A_1597, %masked_sort3A_1595, %masked_sort3A_1581 : vector<16xi1>, vector<16xf32>
    %select_n3A_1599 = arith.select %gt3A_1597, %masked_sort3A_1596, %masked_sort3A_1582 : vector<16xi1>, vector<16xi32>
    %masked_sort3A_1600 = arith.constant dense<true> : vector<16xi1>
    %masked_sort3A_1601, %masked_sort3A_1602, %masked_sort3A_1603 = tpu.sort %select_n3A_1598, %select_n3A_1599 masked %masked_sort3A_1600 : (vector<16xf32>, vector<16xi32>, vector<16xi1>) -> (vector<16xi1>, vector<16xf32>, vector<16xi32>)
    %get3A_1604 = arith.constant 8 : i32
    %get3A_1605 = arith.index_cast %get3A_1604 : i32 to index
    %get3A_1606 = arith.constant 112 : index
    %get3A_1607 = tpu.vector_load %arg7[%get3A_1605, %get3A_1606] {strides = array<i32>} : memref<16x128xf32, #tpu.memory_space<vmem>>, vector<16xf32>,
    %mul3A_1608 = arith.constant 128 : i32
    %mul3A_1609 = arith.muli %reduce_sum3A_1456, %mul3A_1608 : i32
    %add3A_1610 = arith.constant 112 : i32
    %add3A_1611 = arith.addi %mul3A_1609, %add3A_1610 : i32
    %add3A_1612 = vector.broadcast %add3A_1611 : i32 to vector<16xi32>
    %add3A_1613 = arith.addi %add3A_1612, %iota3A : vector<16xi32>
    %masked_sort3A_1614 = arith.constant dense<true> : vector<16xi1>
    %masked_sort3A_1615, %masked_sort3A_1616, %masked_sort3A_1617 = tpu.sort %get3A_1607, %add3A_1613 masked %masked_sort3A_1614 {descending = true} : (vector<16xf32>, vector<16xi32>, vector<16xi1>) -> (vector<16xi1>, vector<16xf32>, vector<16xi32>)
    %gt3A_1618 = arith.cmpf ogt, %masked_sort3A_1616, %masked_sort3A_1602 : vector<16xf32>
    %select_n3A_1619 = arith.select %gt3A_1618, %masked_sort3A_1616, %masked_sort3A_1602 : vector<16xi1>, vector<16xf32>
    %select_n3A_1620 = arith.select %gt3A_1618, %masked_sort3A_1617, %masked_sort3A_1603 : vector<16xi1>, vector<16xi32>
    %masked_sort3A_1621 = arith.constant dense<true> : vector<16xi1>
    %masked_sort3A_1622, %masked_sort3A_1623, %masked_sort3A_1624 = tpu.sort %select_n3A_1619, %select_n3A_1620 masked %masked_sort3A_1621 : (vector<16xf32>, vector<16xi32>, vector<16xi1>) -> (vector<16xi1>, vector<16xf32>, vector<16xi32>)
    %eq3A_1625 = arith.constant 9 : i32
    %eq3A_1626 = vector.broadcast %eq3A_1625 : i32 to vector<16xi32>
    %eq3A_1627 = arith.cmpi eq, %iota3A, %eq3A_1626 : vector<16xi32>
    %jit3A_1628 = arith.constant 0 : i32
    %broadcast_in_dim3A_1629 = vector.broadcast %jit3A_1628 : i32 to vector<16xi32>
    %select_n3A_1630 = arith.select %eq3A_1627, %scan3A_7#1, %broadcast_in_dim3A_1629 : vector<16xi1>, vector<16xi32>
    %reduce_sum3A_1631 = arith.constant true
    %reduce_sum3A_1632 = vector.broadcast %reduce_sum3A_1631 : i1 to vector<16xi1>
    %reduce_sum3A_1633 = tpu.scan <sum>, %select_n3A_1630 masked %reduce_sum3A_1632 : vector<16xi32>, vector<16xi1> -> vector<16xi32>
    %reduce_sum3A_1634 = vector.extract %reduce_sum3A_1633[15] : i32 from vector<16xi32>
    %get3A_1635 = arith.constant 9 : i32
    %get3A_1636 = arith.index_cast %get3A_1635 : i32 to index
    %get3A_1637 = arith.constant 0 : index
    %get3A_1638 = tpu.vector_load %arg7[%get3A_1636, %get3A_1637] {strides = array<i32>} : memref<16x128xf32, #tpu.memory_space<vmem>>, vector<16xf32>,
    %mul3A_1639 = arith.constant 128 : i32
    %mul3A_1640 = arith.muli %reduce_sum3A_1634, %mul3A_1639 : i32
    %add3A_1641 = arith.constant 0 : i32
    %add3A_1642 = arith.addi %mul3A_1640, %add3A_1641 : i32
    %add3A_1643 = vector.broadcast %add3A_1642 : i32 to vector<16xi32>
    %add3A_1644 = arith.addi %add3A_1643, %iota3A : vector<16xi32>
    %masked_sort3A_1645 = arith.constant dense<true> : vector<16xi1>
    %masked_sort3A_1646, %masked_sort3A_1647, %masked_sort3A_1648 = tpu.sort %get3A_1638, %add3A_1644 masked %masked_sort3A_1645 {descending = true} : (vector<16xf32>, vector<16xi32>, vector<16xi1>) -> (vector<16xi1>, vector<16xf32>, vector<16xi32>)
    %gt3A_1649 = arith.cmpf ogt, %masked_sort3A_1647, %masked_sort3A_1623 : vector<16xf32>
    %select_n3A_1650 = arith.select %gt3A_1649, %masked_sort3A_1647, %masked_sort3A_1623 : vector<16xi1>, vector<16xf32>
    %select_n3A_1651 = arith.select %gt3A_1649, %masked_sort3A_1648, %masked_sort3A_1624 : vector<16xi1>, vector<16xi32>
    %masked_sort3A_1652 = arith.constant dense<true> : vector<16xi1>
    %masked_sort3A_1653, %masked_sort3A_1654, %masked_sort3A_1655 = tpu.sort %select_n3A_1650, %select_n3A_1651 masked %masked_sort3A_1652 : (vector<16xf32>, vector<16xi32>, vector<16xi1>) -> (vector<16xi1>, vector<16xf32>, vector<16xi32>)
    %get3A_1656 = arith.constant 9 : i32
    %get3A_1657 = arith.index_cast %get3A_1656 : i32 to index
    %get3A_1658 = arith.constant 16 : index
    %get3A_1659 = tpu.vector_load %arg7[%get3A_1657, %get3A_1658] {strides = array<i32>} : memref<16x128xf32, #tpu.memory_space<vmem>>, vector<16xf32>,
    %mul3A_1660 = arith.constant 128 : i32
    %mul3A_1661 = arith.muli %reduce_sum3A_1634, %mul3A_1660 : i32
    %add3A_1662 = arith.constant 16 : i32
    %add3A_1663 = arith.addi %mul3A_1661, %add3A_1662 : i32
    %add3A_1664 = vector.broadcast %add3A_1663 : i32 to vector<16xi32>
    %add3A_1665 = arith.addi %add3A_1664, %iota3A : vector<16xi32>
    %masked_sort3A_1666 = arith.constant dense<true> : vector<16xi1>
    %masked_sort3A_1667, %masked_sort3A_1668, %masked_sort3A_1669 = tpu.sort %get3A_1659, %add3A_1665 masked %masked_sort3A_1666 {descending = true} : (vector<16xf32>, vector<16xi32>, vector<16xi1>) -> (vector<16xi1>, vector<16xf32>, vector<16xi32>)
    %gt3A_1670 = arith.cmpf ogt, %masked_sort3A_1668, %masked_sort3A_1654 : vector<16xf32>
    %select_n3A_1671 = arith.select %gt3A_1670, %masked_sort3A_1668, %masked_sort3A_1654 : vector<16xi1>, vector<16xf32>
    %select_n3A_1672 = arith.select %gt3A_1670, %masked_sort3A_1669, %masked_sort3A_1655 : vector<16xi1>, vector<16xi32>
    %masked_sort3A_1673 = arith.constant dense<true> : vector<16xi1>
    %masked_sort3A_1674, %masked_sort3A_1675, %masked_sort3A_1676 = tpu.sort %select_n3A_1671, %select_n3A_1672 masked %masked_sort3A_1673 : (vector<16xf32>, vector<16xi32>, vector<16xi1>) -> (vector<16xi1>, vector<16xf32>, vector<16xi32>)
    %get3A_1677 = arith.constant 9 : i32
    %get3A_1678 = arith.index_cast %get3A_1677 : i32 to index
    %get3A_1679 = arith.constant 32 : index
    %get3A_1680 = tpu.vector_load %arg7[%get3A_1678, %get3A_1679] {strides = array<i32>} : memref<16x128xf32, #tpu.memory_space<vmem>>, vector<16xf32>,
    %mul3A_1681 = arith.constant 128 : i32
    %mul3A_1682 = arith.muli %reduce_sum3A_1634, %mul3A_1681 : i32
    %add3A_1683 = arith.constant 32 : i32
    %add3A_1684 = arith.addi %mul3A_1682, %add3A_1683 : i32
    %add3A_1685 = vector.broadcast %add3A_1684 : i32 to vector<16xi32>
    %add3A_1686 = arith.addi %add3A_1685, %iota3A : vector<16xi32>
    %masked_sort3A_1687 = arith.constant dense<true> : vector<16xi1>
    %masked_sort3A_1688, %masked_sort3A_1689, %masked_sort3A_1690 = tpu.sort %get3A_1680, %add3A_1686 masked %masked_sort3A_1687 {descending = true} : (vector<16xf32>, vector<16xi32>, vector<16xi1>) -> (vector<16xi1>, vector<16xf32>, vector<16xi32>)
    %gt3A_1691 = arith.cmpf ogt, %masked_sort3A_1689, %masked_sort3A_1675 : vector<16xf32>
    %select_n3A_1692 = arith.select %gt3A_1691, %masked_sort3A_1689, %masked_sort3A_1675 : vector<16xi1>, vector<16xf32>
    %select_n3A_1693 = arith.select %gt3A_1691, %masked_sort3A_1690, %masked_sort3A_1676 : vector<16xi1>, vector<16xi32>
    %masked_sort3A_1694 = arith.constant dense<true> : vector<16xi1>
    %masked_sort3A_1695, %masked_sort3A_1696, %masked_sort3A_1697 = tpu.sort %select_n3A_1692, %select_n3A_1693 masked %masked_sort3A_1694 : (vector<16xf32>, vector<16xi32>, vector<16xi1>) -> (vector<16xi1>, vector<16xf32>, vector<16xi32>)
    %get3A_1698 = arith.constant 9 : i32
    %get3A_1699 = arith.index_cast %get3A_1698 : i32 to index
    %get3A_1700 = arith.constant 48 : index
    %get3A_1701 = tpu.vector_load %arg7[%get3A_1699, %get3A_1700] {strides = array<i32>} : memref<16x128xf32, #tpu.memory_space<vmem>>, vector<16xf32>,
    %mul3A_1702 = arith.constant 128 : i32
    %mul3A_1703 = arith.muli %reduce_sum3A_1634, %mul3A_1702 : i32
    %add3A_1704 = arith.constant 48 : i32
    %add3A_1705 = arith.addi %mul3A_1703, %add3A_1704 : i32
    %add3A_1706 = vector.broadcast %add3A_1705 : i32 to vector<16xi32>
    %add3A_1707 = arith.addi %add3A_1706, %iota3A : vector<16xi32>
    %masked_sort3A_1708 = arith.constant dense<true> : vector<16xi1>
    %masked_sort3A_1709, %masked_sort3A_1710, %masked_sort3A_1711 = tpu.sort %get3A_1701, %add3A_1707 masked %masked_sort3A_1708 {descending = true} : (vector<16xf32>, vector<16xi32>, vector<16xi1>) -> (vector<16xi1>, vector<16xf32>, vector<16xi32>)
    %gt3A_1712 = arith.cmpf ogt, %masked_sort3A_1710, %masked_sort3A_1696 : vector<16xf32>
    %select_n3A_1713 = arith.select %gt3A_1712, %masked_sort3A_1710, %masked_sort3A_1696 : vector<16xi1>, vector<16xf32>
    %select_n3A_1714 = arith.select %gt3A_1712, %masked_sort3A_1711, %masked_sort3A_1697 : vector<16xi1>, vector<16xi32>
    %masked_sort3A_1715 = arith.constant dense<true> : vector<16xi1>
    %masked_sort3A_1716, %masked_sort3A_1717, %masked_sort3A_1718 = tpu.sort %select_n3A_1713, %select_n3A_1714 masked %masked_sort3A_1715 : (vector<16xf32>, vector<16xi32>, vector<16xi1>) -> (vector<16xi1>, vector<16xf32>, vector<16xi32>)
    %get3A_1719 = arith.constant 9 : i32
    %get3A_1720 = arith.index_cast %get3A_1719 : i32 to index
    %get3A_1721 = arith.constant 64 : index
    %get3A_1722 = tpu.vector_load %arg7[%get3A_1720, %get3A_1721] {strides = array<i32>} : memref<16x128xf32, #tpu.memory_space<vmem>>, vector<16xf32>,
    %mul3A_1723 = arith.constant 128 : i32
    %mul3A_1724 = arith.muli %reduce_sum3A_1634, %mul3A_1723 : i32
    %add3A_1725 = arith.constant 64 : i32
    %add3A_1726 = arith.addi %mul3A_1724, %add3A_1725 : i32
    %add3A_1727 = vector.broadcast %add3A_1726 : i32 to vector<16xi32>
    %add3A_1728 = arith.addi %add3A_1727, %iota3A : vector<16xi32>
    %masked_sort3A_1729 = arith.constant dense<true> : vector<16xi1>
    %masked_sort3A_1730, %masked_sort3A_1731, %masked_sort3A_1732 = tpu.sort %get3A_1722, %add3A_1728 masked %masked_sort3A_1729 {descending = true} : (vector<16xf32>, vector<16xi32>, vector<16xi1>) -> (vector<16xi1>, vector<16xf32>, vector<16xi32>)
    %gt3A_1733 = arith.cmpf ogt, %masked_sort3A_1731, %masked_sort3A_1717 : vector<16xf32>
    %select_n3A_1734 = arith.select %gt3A_1733, %masked_sort3A_1731, %masked_sort3A_1717 : vector<16xi1>, vector<16xf32>
    %select_n3A_1735 = arith.select %gt3A_1733, %masked_sort3A_1732, %masked_sort3A_1718 : vector<16xi1>, vector<16xi32>
    %masked_sort3A_1736 = arith.constant dense<true> : vector<16xi1>
    %masked_sort3A_1737, %masked_sort3A_1738, %masked_sort3A_1739 = tpu.sort %select_n3A_1734, %select_n3A_1735 masked %masked_sort3A_1736 : (vector<16xf32>, vector<16xi32>, vector<16xi1>) -> (vector<16xi1>, vector<16xf32>, vector<16xi32>)
    %get3A_1740 = arith.constant 9 : i32
    %get3A_1741 = arith.index_cast %get3A_1740 : i32 to index
    %get3A_1742 = arith.constant 80 : index
    %get3A_1743 = tpu.vector_load %arg7[%get3A_1741, %get3A_1742] {strides = array<i32>} : memref<16x128xf32, #tpu.memory_space<vmem>>, vector<16xf32>,
    %mul3A_1744 = arith.constant 128 : i32
    %mul3A_1745 = arith.muli %reduce_sum3A_1634, %mul3A_1744 : i32
    %add3A_1746 = arith.constant 80 : i32
    %add3A_1747 = arith.addi %mul3A_1745, %add3A_1746 : i32
    %add3A_1748 = vector.broadcast %add3A_1747 : i32 to vector<16xi32>
    %add3A_1749 = arith.addi %add3A_1748, %iota3A : vector<16xi32>
    %masked_sort3A_1750 = arith.constant dense<true> : vector<16xi1>
    %masked_sort3A_1751, %masked_sort3A_1752, %masked_sort3A_1753 = tpu.sort %get3A_1743, %add3A_1749 masked %masked_sort3A_1750 {descending = true} : (vector<16xf32>, vector<16xi32>, vector<16xi1>) -> (vector<16xi1>, vector<16xf32>, vector<16xi32>)
    %gt3A_1754 = arith.cmpf ogt, %masked_sort3A_1752, %masked_sort3A_1738 : vector<16xf32>
    %select_n3A_1755 = arith.select %gt3A_1754, %masked_sort3A_1752, %masked_sort3A_1738 : vector<16xi1>, vector<16xf32>
    %select_n3A_1756 = arith.select %gt3A_1754, %masked_sort3A_1753, %masked_sort3A_1739 : vector<16xi1>, vector<16xi32>
    %masked_sort3A_1757 = arith.constant dense<true> : vector<16xi1>
    %masked_sort3A_1758, %masked_sort3A_1759, %masked_sort3A_1760 = tpu.sort %select_n3A_1755, %select_n3A_1756 masked %masked_sort3A_1757 : (vector<16xf32>, vector<16xi32>, vector<16xi1>) -> (vector<16xi1>, vector<16xf32>, vector<16xi32>)
    %get3A_1761 = arith.constant 9 : i32
    %get3A_1762 = arith.index_cast %get3A_1761 : i32 to index
    %get3A_1763 = arith.constant 96 : index
    %get3A_1764 = tpu.vector_load %arg7[%get3A_1762, %get3A_1763] {strides = array<i32>} : memref<16x128xf32, #tpu.memory_space<vmem>>, vector<16xf32>,
    %mul3A_1765 = arith.constant 128 : i32
    %mul3A_1766 = arith.muli %reduce_sum3A_1634, %mul3A_1765 : i32
    %add3A_1767 = arith.constant 96 : i32
    %add3A_1768 = arith.addi %mul3A_1766, %add3A_1767 : i32
    %add3A_1769 = vector.broadcast %add3A_1768 : i32 to vector<16xi32>
    %add3A_1770 = arith.addi %add3A_1769, %iota3A : vector<16xi32>
    %masked_sort3A_1771 = arith.constant dense<true> : vector<16xi1>
    %masked_sort3A_1772, %masked_sort3A_1773, %masked_sort3A_1774 = tpu.sort %get3A_1764, %add3A_1770 masked %masked_sort3A_1771 {descending = true} : (vector<16xf32>, vector<16xi32>, vector<16xi1>) -> (vector<16xi1>, vector<16xf32>, vector<16xi32>)
    %gt3A_1775 = arith.cmpf ogt, %masked_sort3A_1773, %masked_sort3A_1759 : vector<16xf32>
    %select_n3A_1776 = arith.select %gt3A_1775, %masked_sort3A_1773, %masked_sort3A_1759 : vector<16xi1>, vector<16xf32>
    %select_n3A_1777 = arith.select %gt3A_1775, %masked_sort3A_1774, %masked_sort3A_1760 : vector<16xi1>, vector<16xi32>
    %masked_sort3A_1778 = arith.constant dense<true> : vector<16xi1>
    %masked_sort3A_1779, %masked_sort3A_1780, %masked_sort3A_1781 = tpu.sort %select_n3A_1776, %select_n3A_1777 masked %masked_sort3A_1778 : (vector<16xf32>, vector<16xi32>, vector<16xi1>) -> (vector<16xi1>, vector<16xf32>, vector<16xi32>)
    %get3A_1782 = arith.constant 9 : i32
    %get3A_1783 = arith.index_cast %get3A_1782 : i32 to index
    %get3A_1784 = arith.constant 112 : index
    %get3A_1785 = tpu.vector_load %arg7[%get3A_1783, %get3A_1784] {strides = array<i32>} : memref<16x128xf32, #tpu.memory_space<vmem>>, vector<16xf32>,
    %mul3A_1786 = arith.constant 128 : i32
    %mul3A_1787 = arith.muli %reduce_sum3A_1634, %mul3A_1786 : i32
    %add3A_1788 = arith.constant 112 : i32
    %add3A_1789 = arith.addi %mul3A_1787, %add3A_1788 : i32
    %add3A_1790 = vector.broadcast %add3A_1789 : i32 to vector<16xi32>
    %add3A_1791 = arith.addi %add3A_1790, %iota3A : vector<16xi32>
    %masked_sort3A_1792 = arith.constant dense<true> : vector<16xi1>
    %masked_sort3A_1793, %masked_sort3A_1794, %masked_sort3A_1795 = tpu.sort %get3A_1785, %add3A_1791 masked %masked_sort3A_1792 {descending = true} : (vector<16xf32>, vector<16xi32>, vector<16xi1>) -> (vector<16xi1>, vector<16xf32>, vector<16xi32>)
    %gt3A_1796 = arith.cmpf ogt, %masked_sort3A_1794, %masked_sort3A_1780 : vector<16xf32>
    %select_n3A_1797 = arith.select %gt3A_1796, %masked_sort3A_1794, %masked_sort3A_1780 : vector<16xi1>, vector<16xf32>
    %select_n3A_1798 = arith.select %gt3A_1796, %masked_sort3A_1795, %masked_sort3A_1781 : vector<16xi1>, vector<16xi32>
    %masked_sort3A_1799 = arith.constant dense<true> : vector<16xi1>
    %masked_sort3A_1800, %masked_sort3A_1801, %masked_sort3A_1802 = tpu.sort %select_n3A_1797, %select_n3A_1798 masked %masked_sort3A_1799 : (vector<16xf32>, vector<16xi32>, vector<16xi1>) -> (vector<16xi1>, vector<16xf32>, vector<16xi32>)
    %eq3A_1803 = arith.constant 10 : i32
    %eq3A_1804 = vector.broadcast %eq3A_1803 : i32 to vector<16xi32>
    %eq3A_1805 = arith.cmpi eq, %iota3A, %eq3A_1804 : vector<16xi32>
    %jit3A_1806 = arith.constant 0 : i32
    %broadcast_in_dim3A_1807 = vector.broadcast %jit3A_1806 : i32 to vector<16xi32>
    %select_n3A_1808 = arith.select %eq3A_1805, %scan3A_7#1, %broadcast_in_dim3A_1807 : vector<16xi1>, vector<16xi32>
    %reduce_sum3A_1809 = arith.constant true
    %reduce_sum3A_1810 = vector.broadcast %reduce_sum3A_1809 : i1 to vector<16xi1>
    %reduce_sum3A_1811 = tpu.scan <sum>, %select_n3A_1808 masked %reduce_sum3A_1810 : vector<16xi32>, vector<16xi1> -> vector<16xi32>
    %reduce_sum3A_1812 = vector.extract %reduce_sum3A_1811[15] : i32 from vector<16xi32>
    %get3A_1813 = arith.constant 10 : i32
    %get3A_1814 = arith.index_cast %get3A_1813 : i32 to index
    %get3A_1815 = arith.constant 0 : index
    %get3A_1816 = tpu.vector_load %arg7[%get3A_1814, %get3A_1815] {strides = array<i32>} : memref<16x128xf32, #tpu.memory_space<vmem>>, vector<16xf32>,
    %mul3A_1817 = arith.constant 128 : i32
    %mul3A_1818 = arith.muli %reduce_sum3A_1812, %mul3A_1817 : i32
    %add3A_1819 = arith.constant 0 : i32
    %add3A_1820 = arith.addi %mul3A_1818, %add3A_1819 : i32
    %add3A_1821 = vector.broadcast %add3A_1820 : i32 to vector<16xi32>
    %add3A_1822 = arith.addi %add3A_1821, %iota3A : vector<16xi32>
    %masked_sort3A_1823 = arith.constant dense<true> : vector<16xi1>
    %masked_sort3A_1824, %masked_sort3A_1825, %masked_sort3A_1826 = tpu.sort %get3A_1816, %add3A_1822 masked %masked_sort3A_1823 {descending = true} : (vector<16xf32>, vector<16xi32>, vector<16xi1>) -> (vector<16xi1>, vector<16xf32>, vector<16xi32>)
    %gt3A_1827 = arith.cmpf ogt, %masked_sort3A_1825, %masked_sort3A_1801 : vector<16xf32>
    %select_n3A_1828 = arith.select %gt3A_1827, %masked_sort3A_1825, %masked_sort3A_1801 : vector<16xi1>, vector<16xf32>
    %select_n3A_1829 = arith.select %gt3A_1827, %masked_sort3A_1826, %masked_sort3A_1802 : vector<16xi1>, vector<16xi32>
    %masked_sort3A_1830 = arith.constant dense<true> : vector<16xi1>
    %masked_sort3A_1831, %masked_sort3A_1832, %masked_sort3A_1833 = tpu.sort %select_n3A_1828, %select_n3A_1829 masked %masked_sort3A_1830 : (vector<16xf32>, vector<16xi32>, vector<16xi1>) -> (vector<16xi1>, vector<16xf32>, vector<16xi32>)
    %get3A_1834 = arith.constant 10 : i32
    %get3A_1835 = arith.index_cast %get3A_1834 : i32 to index
    %get3A_1836 = arith.constant 16 : index
    %get3A_1837 = tpu.vector_load %arg7[%get3A_1835, %get3A_1836] {strides = array<i32>} : memref<16x128xf32, #tpu.memory_space<vmem>>, vector<16xf32>,
    %mul3A_1838 = arith.constant 128 : i32
    %mul3A_1839 = arith.muli %reduce_sum3A_1812, %mul3A_1838 : i32
    %add3A_1840 = arith.constant 16 : i32
    %add3A_1841 = arith.addi %mul3A_1839, %add3A_1840 : i32
    %add3A_1842 = vector.broadcast %add3A_1841 : i32 to vector<16xi32>
    %add3A_1843 = arith.addi %add3A_1842, %iota3A : vector<16xi32>
    %masked_sort3A_1844 = arith.constant dense<true> : vector<16xi1>
    %masked_sort3A_1845, %masked_sort3A_1846, %masked_sort3A_1847 = tpu.sort %get3A_1837, %add3A_1843 masked %masked_sort3A_1844 {descending = true} : (vector<16xf32>, vector<16xi32>, vector<16xi1>) -> (vector<16xi1>, vector<16xf32>, vector<16xi32>)
    %gt3A_1848 = arith.cmpf ogt, %masked_sort3A_1846, %masked_sort3A_1832 : vector<16xf32>
    %select_n3A_1849 = arith.select %gt3A_1848, %masked_sort3A_1846, %masked_sort3A_1832 : vector<16xi1>, vector<16xf32>
    %select_n3A_1850 = arith.select %gt3A_1848, %masked_sort3A_1847, %masked_sort3A_1833 : vector<16xi1>, vector<16xi32>
    %masked_sort3A_1851 = arith.constant dense<true> : vector<16xi1>
    %masked_sort3A_1852, %masked_sort3A_1853, %masked_sort3A_1854 = tpu.sort %select_n3A_1849, %select_n3A_1850 masked %masked_sort3A_1851 : (vector<16xf32>, vector<16xi32>, vector<16xi1>) -> (vector<16xi1>, vector<16xf32>, vector<16xi32>)
    %get3A_1855 = arith.constant 10 : i32
    %get3A_1856 = arith.index_cast %get3A_1855 : i32 to index
    %get3A_1857 = arith.constant 32 : index
    %get3A_1858 = tpu.vector_load %arg7[%get3A_1856, %get3A_1857] {strides = array<i32>} : memref<16x128xf32, #tpu.memory_space<vmem>>, vector<16xf32>,
    %mul3A_1859 = arith.constant 128 : i32
    %mul3A_1860 = arith.muli %reduce_sum3A_1812, %mul3A_1859 : i32
    %add3A_1861 = arith.constant 32 : i32
    %add3A_1862 = arith.addi %mul3A_1860, %add3A_1861 : i32
    %add3A_1863 = vector.broadcast %add3A_1862 : i32 to vector<16xi32>
    %add3A_1864 = arith.addi %add3A_1863, %iota3A : vector<16xi32>
    %masked_sort3A_1865 = arith.constant dense<true> : vector<16xi1>
    %masked_sort3A_1866, %masked_sort3A_1867, %masked_sort3A_1868 = tpu.sort %get3A_1858, %add3A_1864 masked %masked_sort3A_1865 {descending = true} : (vector<16xf32>, vector<16xi32>, vector<16xi1>) -> (vector<16xi1>, vector<16xf32>, vector<16xi32>)
    %gt3A_1869 = arith.cmpf ogt, %masked_sort3A_1867, %masked_sort3A_1853 : vector<16xf32>
    %select_n3A_1870 = arith.select %gt3A_1869, %masked_sort3A_1867, %masked_sort3A_1853 : vector<16xi1>, vector<16xf32>
    %select_n3A_1871 = arith.select %gt3A_1869, %masked_sort3A_1868, %masked_sort3A_1854 : vector<16xi1>, vector<16xi32>
    %masked_sort3A_1872 = arith.constant dense<true> : vector<16xi1>
    %masked_sort3A_1873, %masked_sort3A_1874, %masked_sort3A_1875 = tpu.sort %select_n3A_1870, %select_n3A_1871 masked %masked_sort3A_1872 : (vector<16xf32>, vector<16xi32>, vector<16xi1>) -> (vector<16xi1>, vector<16xf32>, vector<16xi32>)
    %get3A_1876 = arith.constant 10 : i32
    %get3A_1877 = arith.index_cast %get3A_1876 : i32 to index
    %get3A_1878 = arith.constant 48 : index
    %get3A_1879 = tpu.vector_load %arg7[%get3A_1877, %get3A_1878] {strides = array<i32>} : memref<16x128xf32, #tpu.memory_space<vmem>>, vector<16xf32>,
    %mul3A_1880 = arith.constant 128 : i32
    %mul3A_1881 = arith.muli %reduce_sum3A_1812, %mul3A_1880 : i32
    %add3A_1882 = arith.constant 48 : i32
    %add3A_1883 = arith.addi %mul3A_1881, %add3A_1882 : i32
    %add3A_1884 = vector.broadcast %add3A_1883 : i32 to vector<16xi32>
    %add3A_1885 = arith.addi %add3A_1884, %iota3A : vector<16xi32>
    %masked_sort3A_1886 = arith.constant dense<true> : vector<16xi1>
    %masked_sort3A_1887, %masked_sort3A_1888, %masked_sort3A_1889 = tpu.sort %get3A_1879, %add3A_1885 masked %masked_sort3A_1886 {descending = true} : (vector<16xf32>, vector<16xi32>, vector<16xi1>) -> (vector<16xi1>, vector<16xf32>, vector<16xi32>)
    %gt3A_1890 = arith.cmpf ogt, %masked_sort3A_1888, %masked_sort3A_1874 : vector<16xf32>
    %select_n3A_1891 = arith.select %gt3A_1890, %masked_sort3A_1888, %masked_sort3A_1874 : vector<16xi1>, vector<16xf32>
    %select_n3A_1892 = arith.select %gt3A_1890, %masked_sort3A_1889, %masked_sort3A_1875 : vector<16xi1>, vector<16xi32>
    %masked_sort3A_1893 = arith.constant dense<true> : vector<16xi1>
    %masked_sort3A_1894, %masked_sort3A_1895, %masked_sort3A_1896 = tpu.sort %select_n3A_1891, %select_n3A_1892 masked %masked_sort3A_1893 : (vector<16xf32>, vector<16xi32>, vector<16xi1>) -> (vector<16xi1>, vector<16xf32>, vector<16xi32>)
    %get3A_1897 = arith.constant 10 : i32
    %get3A_1898 = arith.index_cast %get3A_1897 : i32 to index
    %get3A_1899 = arith.constant 64 : index
    %get3A_1900 = tpu.vector_load %arg7[%get3A_1898, %get3A_1899] {strides = array<i32>} : memref<16x128xf32, #tpu.memory_space<vmem>>, vector<16xf32>,
    %mul3A_1901 = arith.constant 128 : i32
    %mul3A_1902 = arith.muli %reduce_sum3A_1812, %mul3A_1901 : i32
    %add3A_1903 = arith.constant 64 : i32
    %add3A_1904 = arith.addi %mul3A_1902, %add3A_1903 : i32
    %add3A_1905 = vector.broadcast %add3A_1904 : i32 to vector<16xi32>
    %add3A_1906 = arith.addi %add3A_1905, %iota3A : vector<16xi32>
    %masked_sort3A_1907 = arith.constant dense<true> : vector<16xi1>
    %masked_sort3A_1908, %masked_sort3A_1909, %masked_sort3A_1910 = tpu.sort %get3A_1900, %add3A_1906 masked %masked_sort3A_1907 {descending = true} : (vector<16xf32>, vector<16xi32>, vector<16xi1>) -> (vector<16xi1>, vector<16xf32>, vector<16xi32>)
    %gt3A_1911 = arith.cmpf ogt, %masked_sort3A_1909, %masked_sort3A_1895 : vector<16xf32>
    %select_n3A_1912 = arith.select %gt3A_1911, %masked_sort3A_1909, %masked_sort3A_1895 : vector<16xi1>, vector<16xf32>
    %select_n3A_1913 = arith.select %gt3A_1911, %masked_sort3A_1910, %masked_sort3A_1896 : vector<16xi1>, vector<16xi32>
    %masked_sort3A_1914 = arith.constant dense<true> : vector<16xi1>
    %masked_sort3A_1915, %masked_sort3A_1916, %masked_sort3A_1917 = tpu.sort %select_n3A_1912, %select_n3A_1913 masked %masked_sort3A_1914 : (vector<16xf32>, vector<16xi32>, vector<16xi1>) -> (vector<16xi1>, vector<16xf32>, vector<16xi32>)
    %get3A_1918 = arith.constant 10 : i32
    %get3A_1919 = arith.index_cast %get3A_1918 : i32 to index
    %get3A_1920 = arith.constant 80 : index
    %get3A_1921 = tpu.vector_load %arg7[%get3A_1919, %get3A_1920] {strides = array<i32>} : memref<16x128xf32, #tpu.memory_space<vmem>>, vector<16xf32>,
    %mul3A_1922 = arith.constant 128 : i32
    %mul3A_1923 = arith.muli %reduce_sum3A_1812, %mul3A_1922 : i32
    %add3A_1924 = arith.constant 80 : i32
    %add3A_1925 = arith.addi %mul3A_1923, %add3A_1924 : i32
    %add3A_1926 = vector.broadcast %add3A_1925 : i32 to vector<16xi32>
    %add3A_1927 = arith.addi %add3A_1926, %iota3A : vector<16xi32>
    %masked_sort3A_1928 = arith.constant dense<true> : vector<16xi1>
    %masked_sort3A_1929, %masked_sort3A_1930, %masked_sort3A_1931 = tpu.sort %get3A_1921, %add3A_1927 masked %masked_sort3A_1928 {descending = true} : (vector<16xf32>, vector<16xi32>, vector<16xi1>) -> (vector<16xi1>, vector<16xf32>, vector<16xi32>)
    %gt3A_1932 = arith.cmpf ogt, %masked_sort3A_1930, %masked_sort3A_1916 : vector<16xf32>
    %select_n3A_1933 = arith.select %gt3A_1932, %masked_sort3A_1930, %masked_sort3A_1916 : vector<16xi1>, vector<16xf32>
    %select_n3A_1934 = arith.select %gt3A_1932, %masked_sort3A_1931, %masked_sort3A_1917 : vector<16xi1>, vector<16xi32>
    %masked_sort3A_1935 = arith.constant dense<true> : vector<16xi1>
    %masked_sort3A_1936, %masked_sort3A_1937, %masked_sort3A_1938 = tpu.sort %select_n3A_1933, %select_n3A_1934 masked %masked_sort3A_1935 : (vector<16xf32>, vector<16xi32>, vector<16xi1>) -> (vector<16xi1>, vector<16xf32>, vector<16xi32>)
    %get3A_1939 = arith.constant 10 : i32
    %get3A_1940 = arith.index_cast %get3A_1939 : i32 to index
    %get3A_1941 = arith.constant 96 : index
    %get3A_1942 = tpu.vector_load %arg7[%get3A_1940, %get3A_1941] {strides = array<i32>} : memref<16x128xf32, #tpu.memory_space<vmem>>, vector<16xf32>,
    %mul3A_1943 = arith.constant 128 : i32
    %mul3A_1944 = arith.muli %reduce_sum3A_1812, %mul3A_1943 : i32
    %add3A_1945 = arith.constant 96 : i32
    %add3A_1946 = arith.addi %mul3A_1944, %add3A_1945 : i32
    %add3A_1947 = vector.broadcast %add3A_1946 : i32 to vector<16xi32>
    %add3A_1948 = arith.addi %add3A_1947, %iota3A : vector<16xi32>
    %masked_sort3A_1949 = arith.constant dense<true> : vector<16xi1>
    %masked_sort3A_1950, %masked_sort3A_1951, %masked_sort3A_1952 = tpu.sort %get3A_1942, %add3A_1948 masked %masked_sort3A_1949 {descending = true} : (vector<16xf32>, vector<16xi32>, vector<16xi1>) -> (vector<16xi1>, vector<16xf32>, vector<16xi32>)
    %gt3A_1953 = arith.cmpf ogt, %masked_sort3A_1951, %masked_sort3A_1937 : vector<16xf32>
    %select_n3A_1954 = arith.select %gt3A_1953, %masked_sort3A_1951, %masked_sort3A_1937 : vector<16xi1>, vector<16xf32>
    %select_n3A_1955 = arith.select %gt3A_1953, %masked_sort3A_1952, %masked_sort3A_1938 : vector<16xi1>, vector<16xi32>
    %masked_sort3A_1956 = arith.constant dense<true> : vector<16xi1>
    %masked_sort3A_1957, %masked_sort3A_1958, %masked_sort3A_1959 = tpu.sort %select_n3A_1954, %select_n3A_1955 masked %masked_sort3A_1956 : (vector<16xf32>, vector<16xi32>, vector<16xi1>) -> (vector<16xi1>, vector<16xf32>, vector<16xi32>)
    %get3A_1960 = arith.constant 10 : i32
    %get3A_1961 = arith.index_cast %get3A_1960 : i32 to index
    %get3A_1962 = arith.constant 112 : index
    %get3A_1963 = tpu.vector_load %arg7[%get3A_1961, %get3A_1962] {strides = array<i32>} : memref<16x128xf32, #tpu.memory_space<vmem>>, vector<16xf32>,
    %mul3A_1964 = arith.constant 128 : i32
    %mul3A_1965 = arith.muli %reduce_sum3A_1812, %mul3A_1964 : i32
    %add3A_1966 = arith.constant 112 : i32
    %add3A_1967 = arith.addi %mul3A_1965, %add3A_1966 : i32
    %add3A_1968 = vector.broadcast %add3A_1967 : i32 to vector<16xi32>
    %add3A_1969 = arith.addi %add3A_1968, %iota3A : vector<16xi32>
    %masked_sort3A_1970 = arith.constant dense<true> : vector<16xi1>
    %masked_sort3A_1971, %masked_sort3A_1972, %masked_sort3A_1973 = tpu.sort %get3A_1963, %add3A_1969 masked %masked_sort3A_1970 {descending = true} : (vector<16xf32>, vector<16xi32>, vector<16xi1>) -> (vector<16xi1>, vector<16xf32>, vector<16xi32>)
    %gt3A_1974 = arith.cmpf ogt, %masked_sort3A_1972, %masked_sort3A_1958 : vector<16xf32>
    %select_n3A_1975 = arith.select %gt3A_1974, %masked_sort3A_1972, %masked_sort3A_1958 : vector<16xi1>, vector<16xf32>
    %select_n3A_1976 = arith.select %gt3A_1974, %masked_sort3A_1973, %masked_sort3A_1959 : vector<16xi1>, vector<16xi32>
    %masked_sort3A_1977 = arith.constant dense<true> : vector<16xi1>
    %masked_sort3A_1978, %masked_sort3A_1979, %masked_sort3A_1980 = tpu.sort %select_n3A_1975, %select_n3A_1976 masked %masked_sort3A_1977 : (vector<16xf32>, vector<16xi32>, vector<16xi1>) -> (vector<16xi1>, vector<16xf32>, vector<16xi32>)
    %eq3A_1981 = arith.constant 11 : i32
    %eq3A_1982 = vector.broadcast %eq3A_1981 : i32 to vector<16xi32>
    %eq3A_1983 = arith.cmpi eq, %iota3A, %eq3A_1982 : vector<16xi32>
    %jit3A_1984 = arith.constant 0 : i32
    %broadcast_in_dim3A_1985 = vector.broadcast %jit3A_1984 : i32 to vector<16xi32>
    %select_n3A_1986 = arith.select %eq3A_1983, %scan3A_7#1, %broadcast_in_dim3A_1985 : vector<16xi1>, vector<16xi32>
    %reduce_sum3A_1987 = arith.constant true
    %reduce_sum3A_1988 = vector.broadcast %reduce_sum3A_1987 : i1 to vector<16xi1>
    %reduce_sum3A_1989 = tpu.scan <sum>, %select_n3A_1986 masked %reduce_sum3A_1988 : vector<16xi32>, vector<16xi1> -> vector<16xi32>
    %reduce_sum3A_1990 = vector.extract %reduce_sum3A_1989[15] : i32 from vector<16xi32>
    %get3A_1991 = arith.constant 11 : i32
    %get3A_1992 = arith.index_cast %get3A_1991 : i32 to index
    %get3A_1993 = arith.constant 0 : index
    %get3A_1994 = tpu.vector_load %arg7[%get3A_1992, %get3A_1993] {strides = array<i32>} : memref<16x128xf32, #tpu.memory_space<vmem>>, vector<16xf32>,
    %mul3A_1995 = arith.constant 128 : i32
    %mul3A_1996 = arith.muli %reduce_sum3A_1990, %mul3A_1995 : i32
    %add3A_1997 = arith.constant 0 : i32
    %add3A_1998 = arith.addi %mul3A_1996, %add3A_1997 : i32
    %add3A_1999 = vector.broadcast %add3A_1998 : i32 to vector<16xi32>
    %add3A_2000 = arith.addi %add3A_1999, %iota3A : vector<16xi32>
    %masked_sort3A_2001 = arith.constant dense<true> : vector<16xi1>
    %masked_sort3A_2002, %masked_sort3A_2003, %masked_sort3A_2004 = tpu.sort %get3A_1994, %add3A_2000 masked %masked_sort3A_2001 {descending = true} : (vector<16xf32>, vector<16xi32>, vector<16xi1>) -> (vector<16xi1>, vector<16xf32>, vector<16xi32>)
    %gt3A_2005 = arith.cmpf ogt, %masked_sort3A_2003, %masked_sort3A_1979 : vector<16xf32>
    %select_n3A_2006 = arith.select %gt3A_2005, %masked_sort3A_2003, %masked_sort3A_1979 : vector<16xi1>, vector<16xf32>
    %select_n3A_2007 = arith.select %gt3A_2005, %masked_sort3A_2004, %masked_sort3A_1980 : vector<16xi1>, vector<16xi32>
    %masked_sort3A_2008 = arith.constant dense<true> : vector<16xi1>
    %masked_sort3A_2009, %masked_sort3A_2010, %masked_sort3A_2011 = tpu.sort %select_n3A_2006, %select_n3A_2007 masked %masked_sort3A_2008 : (vector<16xf32>, vector<16xi32>, vector<16xi1>) -> (vector<16xi1>, vector<16xf32>, vector<16xi32>)
    %get3A_2012 = arith.constant 11 : i32
    %get3A_2013 = arith.index_cast %get3A_2012 : i32 to index
    %get3A_2014 = arith.constant 16 : index
    %get3A_2015 = tpu.vector_load %arg7[%get3A_2013, %get3A_2014] {strides = array<i32>} : memref<16x128xf32, #tpu.memory_space<vmem>>, vector<16xf32>,
    %mul3A_2016 = arith.constant 128 : i32
    %mul3A_2017 = arith.muli %reduce_sum3A_1990, %mul3A_2016 : i32
    %add3A_2018 = arith.constant 16 : i32
    %add3A_2019 = arith.addi %mul3A_2017, %add3A_2018 : i32
    %add3A_2020 = vector.broadcast %add3A_2019 : i32 to vector<16xi32>
    %add3A_2021 = arith.addi %add3A_2020, %iota3A : vector<16xi32>
    %masked_sort3A_2022 = arith.constant dense<true> : vector<16xi1>
    %masked_sort3A_2023, %masked_sort3A_2024, %masked_sort3A_2025 = tpu.sort %get3A_2015, %add3A_2021 masked %masked_sort3A_2022 {descending = true} : (vector<16xf32>, vector<16xi32>, vector<16xi1>) -> (vector<16xi1>, vector<16xf32>, vector<16xi32>)
    %gt3A_2026 = arith.cmpf ogt, %masked_sort3A_2024, %masked_sort3A_2010 : vector<16xf32>
    %select_n3A_2027 = arith.select %gt3A_2026, %masked_sort3A_2024, %masked_sort3A_2010 : vector<16xi1>, vector<16xf32>
    %select_n3A_2028 = arith.select %gt3A_2026, %masked_sort3A_2025, %masked_sort3A_2011 : vector<16xi1>, vector<16xi32>
    %masked_sort3A_2029 = arith.constant dense<true> : vector<16xi1>
    %masked_sort3A_2030, %masked_sort3A_2031, %masked_sort3A_2032 = tpu.sort %select_n3A_2027, %select_n3A_2028 masked %masked_sort3A_2029 : (vector<16xf32>, vector<16xi32>, vector<16xi1>) -> (vector<16xi1>, vector<16xf32>, vector<16xi32>)
    %get3A_2033 = arith.constant 11 : i32
    %get3A_2034 = arith.index_cast %get3A_2033 : i32 to index
    %get3A_2035 = arith.constant 32 : index
    %get3A_2036 = tpu.vector_load %arg7[%get3A_2034, %get3A_2035] {strides = array<i32>} : memref<16x128xf32, #tpu.memory_space<vmem>>, vector<16xf32>,
    %mul3A_2037 = arith.constant 128 : i32
    %mul3A_2038 = arith.muli %reduce_sum3A_1990, %mul3A_2037 : i32
    %add3A_2039 = arith.constant 32 : i32
    %add3A_2040 = arith.addi %mul3A_2038, %add3A_2039 : i32
    %add3A_2041 = vector.broadcast %add3A_2040 : i32 to vector<16xi32>
    %add3A_2042 = arith.addi %add3A_2041, %iota3A : vector<16xi32>
    %masked_sort3A_2043 = arith.constant dense<true> : vector<16xi1>
    %masked_sort3A_2044, %masked_sort3A_2045, %masked_sort3A_2046 = tpu.sort %get3A_2036, %add3A_2042 masked %masked_sort3A_2043 {descending = true} : (vector<16xf32>, vector<16xi32>, vector<16xi1>) -> (vector<16xi1>, vector<16xf32>, vector<16xi32>)
    %gt3A_2047 = arith.cmpf ogt, %masked_sort3A_2045, %masked_sort3A_2031 : vector<16xf32>
    %select_n3A_2048 = arith.select %gt3A_2047, %masked_sort3A_2045, %masked_sort3A_2031 : vector<16xi1>, vector<16xf32>
    %select_n3A_2049 = arith.select %gt3A_2047, %masked_sort3A_2046, %masked_sort3A_2032 : vector<16xi1>, vector<16xi32>
    %masked_sort3A_2050 = arith.constant dense<true> : vector<16xi1>
    %masked_sort3A_2051, %masked_sort3A_2052, %masked_sort3A_2053 = tpu.sort %select_n3A_2048, %select_n3A_2049 masked %masked_sort3A_2050 : (vector<16xf32>, vector<16xi32>, vector<16xi1>) -> (vector<16xi1>, vector<16xf32>, vector<16xi32>)
    %get3A_2054 = arith.constant 11 : i32
    %get3A_2055 = arith.index_cast %get3A_2054 : i32 to index
    %get3A_2056 = arith.constant 48 : index
    %get3A_2057 = tpu.vector_load %arg7[%get3A_2055, %get3A_2056] {strides = array<i32>} : memref<16x128xf32, #tpu.memory_space<vmem>>, vector<16xf32>,
    %mul3A_2058 = arith.constant 128 : i32
    %mul3A_2059 = arith.muli %reduce_sum3A_1990, %mul3A_2058 : i32
    %add3A_2060 = arith.constant 48 : i32
    %add3A_2061 = arith.addi %mul3A_2059, %add3A_2060 : i32
    %add3A_2062 = vector.broadcast %add3A_2061 : i32 to vector<16xi32>
    %add3A_2063 = arith.addi %add3A_2062, %iota3A : vector<16xi32>
    %masked_sort3A_2064 = arith.constant dense<true> : vector<16xi1>
    %masked_sort3A_2065, %masked_sort3A_2066, %masked_sort3A_2067 = tpu.sort %get3A_2057, %add3A_2063 masked %masked_sort3A_2064 {descending = true} : (vector<16xf32>, vector<16xi32>, vector<16xi1>) -> (vector<16xi1>, vector<16xf32>, vector<16xi32>)
    %gt3A_2068 = arith.cmpf ogt, %masked_sort3A_2066, %masked_sort3A_2052 : vector<16xf32>
    %select_n3A_2069 = arith.select %gt3A_2068, %masked_sort3A_2066, %masked_sort3A_2052 : vector<16xi1>, vector<16xf32>
    %select_n3A_2070 = arith.select %gt3A_2068, %masked_sort3A_2067, %masked_sort3A_2053 : vector<16xi1>, vector<16xi32>
    %masked_sort3A_2071 = arith.constant dense<true> : vector<16xi1>
    %masked_sort3A_2072, %masked_sort3A_2073, %masked_sort3A_2074 = tpu.sort %select_n3A_2069, %select_n3A_2070 masked %masked_sort3A_2071 : (vector<16xf32>, vector<16xi32>, vector<16xi1>) -> (vector<16xi1>, vector<16xf32>, vector<16xi32>)
    %get3A_2075 = arith.constant 11 : i32
    %get3A_2076 = arith.index_cast %get3A_2075 : i32 to index
    %get3A_2077 = arith.constant 64 : index
    %get3A_2078 = tpu.vector_load %arg7[%get3A_2076, %get3A_2077] {strides = array<i32>} : memref<16x128xf32, #tpu.memory_space<vmem>>, vector<16xf32>,
    %mul3A_2079 = arith.constant 128 : i32
    %mul3A_2080 = arith.muli %reduce_sum3A_1990, %mul3A_2079 : i32
    %add3A_2081 = arith.constant 64 : i32
    %add3A_2082 = arith.addi %mul3A_2080, %add3A_2081 : i32
    %add3A_2083 = vector.broadcast %add3A_2082 : i32 to vector<16xi32>
    %add3A_2084 = arith.addi %add3A_2083, %iota3A : vector<16xi32>
    %masked_sort3A_2085 = arith.constant dense<true> : vector<16xi1>
    %masked_sort3A_2086, %masked_sort3A_2087, %masked_sort3A_2088 = tpu.sort %get3A_2078, %add3A_2084 masked %masked_sort3A_2085 {descending = true} : (vector<16xf32>, vector<16xi32>, vector<16xi1>) -> (vector<16xi1>, vector<16xf32>, vector<16xi32>)
    %gt3A_2089 = arith.cmpf ogt, %masked_sort3A_2087, %masked_sort3A_2073 : vector<16xf32>
    %select_n3A_2090 = arith.select %gt3A_2089, %masked_sort3A_2087, %masked_sort3A_2073 : vector<16xi1>, vector<16xf32>
    %select_n3A_2091 = arith.select %gt3A_2089, %masked_sort3A_2088, %masked_sort3A_2074 : vector<16xi1>, vector<16xi32>
    %masked_sort3A_2092 = arith.constant dense<true> : vector<16xi1>
    %masked_sort3A_2093, %masked_sort3A_2094, %masked_sort3A_2095 = tpu.sort %select_n3A_2090, %select_n3A_2091 masked %masked_sort3A_2092 : (vector<16xf32>, vector<16xi32>, vector<16xi1>) -> (vector<16xi1>, vector<16xf32>, vector<16xi32>)
    %get3A_2096 = arith.constant 11 : i32
    %get3A_2097 = arith.index_cast %get3A_2096 : i32 to index
    %get3A_2098 = arith.constant 80 : index
    %get3A_2099 = tpu.vector_load %arg7[%get3A_2097, %get3A_2098] {strides = array<i32>} : memref<16x128xf32, #tpu.memory_space<vmem>>, vector<16xf32>,
    %mul3A_2100 = arith.constant 128 : i32
    %mul3A_2101 = arith.muli %reduce_sum3A_1990, %mul3A_2100 : i32
    %add3A_2102 = arith.constant 80 : i32
    %add3A_2103 = arith.addi %mul3A_2101, %add3A_2102 : i32
    %add3A_2104 = vector.broadcast %add3A_2103 : i32 to vector<16xi32>
    %add3A_2105 = arith.addi %add3A_2104, %iota3A : vector<16xi32>
    %masked_sort3A_2106 = arith.constant dense<true> : vector<16xi1>
    %masked_sort3A_2107, %masked_sort3A_2108, %masked_sort3A_2109 = tpu.sort %get3A_2099, %add3A_2105 masked %masked_sort3A_2106 {descending = true} : (vector<16xf32>, vector<16xi32>, vector<16xi1>) -> (vector<16xi1>, vector<16xf32>, vector<16xi32>)
    %gt3A_2110 = arith.cmpf ogt, %masked_sort3A_2108, %masked_sort3A_2094 : vector<16xf32>
    %select_n3A_2111 = arith.select %gt3A_2110, %masked_sort3A_2108, %masked_sort3A_2094 : vector<16xi1>, vector<16xf32>
    %select_n3A_2112 = arith.select %gt3A_2110, %masked_sort3A_2109, %masked_sort3A_2095 : vector<16xi1>, vector<16xi32>
    %masked_sort3A_2113 = arith.constant dense<true> : vector<16xi1>
    %masked_sort3A_2114, %masked_sort3A_2115, %masked_sort3A_2116 = tpu.sort %select_n3A_2111, %select_n3A_2112 masked %masked_sort3A_2113 : (vector<16xf32>, vector<16xi32>, vector<16xi1>) -> (vector<16xi1>, vector<16xf32>, vector<16xi32>)
    %get3A_2117 = arith.constant 11 : i32
    %get3A_2118 = arith.index_cast %get3A_2117 : i32 to index
    %get3A_2119 = arith.constant 96 : index
    %get3A_2120 = tpu.vector_load %arg7[%get3A_2118, %get3A_2119] {strides = array<i32>} : memref<16x128xf32, #tpu.memory_space<vmem>>, vector<16xf32>,
    %mul3A_2121 = arith.constant 128 : i32
    %mul3A_2122 = arith.muli %reduce_sum3A_1990, %mul3A_2121 : i32
    %add3A_2123 = arith.constant 96 : i32
    %add3A_2124 = arith.addi %mul3A_2122, %add3A_2123 : i32
    %add3A_2125 = vector.broadcast %add3A_2124 : i32 to vector<16xi32>
    %add3A_2126 = arith.addi %add3A_2125, %iota3A : vector<16xi32>
    %masked_sort3A_2127 = arith.constant dense<true> : vector<16xi1>
    %masked_sort3A_2128, %masked_sort3A_2129, %masked_sort3A_2130 = tpu.sort %get3A_2120, %add3A_2126 masked %masked_sort3A_2127 {descending = true} : (vector<16xf32>, vector<16xi32>, vector<16xi1>) -> (vector<16xi1>, vector<16xf32>, vector<16xi32>)
    %gt3A_2131 = arith.cmpf ogt, %masked_sort3A_2129, %masked_sort3A_2115 : vector<16xf32>
    %select_n3A_2132 = arith.select %gt3A_2131, %masked_sort3A_2129, %masked_sort3A_2115 : vector<16xi1>, vector<16xf32>
    %select_n3A_2133 = arith.select %gt3A_2131, %masked_sort3A_2130, %masked_sort3A_2116 : vector<16xi1>, vector<16xi32>
    %masked_sort3A_2134 = arith.constant dense<true> : vector<16xi1>
    %masked_sort3A_2135, %masked_sort3A_2136, %masked_sort3A_2137 = tpu.sort %select_n3A_2132, %select_n3A_2133 masked %masked_sort3A_2134 : (vector<16xf32>, vector<16xi32>, vector<16xi1>) -> (vector<16xi1>, vector<16xf32>, vector<16xi32>)
    %get3A_2138 = arith.constant 11 : i32
    %get3A_2139 = arith.index_cast %get3A_2138 : i32 to index
    %get3A_2140 = arith.constant 112 : index
    %get3A_2141 = tpu.vector_load %arg7[%get3A_2139, %get3A_2140] {strides = array<i32>} : memref<16x128xf32, #tpu.memory_space<vmem>>, vector<16xf32>,
    %mul3A_2142 = arith.constant 128 : i32
    %mul3A_2143 = arith.muli %reduce_sum3A_1990, %mul3A_2142 : i32
    %add3A_2144 = arith.constant 112 : i32
    %add3A_2145 = arith.addi %mul3A_2143, %add3A_2144 : i32
    %add3A_2146 = vector.broadcast %add3A_2145 : i32 to vector<16xi32>
    %add3A_2147 = arith.addi %add3A_2146, %iota3A : vector<16xi32>
    %masked_sort3A_2148 = arith.constant dense<true> : vector<16xi1>
    %masked_sort3A_2149, %masked_sort3A_2150, %masked_sort3A_2151 = tpu.sort %get3A_2141, %add3A_2147 masked %masked_sort3A_2148 {descending = true} : (vector<16xf32>, vector<16xi32>, vector<16xi1>) -> (vector<16xi1>, vector<16xf32>, vector<16xi32>)
    %gt3A_2152 = arith.cmpf ogt, %masked_sort3A_2150, %masked_sort3A_2136 : vector<16xf32>
    %select_n3A_2153 = arith.select %gt3A_2152, %masked_sort3A_2150, %masked_sort3A_2136 : vector<16xi1>, vector<16xf32>
    %select_n3A_2154 = arith.select %gt3A_2152, %masked_sort3A_2151, %masked_sort3A_2137 : vector<16xi1>, vector<16xi32>
    %masked_sort3A_2155 = arith.constant dense<true> : vector<16xi1>
    %masked_sort3A_2156, %masked_sort3A_2157, %masked_sort3A_2158 = tpu.sort %select_n3A_2153, %select_n3A_2154 masked %masked_sort3A_2155 : (vector<16xf32>, vector<16xi32>, vector<16xi1>) -> (vector<16xi1>, vector<16xf32>, vector<16xi32>)
    %eq3A_2159 = arith.constant 12 : i32
    %eq3A_2160 = vector.broadcast %eq3A_2159 : i32 to vector<16xi32>
    %eq3A_2161 = arith.cmpi eq, %iota3A, %eq3A_2160 : vector<16xi32>
    %jit3A_2162 = arith.constant 0 : i32
    %broadcast_in_dim3A_2163 = vector.broadcast %jit3A_2162 : i32 to vector<16xi32>
    %select_n3A_2164 = arith.select %eq3A_2161, %scan3A_7#1, %broadcast_in_dim3A_2163 : vector<16xi1>, vector<16xi32>
    %reduce_sum3A_2165 = arith.constant true
    %reduce_sum3A_2166 = vector.broadcast %reduce_sum3A_2165 : i1 to vector<16xi1>
    %reduce_sum3A_2167 = tpu.scan <sum>, %select_n3A_2164 masked %reduce_sum3A_2166 : vector<16xi32>, vector<16xi1> -> vector<16xi32>
    %reduce_sum3A_2168 = vector.extract %reduce_sum3A_2167[15] : i32 from vector<16xi32>
    %get3A_2169 = arith.constant 12 : i32
    %get3A_2170 = arith.index_cast %get3A_2169 : i32 to index
    %get3A_2171 = arith.constant 0 : index
    %get3A_2172 = tpu.vector_load %arg7[%get3A_2170, %get3A_2171] {strides = array<i32>} : memref<16x128xf32, #tpu.memory_space<vmem>>, vector<16xf32>,
    %mul3A_2173 = arith.constant 128 : i32
    %mul3A_2174 = arith.muli %reduce_sum3A_2168, %mul3A_2173 : i32
    %add3A_2175 = arith.constant 0 : i32
    %add3A_2176 = arith.addi %mul3A_2174, %add3A_2175 : i32
    %add3A_2177 = vector.broadcast %add3A_2176 : i32 to vector<16xi32>
    %add3A_2178 = arith.addi %add3A_2177, %iota3A : vector<16xi32>
    %masked_sort3A_2179 = arith.constant dense<true> : vector<16xi1>
    %masked_sort3A_2180, %masked_sort3A_2181, %masked_sort3A_2182 = tpu.sort %get3A_2172, %add3A_2178 masked %masked_sort3A_2179 {descending = true} : (vector<16xf32>, vector<16xi32>, vector<16xi1>) -> (vector<16xi1>, vector<16xf32>, vector<16xi32>)
    %gt3A_2183 = arith.cmpf ogt, %masked_sort3A_2181, %masked_sort3A_2157 : vector<16xf32>
    %select_n3A_2184 = arith.select %gt3A_2183, %masked_sort3A_2181, %masked_sort3A_2157 : vector<16xi1>, vector<16xf32>
    %select_n3A_2185 = arith.select %gt3A_2183, %masked_sort3A_2182, %masked_sort3A_2158 : vector<16xi1>, vector<16xi32>
    %masked_sort3A_2186 = arith.constant dense<true> : vector<16xi1>
    %masked_sort3A_2187, %masked_sort3A_2188, %masked_sort3A_2189 = tpu.sort %select_n3A_2184, %select_n3A_2185 masked %masked_sort3A_2186 : (vector<16xf32>, vector<16xi32>, vector<16xi1>) -> (vector<16xi1>, vector<16xf32>, vector<16xi32>)
    %get3A_2190 = arith.constant 12 : i32
    %get3A_2191 = arith.index_cast %get3A_2190 : i32 to index
    %get3A_2192 = arith.constant 16 : index
    %get3A_2193 = tpu.vector_load %arg7[%get3A_2191, %get3A_2192] {strides = array<i32>} : memref<16x128xf32, #tpu.memory_space<vmem>>, vector<16xf32>,
    %mul3A_2194 = arith.constant 128 : i32
    %mul3A_2195 = arith.muli %reduce_sum3A_2168, %mul3A_2194 : i32
    %add3A_2196 = arith.constant 16 : i32
    %add3A_2197 = arith.addi %mul3A_2195, %add3A_2196 : i32
    %add3A_2198 = vector.broadcast %add3A_2197 : i32 to vector<16xi32>
    %add3A_2199 = arith.addi %add3A_2198, %iota3A : vector<16xi32>
    %masked_sort3A_2200 = arith.constant dense<true> : vector<16xi1>
    %masked_sort3A_2201, %masked_sort3A_2202, %masked_sort3A_2203 = tpu.sort %get3A_2193, %add3A_2199 masked %masked_sort3A_2200 {descending = true} : (vector<16xf32>, vector<16xi32>, vector<16xi1>) -> (vector<16xi1>, vector<16xf32>, vector<16xi32>)
    %gt3A_2204 = arith.cmpf ogt, %masked_sort3A_2202, %masked_sort3A_2188 : vector<16xf32>
    %select_n3A_2205 = arith.select %gt3A_2204, %masked_sort3A_2202, %masked_sort3A_2188 : vector<16xi1>, vector<16xf32>
    %select_n3A_2206 = arith.select %gt3A_2204, %masked_sort3A_2203, %masked_sort3A_2189 : vector<16xi1>, vector<16xi32>
    %masked_sort3A_2207 = arith.constant dense<true> : vector<16xi1>
    %masked_sort3A_2208, %masked_sort3A_2209, %masked_sort3A_2210 = tpu.sort %select_n3A_2205, %select_n3A_2206 masked %masked_sort3A_2207 : (vector<16xf32>, vector<16xi32>, vector<16xi1>) -> (vector<16xi1>, vector<16xf32>, vector<16xi32>)
    %get3A_2211 = arith.constant 12 : i32
    %get3A_2212 = arith.index_cast %get3A_2211 : i32 to index
    %get3A_2213 = arith.constant 32 : index
    %get3A_2214 = tpu.vector_load %arg7[%get3A_2212, %get3A_2213] {strides = array<i32>} : memref<16x128xf32, #tpu.memory_space<vmem>>, vector<16xf32>,
    %mul3A_2215 = arith.constant 128 : i32
    %mul3A_2216 = arith.muli %reduce_sum3A_2168, %mul3A_2215 : i32
    %add3A_2217 = arith.constant 32 : i32
    %add3A_2218 = arith.addi %mul3A_2216, %add3A_2217 : i32
    %add3A_2219 = vector.broadcast %add3A_2218 : i32 to vector<16xi32>
    %add3A_2220 = arith.addi %add3A_2219, %iota3A : vector<16xi32>
    %masked_sort3A_2221 = arith.constant dense<true> : vector<16xi1>
    %masked_sort3A_2222, %masked_sort3A_2223, %masked_sort3A_2224 = tpu.sort %get3A_2214, %add3A_2220 masked %masked_sort3A_2221 {descending = true} : (vector<16xf32>, vector<16xi32>, vector<16xi1>) -> (vector<16xi1>, vector<16xf32>, vector<16xi32>)
    %gt3A_2225 = arith.cmpf ogt, %masked_sort3A_2223, %masked_sort3A_2209 : vector<16xf32>
    %select_n3A_2226 = arith.select %gt3A_2225, %masked_sort3A_2223, %masked_sort3A_2209 : vector<16xi1>, vector<16xf32>
    %select_n3A_2227 = arith.select %gt3A_2225, %masked_sort3A_2224, %masked_sort3A_2210 : vector<16xi1>, vector<16xi32>
    %masked_sort3A_2228 = arith.constant dense<true> : vector<16xi1>
    %masked_sort3A_2229, %masked_sort3A_2230, %masked_sort3A_2231 = tpu.sort %select_n3A_2226, %select_n3A_2227 masked %masked_sort3A_2228 : (vector<16xf32>, vector<16xi32>, vector<16xi1>) -> (vector<16xi1>, vector<16xf32>, vector<16xi32>)
    %get3A_2232 = arith.constant 12 : i32
    %get3A_2233 = arith.index_cast %get3A_2232 : i32 to index
    %get3A_2234 = arith.constant 48 : index
    %get3A_2235 = tpu.vector_load %arg7[%get3A_2233, %get3A_2234] {strides = array<i32>} : memref<16x128xf32, #tpu.memory_space<vmem>>, vector<16xf32>,
    %mul3A_2236 = arith.constant 128 : i32
    %mul3A_2237 = arith.muli %reduce_sum3A_2168, %mul3A_2236 : i32
    %add3A_2238 = arith.constant 48 : i32
    %add3A_2239 = arith.addi %mul3A_2237, %add3A_2238 : i32
    %add3A_2240 = vector.broadcast %add3A_2239 : i32 to vector<16xi32>
    %add3A_2241 = arith.addi %add3A_2240, %iota3A : vector<16xi32>
    %masked_sort3A_2242 = arith.constant dense<true> : vector<16xi1>
    %masked_sort3A_2243, %masked_sort3A_2244, %masked_sort3A_2245 = tpu.sort %get3A_2235, %add3A_2241 masked %masked_sort3A_2242 {descending = true} : (vector<16xf32>, vector<16xi32>, vector<16xi1>) -> (vector<16xi1>, vector<16xf32>, vector<16xi32>)
    %gt3A_2246 = arith.cmpf ogt, %masked_sort3A_2244, %masked_sort3A_2230 : vector<16xf32>
    %select_n3A_2247 = arith.select %gt3A_2246, %masked_sort3A_2244, %masked_sort3A_2230 : vector<16xi1>, vector<16xf32>
    %select_n3A_2248 = arith.select %gt3A_2246, %masked_sort3A_2245, %masked_sort3A_2231 : vector<16xi1>, vector<16xi32>
    %masked_sort3A_2249 = arith.constant dense<true> : vector<16xi1>
    %masked_sort3A_2250, %masked_sort3A_2251, %masked_sort3A_2252 = tpu.sort %select_n3A_2247, %select_n3A_2248 masked %masked_sort3A_2249 : (vector<16xf32>, vector<16xi32>, vector<16xi1>) -> (vector<16xi1>, vector<16xf32>, vector<16xi32>)
    %get3A_2253 = arith.constant 12 : i32
    %get3A_2254 = arith.index_cast %get3A_2253 : i32 to index
    %get3A_2255 = arith.constant 64 : index
    %get3A_2256 = tpu.vector_load %arg7[%get3A_2254, %get3A_2255] {strides = array<i32>} : memref<16x128xf32, #tpu.memory_space<vmem>>, vector<16xf32>,
    %mul3A_2257 = arith.constant 128 : i32
    %mul3A_2258 = arith.muli %reduce_sum3A_2168, %mul3A_2257 : i32
    %add3A_2259 = arith.constant 64 : i32
    %add3A_2260 = arith.addi %mul3A_2258, %add3A_2259 : i32
    %add3A_2261 = vector.broadcast %add3A_2260 : i32 to vector<16xi32>
    %add3A_2262 = arith.addi %add3A_2261, %iota3A : vector<16xi32>
    %masked_sort3A_2263 = arith.constant dense<true> : vector<16xi1>
    %masked_sort3A_2264, %masked_sort3A_2265, %masked_sort3A_2266 = tpu.sort %get3A_2256, %add3A_2262 masked %masked_sort3A_2263 {descending = true} : (vector<16xf32>, vector<16xi32>, vector<16xi1>) -> (vector<16xi1>, vector<16xf32>, vector<16xi32>)
    %gt3A_2267 = arith.cmpf ogt, %masked_sort3A_2265, %masked_sort3A_2251 : vector<16xf32>
    %select_n3A_2268 = arith.select %gt3A_2267, %masked_sort3A_2265, %masked_sort3A_2251 : vector<16xi1>, vector<16xf32>
    %select_n3A_2269 = arith.select %gt3A_2267, %masked_sort3A_2266, %masked_sort3A_2252 : vector<16xi1>, vector<16xi32>
    %masked_sort3A_2270 = arith.constant dense<true> : vector<16xi1>
    %masked_sort3A_2271, %masked_sort3A_2272, %masked_sort3A_2273 = tpu.sort %select_n3A_2268, %select_n3A_2269 masked %masked_sort3A_2270 : (vector<16xf32>, vector<16xi32>, vector<16xi1>) -> (vector<16xi1>, vector<16xf32>, vector<16xi32>)
    %get3A_2274 = arith.constant 12 : i32
    %get3A_2275 = arith.index_cast %get3A_2274 : i32 to index
    %get3A_2276 = arith.constant 80 : index
    %get3A_2277 = tpu.vector_load %arg7[%get3A_2275, %get3A_2276] {strides = array<i32>} : memref<16x128xf32, #tpu.memory_space<vmem>>, vector<16xf32>,
    %mul3A_2278 = arith.constant 128 : i32
    %mul3A_2279 = arith.muli %reduce_sum3A_2168, %mul3A_2278 : i32
    %add3A_2280 = arith.constant 80 : i32
    %add3A_2281 = arith.addi %mul3A_2279, %add3A_2280 : i32
    %add3A_2282 = vector.broadcast %add3A_2281 : i32 to vector<16xi32>
    %add3A_2283 = arith.addi %add3A_2282, %iota3A : vector<16xi32>
    %masked_sort3A_2284 = arith.constant dense<true> : vector<16xi1>
    %masked_sort3A_2285, %masked_sort3A_2286, %masked_sort3A_2287 = tpu.sort %get3A_2277, %add3A_2283 masked %masked_sort3A_2284 {descending = true} : (vector<16xf32>, vector<16xi32>, vector<16xi1>) -> (vector<16xi1>, vector<16xf32>, vector<16xi32>)
    %gt3A_2288 = arith.cmpf ogt, %masked_sort3A_2286, %masked_sort3A_2272 : vector<16xf32>
    %select_n3A_2289 = arith.select %gt3A_2288, %masked_sort3A_2286, %masked_sort3A_2272 : vector<16xi1>, vector<16xf32>
    %select_n3A_2290 = arith.select %gt3A_2288, %masked_sort3A_2287, %masked_sort3A_2273 : vector<16xi1>, vector<16xi32>
    %masked_sort3A_2291 = arith.constant dense<true> : vector<16xi1>
    %masked_sort3A_2292, %masked_sort3A_2293, %masked_sort3A_2294 = tpu.sort %select_n3A_2289, %select_n3A_2290 masked %masked_sort3A_2291 : (vector<16xf32>, vector<16xi32>, vector<16xi1>) -> (vector<16xi1>, vector<16xf32>, vector<16xi32>)
    %get3A_2295 = arith.constant 12 : i32
    %get3A_2296 = arith.index_cast %get3A_2295 : i32 to index
    %get3A_2297 = arith.constant 96 : index
    %get3A_2298 = tpu.vector_load %arg7[%get3A_2296, %get3A_2297] {strides = array<i32>} : memref<16x128xf32, #tpu.memory_space<vmem>>, vector<16xf32>,
    %mul3A_2299 = arith.constant 128 : i32
    %mul3A_2300 = arith.muli %reduce_sum3A_2168, %mul3A_2299 : i32
    %add3A_2301 = arith.constant 96 : i32
    %add3A_2302 = arith.addi %mul3A_2300, %add3A_2301 : i32
    %add3A_2303 = vector.broadcast %add3A_2302 : i32 to vector<16xi32>
    %add3A_2304 = arith.addi %add3A_2303, %iota3A : vector<16xi32>
    %masked_sort3A_2305 = arith.constant dense<true> : vector<16xi1>
    %masked_sort3A_2306, %masked_sort3A_2307, %masked_sort3A_2308 = tpu.sort %get3A_2298, %add3A_2304 masked %masked_sort3A_2305 {descending = true} : (vector<16xf32>, vector<16xi32>, vector<16xi1>) -> (vector<16xi1>, vector<16xf32>, vector<16xi32>)
    %gt3A_2309 = arith.cmpf ogt, %masked_sort3A_2307, %masked_sort3A_2293 : vector<16xf32>
    %select_n3A_2310 = arith.select %gt3A_2309, %masked_sort3A_2307, %masked_sort3A_2293 : vector<16xi1>, vector<16xf32>
    %select_n3A_2311 = arith.select %gt3A_2309, %masked_sort3A_2308, %masked_sort3A_2294 : vector<16xi1>, vector<16xi32>
    %masked_sort3A_2312 = arith.constant dense<true> : vector<16xi1>
    %masked_sort3A_2313, %masked_sort3A_2314, %masked_sort3A_2315 = tpu.sort %select_n3A_2310, %select_n3A_2311 masked %masked_sort3A_2312 : (vector<16xf32>, vector<16xi32>, vector<16xi1>) -> (vector<16xi1>, vector<16xf32>, vector<16xi32>)
    %get3A_2316 = arith.constant 12 : i32
    %get3A_2317 = arith.index_cast %get3A_2316 : i32 to index
    %get3A_2318 = arith.constant 112 : index
    %get3A_2319 = tpu.vector_load %arg7[%get3A_2317, %get3A_2318] {strides = array<i32>} : memref<16x128xf32, #tpu.memory_space<vmem>>, vector<16xf32>,
    %mul3A_2320 = arith.constant 128 : i32
    %mul3A_2321 = arith.muli %reduce_sum3A_2168, %mul3A_2320 : i32
    %add3A_2322 = arith.constant 112 : i32
    %add3A_2323 = arith.addi %mul3A_2321, %add3A_2322 : i32
    %add3A_2324 = vector.broadcast %add3A_2323 : i32 to vector<16xi32>
    %add3A_2325 = arith.addi %add3A_2324, %iota3A : vector<16xi32>
    %masked_sort3A_2326 = arith.constant dense<true> : vector<16xi1>
    %masked_sort3A_2327, %masked_sort3A_2328, %masked_sort3A_2329 = tpu.sort %get3A_2319, %add3A_2325 masked %masked_sort3A_2326 {descending = true} : (vector<16xf32>, vector<16xi32>, vector<16xi1>) -> (vector<16xi1>, vector<16xf32>, vector<16xi32>)
    %gt3A_2330 = arith.cmpf ogt, %masked_sort3A_2328, %masked_sort3A_2314 : vector<16xf32>
    %select_n3A_2331 = arith.select %gt3A_2330, %masked_sort3A_2328, %masked_sort3A_2314 : vector<16xi1>, vector<16xf32>
    %select_n3A_2332 = arith.select %gt3A_2330, %masked_sort3A_2329, %masked_sort3A_2315 : vector<16xi1>, vector<16xi32>
    %masked_sort3A_2333 = arith.constant dense<true> : vector<16xi1>
    %masked_sort3A_2334, %masked_sort3A_2335, %masked_sort3A_2336 = tpu.sort %select_n3A_2331, %select_n3A_2332 masked %masked_sort3A_2333 : (vector<16xf32>, vector<16xi32>, vector<16xi1>) -> (vector<16xi1>, vector<16xf32>, vector<16xi32>)
    %eq3A_2337 = arith.constant 13 : i32
    %eq3A_2338 = vector.broadcast %eq3A_2337 : i32 to vector<16xi32>
    %eq3A_2339 = arith.cmpi eq, %iota3A, %eq3A_2338 : vector<16xi32>
    %jit3A_2340 = arith.constant 0 : i32
    %broadcast_in_dim3A_2341 = vector.broadcast %jit3A_2340 : i32 to vector<16xi32>
    %select_n3A_2342 = arith.select %eq3A_2339, %scan3A_7#1, %broadcast_in_dim3A_2341 : vector<16xi1>, vector<16xi32>
    %reduce_sum3A_2343 = arith.constant true
    %reduce_sum3A_2344 = vector.broadcast %reduce_sum3A_2343 : i1 to vector<16xi1>
    %reduce_sum3A_2345 = tpu.scan <sum>, %select_n3A_2342 masked %reduce_sum3A_2344 : vector<16xi32>, vector<16xi1> -> vector<16xi32>
    %reduce_sum3A_2346 = vector.extract %reduce_sum3A_2345[15] : i32 from vector<16xi32>
    %get3A_2347 = arith.constant 13 : i32
    %get3A_2348 = arith.index_cast %get3A_2347 : i32 to index
    %get3A_2349 = arith.constant 0 : index
    %get3A_2350 = tpu.vector_load %arg7[%get3A_2348, %get3A_2349] {strides = array<i32>} : memref<16x128xf32, #tpu.memory_space<vmem>>, vector<16xf32>,
    %mul3A_2351 = arith.constant 128 : i32
    %mul3A_2352 = arith.muli %reduce_sum3A_2346, %mul3A_2351 : i32
    %add3A_2353 = arith.constant 0 : i32
    %add3A_2354 = arith.addi %mul3A_2352, %add3A_2353 : i32
    %add3A_2355 = vector.broadcast %add3A_2354 : i32 to vector<16xi32>
    %add3A_2356 = arith.addi %add3A_2355, %iota3A : vector<16xi32>
    %masked_sort3A_2357 = arith.constant dense<true> : vector<16xi1>
    %masked_sort3A_2358, %masked_sort3A_2359, %masked_sort3A_2360 = tpu.sort %get3A_2350, %add3A_2356 masked %masked_sort3A_2357 {descending = true} : (vector<16xf32>, vector<16xi32>, vector<16xi1>) -> (vector<16xi1>, vector<16xf32>, vector<16xi32>)
    %gt3A_2361 = arith.cmpf ogt, %masked_sort3A_2359, %masked_sort3A_2335 : vector<16xf32>
    %select_n3A_2362 = arith.select %gt3A_2361, %masked_sort3A_2359, %masked_sort3A_2335 : vector<16xi1>, vector<16xf32>
    %select_n3A_2363 = arith.select %gt3A_2361, %masked_sort3A_2360, %masked_sort3A_2336 : vector<16xi1>, vector<16xi32>
    %masked_sort3A_2364 = arith.constant dense<true> : vector<16xi1>
    %masked_sort3A_2365, %masked_sort3A_2366, %masked_sort3A_2367 = tpu.sort %select_n3A_2362, %select_n3A_2363 masked %masked_sort3A_2364 : (vector<16xf32>, vector<16xi32>, vector<16xi1>) -> (vector<16xi1>, vector<16xf32>, vector<16xi32>)
    %get3A_2368 = arith.constant 13 : i32
    %get3A_2369 = arith.index_cast %get3A_2368 : i32 to index
    %get3A_2370 = arith.constant 16 : index
    %get3A_2371 = tpu.vector_load %arg7[%get3A_2369, %get3A_2370] {strides = array<i32>} : memref<16x128xf32, #tpu.memory_space<vmem>>, vector<16xf32>,
    %mul3A_2372 = arith.constant 128 : i32
    %mul3A_2373 = arith.muli %reduce_sum3A_2346, %mul3A_2372 : i32
    %add3A_2374 = arith.constant 16 : i32
    %add3A_2375 = arith.addi %mul3A_2373, %add3A_2374 : i32
    %add3A_2376 = vector.broadcast %add3A_2375 : i32 to vector<16xi32>
    %add3A_2377 = arith.addi %add3A_2376, %iota3A : vector<16xi32>
    %masked_sort3A_2378 = arith.constant dense<true> : vector<16xi1>
    %masked_sort3A_2379, %masked_sort3A_2380, %masked_sort3A_2381 = tpu.sort %get3A_2371, %add3A_2377 masked %masked_sort3A_2378 {descending = true} : (vector<16xf32>, vector<16xi32>, vector<16xi1>) -> (vector<16xi1>, vector<16xf32>, vector<16xi32>)
    %gt3A_2382 = arith.cmpf ogt, %masked_sort3A_2380, %masked_sort3A_2366 : vector<16xf32>
    %select_n3A_2383 = arith.select %gt3A_2382, %masked_sort3A_2380, %masked_sort3A_2366 : vector<16xi1>, vector<16xf32>
    %select_n3A_2384 = arith.select %gt3A_2382, %masked_sort3A_2381, %masked_sort3A_2367 : vector<16xi1>, vector<16xi32>
    %masked_sort3A_2385 = arith.constant dense<true> : vector<16xi1>
    %masked_sort3A_2386, %masked_sort3A_2387, %masked_sort3A_2388 = tpu.sort %select_n3A_2383, %select_n3A_2384 masked %masked_sort3A_2385 : (vector<16xf32>, vector<16xi32>, vector<16xi1>) -> (vector<16xi1>, vector<16xf32>, vector<16xi32>)
    %get3A_2389 = arith.constant 13 : i32
    %get3A_2390 = arith.index_cast %get3A_2389 : i32 to index
    %get3A_2391 = arith.constant 32 : index
    %get3A_2392 = tpu.vector_load %arg7[%get3A_2390, %get3A_2391] {strides = array<i32>} : memref<16x128xf32, #tpu.memory_space<vmem>>, vector<16xf32>,
    %mul3A_2393 = arith.constant 128 : i32
    %mul3A_2394 = arith.muli %reduce_sum3A_2346, %mul3A_2393 : i32
    %add3A_2395 = arith.constant 32 : i32
    %add3A_2396 = arith.addi %mul3A_2394, %add3A_2395 : i32
    %add3A_2397 = vector.broadcast %add3A_2396 : i32 to vector<16xi32>
    %add3A_2398 = arith.addi %add3A_2397, %iota3A : vector<16xi32>
    %masked_sort3A_2399 = arith.constant dense<true> : vector<16xi1>
    %masked_sort3A_2400, %masked_sort3A_2401, %masked_sort3A_2402 = tpu.sort %get3A_2392, %add3A_2398 masked %masked_sort3A_2399 {descending = true} : (vector<16xf32>, vector<16xi32>, vector<16xi1>) -> (vector<16xi1>, vector<16xf32>, vector<16xi32>)
    %gt3A_2403 = arith.cmpf ogt, %masked_sort3A_2401, %masked_sort3A_2387 : vector<16xf32>
    %select_n3A_2404 = arith.select %gt3A_2403, %masked_sort3A_2401, %masked_sort3A_2387 : vector<16xi1>, vector<16xf32>
    %select_n3A_2405 = arith.select %gt3A_2403, %masked_sort3A_2402, %masked_sort3A_2388 : vector<16xi1>, vector<16xi32>
    %masked_sort3A_2406 = arith.constant dense<true> : vector<16xi1>
    %masked_sort3A_2407, %masked_sort3A_2408, %masked_sort3A_2409 = tpu.sort %select_n3A_2404, %select_n3A_2405 masked %masked_sort3A_2406 : (vector<16xf32>, vector<16xi32>, vector<16xi1>) -> (vector<16xi1>, vector<16xf32>, vector<16xi32>)
    %get3A_2410 = arith.constant 13 : i32
    %get3A_2411 = arith.index_cast %get3A_2410 : i32 to index
    %get3A_2412 = arith.constant 48 : index
    %get3A_2413 = tpu.vector_load %arg7[%get3A_2411, %get3A_2412] {strides = array<i32>} : memref<16x128xf32, #tpu.memory_space<vmem>>, vector<16xf32>,
    %mul3A_2414 = arith.constant 128 : i32
    %mul3A_2415 = arith.muli %reduce_sum3A_2346, %mul3A_2414 : i32
    %add3A_2416 = arith.constant 48 : i32
    %add3A_2417 = arith.addi %mul3A_2415, %add3A_2416 : i32
    %add3A_2418 = vector.broadcast %add3A_2417 : i32 to vector<16xi32>
    %add3A_2419 = arith.addi %add3A_2418, %iota3A : vector<16xi32>
    %masked_sort3A_2420 = arith.constant dense<true> : vector<16xi1>
    %masked_sort3A_2421, %masked_sort3A_2422, %masked_sort3A_2423 = tpu.sort %get3A_2413, %add3A_2419 masked %masked_sort3A_2420 {descending = true} : (vector<16xf32>, vector<16xi32>, vector<16xi1>) -> (vector<16xi1>, vector<16xf32>, vector<16xi32>)
    %gt3A_2424 = arith.cmpf ogt, %masked_sort3A_2422, %masked_sort3A_2408 : vector<16xf32>
    %select_n3A_2425 = arith.select %gt3A_2424, %masked_sort3A_2422, %masked_sort3A_2408 : vector<16xi1>, vector<16xf32>
    %select_n3A_2426 = arith.select %gt3A_2424, %masked_sort3A_2423, %masked_sort3A_2409 : vector<16xi1>, vector<16xi32>
    %masked_sort3A_2427 = arith.constant dense<true> : vector<16xi1>
    %masked_sort3A_2428, %masked_sort3A_2429, %masked_sort3A_2430 = tpu.sort %select_n3A_2425, %select_n3A_2426 masked %masked_sort3A_2427 : (vector<16xf32>, vector<16xi32>, vector<16xi1>) -> (vector<16xi1>, vector<16xf32>, vector<16xi32>)
    %get3A_2431 = arith.constant 13 : i32
    %get3A_2432 = arith.index_cast %get3A_2431 : i32 to index
    %get3A_2433 = arith.constant 64 : index
    %get3A_2434 = tpu.vector_load %arg7[%get3A_2432, %get3A_2433] {strides = array<i32>} : memref<16x128xf32, #tpu.memory_space<vmem>>, vector<16xf32>,
    %mul3A_2435 = arith.constant 128 : i32
    %mul3A_2436 = arith.muli %reduce_sum3A_2346, %mul3A_2435 : i32
    %add3A_2437 = arith.constant 64 : i32
    %add3A_2438 = arith.addi %mul3A_2436, %add3A_2437 : i32
    %add3A_2439 = vector.broadcast %add3A_2438 : i32 to vector<16xi32>
    %add3A_2440 = arith.addi %add3A_2439, %iota3A : vector<16xi32>
    %masked_sort3A_2441 = arith.constant dense<true> : vector<16xi1>
    %masked_sort3A_2442, %masked_sort3A_2443, %masked_sort3A_2444 = tpu.sort %get3A_2434, %add3A_2440 masked %masked_sort3A_2441 {descending = true} : (vector<16xf32>, vector<16xi32>, vector<16xi1>) -> (vector<16xi1>, vector<16xf32>, vector<16xi32>)
    %gt3A_2445 = arith.cmpf ogt, %masked_sort3A_2443, %masked_sort3A_2429 : vector<16xf32>
    %select_n3A_2446 = arith.select %gt3A_2445, %masked_sort3A_2443, %masked_sort3A_2429 : vector<16xi1>, vector<16xf32>
    %select_n3A_2447 = arith.select %gt3A_2445, %masked_sort3A_2444, %masked_sort3A_2430 : vector<16xi1>, vector<16xi32>
    %masked_sort3A_2448 = arith.constant dense<true> : vector<16xi1>
    %masked_sort3A_2449, %masked_sort3A_2450, %masked_sort3A_2451 = tpu.sort %select_n3A_2446, %select_n3A_2447 masked %masked_sort3A_2448 : (vector<16xf32>, vector<16xi32>, vector<16xi1>) -> (vector<16xi1>, vector<16xf32>, vector<16xi32>)
    %get3A_2452 = arith.constant 13 : i32
    %get3A_2453 = arith.index_cast %get3A_2452 : i32 to index
    %get3A_2454 = arith.constant 80 : index
    %get3A_2455 = tpu.vector_load %arg7[%get3A_2453, %get3A_2454] {strides = array<i32>} : memref<16x128xf32, #tpu.memory_space<vmem>>, vector<16xf32>,
    %mul3A_2456 = arith.constant 128 : i32
    %mul3A_2457 = arith.muli %reduce_sum3A_2346, %mul3A_2456 : i32
    %add3A_2458 = arith.constant 80 : i32
    %add3A_2459 = arith.addi %mul3A_2457, %add3A_2458 : i32
    %add3A_2460 = vector.broadcast %add3A_2459 : i32 to vector<16xi32>
    %add3A_2461 = arith.addi %add3A_2460, %iota3A : vector<16xi32>
    %masked_sort3A_2462 = arith.constant dense<true> : vector<16xi1>
    %masked_sort3A_2463, %masked_sort3A_2464, %masked_sort3A_2465 = tpu.sort %get3A_2455, %add3A_2461 masked %masked_sort3A_2462 {descending = true} : (vector<16xf32>, vector<16xi32>, vector<16xi1>) -> (vector<16xi1>, vector<16xf32>, vector<16xi32>)
    %gt3A_2466 = arith.cmpf ogt, %masked_sort3A_2464, %masked_sort3A_2450 : vector<16xf32>
    %select_n3A_2467 = arith.select %gt3A_2466, %masked_sort3A_2464, %masked_sort3A_2450 : vector<16xi1>, vector<16xf32>
    %select_n3A_2468 = arith.select %gt3A_2466, %masked_sort3A_2465, %masked_sort3A_2451 : vector<16xi1>, vector<16xi32>
    %masked_sort3A_2469 = arith.constant dense<true> : vector<16xi1>
    %masked_sort3A_2470, %masked_sort3A_2471, %masked_sort3A_2472 = tpu.sort %select_n3A_2467, %select_n3A_2468 masked %masked_sort3A_2469 : (vector<16xf32>, vector<16xi32>, vector<16xi1>) -> (vector<16xi1>, vector<16xf32>, vector<16xi32>)
    %get3A_2473 = arith.constant 13 : i32
    %get3A_2474 = arith.index_cast %get3A_2473 : i32 to index
    %get3A_2475 = arith.constant 96 : index
    %get3A_2476 = tpu.vector_load %arg7[%get3A_2474, %get3A_2475] {strides = array<i32>} : memref<16x128xf32, #tpu.memory_space<vmem>>, vector<16xf32>,
    %mul3A_2477 = arith.constant 128 : i32
    %mul3A_2478 = arith.muli %reduce_sum3A_2346, %mul3A_2477 : i32
    %add3A_2479 = arith.constant 96 : i32
    %add3A_2480 = arith.addi %mul3A_2478, %add3A_2479 : i32
    %add3A_2481 = vector.broadcast %add3A_2480 : i32 to vector<16xi32>
    %add3A_2482 = arith.addi %add3A_2481, %iota3A : vector<16xi32>
    %masked_sort3A_2483 = arith.constant dense<true> : vector<16xi1>
    %masked_sort3A_2484, %masked_sort3A_2485, %masked_sort3A_2486 = tpu.sort %get3A_2476, %add3A_2482 masked %masked_sort3A_2483 {descending = true} : (vector<16xf32>, vector<16xi32>, vector<16xi1>) -> (vector<16xi1>, vector<16xf32>, vector<16xi32>)
    %gt3A_2487 = arith.cmpf ogt, %masked_sort3A_2485, %masked_sort3A_2471 : vector<16xf32>
    %select_n3A_2488 = arith.select %gt3A_2487, %masked_sort3A_2485, %masked_sort3A_2471 : vector<16xi1>, vector<16xf32>
    %select_n3A_2489 = arith.select %gt3A_2487, %masked_sort3A_2486, %masked_sort3A_2472 : vector<16xi1>, vector<16xi32>
    %masked_sort3A_2490 = arith.constant dense<true> : vector<16xi1>
    %masked_sort3A_2491, %masked_sort3A_2492, %masked_sort3A_2493 = tpu.sort %select_n3A_2488, %select_n3A_2489 masked %masked_sort3A_2490 : (vector<16xf32>, vector<16xi32>, vector<16xi1>) -> (vector<16xi1>, vector<16xf32>, vector<16xi32>)
    %get3A_2494 = arith.constant 13 : i32
    %get3A_2495 = arith.index_cast %get3A_2494 : i32 to index
    %get3A_2496 = arith.constant 112 : index
    %get3A_2497 = tpu.vector_load %arg7[%get3A_2495, %get3A_2496] {strides = array<i32>} : memref<16x128xf32, #tpu.memory_space<vmem>>, vector<16xf32>,
    %mul3A_2498 = arith.constant 128 : i32
    %mul3A_2499 = arith.muli %reduce_sum3A_2346, %mul3A_2498 : i32
    %add3A_2500 = arith.constant 112 : i32
    %add3A_2501 = arith.addi %mul3A_2499, %add3A_2500 : i32
    %add3A_2502 = vector.broadcast %add3A_2501 : i32 to vector<16xi32>
    %add3A_2503 = arith.addi %add3A_2502, %iota3A : vector<16xi32>
    %masked_sort3A_2504 = arith.constant dense<true> : vector<16xi1>
    %masked_sort3A_2505, %masked_sort3A_2506, %masked_sort3A_2507 = tpu.sort %get3A_2497, %add3A_2503 masked %masked_sort3A_2504 {descending = true} : (vector<16xf32>, vector<16xi32>, vector<16xi1>) -> (vector<16xi1>, vector<16xf32>, vector<16xi32>)
    %gt3A_2508 = arith.cmpf ogt, %masked_sort3A_2506, %masked_sort3A_2492 : vector<16xf32>
    %select_n3A_2509 = arith.select %gt3A_2508, %masked_sort3A_2506, %masked_sort3A_2492 : vector<16xi1>, vector<16xf32>
    %select_n3A_2510 = arith.select %gt3A_2508, %masked_sort3A_2507, %masked_sort3A_2493 : vector<16xi1>, vector<16xi32>
    %masked_sort3A_2511 = arith.constant dense<true> : vector<16xi1>
    %masked_sort3A_2512, %masked_sort3A_2513, %masked_sort3A_2514 = tpu.sort %select_n3A_2509, %select_n3A_2510 masked %masked_sort3A_2511 : (vector<16xf32>, vector<16xi32>, vector<16xi1>) -> (vector<16xi1>, vector<16xf32>, vector<16xi32>)
    %eq3A_2515 = arith.constant 14 : i32
    %eq3A_2516 = vector.broadcast %eq3A_2515 : i32 to vector<16xi32>
    %eq3A_2517 = arith.cmpi eq, %iota3A, %eq3A_2516 : vector<16xi32>
    %jit3A_2518 = arith.constant 0 : i32
    %broadcast_in_dim3A_2519 = vector.broadcast %jit3A_2518 : i32 to vector<16xi32>
    %select_n3A_2520 = arith.select %eq3A_2517, %scan3A_7#1, %broadcast_in_dim3A_2519 : vector<16xi1>, vector<16xi32>
    %reduce_sum3A_2521 = arith.constant true
    %reduce_sum3A_2522 = vector.broadcast %reduce_sum3A_2521 : i1 to vector<16xi1>
    %reduce_sum3A_2523 = tpu.scan <sum>, %select_n3A_2520 masked %reduce_sum3A_2522 : vector<16xi32>, vector<16xi1> -> vector<16xi32>
    %reduce_sum3A_2524 = vector.extract %reduce_sum3A_2523[15] : i32 from vector<16xi32>
    %get3A_2525 = arith.constant 14 : i32
    %get3A_2526 = arith.index_cast %get3A_2525 : i32 to index
    %get3A_2527 = arith.constant 0 : index
    %get3A_2528 = tpu.vector_load %arg7[%get3A_2526, %get3A_2527] {strides = array<i32>} : memref<16x128xf32, #tpu.memory_space<vmem>>, vector<16xf32>,
    %mul3A_2529 = arith.constant 128 : i32
    %mul3A_2530 = arith.muli %reduce_sum3A_2524, %mul3A_2529 : i32
    %add3A_2531 = arith.constant 0 : i32
    %add3A_2532 = arith.addi %mul3A_2530, %add3A_2531 : i32
    %add3A_2533 = vector.broadcast %add3A_2532 : i32 to vector<16xi32>
    %add3A_2534 = arith.addi %add3A_2533, %iota3A : vector<16xi32>
    %masked_sort3A_2535 = arith.constant dense<true> : vector<16xi1>
    %masked_sort3A_2536, %masked_sort3A_2537, %masked_sort3A_2538 = tpu.sort %get3A_2528, %add3A_2534 masked %masked_sort3A_2535 {descending = true} : (vector<16xf32>, vector<16xi32>, vector<16xi1>) -> (vector<16xi1>, vector<16xf32>, vector<16xi32>)
    %gt3A_2539 = arith.cmpf ogt, %masked_sort3A_2537, %masked_sort3A_2513 : vector<16xf32>
    %select_n3A_2540 = arith.select %gt3A_2539, %masked_sort3A_2537, %masked_sort3A_2513 : vector<16xi1>, vector<16xf32>
    %select_n3A_2541 = arith.select %gt3A_2539, %masked_sort3A_2538, %masked_sort3A_2514 : vector<16xi1>, vector<16xi32>
    %masked_sort3A_2542 = arith.constant dense<true> : vector<16xi1>
    %masked_sort3A_2543, %masked_sort3A_2544, %masked_sort3A_2545 = tpu.sort %select_n3A_2540, %select_n3A_2541 masked %masked_sort3A_2542 : (vector<16xf32>, vector<16xi32>, vector<16xi1>) -> (vector<16xi1>, vector<16xf32>, vector<16xi32>)
    %get3A_2546 = arith.constant 14 : i32
    %get3A_2547 = arith.index_cast %get3A_2546 : i32 to index
    %get3A_2548 = arith.constant 16 : index
    %get3A_2549 = tpu.vector_load %arg7[%get3A_2547, %get3A_2548] {strides = array<i32>} : memref<16x128xf32, #tpu.memory_space<vmem>>, vector<16xf32>,
    %mul3A_2550 = arith.constant 128 : i32
    %mul3A_2551 = arith.muli %reduce_sum3A_2524, %mul3A_2550 : i32
    %add3A_2552 = arith.constant 16 : i32
    %add3A_2553 = arith.addi %mul3A_2551, %add3A_2552 : i32
    %add3A_2554 = vector.broadcast %add3A_2553 : i32 to vector<16xi32>
    %add3A_2555 = arith.addi %add3A_2554, %iota3A : vector<16xi32>
    %masked_sort3A_2556 = arith.constant dense<true> : vector<16xi1>
    %masked_sort3A_2557, %masked_sort3A_2558, %masked_sort3A_2559 = tpu.sort %get3A_2549, %add3A_2555 masked %masked_sort3A_2556 {descending = true} : (vector<16xf32>, vector<16xi32>, vector<16xi1>) -> (vector<16xi1>, vector<16xf32>, vector<16xi32>)
    %gt3A_2560 = arith.cmpf ogt, %masked_sort3A_2558, %masked_sort3A_2544 : vector<16xf32>
    %select_n3A_2561 = arith.select %gt3A_2560, %masked_sort3A_2558, %masked_sort3A_2544 : vector<16xi1>, vector<16xf32>
    %select_n3A_2562 = arith.select %gt3A_2560, %masked_sort3A_2559, %masked_sort3A_2545 : vector<16xi1>, vector<16xi32>
    %masked_sort3A_2563 = arith.constant dense<true> : vector<16xi1>
    %masked_sort3A_2564, %masked_sort3A_2565, %masked_sort3A_2566 = tpu.sort %select_n3A_2561, %select_n3A_2562 masked %masked_sort3A_2563 : (vector<16xf32>, vector<16xi32>, vector<16xi1>) -> (vector<16xi1>, vector<16xf32>, vector<16xi32>)
    %get3A_2567 = arith.constant 14 : i32
    %get3A_2568 = arith.index_cast %get3A_2567 : i32 to index
    %get3A_2569 = arith.constant 32 : index
    %get3A_2570 = tpu.vector_load %arg7[%get3A_2568, %get3A_2569] {strides = array<i32>} : memref<16x128xf32, #tpu.memory_space<vmem>>, vector<16xf32>,
    %mul3A_2571 = arith.constant 128 : i32
    %mul3A_2572 = arith.muli %reduce_sum3A_2524, %mul3A_2571 : i32
    %add3A_2573 = arith.constant 32 : i32
    %add3A_2574 = arith.addi %mul3A_2572, %add3A_2573 : i32
    %add3A_2575 = vector.broadcast %add3A_2574 : i32 to vector<16xi32>
    %add3A_2576 = arith.addi %add3A_2575, %iota3A : vector<16xi32>
    %masked_sort3A_2577 = arith.constant dense<true> : vector<16xi1>
    %masked_sort3A_2578, %masked_sort3A_2579, %masked_sort3A_2580 = tpu.sort %get3A_2570, %add3A_2576 masked %masked_sort3A_2577 {descending = true} : (vector<16xf32>, vector<16xi32>, vector<16xi1>) -> (vector<16xi1>, vector<16xf32>, vector<16xi32>)
    %gt3A_2581 = arith.cmpf ogt, %masked_sort3A_2579, %masked_sort3A_2565 : vector<16xf32>
    %select_n3A_2582 = arith.select %gt3A_2581, %masked_sort3A_2579, %masked_sort3A_2565 : vector<16xi1>, vector<16xf32>
    %select_n3A_2583 = arith.select %gt3A_2581, %masked_sort3A_2580, %masked_sort3A_2566 : vector<16xi1>, vector<16xi32>
    %masked_sort3A_2584 = arith.constant dense<true> : vector<16xi1>
    %masked_sort3A_2585, %masked_sort3A_2586, %masked_sort3A_2587 = tpu.sort %select_n3A_2582, %select_n3A_2583 masked %masked_sort3A_2584 : (vector<16xf32>, vector<16xi32>, vector<16xi1>) -> (vector<16xi1>, vector<16xf32>, vector<16xi32>)
    %get3A_2588 = arith.constant 14 : i32
    %get3A_2589 = arith.index_cast %get3A_2588 : i32 to index
    %get3A_2590 = arith.constant 48 : index
    %get3A_2591 = tpu.vector_load %arg7[%get3A_2589, %get3A_2590] {strides = array<i32>} : memref<16x128xf32, #tpu.memory_space<vmem>>, vector<16xf32>,
    %mul3A_2592 = arith.constant 128 : i32
    %mul3A_2593 = arith.muli %reduce_sum3A_2524, %mul3A_2592 : i32
    %add3A_2594 = arith.constant 48 : i32
    %add3A_2595 = arith.addi %mul3A_2593, %add3A_2594 : i32
    %add3A_2596 = vector.broadcast %add3A_2595 : i32 to vector<16xi32>
    %add3A_2597 = arith.addi %add3A_2596, %iota3A : vector<16xi32>
    %masked_sort3A_2598 = arith.constant dense<true> : vector<16xi1>
    %masked_sort3A_2599, %masked_sort3A_2600, %masked_sort3A_2601 = tpu.sort %get3A_2591, %add3A_2597 masked %masked_sort3A_2598 {descending = true} : (vector<16xf32>, vector<16xi32>, vector<16xi1>) -> (vector<16xi1>, vector<16xf32>, vector<16xi32>)
    %gt3A_2602 = arith.cmpf ogt, %masked_sort3A_2600, %masked_sort3A_2586 : vector<16xf32>
    %select_n3A_2603 = arith.select %gt3A_2602, %masked_sort3A_2600, %masked_sort3A_2586 : vector<16xi1>, vector<16xf32>
    %select_n3A_2604 = arith.select %gt3A_2602, %masked_sort3A_2601, %masked_sort3A_2587 : vector<16xi1>, vector<16xi32>
    %masked_sort3A_2605 = arith.constant dense<true> : vector<16xi1>
    %masked_sort3A_2606, %masked_sort3A_2607, %masked_sort3A_2608 = tpu.sort %select_n3A_2603, %select_n3A_2604 masked %masked_sort3A_2605 : (vector<16xf32>, vector<16xi32>, vector<16xi1>) -> (vector<16xi1>, vector<16xf32>, vector<16xi32>)
    %get3A_2609 = arith.constant 14 : i32
    %get3A_2610 = arith.index_cast %get3A_2609 : i32 to index
    %get3A_2611 = arith.constant 64 : index
    %get3A_2612 = tpu.vector_load %arg7[%get3A_2610, %get3A_2611] {strides = array<i32>} : memref<16x128xf32, #tpu.memory_space<vmem>>, vector<16xf32>,
    %mul3A_2613 = arith.constant 128 : i32
    %mul3A_2614 = arith.muli %reduce_sum3A_2524, %mul3A_2613 : i32
    %add3A_2615 = arith.constant 64 : i32
    %add3A_2616 = arith.addi %mul3A_2614, %add3A_2615 : i32
    %add3A_2617 = vector.broadcast %add3A_2616 : i32 to vector<16xi32>
    %add3A_2618 = arith.addi %add3A_2617, %iota3A : vector<16xi32>
    %masked_sort3A_2619 = arith.constant dense<true> : vector<16xi1>
    %masked_sort3A_2620, %masked_sort3A_2621, %masked_sort3A_2622 = tpu.sort %get3A_2612, %add3A_2618 masked %masked_sort3A_2619 {descending = true} : (vector<16xf32>, vector<16xi32>, vector<16xi1>) -> (vector<16xi1>, vector<16xf32>, vector<16xi32>)
    %gt3A_2623 = arith.cmpf ogt, %masked_sort3A_2621, %masked_sort3A_2607 : vector<16xf32>
    %select_n3A_2624 = arith.select %gt3A_2623, %masked_sort3A_2621, %masked_sort3A_2607 : vector<16xi1>, vector<16xf32>
    %select_n3A_2625 = arith.select %gt3A_2623, %masked_sort3A_2622, %masked_sort3A_2608 : vector<16xi1>, vector<16xi32>
    %masked_sort3A_2626 = arith.constant dense<true> : vector<16xi1>
    %masked_sort3A_2627, %masked_sort3A_2628, %masked_sort3A_2629 = tpu.sort %select_n3A_2624, %select_n3A_2625 masked %masked_sort3A_2626 : (vector<16xf32>, vector<16xi32>, vector<16xi1>) -> (vector<16xi1>, vector<16xf32>, vector<16xi32>)
    %get3A_2630 = arith.constant 14 : i32
    %get3A_2631 = arith.index_cast %get3A_2630 : i32 to index
    %get3A_2632 = arith.constant 80 : index
    %get3A_2633 = tpu.vector_load %arg7[%get3A_2631, %get3A_2632] {strides = array<i32>} : memref<16x128xf32, #tpu.memory_space<vmem>>, vector<16xf32>,
    %mul3A_2634 = arith.constant 128 : i32
    %mul3A_2635 = arith.muli %reduce_sum3A_2524, %mul3A_2634 : i32
    %add3A_2636 = arith.constant 80 : i32
    %add3A_2637 = arith.addi %mul3A_2635, %add3A_2636 : i32
    %add3A_2638 = vector.broadcast %add3A_2637 : i32 to vector<16xi32>
    %add3A_2639 = arith.addi %add3A_2638, %iota3A : vector<16xi32>
    %masked_sort3A_2640 = arith.constant dense<true> : vector<16xi1>
    %masked_sort3A_2641, %masked_sort3A_2642, %masked_sort3A_2643 = tpu.sort %get3A_2633, %add3A_2639 masked %masked_sort3A_2640 {descending = true} : (vector<16xf32>, vector<16xi32>, vector<16xi1>) -> (vector<16xi1>, vector<16xf32>, vector<16xi32>)
    %gt3A_2644 = arith.cmpf ogt, %masked_sort3A_2642, %masked_sort3A_2628 : vector<16xf32>
    %select_n3A_2645 = arith.select %gt3A_2644, %masked_sort3A_2642, %masked_sort3A_2628 : vector<16xi1>, vector<16xf32>
    %select_n3A_2646 = arith.select %gt3A_2644, %masked_sort3A_2643, %masked_sort3A_2629 : vector<16xi1>, vector<16xi32>
    %masked_sort3A_2647 = arith.constant dense<true> : vector<16xi1>
    %masked_sort3A_2648, %masked_sort3A_2649, %masked_sort3A_2650 = tpu.sort %select_n3A_2645, %select_n3A_2646 masked %masked_sort3A_2647 : (vector<16xf32>, vector<16xi32>, vector<16xi1>) -> (vector<16xi1>, vector<16xf32>, vector<16xi32>)
    %get3A_2651 = arith.constant 14 : i32
    %get3A_2652 = arith.index_cast %get3A_2651 : i32 to index
    %get3A_2653 = arith.constant 96 : index
    %get3A_2654 = tpu.vector_load %arg7[%get3A_2652, %get3A_2653] {strides = array<i32>} : memref<16x128xf32, #tpu.memory_space<vmem>>, vector<16xf32>,
    %mul3A_2655 = arith.constant 128 : i32
    %mul3A_2656 = arith.muli %reduce_sum3A_2524, %mul3A_2655 : i32
    %add3A_2657 = arith.constant 96 : i32
    %add3A_2658 = arith.addi %mul3A_2656, %add3A_2657 : i32
    %add3A_2659 = vector.broadcast %add3A_2658 : i32 to vector<16xi32>
    %add3A_2660 = arith.addi %add3A_2659, %iota3A : vector<16xi32>
    %masked_sort3A_2661 = arith.constant dense<true> : vector<16xi1>
    %masked_sort3A_2662, %masked_sort3A_2663, %masked_sort3A_2664 = tpu.sort %get3A_2654, %add3A_2660 masked %masked_sort3A_2661 {descending = true} : (vector<16xf32>, vector<16xi32>, vector<16xi1>) -> (vector<16xi1>, vector<16xf32>, vector<16xi32>)
    %gt3A_2665 = arith.cmpf ogt, %masked_sort3A_2663, %masked_sort3A_2649 : vector<16xf32>
    %select_n3A_2666 = arith.select %gt3A_2665, %masked_sort3A_2663, %masked_sort3A_2649 : vector<16xi1>, vector<16xf32>
    %select_n3A_2667 = arith.select %gt3A_2665, %masked_sort3A_2664, %masked_sort3A_2650 : vector<16xi1>, vector<16xi32>
    %masked_sort3A_2668 = arith.constant dense<true> : vector<16xi1>
    %masked_sort3A_2669, %masked_sort3A_2670, %masked_sort3A_2671 = tpu.sort %select_n3A_2666, %select_n3A_2667 masked %masked_sort3A_2668 : (vector<16xf32>, vector<16xi32>, vector<16xi1>) -> (vector<16xi1>, vector<16xf32>, vector<16xi32>)
    %get3A_2672 = arith.constant 14 : i32
    %get3A_2673 = arith.index_cast %get3A_2672 : i32 to index
    %get3A_2674 = arith.constant 112 : index
    %get3A_2675 = tpu.vector_load %arg7[%get3A_2673, %get3A_2674] {strides = array<i32>} : memref<16x128xf32, #tpu.memory_space<vmem>>, vector<16xf32>,
    %mul3A_2676 = arith.constant 128 : i32
    %mul3A_2677 = arith.muli %reduce_sum3A_2524, %mul3A_2676 : i32
    %add3A_2678 = arith.constant 112 : i32
    %add3A_2679 = arith.addi %mul3A_2677, %add3A_2678 : i32
    %add3A_2680 = vector.broadcast %add3A_2679 : i32 to vector<16xi32>
    %add3A_2681 = arith.addi %add3A_2680, %iota3A : vector<16xi32>
    %masked_sort3A_2682 = arith.constant dense<true> : vector<16xi1>
    %masked_sort3A_2683, %masked_sort3A_2684, %masked_sort3A_2685 = tpu.sort %get3A_2675, %add3A_2681 masked %masked_sort3A_2682 {descending = true} : (vector<16xf32>, vector<16xi32>, vector<16xi1>) -> (vector<16xi1>, vector<16xf32>, vector<16xi32>)
    %gt3A_2686 = arith.cmpf ogt, %masked_sort3A_2684, %masked_sort3A_2670 : vector<16xf32>
    %select_n3A_2687 = arith.select %gt3A_2686, %masked_sort3A_2684, %masked_sort3A_2670 : vector<16xi1>, vector<16xf32>
    %select_n3A_2688 = arith.select %gt3A_2686, %masked_sort3A_2685, %masked_sort3A_2671 : vector<16xi1>, vector<16xi32>
    %masked_sort3A_2689 = arith.constant dense<true> : vector<16xi1>
    %masked_sort3A_2690, %masked_sort3A_2691, %masked_sort3A_2692 = tpu.sort %select_n3A_2687, %select_n3A_2688 masked %masked_sort3A_2689 : (vector<16xf32>, vector<16xi32>, vector<16xi1>) -> (vector<16xi1>, vector<16xf32>, vector<16xi32>)
    %eq3A_2693 = arith.constant 15 : i32
    %eq3A_2694 = vector.broadcast %eq3A_2693 : i32 to vector<16xi32>
    %eq3A_2695 = arith.cmpi eq, %iota3A, %eq3A_2694 : vector<16xi32>
    %jit3A_2696 = arith.constant 0 : i32
    %broadcast_in_dim3A_2697 = vector.broadcast %jit3A_2696 : i32 to vector<16xi32>
    %select_n3A_2698 = arith.select %eq3A_2695, %scan3A_7#1, %broadcast_in_dim3A_2697 : vector<16xi1>, vector<16xi32>
    %reduce_sum3A_2699 = arith.constant true
    %reduce_sum3A_2700 = vector.broadcast %reduce_sum3A_2699 : i1 to vector<16xi1>
    %reduce_sum3A_2701 = tpu.scan <sum>, %select_n3A_2698 masked %reduce_sum3A_2700 : vector<16xi32>, vector<16xi1> -> vector<16xi32>
    %reduce_sum3A_2702 = vector.extract %reduce_sum3A_2701[15] : i32 from vector<16xi32>
    %get3A_2703 = arith.constant 15 : i32
    %get3A_2704 = arith.index_cast %get3A_2703 : i32 to index
    %get3A_2705 = arith.constant 0 : index
    %get3A_2706 = tpu.vector_load %arg7[%get3A_2704, %get3A_2705] {strides = array<i32>} : memref<16x128xf32, #tpu.memory_space<vmem>>, vector<16xf32>,
    %mul3A_2707 = arith.constant 128 : i32
    %mul3A_2708 = arith.muli %reduce_sum3A_2702, %mul3A_2707 : i32
    %add3A_2709 = arith.constant 0 : i32
    %add3A_2710 = arith.addi %mul3A_2708, %add3A_2709 : i32
    %add3A_2711 = vector.broadcast %add3A_2710 : i32 to vector<16xi32>
    %add3A_2712 = arith.addi %add3A_2711, %iota3A : vector<16xi32>
    %masked_sort3A_2713 = arith.constant dense<true> : vector<16xi1>
    %masked_sort3A_2714, %masked_sort3A_2715, %masked_sort3A_2716 = tpu.sort %get3A_2706, %add3A_2712 masked %masked_sort3A_2713 {descending = true} : (vector<16xf32>, vector<16xi32>, vector<16xi1>) -> (vector<16xi1>, vector<16xf32>, vector<16xi32>)
    %gt3A_2717 = arith.cmpf ogt, %masked_sort3A_2715, %masked_sort3A_2691 : vector<16xf32>
    %select_n3A_2718 = arith.select %gt3A_2717, %masked_sort3A_2715, %masked_sort3A_2691 : vector<16xi1>, vector<16xf32>
    %select_n3A_2719 = arith.select %gt3A_2717, %masked_sort3A_2716, %masked_sort3A_2692 : vector<16xi1>, vector<16xi32>
    %masked_sort3A_2720 = arith.constant dense<true> : vector<16xi1>
    %masked_sort3A_2721, %masked_sort3A_2722, %masked_sort3A_2723 = tpu.sort %select_n3A_2718, %select_n3A_2719 masked %masked_sort3A_2720 : (vector<16xf32>, vector<16xi32>, vector<16xi1>) -> (vector<16xi1>, vector<16xf32>, vector<16xi32>)
    %get3A_2724 = arith.constant 15 : i32
    %get3A_2725 = arith.index_cast %get3A_2724 : i32 to index
    %get3A_2726 = arith.constant 16 : index
    %get3A_2727 = tpu.vector_load %arg7[%get3A_2725, %get3A_2726] {strides = array<i32>} : memref<16x128xf32, #tpu.memory_space<vmem>>, vector<16xf32>,
    %mul3A_2728 = arith.constant 128 : i32
    %mul3A_2729 = arith.muli %reduce_sum3A_2702, %mul3A_2728 : i32
    %add3A_2730 = arith.constant 16 : i32
    %add3A_2731 = arith.addi %mul3A_2729, %add3A_2730 : i32
    %add3A_2732 = vector.broadcast %add3A_2731 : i32 to vector<16xi32>
    %add3A_2733 = arith.addi %add3A_2732, %iota3A : vector<16xi32>
    %masked_sort3A_2734 = arith.constant dense<true> : vector<16xi1>
    %masked_sort3A_2735, %masked_sort3A_2736, %masked_sort3A_2737 = tpu.sort %get3A_2727, %add3A_2733 masked %masked_sort3A_2734 {descending = true} : (vector<16xf32>, vector<16xi32>, vector<16xi1>) -> (vector<16xi1>, vector<16xf32>, vector<16xi32>)
    %gt3A_2738 = arith.cmpf ogt, %masked_sort3A_2736, %masked_sort3A_2722 : vector<16xf32>
    %select_n3A_2739 = arith.select %gt3A_2738, %masked_sort3A_2736, %masked_sort3A_2722 : vector<16xi1>, vector<16xf32>
    %select_n3A_2740 = arith.select %gt3A_2738, %masked_sort3A_2737, %masked_sort3A_2723 : vector<16xi1>, vector<16xi32>
    %masked_sort3A_2741 = arith.constant dense<true> : vector<16xi1>
    %masked_sort3A_2742, %masked_sort3A_2743, %masked_sort3A_2744 = tpu.sort %select_n3A_2739, %select_n3A_2740 masked %masked_sort3A_2741 : (vector<16xf32>, vector<16xi32>, vector<16xi1>) -> (vector<16xi1>, vector<16xf32>, vector<16xi32>)
    %get3A_2745 = arith.constant 15 : i32
    %get3A_2746 = arith.index_cast %get3A_2745 : i32 to index
    %get3A_2747 = arith.constant 32 : index
    %get3A_2748 = tpu.vector_load %arg7[%get3A_2746, %get3A_2747] {strides = array<i32>} : memref<16x128xf32, #tpu.memory_space<vmem>>, vector<16xf32>,
    %mul3A_2749 = arith.constant 128 : i32
    %mul3A_2750 = arith.muli %reduce_sum3A_2702, %mul3A_2749 : i32
    %add3A_2751 = arith.constant 32 : i32
    %add3A_2752 = arith.addi %mul3A_2750, %add3A_2751 : i32
    %add3A_2753 = vector.broadcast %add3A_2752 : i32 to vector<16xi32>
    %add3A_2754 = arith.addi %add3A_2753, %iota3A : vector<16xi32>
    %masked_sort3A_2755 = arith.constant dense<true> : vector<16xi1>
    %masked_sort3A_2756, %masked_sort3A_2757, %masked_sort3A_2758 = tpu.sort %get3A_2748, %add3A_2754 masked %masked_sort3A_2755 {descending = true} : (vector<16xf32>, vector<16xi32>, vector<16xi1>) -> (vector<16xi1>, vector<16xf32>, vector<16xi32>)
    %gt3A_2759 = arith.cmpf ogt, %masked_sort3A_2757, %masked_sort3A_2743 : vector<16xf32>
    %select_n3A_2760 = arith.select %gt3A_2759, %masked_sort3A_2757, %masked_sort3A_2743 : vector<16xi1>, vector<16xf32>
    %select_n3A_2761 = arith.select %gt3A_2759, %masked_sort3A_2758, %masked_sort3A_2744 : vector<16xi1>, vector<16xi32>
    %masked_sort3A_2762 = arith.constant dense<true> : vector<16xi1>
    %masked_sort3A_2763, %masked_sort3A_2764, %masked_sort3A_2765 = tpu.sort %select_n3A_2760, %select_n3A_2761 masked %masked_sort3A_2762 : (vector<16xf32>, vector<16xi32>, vector<16xi1>) -> (vector<16xi1>, vector<16xf32>, vector<16xi32>)
    %get3A_2766 = arith.constant 15 : i32
    %get3A_2767 = arith.index_cast %get3A_2766 : i32 to index
    %get3A_2768 = arith.constant 48 : index
    %get3A_2769 = tpu.vector_load %arg7[%get3A_2767, %get3A_2768] {strides = array<i32>} : memref<16x128xf32, #tpu.memory_space<vmem>>, vector<16xf32>,
    %mul3A_2770 = arith.constant 128 : i32
    %mul3A_2771 = arith.muli %reduce_sum3A_2702, %mul3A_2770 : i32
    %add3A_2772 = arith.constant 48 : i32
    %add3A_2773 = arith.addi %mul3A_2771, %add3A_2772 : i32
    %add3A_2774 = vector.broadcast %add3A_2773 : i32 to vector<16xi32>
    %add3A_2775 = arith.addi %add3A_2774, %iota3A : vector<16xi32>
    %masked_sort3A_2776 = arith.constant dense<true> : vector<16xi1>
    %masked_sort3A_2777, %masked_sort3A_2778, %masked_sort3A_2779 = tpu.sort %get3A_2769, %add3A_2775 masked %masked_sort3A_2776 {descending = true} : (vector<16xf32>, vector<16xi32>, vector<16xi1>) -> (vector<16xi1>, vector<16xf32>, vector<16xi32>)
    %gt3A_2780 = arith.cmpf ogt, %masked_sort3A_2778, %masked_sort3A_2764 : vector<16xf32>
    %select_n3A_2781 = arith.select %gt3A_2780, %masked_sort3A_2778, %masked_sort3A_2764 : vector<16xi1>, vector<16xf32>
    %select_n3A_2782 = arith.select %gt3A_2780, %masked_sort3A_2779, %masked_sort3A_2765 : vector<16xi1>, vector<16xi32>
    %masked_sort3A_2783 = arith.constant dense<true> : vector<16xi1>
    %masked_sort3A_2784, %masked_sort3A_2785, %masked_sort3A_2786 = tpu.sort %select_n3A_2781, %select_n3A_2782 masked %masked_sort3A_2783 : (vector<16xf32>, vector<16xi32>, vector<16xi1>) -> (vector<16xi1>, vector<16xf32>, vector<16xi32>)
    %get3A_2787 = arith.constant 15 : i32
    %get3A_2788 = arith.index_cast %get3A_2787 : i32 to index
    %get3A_2789 = arith.constant 64 : index
    %get3A_2790 = tpu.vector_load %arg7[%get3A_2788, %get3A_2789] {strides = array<i32>} : memref<16x128xf32, #tpu.memory_space<vmem>>, vector<16xf32>,
    %mul3A_2791 = arith.constant 128 : i32
    %mul3A_2792 = arith.muli %reduce_sum3A_2702, %mul3A_2791 : i32
    %add3A_2793 = arith.constant 64 : i32
    %add3A_2794 = arith.addi %mul3A_2792, %add3A_2793 : i32
    %add3A_2795 = vector.broadcast %add3A_2794 : i32 to vector<16xi32>
    %add3A_2796 = arith.addi %add3A_2795, %iota3A : vector<16xi32>
    %masked_sort3A_2797 = arith.constant dense<true> : vector<16xi1>
    %masked_sort3A_2798, %masked_sort3A_2799, %masked_sort3A_2800 = tpu.sort %get3A_2790, %add3A_2796 masked %masked_sort3A_2797 {descending = true} : (vector<16xf32>, vector<16xi32>, vector<16xi1>) -> (vector<16xi1>, vector<16xf32>, vector<16xi32>)
    %gt3A_2801 = arith.cmpf ogt, %masked_sort3A_2799, %masked_sort3A_2785 : vector<16xf32>
    %select_n3A_2802 = arith.select %gt3A_2801, %masked_sort3A_2799, %masked_sort3A_2785 : vector<16xi1>, vector<16xf32>
    %select_n3A_2803 = arith.select %gt3A_2801, %masked_sort3A_2800, %masked_sort3A_2786 : vector<16xi1>, vector<16xi32>
    %masked_sort3A_2804 = arith.constant dense<true> : vector<16xi1>
    %masked_sort3A_2805, %masked_sort3A_2806, %masked_sort3A_2807 = tpu.sort %select_n3A_2802, %select_n3A_2803 masked %masked_sort3A_2804 : (vector<16xf32>, vector<16xi32>, vector<16xi1>) -> (vector<16xi1>, vector<16xf32>, vector<16xi32>)
    %get3A_2808 = arith.constant 15 : i32
    %get3A_2809 = arith.index_cast %get3A_2808 : i32 to index
    %get3A_2810 = arith.constant 80 : index
    %get3A_2811 = tpu.vector_load %arg7[%get3A_2809, %get3A_2810] {strides = array<i32>} : memref<16x128xf32, #tpu.memory_space<vmem>>, vector<16xf32>,
    %mul3A_2812 = arith.constant 128 : i32
    %mul3A_2813 = arith.muli %reduce_sum3A_2702, %mul3A_2812 : i32
    %add3A_2814 = arith.constant 80 : i32
    %add3A_2815 = arith.addi %mul3A_2813, %add3A_2814 : i32
    %add3A_2816 = vector.broadcast %add3A_2815 : i32 to vector<16xi32>
    %add3A_2817 = arith.addi %add3A_2816, %iota3A : vector<16xi32>
    %masked_sort3A_2818 = arith.constant dense<true> : vector<16xi1>
    %masked_sort3A_2819, %masked_sort3A_2820, %masked_sort3A_2821 = tpu.sort %get3A_2811, %add3A_2817 masked %masked_sort3A_2818 {descending = true} : (vector<16xf32>, vector<16xi32>, vector<16xi1>) -> (vector<16xi1>, vector<16xf32>, vector<16xi32>)
    %gt3A_2822 = arith.cmpf ogt, %masked_sort3A_2820, %masked_sort3A_2806 : vector<16xf32>
    %select_n3A_2823 = arith.select %gt3A_2822, %masked_sort3A_2820, %masked_sort3A_2806 : vector<16xi1>, vector<16xf32>
    %select_n3A_2824 = arith.select %gt3A_2822, %masked_sort3A_2821, %masked_sort3A_2807 : vector<16xi1>, vector<16xi32>
    %masked_sort3A_2825 = arith.constant dense<true> : vector<16xi1>
    %masked_sort3A_2826, %masked_sort3A_2827, %masked_sort3A_2828 = tpu.sort %select_n3A_2823, %select_n3A_2824 masked %masked_sort3A_2825 : (vector<16xf32>, vector<16xi32>, vector<16xi1>) -> (vector<16xi1>, vector<16xf32>, vector<16xi32>)
    %get3A_2829 = arith.constant 15 : i32
    %get3A_2830 = arith.index_cast %get3A_2829 : i32 to index
    %get3A_2831 = arith.constant 96 : index
    %get3A_2832 = tpu.vector_load %arg7[%get3A_2830, %get3A_2831] {strides = array<i32>} : memref<16x128xf32, #tpu.memory_space<vmem>>, vector<16xf32>,
    %mul3A_2833 = arith.constant 128 : i32
    %mul3A_2834 = arith.muli %reduce_sum3A_2702, %mul3A_2833 : i32
    %add3A_2835 = arith.constant 96 : i32
    %add3A_2836 = arith.addi %mul3A_2834, %add3A_2835 : i32
    %add3A_2837 = vector.broadcast %add3A_2836 : i32 to vector<16xi32>
    %add3A_2838 = arith.addi %add3A_2837, %iota3A : vector<16xi32>
    %masked_sort3A_2839 = arith.constant dense<true> : vector<16xi1>
    %masked_sort3A_2840, %masked_sort3A_2841, %masked_sort3A_2842 = tpu.sort %get3A_2832, %add3A_2838 masked %masked_sort3A_2839 {descending = true} : (vector<16xf32>, vector<16xi32>, vector<16xi1>) -> (vector<16xi1>, vector<16xf32>, vector<16xi32>)
    %gt3A_2843 = arith.cmpf ogt, %masked_sort3A_2841, %masked_sort3A_2827 : vector<16xf32>
    %select_n3A_2844 = arith.select %gt3A_2843, %masked_sort3A_2841, %masked_sort3A_2827 : vector<16xi1>, vector<16xf32>
    %select_n3A_2845 = arith.select %gt3A_2843, %masked_sort3A_2842, %masked_sort3A_2828 : vector<16xi1>, vector<16xi32>
    %masked_sort3A_2846 = arith.constant dense<true> : vector<16xi1>
    %masked_sort3A_2847, %masked_sort3A_2848, %masked_sort3A_2849 = tpu.sort %select_n3A_2844, %select_n3A_2845 masked %masked_sort3A_2846 : (vector<16xf32>, vector<16xi32>, vector<16xi1>) -> (vector<16xi1>, vector<16xf32>, vector<16xi32>)
    %get3A_2850 = arith.constant 15 : i32
    %get3A_2851 = arith.index_cast %get3A_2850 : i32 to index
    %get3A_2852 = arith.constant 112 : index
    %get3A_2853 = tpu.vector_load %arg7[%get3A_2851, %get3A_2852] {strides = array<i32>} : memref<16x128xf32, #tpu.memory_space<vmem>>, vector<16xf32>,
    %mul3A_2854 = arith.constant 128 : i32
    %mul3A_2855 = arith.muli %reduce_sum3A_2702, %mul3A_2854 : i32
    %add3A_2856 = arith.constant 112 : i32
    %add3A_2857 = arith.addi %mul3A_2855, %add3A_2856 : i32
    %add3A_2858 = vector.broadcast %add3A_2857 : i32 to vector<16xi32>
    %add3A_2859 = arith.addi %add3A_2858, %iota3A : vector<16xi32>
    %masked_sort3A_2860 = arith.constant dense<true> : vector<16xi1>
    %masked_sort3A_2861, %masked_sort3A_2862, %masked_sort3A_2863 = tpu.sort %get3A_2853, %add3A_2859 masked %masked_sort3A_2860 {descending = true} : (vector<16xf32>, vector<16xi32>, vector<16xi1>) -> (vector<16xi1>, vector<16xf32>, vector<16xi32>)
    %gt3A_2864 = arith.cmpf ogt, %masked_sort3A_2862, %masked_sort3A_2848 : vector<16xf32>
    %select_n3A_2865 = arith.select %gt3A_2864, %masked_sort3A_2862, %masked_sort3A_2848 : vector<16xi1>, vector<16xf32>
    %select_n3A_2866 = arith.select %gt3A_2864, %masked_sort3A_2863, %masked_sort3A_2849 : vector<16xi1>, vector<16xi32>
    %masked_sort3A_2867 = arith.constant dense<true> : vector<16xi1>
    %masked_sort3A_2868, %masked_sort3A_2869, %masked_sort3A_2870 = tpu.sort %select_n3A_2865, %select_n3A_2866 masked %masked_sort3A_2867 : (vector<16xf32>, vector<16xi32>, vector<16xi1>) -> (vector<16xi1>, vector<16xf32>, vector<16xi32>)
    %jit3A_2871 = arith.constant 128 : i32
    %div3A = vector.broadcast %jit3A_2871 : i32 to vector<16xi32>
    %div3A_2872 = arith.divsi %masked_sort3A_2870, %div3A : vector<16xi32>
    %sign3A = arith.constant 0 : i32
    %sign3A_2873 = vector.broadcast %sign3A : i32 to vector<16xi32>
    %sign3A_2874 = arith.cmpi sgt, %masked_sort3A_2870, %sign3A_2873 : vector<16xi32>
    %sign3A_2875 = arith.extui %sign3A_2874 : vector<16xi1> to vector<16xi32>
    %sign3A_2876 = arith.constant 0 : i32
    %sign3A_2877 = vector.broadcast %sign3A_2876 : i32 to vector<16xi32>
    %sign3A_2878 = arith.cmpi slt, %masked_sort3A_2870, %sign3A_2877 : vector<16xi32>
    %sign3A_2879 = arith.extui %sign3A_2878 : vector<16xi1> to vector<16xi32>
    %sign3A_2880 = arith.subi %sign3A_2875, %sign3A_2879 : vector<16xi32>
    %sign3A_2881 = arith.constant 0 : i32
    %sign3A_2882 = arith.cmpi sgt, %jit3A_2871, %sign3A_2881 : i32
    %sign3A_2883 = arith.extui %sign3A_2882 : i1 to i32
    %sign3A_2884 = arith.constant 0 : i32
    %sign3A_2885 = arith.cmpi slt, %jit3A_2871, %sign3A_2884 : i32
    %sign3A_2886 = arith.extui %sign3A_2885 : i1 to i32
    %sign3A_2887 = arith.subi %sign3A_2883, %sign3A_2886 : i32
    %ne3A = vector.broadcast %sign3A_2887 : i32 to vector<16xi32>
    %ne3A_2888 = arith.cmpi ne, %sign3A_2880, %ne3A : vector<16xi32>
    %rem3A = vector.broadcast %jit3A_2871 : i32 to vector<16xi32>
    %rem3A_2889 = arith.remsi %masked_sort3A_2870, %rem3A : vector<16xi32>
    %ne3A_2890 = arith.constant 0 : i32
    %ne3A_2891 = vector.broadcast %ne3A_2890 : i32 to vector<16xi32>
    %ne3A_2892 = arith.cmpi ne, %rem3A_2889, %ne3A_2891 : vector<16xi32>
    %and3A = arith.andi %ne3A_2888, %ne3A_2892 : vector<16xi1>
    %sub3A = arith.constant 1 : i32
    %sub3A_2893 = vector.broadcast %sub3A : i32 to vector<16xi32>
    %sub3A_2894 = arith.subi %div3A_2872, %sub3A_2893 : vector<16xi32>
    %select_n3A_2895 = arith.select %and3A, %sub3A_2894, %div3A_2872 : vector<16xi1>, vector<16xi32>
    %jit3A_2896 = arith.constant 128 : i32
    %eq3A_2897 = arith.constant 0 : i32
    %eq3A_2898 = arith.cmpi eq, %jit3A_2896, %eq3A_2897 : i32
    %jit3A_2899 = arith.constant 1 : i32
    %select_n3A_2900 = arith.select %eq3A_2898, %jit3A_2899, %jit3A_2896 : i32
    %rem3A_2901 = vector.broadcast %select_n3A_2900 : i32 to vector<16xi32>
    %rem3A_2902 = arith.remsi %masked_sort3A_2870, %rem3A_2901 : vector<16xi32>
    %ne3A_2903 = arith.constant 0 : i32
    %ne3A_2904 = vector.broadcast %ne3A_2903 : i32 to vector<16xi32>
    %ne3A_2905 = arith.cmpi ne, %rem3A_2902, %ne3A_2904 : vector<16xi32>
    %lt3A = arith.constant 0 : i32
    %lt3A_2906 = vector.broadcast %lt3A : i32 to vector<16xi32>
    %lt3A_2907 = arith.cmpi slt, %rem3A_2902, %lt3A_2906 : vector<16xi32>
    %lt3A_2908 = arith.constant 0 : i32
    %lt3A_2909 = arith.cmpi slt, %select_n3A_2900, %lt3A_2908 : i32
    %ne3A_2910 = vector.broadcast %lt3A_2909 : i1 to vector<16xi1>
    %ne3A_2911 = vector.broadcast %ne3A_2910 : vector<16xi1> to vector<16xi1>
    %ne3A_2912 = arith.xori %lt3A_2907, %ne3A_2911 : vector<16xi1>
    %and3A_2913 = arith.andi %ne3A_2912, %ne3A_2905 : vector<16xi1>
    %add3A_2914 = vector.broadcast %select_n3A_2900 : i32 to vector<16xi32>
    %add3A_2915 = arith.addi %rem3A_2902, %add3A_2914 : vector<16xi32>
    %select_n3A_2916 = arith.select %and3A_2913, %add3A_2915, %rem3A_2902 : vector<16xi1>, vector<16xi32>
    %broadcast_in_dim3A_2917 = arith.constant 0 : i32
    %broadcast_in_dim3A_2918 = vector.broadcast %broadcast_in_dim3A_2917 : i32 to vector<16xi32>
    %eq3A_2919 = arith.constant 0 : i32
    %eq3A_2920 = vector.broadcast %eq3A_2919 : i32 to vector<16xi32>
    %eq3A_2921 = arith.cmpi eq, %iota3A, %eq3A_2920 : vector<16xi32>
    %jit3A_2922 = arith.constant 0 : i32
    %broadcast_in_dim3A_2923 = vector.broadcast %jit3A_2922 : i32 to vector<16xi32>
    %select_n3A_2924 = arith.select %eq3A_2921, %scan3A_7#1, %broadcast_in_dim3A_2923 : vector<16xi1>, vector<16xi32>
    %reduce_sum3A_2925 = arith.constant true
    %reduce_sum3A_2926 = vector.broadcast %reduce_sum3A_2925 : i1 to vector<16xi1>
    %reduce_sum3A_2927 = tpu.scan <sum>, %select_n3A_2924 masked %reduce_sum3A_2926 : vector<16xi32>, vector<16xi1> -> vector<16xi32>
    %reduce_sum3A_2928 = vector.extract %reduce_sum3A_2927[15] : i32 from vector<16xi32>
    %eq3A_2929 = vector.broadcast %reduce_sum3A_2928 : i32 to vector<16xi32>
    %eq3A_2930 = arith.cmpi eq, %select_n3A_2895, %eq3A_2929 : vector<16xi32>
    %jit3A_2931 = arith.constant 0 : i32
    %broadcast_in_dim3A_2932 = vector.broadcast %jit3A_2931 : i32 to vector<16xi32>
    %select_n3A_2933 = arith.select %eq3A_2930, %broadcast_in_dim3A_2932, %broadcast_in_dim3A_2918 : vector<16xi1>, vector<16xi32>
    %eq3A_2934 = arith.constant 1 : i32
    %eq3A_2935 = vector.broadcast %eq3A_2934 : i32 to vector<16xi32>
    %eq3A_2936 = arith.cmpi eq, %iota3A, %eq3A_2935 : vector<16xi32>
    %jit3A_2937 = arith.constant 0 : i32
    %broadcast_in_dim3A_2938 = vector.broadcast %jit3A_2937 : i32 to vector<16xi32>
    %select_n3A_2939 = arith.select %eq3A_2936, %scan3A_7#1, %broadcast_in_dim3A_2938 : vector<16xi1>, vector<16xi32>
    %reduce_sum3A_2940 = arith.constant true
    %reduce_sum3A_2941 = vector.broadcast %reduce_sum3A_2940 : i1 to vector<16xi1>
    %reduce_sum3A_2942 = tpu.scan <sum>, %select_n3A_2939 masked %reduce_sum3A_2941 : vector<16xi32>, vector<16xi1> -> vector<16xi32>
    %reduce_sum3A_2943 = vector.extract %reduce_sum3A_2942[15] : i32 from vector<16xi32>
    %eq3A_2944 = vector.broadcast %reduce_sum3A_2943 : i32 to vector<16xi32>
    %eq3A_2945 = arith.cmpi eq, %select_n3A_2895, %eq3A_2944 : vector<16xi32>
    %jit3A_2946 = arith.constant 1 : i32
    %broadcast_in_dim3A_2947 = vector.broadcast %jit3A_2946 : i32 to vector<16xi32>
    %select_n3A_2948 = arith.select %eq3A_2945, %broadcast_in_dim3A_2947, %select_n3A_2933 : vector<16xi1>, vector<16xi32>
    %eq3A_2949 = arith.constant 2 : i32
    %eq3A_2950 = vector.broadcast %eq3A_2949 : i32 to vector<16xi32>
    %eq3A_2951 = arith.cmpi eq, %iota3A, %eq3A_2950 : vector<16xi32>
    %jit3A_2952 = arith.constant 0 : i32
    %broadcast_in_dim3A_2953 = vector.broadcast %jit3A_2952 : i32 to vector<16xi32>
    %select_n3A_2954 = arith.select %eq3A_2951, %scan3A_7#1, %broadcast_in_dim3A_2953 : vector<16xi1>, vector<16xi32>
    %reduce_sum3A_2955 = arith.constant true
    %reduce_sum3A_2956 = vector.broadcast %reduce_sum3A_2955 : i1 to vector<16xi1>
    %reduce_sum3A_2957 = tpu.scan <sum>, %select_n3A_2954 masked %reduce_sum3A_2956 : vector<16xi32>, vector<16xi1> -> vector<16xi32>
    %reduce_sum3A_2958 = vector.extract %reduce_sum3A_2957[15] : i32 from vector<16xi32>
    %eq3A_2959 = vector.broadcast %reduce_sum3A_2958 : i32 to vector<16xi32>
    %eq3A_2960 = arith.cmpi eq, %select_n3A_2895, %eq3A_2959 : vector<16xi32>
    %jit3A_2961 = arith.constant 2 : i32
    %broadcast_in_dim3A_2962 = vector.broadcast %jit3A_2961 : i32 to vector<16xi32>
    %select_n3A_2963 = arith.select %eq3A_2960, %broadcast_in_dim3A_2962, %select_n3A_2948 : vector<16xi1>, vector<16xi32>
    %eq3A_2964 = arith.constant 3 : i32
    %eq3A_2965 = vector.broadcast %eq3A_2964 : i32 to vector<16xi32>
    %eq3A_2966 = arith.cmpi eq, %iota3A, %eq3A_2965 : vector<16xi32>
    %jit3A_2967 = arith.constant 0 : i32
    %broadcast_in_dim3A_2968 = vector.broadcast %jit3A_2967 : i32 to vector<16xi32>
    %select_n3A_2969 = arith.select %eq3A_2966, %scan3A_7#1, %broadcast_in_dim3A_2968 : vector<16xi1>, vector<16xi32>
    %reduce_sum3A_2970 = arith.constant true
    %reduce_sum3A_2971 = vector.broadcast %reduce_sum3A_2970 : i1 to vector<16xi1>
    %reduce_sum3A_2972 = tpu.scan <sum>, %select_n3A_2969 masked %reduce_sum3A_2971 : vector<16xi32>, vector<16xi1> -> vector<16xi32>
    %reduce_sum3A_2973 = vector.extract %reduce_sum3A_2972[15] : i32 from vector<16xi32>
    %eq3A_2974 = vector.broadcast %reduce_sum3A_2973 : i32 to vector<16xi32>
    %eq3A_2975 = arith.cmpi eq, %select_n3A_2895, %eq3A_2974 : vector<16xi32>
    %jit3A_2976 = arith.constant 3 : i32
    %broadcast_in_dim3A_2977 = vector.broadcast %jit3A_2976 : i32 to vector<16xi32>
    %select_n3A_2978 = arith.select %eq3A_2975, %broadcast_in_dim3A_2977, %select_n3A_2963 : vector<16xi1>, vector<16xi32>
    %eq3A_2979 = arith.constant 4 : i32
    %eq3A_2980 = vector.broadcast %eq3A_2979 : i32 to vector<16xi32>
    %eq3A_2981 = arith.cmpi eq, %iota3A, %eq3A_2980 : vector<16xi32>
    %jit3A_2982 = arith.constant 0 : i32
    %broadcast_in_dim3A_2983 = vector.broadcast %jit3A_2982 : i32 to vector<16xi32>
    %select_n3A_2984 = arith.select %eq3A_2981, %scan3A_7#1, %broadcast_in_dim3A_2983 : vector<16xi1>, vector<16xi32>
    %reduce_sum3A_2985 = arith.constant true
    %reduce_sum3A_2986 = vector.broadcast %reduce_sum3A_2985 : i1 to vector<16xi1>
    %reduce_sum3A_2987 = tpu.scan <sum>, %select_n3A_2984 masked %reduce_sum3A_2986 : vector<16xi32>, vector<16xi1> -> vector<16xi32>
    %reduce_sum3A_2988 = vector.extract %reduce_sum3A_2987[15] : i32 from vector<16xi32>
    %eq3A_2989 = vector.broadcast %reduce_sum3A_2988 : i32 to vector<16xi32>
    %eq3A_2990 = arith.cmpi eq, %select_n3A_2895, %eq3A_2989 : vector<16xi32>
    %jit3A_2991 = arith.constant 4 : i32
    %broadcast_in_dim3A_2992 = vector.broadcast %jit3A_2991 : i32 to vector<16xi32>
    %select_n3A_2993 = arith.select %eq3A_2990, %broadcast_in_dim3A_2992, %select_n3A_2978 : vector<16xi1>, vector<16xi32>
    %eq3A_2994 = arith.constant 5 : i32
    %eq3A_2995 = vector.broadcast %eq3A_2994 : i32 to vector<16xi32>
    %eq3A_2996 = arith.cmpi eq, %iota3A, %eq3A_2995 : vector<16xi32>
    %jit3A_2997 = arith.constant 0 : i32
    %broadcast_in_dim3A_2998 = vector.broadcast %jit3A_2997 : i32 to vector<16xi32>
    %select_n3A_2999 = arith.select %eq3A_2996, %scan3A_7#1, %broadcast_in_dim3A_2998 : vector<16xi1>, vector<16xi32>
    %reduce_sum3A_3000 = arith.constant true
    %reduce_sum3A_3001 = vector.broadcast %reduce_sum3A_3000 : i1 to vector<16xi1>
    %reduce_sum3A_3002 = tpu.scan <sum>, %select_n3A_2999 masked %reduce_sum3A_3001 : vector<16xi32>, vector<16xi1> -> vector<16xi32>
    %reduce_sum3A_3003 = vector.extract %reduce_sum3A_3002[15] : i32 from vector<16xi32>
    %eq3A_3004 = vector.broadcast %reduce_sum3A_3003 : i32 to vector<16xi32>
    %eq3A_3005 = arith.cmpi eq, %select_n3A_2895, %eq3A_3004 : vector<16xi32>
    %jit3A_3006 = arith.constant 5 : i32
    %broadcast_in_dim3A_3007 = vector.broadcast %jit3A_3006 : i32 to vector<16xi32>
    %select_n3A_3008 = arith.select %eq3A_3005, %broadcast_in_dim3A_3007, %select_n3A_2993 : vector<16xi1>, vector<16xi32>
    %eq3A_3009 = arith.constant 6 : i32
    %eq3A_3010 = vector.broadcast %eq3A_3009 : i32 to vector<16xi32>
    %eq3A_3011 = arith.cmpi eq, %iota3A, %eq3A_3010 : vector<16xi32>
    %jit3A_3012 = arith.constant 0 : i32
    %broadcast_in_dim3A_3013 = vector.broadcast %jit3A_3012 : i32 to vector<16xi32>
    %select_n3A_3014 = arith.select %eq3A_3011, %scan3A_7#1, %broadcast_in_dim3A_3013 : vector<16xi1>, vector<16xi32>
    %reduce_sum3A_3015 = arith.constant true
    %reduce_sum3A_3016 = vector.broadcast %reduce_sum3A_3015 : i1 to vector<16xi1>
    %reduce_sum3A_3017 = tpu.scan <sum>, %select_n3A_3014 masked %reduce_sum3A_3016 : vector<16xi32>, vector<16xi1> -> vector<16xi32>
    %reduce_sum3A_3018 = vector.extract %reduce_sum3A_3017[15] : i32 from vector<16xi32>
    %eq3A_3019 = vector.broadcast %reduce_sum3A_3018 : i32 to vector<16xi32>
    %eq3A_3020 = arith.cmpi eq, %select_n3A_2895, %eq3A_3019 : vector<16xi32>
    %jit3A_3021 = arith.constant 6 : i32
    %broadcast_in_dim3A_3022 = vector.broadcast %jit3A_3021 : i32 to vector<16xi32>
    %select_n3A_3023 = arith.select %eq3A_3020, %broadcast_in_dim3A_3022, %select_n3A_3008 : vector<16xi1>, vector<16xi32>
    %eq3A_3024 = arith.constant 7 : i32
    %eq3A_3025 = vector.broadcast %eq3A_3024 : i32 to vector<16xi32>
    %eq3A_3026 = arith.cmpi eq, %iota3A, %eq3A_3025 : vector<16xi32>
    %jit3A_3027 = arith.constant 0 : i32
    %broadcast_in_dim3A_3028 = vector.broadcast %jit3A_3027 : i32 to vector<16xi32>
    %select_n3A_3029 = arith.select %eq3A_3026, %scan3A_7#1, %broadcast_in_dim3A_3028 : vector<16xi1>, vector<16xi32>
    %reduce_sum3A_3030 = arith.constant true
    %reduce_sum3A_3031 = vector.broadcast %reduce_sum3A_3030 : i1 to vector<16xi1>
    %reduce_sum3A_3032 = tpu.scan <sum>, %select_n3A_3029 masked %reduce_sum3A_3031 : vector<16xi32>, vector<16xi1> -> vector<16xi32>
    %reduce_sum3A_3033 = vector.extract %reduce_sum3A_3032[15] : i32 from vector<16xi32>
    %eq3A_3034 = vector.broadcast %reduce_sum3A_3033 : i32 to vector<16xi32>
    %eq3A_3035 = arith.cmpi eq, %select_n3A_2895, %eq3A_3034 : vector<16xi32>
    %jit3A_3036 = arith.constant 7 : i32
    %broadcast_in_dim3A_3037 = vector.broadcast %jit3A_3036 : i32 to vector<16xi32>
    %select_n3A_3038 = arith.select %eq3A_3035, %broadcast_in_dim3A_3037, %select_n3A_3023 : vector<16xi1>, vector<16xi32>
    %eq3A_3039 = arith.constant 8 : i32
    %eq3A_3040 = vector.broadcast %eq3A_3039 : i32 to vector<16xi32>
    %eq3A_3041 = arith.cmpi eq, %iota3A, %eq3A_3040 : vector<16xi32>
    %jit3A_3042 = arith.constant 0 : i32
    %broadcast_in_dim3A_3043 = vector.broadcast %jit3A_3042 : i32 to vector<16xi32>
    %select_n3A_3044 = arith.select %eq3A_3041, %scan3A_7#1, %broadcast_in_dim3A_3043 : vector<16xi1>, vector<16xi32>
    %reduce_sum3A_3045 = arith.constant true
    %reduce_sum3A_3046 = vector.broadcast %reduce_sum3A_3045 : i1 to vector<16xi1>
    %reduce_sum3A_3047 = tpu.scan <sum>, %select_n3A_3044 masked %reduce_sum3A_3046 : vector<16xi32>, vector<16xi1> -> vector<16xi32>
    %reduce_sum3A_3048 = vector.extract %reduce_sum3A_3047[15] : i32 from vector<16xi32>
    %eq3A_3049 = vector.broadcast %reduce_sum3A_3048 : i32 to vector<16xi32>
    %eq3A_3050 = arith.cmpi eq, %select_n3A_2895, %eq3A_3049 : vector<16xi32>
    %jit3A_3051 = arith.constant 8 : i32
    %broadcast_in_dim3A_3052 = vector.broadcast %jit3A_3051 : i32 to vector<16xi32>
    %select_n3A_3053 = arith.select %eq3A_3050, %broadcast_in_dim3A_3052, %select_n3A_3038 : vector<16xi1>, vector<16xi32>
    %eq3A_3054 = arith.constant 9 : i32
    %eq3A_3055 = vector.broadcast %eq3A_3054 : i32 to vector<16xi32>
    %eq3A_3056 = arith.cmpi eq, %iota3A, %eq3A_3055 : vector<16xi32>
    %jit3A_3057 = arith.constant 0 : i32
    %broadcast_in_dim3A_3058 = vector.broadcast %jit3A_3057 : i32 to vector<16xi32>
    %select_n3A_3059 = arith.select %eq3A_3056, %scan3A_7#1, %broadcast_in_dim3A_3058 : vector<16xi1>, vector<16xi32>
    %reduce_sum3A_3060 = arith.constant true
    %reduce_sum3A_3061 = vector.broadcast %reduce_sum3A_3060 : i1 to vector<16xi1>
    %reduce_sum3A_3062 = tpu.scan <sum>, %select_n3A_3059 masked %reduce_sum3A_3061 : vector<16xi32>, vector<16xi1> -> vector<16xi32>
    %reduce_sum3A_3063 = vector.extract %reduce_sum3A_3062[15] : i32 from vector<16xi32>
    %eq3A_3064 = vector.broadcast %reduce_sum3A_3063 : i32 to vector<16xi32>
    %eq3A_3065 = arith.cmpi eq, %select_n3A_2895, %eq3A_3064 : vector<16xi32>
    %jit3A_3066 = arith.constant 9 : i32
    %broadcast_in_dim3A_3067 = vector.broadcast %jit3A_3066 : i32 to vector<16xi32>
    %select_n3A_3068 = arith.select %eq3A_3065, %broadcast_in_dim3A_3067, %select_n3A_3053 : vector<16xi1>, vector<16xi32>
    %eq3A_3069 = arith.constant 10 : i32
    %eq3A_3070 = vector.broadcast %eq3A_3069 : i32 to vector<16xi32>
    %eq3A_3071 = arith.cmpi eq, %iota3A, %eq3A_3070 : vector<16xi32>
    %jit3A_3072 = arith.constant 0 : i32
    %broadcast_in_dim3A_3073 = vector.broadcast %jit3A_3072 : i32 to vector<16xi32>
    %select_n3A_3074 = arith.select %eq3A_3071, %scan3A_7#1, %broadcast_in_dim3A_3073 : vector<16xi1>, vector<16xi32>
    %reduce_sum3A_3075 = arith.constant true
    %reduce_sum3A_3076 = vector.broadcast %reduce_sum3A_3075 : i1 to vector<16xi1>
    %reduce_sum3A_3077 = tpu.scan <sum>, %select_n3A_3074 masked %reduce_sum3A_3076 : vector<16xi32>, vector<16xi1> -> vector<16xi32>
    %reduce_sum3A_3078 = vector.extract %reduce_sum3A_3077[15] : i32 from vector<16xi32>
    %eq3A_3079 = vector.broadcast %reduce_sum3A_3078 : i32 to vector<16xi32>
    %eq3A_3080 = arith.cmpi eq, %select_n3A_2895, %eq3A_3079 : vector<16xi32>
    %jit3A_3081 = arith.constant 10 : i32
    %broadcast_in_dim3A_3082 = vector.broadcast %jit3A_3081 : i32 to vector<16xi32>
    %select_n3A_3083 = arith.select %eq3A_3080, %broadcast_in_dim3A_3082, %select_n3A_3068 : vector<16xi1>, vector<16xi32>
    %eq3A_3084 = arith.constant 11 : i32
    %eq3A_3085 = vector.broadcast %eq3A_3084 : i32 to vector<16xi32>
    %eq3A_3086 = arith.cmpi eq, %iota3A, %eq3A_3085 : vector<16xi32>
    %jit3A_3087 = arith.constant 0 : i32
    %broadcast_in_dim3A_3088 = vector.broadcast %jit3A_3087 : i32 to vector<16xi32>
    %select_n3A_3089 = arith.select %eq3A_3086, %scan3A_7#1, %broadcast_in_dim3A_3088 : vector<16xi1>, vector<16xi32>
    %reduce_sum3A_3090 = arith.constant true
    %reduce_sum3A_3091 = vector.broadcast %reduce_sum3A_3090 : i1 to vector<16xi1>
    %reduce_sum3A_3092 = tpu.scan <sum>, %select_n3A_3089 masked %reduce_sum3A_3091 : vector<16xi32>, vector<16xi1> -> vector<16xi32>
    %reduce_sum3A_3093 = vector.extract %reduce_sum3A_3092[15] : i32 from vector<16xi32>
    %eq3A_3094 = vector.broadcast %reduce_sum3A_3093 : i32 to vector<16xi32>
    %eq3A_3095 = arith.cmpi eq, %select_n3A_2895, %eq3A_3094 : vector<16xi32>
    %jit3A_3096 = arith.constant 11 : i32
    %broadcast_in_dim3A_3097 = vector.broadcast %jit3A_3096 : i32 to vector<16xi32>
    %select_n3A_3098 = arith.select %eq3A_3095, %broadcast_in_dim3A_3097, %select_n3A_3083 : vector<16xi1>, vector<16xi32>
    %eq3A_3099 = arith.constant 12 : i32
    %eq3A_3100 = vector.broadcast %eq3A_3099 : i32 to vector<16xi32>
    %eq3A_3101 = arith.cmpi eq, %iota3A, %eq3A_3100 : vector<16xi32>
    %jit3A_3102 = arith.constant 0 : i32
    %broadcast_in_dim3A_3103 = vector.broadcast %jit3A_3102 : i32 to vector<16xi32>
    %select_n3A_3104 = arith.select %eq3A_3101, %scan3A_7#1, %broadcast_in_dim3A_3103 : vector<16xi1>, vector<16xi32>
    %reduce_sum3A_3105 = arith.constant true
    %reduce_sum3A_3106 = vector.broadcast %reduce_sum3A_3105 : i1 to vector<16xi1>
    %reduce_sum3A_3107 = tpu.scan <sum>, %select_n3A_3104 masked %reduce_sum3A_3106 : vector<16xi32>, vector<16xi1> -> vector<16xi32>
    %reduce_sum3A_3108 = vector.extract %reduce_sum3A_3107[15] : i32 from vector<16xi32>
    %eq3A_3109 = vector.broadcast %reduce_sum3A_3108 : i32 to vector<16xi32>
    %eq3A_3110 = arith.cmpi eq, %select_n3A_2895, %eq3A_3109 : vector<16xi32>
    %jit3A_3111 = arith.constant 12 : i32
    %broadcast_in_dim3A_3112 = vector.broadcast %jit3A_3111 : i32 to vector<16xi32>
    %select_n3A_3113 = arith.select %eq3A_3110, %broadcast_in_dim3A_3112, %select_n3A_3098 : vector<16xi1>, vector<16xi32>
    %eq3A_3114 = arith.constant 13 : i32
    %eq3A_3115 = vector.broadcast %eq3A_3114 : i32 to vector<16xi32>
    %eq3A_3116 = arith.cmpi eq, %iota3A, %eq3A_3115 : vector<16xi32>
    %jit3A_3117 = arith.constant 0 : i32
    %broadcast_in_dim3A_3118 = vector.broadcast %jit3A_3117 : i32 to vector<16xi32>
    %select_n3A_3119 = arith.select %eq3A_3116, %scan3A_7#1, %broadcast_in_dim3A_3118 : vector<16xi1>, vector<16xi32>
    %reduce_sum3A_3120 = arith.constant true
    %reduce_sum3A_3121 = vector.broadcast %reduce_sum3A_3120 : i1 to vector<16xi1>
    %reduce_sum3A_3122 = tpu.scan <sum>, %select_n3A_3119 masked %reduce_sum3A_3121 : vector<16xi32>, vector<16xi1> -> vector<16xi32>
    %reduce_sum3A_3123 = vector.extract %reduce_sum3A_3122[15] : i32 from vector<16xi32>
    %eq3A_3124 = vector.broadcast %reduce_sum3A_3123 : i32 to vector<16xi32>
    %eq3A_3125 = arith.cmpi eq, %select_n3A_2895, %eq3A_3124 : vector<16xi32>
    %jit3A_3126 = arith.constant 13 : i32
    %broadcast_in_dim3A_3127 = vector.broadcast %jit3A_3126 : i32 to vector<16xi32>
    %select_n3A_3128 = arith.select %eq3A_3125, %broadcast_in_dim3A_3127, %select_n3A_3113 : vector<16xi1>, vector<16xi32>
    %eq3A_3129 = arith.constant 14 : i32
    %eq3A_3130 = vector.broadcast %eq3A_3129 : i32 to vector<16xi32>
    %eq3A_3131 = arith.cmpi eq, %iota3A, %eq3A_3130 : vector<16xi32>
    %jit3A_3132 = arith.constant 0 : i32
    %broadcast_in_dim3A_3133 = vector.broadcast %jit3A_3132 : i32 to vector<16xi32>
    %select_n3A_3134 = arith.select %eq3A_3131, %scan3A_7#1, %broadcast_in_dim3A_3133 : vector<16xi1>, vector<16xi32>
    %reduce_sum3A_3135 = arith.constant true
    %reduce_sum3A_3136 = vector.broadcast %reduce_sum3A_3135 : i1 to vector<16xi1>
    %reduce_sum3A_3137 = tpu.scan <sum>, %select_n3A_3134 masked %reduce_sum3A_3136 : vector<16xi32>, vector<16xi1> -> vector<16xi32>
    %reduce_sum3A_3138 = vector.extract %reduce_sum3A_3137[15] : i32 from vector<16xi32>
    %eq3A_3139 = vector.broadcast %reduce_sum3A_3138 : i32 to vector<16xi32>
    %eq3A_3140 = arith.cmpi eq, %select_n3A_2895, %eq3A_3139 : vector<16xi32>
    %jit3A_3141 = arith.constant 14 : i32
    %broadcast_in_dim3A_3142 = vector.broadcast %jit3A_3141 : i32 to vector<16xi32>
    %select_n3A_3143 = arith.select %eq3A_3140, %broadcast_in_dim3A_3142, %select_n3A_3128 : vector<16xi1>, vector<16xi32>
    %eq3A_3144 = arith.constant 15 : i32
    %eq3A_3145 = vector.broadcast %eq3A_3144 : i32 to vector<16xi32>
    %eq3A_3146 = arith.cmpi eq, %iota3A, %eq3A_3145 : vector<16xi32>
    %jit3A_3147 = arith.constant 0 : i32
    %broadcast_in_dim3A_3148 = vector.broadcast %jit3A_3147 : i32 to vector<16xi32>
    %select_n3A_3149 = arith.select %eq3A_3146, %scan3A_7#1, %broadcast_in_dim3A_3148 : vector<16xi1>, vector<16xi32>
    %reduce_sum3A_3150 = arith.constant true
    %reduce_sum3A_3151 = vector.broadcast %reduce_sum3A_3150 : i1 to vector<16xi1>
    %reduce_sum3A_3152 = tpu.scan <sum>, %select_n3A_3149 masked %reduce_sum3A_3151 : vector<16xi32>, vector<16xi1> -> vector<16xi32>
    %reduce_sum3A_3153 = vector.extract %reduce_sum3A_3152[15] : i32 from vector<16xi32>
    %eq3A_3154 = vector.broadcast %reduce_sum3A_3153 : i32 to vector<16xi32>
    %eq3A_3155 = arith.cmpi eq, %select_n3A_2895, %eq3A_3154 : vector<16xi32>
    %jit3A_3156 = arith.constant 15 : i32
    %broadcast_in_dim3A_3157 = vector.broadcast %jit3A_3156 : i32 to vector<16xi32>
    %select_n3A_3158 = arith.select %eq3A_3155, %broadcast_in_dim3A_3157, %select_n3A_3143 : vector<16xi1>, vector<16xi32>
    %gather3A = tpu.vector_load_idx %arg8[%select_n3A_3158, %select_n3A_2916] : memref<16x128xf32, #tpu.memory_space<vmem>>[vector<16xi32>, vector<16xi32>], vector<16xf32>,
    %reduce_max3A = arith.constant true
    %reduce_max3A_3159 = vector.broadcast %reduce_max3A : i1 to vector<16xi1>
    %reduce_max3A_3160 = tpu.scan <max>, %gather3A masked %reduce_max3A_3159 : vector<16xf32>, vector<16xi1> -> vector<16xf32>
    %reduce_max3A_3161 = vector.extract %reduce_max3A_3160[15] : f32 from vector<16xf32>
    %ge3A = vector.broadcast %reduce_max3A_3161 : f32 to vector<16xf32>
    %ge3A_3162 = arith.cmpf oge, %gather3A, %ge3A : vector<16xf32>
    %convert_element_type3A = arith.extui %ge3A_3162 : vector<16xi1> to vector<16xi32>
    %cumsum3A = arith.constant true
    %cumsum3A_3163 = vector.broadcast %cumsum3A : i1 to vector<16xi1>
    %cumsum3A_3164 = tpu.scan <sum>, %convert_element_type3A masked %cumsum3A_3163 : vector<16xi32>, vector<16xi1> -> vector<16xi32>
    %eq3A_3165 = arith.constant 1 : i32
    %eq3A_3166 = vector.broadcast %eq3A_3165 : i32 to vector<16xi32>
    %eq3A_3167 = arith.cmpi eq, %cumsum3A_3164, %eq3A_3166 : vector<16xi32>
    %ge3A_3168 = vector.broadcast %reduce_max3A_3161 : f32 to vector<16xf32>
    %ge3A_3169 = arith.cmpf oge, %gather3A, %ge3A_3168 : vector<16xf32>
    %and3A_3170 = arith.andi %eq3A_3167, %ge3A_3169 : vector<16xi1>
    %jit3A_3171 = arith.constant 0 : i32
    %broadcast_in_dim3A_3172 = vector.broadcast %jit3A_3171 : i32 to vector<16xi32>
    %select_n3A_3173 = arith.select %and3A_3170, %masked_sort3A_2870, %broadcast_in_dim3A_3172 : vector<16xi1>, vector<16xi32>
    %reduce_sum3A_3174 = arith.constant true
    %reduce_sum3A_3175 = vector.broadcast %reduce_sum3A_3174 : i1 to vector<16xi1>
    %reduce_sum3A_3176 = tpu.scan <sum>, %select_n3A_3173 masked %reduce_sum3A_3175 : vector<16xi32>, vector<16xi1> -> vector<16xi32>
    %reduce_sum3A_3177 = vector.extract %reduce_sum3A_3176[15] : i32 from vector<16xi32>
    %broadcast_in_dim3A_3178 = arith.constant 0 : i32
    %broadcast_in_dim3A_3179 = vector.broadcast %broadcast_in_dim3A_3178 : i32 to vector<16xi32>
    %add3A_3180 = vector.broadcast %reduce_sum3A_3177 : i32 to vector<16xi32>
    %add3A_3181 = arith.addi %broadcast_in_dim3A_3179, %add3A_3180 : vector<16xi32>
    %swap3A_3182 = arith.constant 0 : index
    %swap3A_3183 = tpu.vector_load %arg11[%swap3A_3182] {strides = array<i32>} : memref<16xi32, #tpu.memory_space<vmem>>, vector<16xi32>,
    tpu.vector_store %arg11[%swap3A_3182], %add3A_3181 {strides = array<i32>} : memref<16xi32, #tpu.memory_space<vmem>>, vector<16xi32>,
    "tpu.region"() ({
      %run_scoped3A = tpu.sem_alloc : memref<!tpu.dma_semaphore, #tpu.memory_space<semaphore_mem>>
      %dma_start3A_3184 = arith.constant 0 : i32
      %dma_start3A_3185 = tpu.memref_slice %arg5[%add3A, %dma_start3A_3184] : memref<32x16xi32, #tpu.memory_space<hbm>> -> memref<1x16xi32, #tpu.memory_space<hbm>>
      %dma_start3A_3186 = tpu.memref_squeeze %dma_start3A_3185 : memref<1x16xi32, #tpu.memory_space<hbm>> -> memref<16xi32, #tpu.memory_space<hbm>>
      %dma_start3A_3187 = arith.constant 0 : i32
      %dma_start3A_3188 = tpu.memref_slice %arg5[%add3A, %dma_start3A_3187] : memref<32x16xi32, #tpu.memory_space<hbm>> -> memref<1x16xi32, #tpu.memory_space<hbm>>
      %dma_start3A_3189 = tpu.memref_squeeze %dma_start3A_3188 : memref<1x16xi32, #tpu.memory_space<hbm>> -> memref<16xi32, #tpu.memory_space<hbm>>
      tpu.enqueue_dma source(%arg11 : memref<16xi32, #tpu.memory_space<vmem>>) target(%dma_start3A_3189 : memref<16xi32, #tpu.memory_space<hbm>>) target_semaphore(%run_scoped3A : memref<!tpu.dma_semaphore, #tpu.memory_space<semaphore_mem>>)
      %dma_wait3A_3190 = arith.constant 0 : i32
      %dma_wait3A_3191 = tpu.memref_slice %arg5[%add3A, %dma_wait3A_3190] : memref<32x16xi32, #tpu.memory_space<hbm>> -> memref<1x16xi32, #tpu.memory_space<hbm>>
      %dma_wait3A_3192 = tpu.memref_squeeze %dma_wait3A_3191 : memref<1x16xi32, #tpu.memory_space<hbm>> -> memref<16xi32, #tpu.memory_space<hbm>>
      %dma_wait3A_3193 = arith.constant 0 : i32
      %dma_wait3A_3194 = tpu.memref_slice %arg5[%add3A, %dma_wait3A_3193] : memref<32x16xi32, #tpu.memory_space<hbm>> -> memref<1x16xi32, #tpu.memory_space<hbm>>
      %dma_wait3A_3195 = tpu.memref_squeeze %dma_wait3A_3194 : memref<1x16xi32, #tpu.memory_space<hbm>> -> memref<16xi32, #tpu.memory_space<hbm>>
      tpu.wait_dma2 semaphore(%run_scoped3A : memref<!tpu.dma_semaphore, #tpu.memory_space<semaphore_mem>>) src(%arg11 : memref<16xi32, #tpu.memory_space<vmem>>) dst(%dma_wait3A_3195 : memref<16xi32, #tpu.memory_space<hbm>>)
      tpu.yield
    }) : () -> ()
    return
  }
}

module attributes {stable_mosaic.version = 14 : i64} {
  func.func @_score_body(%arg0: i32, %arg1: memref<32x64xf32, #tpu.memory_space<vmem>>, %arg2: memref<64x16384xf32, #tpu.memory_space<vmem>>, %arg3: memref<16x16384xf32, #tpu.memory_space<vmem>>, %arg4: memref<32x128x128xf32, #tpu.memory_space<vmem>>, %arg5: memref<32x128xf32, #tpu.memory_space<vmem>>, %arg6: memref<128x128xf32, #tpu.memory_space<vmem>>) attributes {dimension_semantics = [#tpu.dimension_semantics<arbitrary>], iteration_bounds = array<i64: 62>, scalar_prefetch = 0 : i64, scratch_operands = 0 : i64, tpu.core_type = #tpu.core_type<tc>, window_params = [{pipeline_mode = #tpu.pipeline_mode<synchronous>, transform_indices = @transform_0, window_bounds = array<i64: 32, 64>}, {transform_indices = @transform_1, window_bounds = array<i64: 64, 16384>}, {transform_indices = @transform_2, window_bounds = array<i64: 16, 16384>}, {transform_indices = @transform_3, window_bounds = array<i64: 32, 128, 128>}, {transform_indices = @transform_4, window_bounds = array<i64: 32, 128>}, {transform_indices = @transform_5, window_bounds = array<i64: 128, 128>}]} {
    %get3A = arith.constant 0 : index
    %get3A_0 = arith.constant 0 : index
    %get3A_1 = vector.load %arg2[%get3A, %get3A_0] : memref<64x16384xf32, #tpu.memory_space<vmem>>, vector<64x16384xf32>
    %mul3A = arith.mulf %get3A_1, %get3A_1 : vector<64x16384xf32>
    %reduce_sum3A = arith.constant dense<0.000000e+00> : vector<16384xf32>
    %reduce_sum3A_2 = vector.multi_reduction <add>, %mul3A, %reduce_sum3A [0] : vector<64x16384xf32> to vector<16384xf32>
    %sqrt3A = math.sqrt %reduce_sum3A_2 : vector<16384xf32>
    %max3A = arith.constant 9.99999996E-13 : f32
    %max3A_3 = vector.broadcast %max3A : f32 to vector<16384xf32>
    %max3A_4 = arith.maximumf %sqrt3A, %max3A_3 : vector<16384xf32>
    %broadcast_in_dim3A = vector.shape_cast %max3A_4 : vector<16384xf32> to vector<1x16384xf32>
    %div3A = vector.broadcast %broadcast_in_dim3A : vector<1x16384xf32> to vector<64x16384xf32>
    %div3A_5 = arith.divf %get3A_1, %div3A : vector<64x16384xf32>
    %mul3A_6 = arith.mulf %div3A_5, %div3A_5 : vector<64x16384xf32>
    %reduce_sum3A_7 = arith.constant dense<0.000000e+00> : vector<16384xf32>
    %reduce_sum3A_8 = vector.multi_reduction <add>, %mul3A_6, %reduce_sum3A_7 [0] : vector<64x16384xf32> to vector<16384xf32>
    %get3A_9 = arith.constant 0 : index
    %get3A_10 = arith.constant 0 : index
    %get3A_11 = vector.load %arg1[%get3A_9, %get3A_10] : memref<32x64xf32, #tpu.memory_space<vmem>>, vector<32x64xf32>
    %convert_element_type3A = arith.truncf %get3A_11 : vector<32x64xf32> to vector<32x64xbf16>
    %convert_element_type3A_12 = arith.truncf %div3A_5 : vector<64x16384xf32> to vector<64x16384xbf16>
    %dot_general3A = arith.constant dense<0.000000e+00> : vector<32x16384xf32>
    %dot_general3A_13 = tpu.matmul %convert_element_type3A, %convert_element_type3A_12, %dot_general3A {dimension_numbers = #tpu.dot_dimension_numbers<[1], [0], [0], [1], [0, 0, 1, 1], [], []>, transpose_lhs_hint = false} : vector<32x64xbf16>, vector<64x16384xbf16>, vector<32x16384xf32> -> vector<32x16384xf32>
    %mul3A_14 = arith.constant 2.000000e+00 : f32
    %mul3A_15 = vector.broadcast %mul3A_14 : f32 to vector<32x16384xf32>
    %mul3A_16 = arith.mulf %mul3A_15, %dot_general3A_13 : vector<32x16384xf32>
    %broadcast_in_dim3A_17 = vector.shape_cast %reduce_sum3A_8 : vector<16384xf32> to vector<1x16384xf32>
    %sub3A = vector.broadcast %broadcast_in_dim3A_17 : vector<1x16384xf32> to vector<32x16384xf32>
    %sub3A_18 = arith.subf %mul3A_16, %sub3A : vector<32x16384xf32>
    %mul3A_19 = arith.constant 16384 : i32
    %mul3A_20 = arith.muli %arg0, %mul3A_19 : i32
    %iota3A = tpu.iota {dimensions = array<i32: 1>} : vector<32x16384xi32>
    %add3A = vector.broadcast %mul3A_20 : i32 to vector<32x16384xi32>
    %add3A_21 = arith.addi %add3A, %iota3A : vector<32x16384xi32>
    %lt3A = arith.constant 1000000 : i32
    %lt3A_22 = vector.broadcast %lt3A : i32 to vector<32x16384xi32>
    %lt3A_23 = arith.cmpi slt, %add3A_21, %lt3A_22 : vector<32x16384xi32>
    %jit3A = arith.constant 0xFF800000 : f32
    %broadcast_in_dim3A_24 = vector.broadcast %jit3A : f32 to vector<32x16384xf32>
    %select_n3A = arith.select %lt3A_23, %sub3A_18, %broadcast_in_dim3A_24 : vector<32x16384xi1>, vector<32x16384xf32>
    %reshape3A = vector.shape_cast %select_n3A : vector<32x16384xf32> to vector<32x128x128xf32>
    %swap3A = arith.constant 0 : index
    %swap3A_25 = arith.constant 0 : index
    %swap3A_26 = arith.constant 0 : index
    %swap3A_27 = vector.load %arg4[%swap3A, %swap3A_25, %swap3A_26] : memref<32x128x128xf32, #tpu.memory_space<vmem>>, vector<32x128x128xf32>
    tpu.vector_store %arg4[%swap3A, %swap3A_25, %swap3A_26], %reshape3A {strides = array<i32>} : memref<32x128x128xf32, #tpu.memory_space<vmem>>, vector<32x128x128xf32>,
    %reduce_max3A = arith.constant dense<0xFF800000> : vector<32x128xf32>
    %reduce_max3A_28 = vector.multi_reduction <maximumf>, %reshape3A, %reduce_max3A [2] : vector<32x128x128xf32> to vector<32x128xf32>
    %swap3A_29 = arith.constant 0 : index
    %swap3A_30 = arith.constant 0 : index
    %swap3A_31 = vector.load %arg5[%swap3A_29, %swap3A_30] : memref<32x128xf32, #tpu.memory_space<vmem>>, vector<32x128xf32>
    tpu.vector_store %arg5[%swap3A_29, %swap3A_30], %reduce_max3A_28 {strides = array<i32>} : memref<32x128xf32, #tpu.memory_space<vmem>>, vector<32x128xf32>,
    %get3A_32 = arith.constant 0 : index
    %get3A_33 = arith.constant 0 : index
    %get3A_34 = vector.load %arg3[%get3A_32, %get3A_33] : memref<16x16384xf32, #tpu.memory_space<vmem>>, vector<16x16384xf32>
    %reduce_sum3A_35 = arith.constant dense<0.000000e+00> : vector<16384xf32>
    %reduce_sum3A_36 = vector.multi_reduction <add>, %get3A_34, %reduce_sum3A_35 [0] : vector<16x16384xf32> to vector<16384xf32>
    %reshape3A_37 = vector.shape_cast %reduce_sum3A_36 : vector<16384xf32> to vector<128x128xf32>
    %swap3A_38 = arith.constant 0 : index
    %swap3A_39 = arith.constant 0 : index
    %swap3A_40 = vector.load %arg6[%swap3A_38, %swap3A_39] : memref<128x128xf32, #tpu.memory_space<vmem>>, vector<128x128xf32>
    tpu.vector_store %arg6[%swap3A_38, %swap3A_39], %reshape3A_37 {strides = array<i32>} : memref<128x128xf32, #tpu.memory_space<vmem>>, vector<128x128xf32>,
    return
  }
  func.func @transform_0(%arg0: i32) -> (i32, i32) {
    %c0_i32 = arith.constant 0 : i32
    %c0_i32_0 = arith.constant 0 : i32
    %c0_i32_1 = arith.constant 0 : i32
    return %c0_i32, %c0_i32_0 : i32, i32
  }
  func.func @transform_1(%arg0: i32) -> (i32, i32) {
    %c0_i32 = arith.constant 0 : i32
    %c0_i32_0 = arith.constant 0 : i32
    return %c0_i32, %arg0 : i32, i32
  }
  func.func @transform_2(%arg0: i32) -> (i32, i32) {
    %c5_i32 = arith.constant 5 : i32
    %c0_i32 = arith.constant 0 : i32
    return %c5_i32, %arg0 : i32, i32
  }
  func.func @transform_3(%arg0: i32) -> (i32, i32, i32) {
    %c0_i32 = arith.constant 0 : i32
    %c0_i32_0 = arith.constant 0 : i32
    %c0_i32_1 = arith.constant 0 : i32
    return %c0_i32, %arg0, %c0_i32_0 : i32, i32, i32
  }
  func.func @transform_4(%arg0: i32) -> (i32, i32) {
    %c0_i32 = arith.constant 0 : i32
    %c0_i32_0 = arith.constant 0 : i32
    return %c0_i32, %arg0 : i32, i32
  }
  func.func @transform_5(%arg0: i32) -> (i32, i32) {
    %c0_i32 = arith.constant 0 : i32
    %c0_i32_0 = arith.constant 0 : i32
    return %arg0, %c0_i32 : i32, i32
  }
}

module attributes {stable_mosaic.version = 14 : i64} {
  func.func @_finish_body(%arg0: i32, %arg1: memref<32x16xi32, #tpu.memory_space<smem>>, %arg2: memref<16x1000000xf32, #tpu.memory_space<any>>, %arg3: memref<32x16xi32, #tpu.memory_space<vmem>>, %arg4: memref<32x64xf32, #tpu.memory_space<vmem>>, %arg5: memref<64x64xf32, #tpu.memory_space<vmem>>, %arg6: memref<1x64xf32, #tpu.memory_space<vmem>>, %arg7: memref<64x64xf32, #tpu.memory_space<vmem>>, %arg8: memref<64x16xf32, #tpu.memory_space<vmem>>, %arg9: memref<1x64xf32, #tpu.memory_space<vmem>>, %arg10: memref<32x64xf32, #tpu.memory_space<vmem>>, %arg11: memref<32x16x128xf32, #tpu.memory_space<vmem>>, %arg12: memref<!tpu.dma_semaphore, #tpu.memory_space<semaphore_mem>>) attributes {dimension_semantics = [#tpu.dimension_semantics<arbitrary>], iteration_bounds = array<i64: 1>, scalar_prefetch = 1 : i64, scratch_operands = 2 : i64, tpu.core_type = #tpu.core_type<tc>, window_params = [{}, {pipeline_mode = #tpu.pipeline_mode<synchronous>, transform_indices = @transform_1, window_bounds = array<i64: 32, 16>}, {pipeline_mode = #tpu.pipeline_mode<synchronous>, transform_indices = @transform_2, window_bounds = array<i64: 32, 64>}, {pipeline_mode = #tpu.pipeline_mode<synchronous>, transform_indices = @transform_3, window_bounds = array<i64: 64, 64>}, {pipeline_mode = #tpu.pipeline_mode<synchronous>, transform_indices = @transform_4, window_bounds = array<i64: 1, 64>}, {pipeline_mode = #tpu.pipeline_mode<synchronous>, transform_indices = @transform_5, window_bounds = array<i64: 64, 64>}, {pipeline_mode = #tpu.pipeline_mode<synchronous>, transform_indices = @transform_6, window_bounds = array<i64: 64, 16>}, {pipeline_mode = #tpu.pipeline_mode<synchronous>, transform_indices = @transform_7, window_bounds = array<i64: 1, 64>}, {pipeline_mode = #tpu.pipeline_mode<synchronous>, transform_indices = @transform_8, window_bounds = array<i64: 32, 64>}]} {
    %get3A = arith.constant 0 : index
    %get3A_0 = arith.constant 0 : index
    %get3A_1 = memref.load %arg1[%get3A, %get3A_0] : memref<32x16xi32, #tpu.memory_space<smem>>
    %jit3A = arith.constant 128 : i32
    %div3A = arith.divsi %get3A_1, %jit3A : i32
    %sign3A = arith.constant 0 : i32
    %sign3A_2 = arith.cmpi sgt, %get3A_1, %sign3A : i32
    %sign3A_3 = arith.extui %sign3A_2 : i1 to i32
    %sign3A_4 = arith.constant 0 : i32
    %sign3A_5 = arith.cmpi slt, %get3A_1, %sign3A_4 : i32
    %sign3A_6 = arith.extui %sign3A_5 : i1 to i32
    %sign3A_7 = arith.subi %sign3A_3, %sign3A_6 : i32
    %sign3A_8 = arith.constant 0 : i32
    %sign3A_9 = arith.cmpi sgt, %jit3A, %sign3A_8 : i32
    %sign3A_10 = arith.extui %sign3A_9 : i1 to i32
    %sign3A_11 = arith.constant 0 : i32
    %sign3A_12 = arith.cmpi slt, %jit3A, %sign3A_11 : i32
    %sign3A_13 = arith.extui %sign3A_12 : i1 to i32
    %sign3A_14 = arith.subi %sign3A_10, %sign3A_13 : i32
    %ne3A = arith.cmpi ne, %sign3A_7, %sign3A_14 : i32
    %rem3A = arith.remsi %get3A_1, %jit3A : i32
    %ne3A_15 = arith.constant 0 : i32
    %ne3A_16 = arith.cmpi ne, %rem3A, %ne3A_15 : i32
    %and3A = arith.andi %ne3A, %ne3A_16 : i1
    %sub3A = arith.constant 1 : i32
    %sub3A_17 = arith.subi %div3A, %sub3A : i32
    %select_n3A = arith.select %and3A, %sub3A_17, %div3A : i32
    %mul3A = arith.constant 128 : i32
    %mul3A_18 = arith.muli %select_n3A, %mul3A : i32
    %dma_start3A = arith.constant 0 : i32
    %dma_start3A_19 = arith.constant 0 : i32
    %dma_start3A_20 = arith.constant 0 : i32
    %dma_start3A_21 = tpu.memref_slice %arg11[%dma_start3A, %dma_start3A_19, %dma_start3A_20] : memref<32x16x128xf32, #tpu.memory_space<vmem>> -> memref<1x16x128xf32, #tpu.memory_space<vmem>>
    %dma_start3A_22 = tpu.memref_squeeze %dma_start3A_21 : memref<1x16x128xf32, #tpu.memory_space<vmem>> -> memref<16x128xf32, #tpu.memory_space<vmem>>
    %dma_start3A_23 = arith.constant 0 : i32
    %dma_start3A_24 = tpu.memref_slice %arg2[%dma_start3A_23, %mul3A_18] : memref<16x1000000xf32, #tpu.memory_space<any>> -> memref<16x128xf32, #tpu.memory_space<any>>
    tpu.enqueue_dma source(%dma_start3A_24 : memref<16x128xf32, #tpu.memory_space<any>>) target(%dma_start3A_22 : memref<16x128xf32, #tpu.memory_space<vmem>>) target_semaphore(%arg12 : memref<!tpu.dma_semaphore, #tpu.memory_space<semaphore_mem>>)
    %get3A_25 = arith.constant 1 : index
    %get3A_26 = arith.constant 0 : index
    %get3A_27 = memref.load %arg1[%get3A_25, %get3A_26] : memref<32x16xi32, #tpu.memory_space<smem>>
    %jit3A_28 = arith.constant 128 : i32
    %div3A_29 = arith.divsi %get3A_27, %jit3A_28 : i32
    %sign3A_30 = arith.constant 0 : i32
    %sign3A_31 = arith.cmpi sgt, %get3A_27, %sign3A_30 : i32
    %sign3A_32 = arith.extui %sign3A_31 : i1 to i32
    %sign3A_33 = arith.constant 0 : i32
    %sign3A_34 = arith.cmpi slt, %get3A_27, %sign3A_33 : i32
    %sign3A_35 = arith.extui %sign3A_34 : i1 to i32
    %sign3A_36 = arith.subi %sign3A_32, %sign3A_35 : i32
    %sign3A_37 = arith.constant 0 : i32
    %sign3A_38 = arith.cmpi sgt, %jit3A_28, %sign3A_37 : i32
    %sign3A_39 = arith.extui %sign3A_38 : i1 to i32
    %sign3A_40 = arith.constant 0 : i32
    %sign3A_41 = arith.cmpi slt, %jit3A_28, %sign3A_40 : i32
    %sign3A_42 = arith.extui %sign3A_41 : i1 to i32
    %sign3A_43 = arith.subi %sign3A_39, %sign3A_42 : i32
    %ne3A_44 = arith.cmpi ne, %sign3A_36, %sign3A_43 : i32
    %rem3A_45 = arith.remsi %get3A_27, %jit3A_28 : i32
    %ne3A_46 = arith.constant 0 : i32
    %ne3A_47 = arith.cmpi ne, %rem3A_45, %ne3A_46 : i32
    %and3A_48 = arith.andi %ne3A_44, %ne3A_47 : i1
    %sub3A_49 = arith.constant 1 : i32
    %sub3A_50 = arith.subi %div3A_29, %sub3A_49 : i32
    %select_n3A_51 = arith.select %and3A_48, %sub3A_50, %div3A_29 : i32
    %mul3A_52 = arith.constant 128 : i32
    %mul3A_53 = arith.muli %select_n3A_51, %mul3A_52 : i32
    %dma_start3A_54 = arith.constant 1 : i32
    %dma_start3A_55 = arith.constant 0 : i32
    %dma_start3A_56 = arith.constant 0 : i32
    %dma_start3A_57 = tpu.memref_slice %arg11[%dma_start3A_54, %dma_start3A_55, %dma_start3A_56] : memref<32x16x128xf32, #tpu.memory_space<vmem>> -> memref<1x16x128xf32, #tpu.memory_space<vmem>>
    %dma_start3A_58 = tpu.memref_squeeze %dma_start3A_57 : memref<1x16x128xf32, #tpu.memory_space<vmem>> -> memref<16x128xf32, #tpu.memory_space<vmem>>
    %dma_start3A_59 = arith.constant 0 : i32
    %dma_start3A_60 = tpu.memref_slice %arg2[%dma_start3A_59, %mul3A_53] : memref<16x1000000xf32, #tpu.memory_space<any>> -> memref<16x128xf32, #tpu.memory_space<any>>
    tpu.enqueue_dma source(%dma_start3A_60 : memref<16x128xf32, #tpu.memory_space<any>>) target(%dma_start3A_58 : memref<16x128xf32, #tpu.memory_space<vmem>>) target_semaphore(%arg12 : memref<!tpu.dma_semaphore, #tpu.memory_space<semaphore_mem>>)
    %get3A_61 = arith.constant 2 : index
    %get3A_62 = arith.constant 0 : index
    %get3A_63 = memref.load %arg1[%get3A_61, %get3A_62] : memref<32x16xi32, #tpu.memory_space<smem>>
    %jit3A_64 = arith.constant 128 : i32
    %div3A_65 = arith.divsi %get3A_63, %jit3A_64 : i32
    %sign3A_66 = arith.constant 0 : i32
    %sign3A_67 = arith.cmpi sgt, %get3A_63, %sign3A_66 : i32
    %sign3A_68 = arith.extui %sign3A_67 : i1 to i32
    %sign3A_69 = arith.constant 0 : i32
    %sign3A_70 = arith.cmpi slt, %get3A_63, %sign3A_69 : i32
    %sign3A_71 = arith.extui %sign3A_70 : i1 to i32
    %sign3A_72 = arith.subi %sign3A_68, %sign3A_71 : i32
    %sign3A_73 = arith.constant 0 : i32
    %sign3A_74 = arith.cmpi sgt, %jit3A_64, %sign3A_73 : i32
    %sign3A_75 = arith.extui %sign3A_74 : i1 to i32
    %sign3A_76 = arith.constant 0 : i32
    %sign3A_77 = arith.cmpi slt, %jit3A_64, %sign3A_76 : i32
    %sign3A_78 = arith.extui %sign3A_77 : i1 to i32
    %sign3A_79 = arith.subi %sign3A_75, %sign3A_78 : i32
    %ne3A_80 = arith.cmpi ne, %sign3A_72, %sign3A_79 : i32
    %rem3A_81 = arith.remsi %get3A_63, %jit3A_64 : i32
    %ne3A_82 = arith.constant 0 : i32
    %ne3A_83 = arith.cmpi ne, %rem3A_81, %ne3A_82 : i32
    %and3A_84 = arith.andi %ne3A_80, %ne3A_83 : i1
    %sub3A_85 = arith.constant 1 : i32
    %sub3A_86 = arith.subi %div3A_65, %sub3A_85 : i32
    %select_n3A_87 = arith.select %and3A_84, %sub3A_86, %div3A_65 : i32
    %mul3A_88 = arith.constant 128 : i32
    %mul3A_89 = arith.muli %select_n3A_87, %mul3A_88 : i32
    %dma_start3A_90 = arith.constant 2 : i32
    %dma_start3A_91 = arith.constant 0 : i32
    %dma_start3A_92 = arith.constant 0 : i32
    %dma_start3A_93 = tpu.memref_slice %arg11[%dma_start3A_90, %dma_start3A_91, %dma_start3A_92] : memref<32x16x128xf32, #tpu.memory_space<vmem>> -> memref<1x16x128xf32, #tpu.memory_space<vmem>>
    %dma_start3A_94 = tpu.memref_squeeze %dma_start3A_93 : memref<1x16x128xf32, #tpu.memory_space<vmem>> -> memref<16x128xf32, #tpu.memory_space<vmem>>
    %dma_start3A_95 = arith.constant 0 : i32
    %dma_start3A_96 = tpu.memref_slice %arg2[%dma_start3A_95, %mul3A_89] : memref<16x1000000xf32, #tpu.memory_space<any>> -> memref<16x128xf32, #tpu.memory_space<any>>
    tpu.enqueue_dma source(%dma_start3A_96 : memref<16x128xf32, #tpu.memory_space<any>>) target(%dma_start3A_94 : memref<16x128xf32, #tpu.memory_space<vmem>>) target_semaphore(%arg12 : memref<!tpu.dma_semaphore, #tpu.memory_space<semaphore_mem>>)
    %get3A_97 = arith.constant 3 : index
    %get3A_98 = arith.constant 0 : index
    %get3A_99 = memref.load %arg1[%get3A_97, %get3A_98] : memref<32x16xi32, #tpu.memory_space<smem>>
    %jit3A_100 = arith.constant 128 : i32
    %div3A_101 = arith.divsi %get3A_99, %jit3A_100 : i32
    %sign3A_102 = arith.constant 0 : i32
    %sign3A_103 = arith.cmpi sgt, %get3A_99, %sign3A_102 : i32
    %sign3A_104 = arith.extui %sign3A_103 : i1 to i32
    %sign3A_105 = arith.constant 0 : i32
    %sign3A_106 = arith.cmpi slt, %get3A_99, %sign3A_105 : i32
    %sign3A_107 = arith.extui %sign3A_106 : i1 to i32
    %sign3A_108 = arith.subi %sign3A_104, %sign3A_107 : i32
    %sign3A_109 = arith.constant 0 : i32
    %sign3A_110 = arith.cmpi sgt, %jit3A_100, %sign3A_109 : i32
    %sign3A_111 = arith.extui %sign3A_110 : i1 to i32
    %sign3A_112 = arith.constant 0 : i32
    %sign3A_113 = arith.cmpi slt, %jit3A_100, %sign3A_112 : i32
    %sign3A_114 = arith.extui %sign3A_113 : i1 to i32
    %sign3A_115 = arith.subi %sign3A_111, %sign3A_114 : i32
    %ne3A_116 = arith.cmpi ne, %sign3A_108, %sign3A_115 : i32
    %rem3A_117 = arith.remsi %get3A_99, %jit3A_100 : i32
    %ne3A_118 = arith.constant 0 : i32
    %ne3A_119 = arith.cmpi ne, %rem3A_117, %ne3A_118 : i32
    %and3A_120 = arith.andi %ne3A_116, %ne3A_119 : i1
    %sub3A_121 = arith.constant 1 : i32
    %sub3A_122 = arith.subi %div3A_101, %sub3A_121 : i32
    %select_n3A_123 = arith.select %and3A_120, %sub3A_122, %div3A_101 : i32
    %mul3A_124 = arith.constant 128 : i32
    %mul3A_125 = arith.muli %select_n3A_123, %mul3A_124 : i32
    %dma_start3A_126 = arith.constant 3 : i32
    %dma_start3A_127 = arith.constant 0 : i32
    %dma_start3A_128 = arith.constant 0 : i32
    %dma_start3A_129 = tpu.memref_slice %arg11[%dma_start3A_126, %dma_start3A_127, %dma_start3A_128] : memref<32x16x128xf32, #tpu.memory_space<vmem>> -> memref<1x16x128xf32, #tpu.memory_space<vmem>>
    %dma_start3A_130 = tpu.memref_squeeze %dma_start3A_129 : memref<1x16x128xf32, #tpu.memory_space<vmem>> -> memref<16x128xf32, #tpu.memory_space<vmem>>
    %dma_start3A_131 = arith.constant 0 : i32
    %dma_start3A_132 = tpu.memref_slice %arg2[%dma_start3A_131, %mul3A_125] : memref<16x1000000xf32, #tpu.memory_space<any>> -> memref<16x128xf32, #tpu.memory_space<any>>
    tpu.enqueue_dma source(%dma_start3A_132 : memref<16x128xf32, #tpu.memory_space<any>>) target(%dma_start3A_130 : memref<16x128xf32, #tpu.memory_space<vmem>>) target_semaphore(%arg12 : memref<!tpu.dma_semaphore, #tpu.memory_space<semaphore_mem>>)
    %get3A_133 = arith.constant 4 : index
    %get3A_134 = arith.constant 0 : index
    %get3A_135 = memref.load %arg1[%get3A_133, %get3A_134] : memref<32x16xi32, #tpu.memory_space<smem>>
    %jit3A_136 = arith.constant 128 : i32
    %div3A_137 = arith.divsi %get3A_135, %jit3A_136 : i32
    %sign3A_138 = arith.constant 0 : i32
    %sign3A_139 = arith.cmpi sgt, %get3A_135, %sign3A_138 : i32
    %sign3A_140 = arith.extui %sign3A_139 : i1 to i32
    %sign3A_141 = arith.constant 0 : i32
    %sign3A_142 = arith.cmpi slt, %get3A_135, %sign3A_141 : i32
    %sign3A_143 = arith.extui %sign3A_142 : i1 to i32
    %sign3A_144 = arith.subi %sign3A_140, %sign3A_143 : i32
    %sign3A_145 = arith.constant 0 : i32
    %sign3A_146 = arith.cmpi sgt, %jit3A_136, %sign3A_145 : i32
    %sign3A_147 = arith.extui %sign3A_146 : i1 to i32
    %sign3A_148 = arith.constant 0 : i32
    %sign3A_149 = arith.cmpi slt, %jit3A_136, %sign3A_148 : i32
    %sign3A_150 = arith.extui %sign3A_149 : i1 to i32
    %sign3A_151 = arith.subi %sign3A_147, %sign3A_150 : i32
    %ne3A_152 = arith.cmpi ne, %sign3A_144, %sign3A_151 : i32
    %rem3A_153 = arith.remsi %get3A_135, %jit3A_136 : i32
    %ne3A_154 = arith.constant 0 : i32
    %ne3A_155 = arith.cmpi ne, %rem3A_153, %ne3A_154 : i32
    %and3A_156 = arith.andi %ne3A_152, %ne3A_155 : i1
    %sub3A_157 = arith.constant 1 : i32
    %sub3A_158 = arith.subi %div3A_137, %sub3A_157 : i32
    %select_n3A_159 = arith.select %and3A_156, %sub3A_158, %div3A_137 : i32
    %mul3A_160 = arith.constant 128 : i32
    %mul3A_161 = arith.muli %select_n3A_159, %mul3A_160 : i32
    %dma_start3A_162 = arith.constant 4 : i32
    %dma_start3A_163 = arith.constant 0 : i32
    %dma_start3A_164 = arith.constant 0 : i32
    %dma_start3A_165 = tpu.memref_slice %arg11[%dma_start3A_162, %dma_start3A_163, %dma_start3A_164] : memref<32x16x128xf32, #tpu.memory_space<vmem>> -> memref<1x16x128xf32, #tpu.memory_space<vmem>>
    %dma_start3A_166 = tpu.memref_squeeze %dma_start3A_165 : memref<1x16x128xf32, #tpu.memory_space<vmem>> -> memref<16x128xf32, #tpu.memory_space<vmem>>
    %dma_start3A_167 = arith.constant 0 : i32
    %dma_start3A_168 = tpu.memref_slice %arg2[%dma_start3A_167, %mul3A_161] : memref<16x1000000xf32, #tpu.memory_space<any>> -> memref<16x128xf32, #tpu.memory_space<any>>
    tpu.enqueue_dma source(%dma_start3A_168 : memref<16x128xf32, #tpu.memory_space<any>>) target(%dma_start3A_166 : memref<16x128xf32, #tpu.memory_space<vmem>>) target_semaphore(%arg12 : memref<!tpu.dma_semaphore, #tpu.memory_space<semaphore_mem>>)
    %get3A_169 = arith.constant 5 : index
    %get3A_170 = arith.constant 0 : index
    %get3A_171 = memref.load %arg1[%get3A_169, %get3A_170] : memref<32x16xi32, #tpu.memory_space<smem>>
    %jit3A_172 = arith.constant 128 : i32
    %div3A_173 = arith.divsi %get3A_171, %jit3A_172 : i32
    %sign3A_174 = arith.constant 0 : i32
    %sign3A_175 = arith.cmpi sgt, %get3A_171, %sign3A_174 : i32
    %sign3A_176 = arith.extui %sign3A_175 : i1 to i32
    %sign3A_177 = arith.constant 0 : i32
    %sign3A_178 = arith.cmpi slt, %get3A_171, %sign3A_177 : i32
    %sign3A_179 = arith.extui %sign3A_178 : i1 to i32
    %sign3A_180 = arith.subi %sign3A_176, %sign3A_179 : i32
    %sign3A_181 = arith.constant 0 : i32
    %sign3A_182 = arith.cmpi sgt, %jit3A_172, %sign3A_181 : i32
    %sign3A_183 = arith.extui %sign3A_182 : i1 to i32
    %sign3A_184 = arith.constant 0 : i32
    %sign3A_185 = arith.cmpi slt, %jit3A_172, %sign3A_184 : i32
    %sign3A_186 = arith.extui %sign3A_185 : i1 to i32
    %sign3A_187 = arith.subi %sign3A_183, %sign3A_186 : i32
    %ne3A_188 = arith.cmpi ne, %sign3A_180, %sign3A_187 : i32
    %rem3A_189 = arith.remsi %get3A_171, %jit3A_172 : i32
    %ne3A_190 = arith.constant 0 : i32
    %ne3A_191 = arith.cmpi ne, %rem3A_189, %ne3A_190 : i32
    %and3A_192 = arith.andi %ne3A_188, %ne3A_191 : i1
    %sub3A_193 = arith.constant 1 : i32
    %sub3A_194 = arith.subi %div3A_173, %sub3A_193 : i32
    %select_n3A_195 = arith.select %and3A_192, %sub3A_194, %div3A_173 : i32
    %mul3A_196 = arith.constant 128 : i32
    %mul3A_197 = arith.muli %select_n3A_195, %mul3A_196 : i32
    %dma_start3A_198 = arith.constant 5 : i32
    %dma_start3A_199 = arith.constant 0 : i32
    %dma_start3A_200 = arith.constant 0 : i32
    %dma_start3A_201 = tpu.memref_slice %arg11[%dma_start3A_198, %dma_start3A_199, %dma_start3A_200] : memref<32x16x128xf32, #tpu.memory_space<vmem>> -> memref<1x16x128xf32, #tpu.memory_space<vmem>>
    %dma_start3A_202 = tpu.memref_squeeze %dma_start3A_201 : memref<1x16x128xf32, #tpu.memory_space<vmem>> -> memref<16x128xf32, #tpu.memory_space<vmem>>
    %dma_start3A_203 = arith.constant 0 : i32
    %dma_start3A_204 = tpu.memref_slice %arg2[%dma_start3A_203, %mul3A_197] : memref<16x1000000xf32, #tpu.memory_space<any>> -> memref<16x128xf32, #tpu.memory_space<any>>
    tpu.enqueue_dma source(%dma_start3A_204 : memref<16x128xf32, #tpu.memory_space<any>>) target(%dma_start3A_202 : memref<16x128xf32, #tpu.memory_space<vmem>>) target_semaphore(%arg12 : memref<!tpu.dma_semaphore, #tpu.memory_space<semaphore_mem>>)
    %get3A_205 = arith.constant 6 : index
    %get3A_206 = arith.constant 0 : index
    %get3A_207 = memref.load %arg1[%get3A_205, %get3A_206] : memref<32x16xi32, #tpu.memory_space<smem>>
    %jit3A_208 = arith.constant 128 : i32
    %div3A_209 = arith.divsi %get3A_207, %jit3A_208 : i32
    %sign3A_210 = arith.constant 0 : i32
    %sign3A_211 = arith.cmpi sgt, %get3A_207, %sign3A_210 : i32
    %sign3A_212 = arith.extui %sign3A_211 : i1 to i32
    %sign3A_213 = arith.constant 0 : i32
    %sign3A_214 = arith.cmpi slt, %get3A_207, %sign3A_213 : i32
    %sign3A_215 = arith.extui %sign3A_214 : i1 to i32
    %sign3A_216 = arith.subi %sign3A_212, %sign3A_215 : i32
    %sign3A_217 = arith.constant 0 : i32
    %sign3A_218 = arith.cmpi sgt, %jit3A_208, %sign3A_217 : i32
    %sign3A_219 = arith.extui %sign3A_218 : i1 to i32
    %sign3A_220 = arith.constant 0 : i32
    %sign3A_221 = arith.cmpi slt, %jit3A_208, %sign3A_220 : i32
    %sign3A_222 = arith.extui %sign3A_221 : i1 to i32
    %sign3A_223 = arith.subi %sign3A_219, %sign3A_222 : i32
    %ne3A_224 = arith.cmpi ne, %sign3A_216, %sign3A_223 : i32
    %rem3A_225 = arith.remsi %get3A_207, %jit3A_208 : i32
    %ne3A_226 = arith.constant 0 : i32
    %ne3A_227 = arith.cmpi ne, %rem3A_225, %ne3A_226 : i32
    %and3A_228 = arith.andi %ne3A_224, %ne3A_227 : i1
    %sub3A_229 = arith.constant 1 : i32
    %sub3A_230 = arith.subi %div3A_209, %sub3A_229 : i32
    %select_n3A_231 = arith.select %and3A_228, %sub3A_230, %div3A_209 : i32
    %mul3A_232 = arith.constant 128 : i32
    %mul3A_233 = arith.muli %select_n3A_231, %mul3A_232 : i32
    %dma_start3A_234 = arith.constant 6 : i32
    %dma_start3A_235 = arith.constant 0 : i32
    %dma_start3A_236 = arith.constant 0 : i32
    %dma_start3A_237 = tpu.memref_slice %arg11[%dma_start3A_234, %dma_start3A_235, %dma_start3A_236] : memref<32x16x128xf32, #tpu.memory_space<vmem>> -> memref<1x16x128xf32, #tpu.memory_space<vmem>>
    %dma_start3A_238 = tpu.memref_squeeze %dma_start3A_237 : memref<1x16x128xf32, #tpu.memory_space<vmem>> -> memref<16x128xf32, #tpu.memory_space<vmem>>
    %dma_start3A_239 = arith.constant 0 : i32
    %dma_start3A_240 = tpu.memref_slice %arg2[%dma_start3A_239, %mul3A_233] : memref<16x1000000xf32, #tpu.memory_space<any>> -> memref<16x128xf32, #tpu.memory_space<any>>
    tpu.enqueue_dma source(%dma_start3A_240 : memref<16x128xf32, #tpu.memory_space<any>>) target(%dma_start3A_238 : memref<16x128xf32, #tpu.memory_space<vmem>>) target_semaphore(%arg12 : memref<!tpu.dma_semaphore, #tpu.memory_space<semaphore_mem>>)
    %get3A_241 = arith.constant 7 : index
    %get3A_242 = arith.constant 0 : index
    %get3A_243 = memref.load %arg1[%get3A_241, %get3A_242] : memref<32x16xi32, #tpu.memory_space<smem>>
    %jit3A_244 = arith.constant 128 : i32
    %div3A_245 = arith.divsi %get3A_243, %jit3A_244 : i32
    %sign3A_246 = arith.constant 0 : i32
    %sign3A_247 = arith.cmpi sgt, %get3A_243, %sign3A_246 : i32
    %sign3A_248 = arith.extui %sign3A_247 : i1 to i32
    %sign3A_249 = arith.constant 0 : i32
    %sign3A_250 = arith.cmpi slt, %get3A_243, %sign3A_249 : i32
    %sign3A_251 = arith.extui %sign3A_250 : i1 to i32
    %sign3A_252 = arith.subi %sign3A_248, %sign3A_251 : i32
    %sign3A_253 = arith.constant 0 : i32
    %sign3A_254 = arith.cmpi sgt, %jit3A_244, %sign3A_253 : i32
    %sign3A_255 = arith.extui %sign3A_254 : i1 to i32
    %sign3A_256 = arith.constant 0 : i32
    %sign3A_257 = arith.cmpi slt, %jit3A_244, %sign3A_256 : i32
    %sign3A_258 = arith.extui %sign3A_257 : i1 to i32
    %sign3A_259 = arith.subi %sign3A_255, %sign3A_258 : i32
    %ne3A_260 = arith.cmpi ne, %sign3A_252, %sign3A_259 : i32
    %rem3A_261 = arith.remsi %get3A_243, %jit3A_244 : i32
    %ne3A_262 = arith.constant 0 : i32
    %ne3A_263 = arith.cmpi ne, %rem3A_261, %ne3A_262 : i32
    %and3A_264 = arith.andi %ne3A_260, %ne3A_263 : i1
    %sub3A_265 = arith.constant 1 : i32
    %sub3A_266 = arith.subi %div3A_245, %sub3A_265 : i32
    %select_n3A_267 = arith.select %and3A_264, %sub3A_266, %div3A_245 : i32
    %mul3A_268 = arith.constant 128 : i32
    %mul3A_269 = arith.muli %select_n3A_267, %mul3A_268 : i32
    %dma_start3A_270 = arith.constant 7 : i32
    %dma_start3A_271 = arith.constant 0 : i32
    %dma_start3A_272 = arith.constant 0 : i32
    %dma_start3A_273 = tpu.memref_slice %arg11[%dma_start3A_270, %dma_start3A_271, %dma_start3A_272] : memref<32x16x128xf32, #tpu.memory_space<vmem>> -> memref<1x16x128xf32, #tpu.memory_space<vmem>>
    %dma_start3A_274 = tpu.memref_squeeze %dma_start3A_273 : memref<1x16x128xf32, #tpu.memory_space<vmem>> -> memref<16x128xf32, #tpu.memory_space<vmem>>
    %dma_start3A_275 = arith.constant 0 : i32
    %dma_start3A_276 = tpu.memref_slice %arg2[%dma_start3A_275, %mul3A_269] : memref<16x1000000xf32, #tpu.memory_space<any>> -> memref<16x128xf32, #tpu.memory_space<any>>
    tpu.enqueue_dma source(%dma_start3A_276 : memref<16x128xf32, #tpu.memory_space<any>>) target(%dma_start3A_274 : memref<16x128xf32, #tpu.memory_space<vmem>>) target_semaphore(%arg12 : memref<!tpu.dma_semaphore, #tpu.memory_space<semaphore_mem>>)
    %get3A_277 = arith.constant 8 : index
    %get3A_278 = arith.constant 0 : index
    %get3A_279 = memref.load %arg1[%get3A_277, %get3A_278] : memref<32x16xi32, #tpu.memory_space<smem>>
    %jit3A_280 = arith.constant 128 : i32
    %div3A_281 = arith.divsi %get3A_279, %jit3A_280 : i32
    %sign3A_282 = arith.constant 0 : i32
    %sign3A_283 = arith.cmpi sgt, %get3A_279, %sign3A_282 : i32
    %sign3A_284 = arith.extui %sign3A_283 : i1 to i32
    %sign3A_285 = arith.constant 0 : i32
    %sign3A_286 = arith.cmpi slt, %get3A_279, %sign3A_285 : i32
    %sign3A_287 = arith.extui %sign3A_286 : i1 to i32
    %sign3A_288 = arith.subi %sign3A_284, %sign3A_287 : i32
    %sign3A_289 = arith.constant 0 : i32
    %sign3A_290 = arith.cmpi sgt, %jit3A_280, %sign3A_289 : i32
    %sign3A_291 = arith.extui %sign3A_290 : i1 to i32
    %sign3A_292 = arith.constant 0 : i32
    %sign3A_293 = arith.cmpi slt, %jit3A_280, %sign3A_292 : i32
    %sign3A_294 = arith.extui %sign3A_293 : i1 to i32
    %sign3A_295 = arith.subi %sign3A_291, %sign3A_294 : i32
    %ne3A_296 = arith.cmpi ne, %sign3A_288, %sign3A_295 : i32
    %rem3A_297 = arith.remsi %get3A_279, %jit3A_280 : i32
    %ne3A_298 = arith.constant 0 : i32
    %ne3A_299 = arith.cmpi ne, %rem3A_297, %ne3A_298 : i32
    %and3A_300 = arith.andi %ne3A_296, %ne3A_299 : i1
    %sub3A_301 = arith.constant 1 : i32
    %sub3A_302 = arith.subi %div3A_281, %sub3A_301 : i32
    %select_n3A_303 = arith.select %and3A_300, %sub3A_302, %div3A_281 : i32
    %mul3A_304 = arith.constant 128 : i32
    %mul3A_305 = arith.muli %select_n3A_303, %mul3A_304 : i32
    %dma_start3A_306 = arith.constant 8 : i32
    %dma_start3A_307 = arith.constant 0 : i32
    %dma_start3A_308 = arith.constant 0 : i32
    %dma_start3A_309 = tpu.memref_slice %arg11[%dma_start3A_306, %dma_start3A_307, %dma_start3A_308] : memref<32x16x128xf32, #tpu.memory_space<vmem>> -> memref<1x16x128xf32, #tpu.memory_space<vmem>>
    %dma_start3A_310 = tpu.memref_squeeze %dma_start3A_309 : memref<1x16x128xf32, #tpu.memory_space<vmem>> -> memref<16x128xf32, #tpu.memory_space<vmem>>
    %dma_start3A_311 = arith.constant 0 : i32
    %dma_start3A_312 = tpu.memref_slice %arg2[%dma_start3A_311, %mul3A_305] : memref<16x1000000xf32, #tpu.memory_space<any>> -> memref<16x128xf32, #tpu.memory_space<any>>
    tpu.enqueue_dma source(%dma_start3A_312 : memref<16x128xf32, #tpu.memory_space<any>>) target(%dma_start3A_310 : memref<16x128xf32, #tpu.memory_space<vmem>>) target_semaphore(%arg12 : memref<!tpu.dma_semaphore, #tpu.memory_space<semaphore_mem>>)
    %get3A_313 = arith.constant 9 : index
    %get3A_314 = arith.constant 0 : index
    %get3A_315 = memref.load %arg1[%get3A_313, %get3A_314] : memref<32x16xi32, #tpu.memory_space<smem>>
    %jit3A_316 = arith.constant 128 : i32
    %div3A_317 = arith.divsi %get3A_315, %jit3A_316 : i32
    %sign3A_318 = arith.constant 0 : i32
    %sign3A_319 = arith.cmpi sgt, %get3A_315, %sign3A_318 : i32
    %sign3A_320 = arith.extui %sign3A_319 : i1 to i32
    %sign3A_321 = arith.constant 0 : i32
    %sign3A_322 = arith.cmpi slt, %get3A_315, %sign3A_321 : i32
    %sign3A_323 = arith.extui %sign3A_322 : i1 to i32
    %sign3A_324 = arith.subi %sign3A_320, %sign3A_323 : i32
    %sign3A_325 = arith.constant 0 : i32
    %sign3A_326 = arith.cmpi sgt, %jit3A_316, %sign3A_325 : i32
    %sign3A_327 = arith.extui %sign3A_326 : i1 to i32
    %sign3A_328 = arith.constant 0 : i32
    %sign3A_329 = arith.cmpi slt, %jit3A_316, %sign3A_328 : i32
    %sign3A_330 = arith.extui %sign3A_329 : i1 to i32
    %sign3A_331 = arith.subi %sign3A_327, %sign3A_330 : i32
    %ne3A_332 = arith.cmpi ne, %sign3A_324, %sign3A_331 : i32
    %rem3A_333 = arith.remsi %get3A_315, %jit3A_316 : i32
    %ne3A_334 = arith.constant 0 : i32
    %ne3A_335 = arith.cmpi ne, %rem3A_333, %ne3A_334 : i32
    %and3A_336 = arith.andi %ne3A_332, %ne3A_335 : i1
    %sub3A_337 = arith.constant 1 : i32
    %sub3A_338 = arith.subi %div3A_317, %sub3A_337 : i32
    %select_n3A_339 = arith.select %and3A_336, %sub3A_338, %div3A_317 : i32
    %mul3A_340 = arith.constant 128 : i32
    %mul3A_341 = arith.muli %select_n3A_339, %mul3A_340 : i32
    %dma_start3A_342 = arith.constant 9 : i32
    %dma_start3A_343 = arith.constant 0 : i32
    %dma_start3A_344 = arith.constant 0 : i32
    %dma_start3A_345 = tpu.memref_slice %arg11[%dma_start3A_342, %dma_start3A_343, %dma_start3A_344] : memref<32x16x128xf32, #tpu.memory_space<vmem>> -> memref<1x16x128xf32, #tpu.memory_space<vmem>>
    %dma_start3A_346 = tpu.memref_squeeze %dma_start3A_345 : memref<1x16x128xf32, #tpu.memory_space<vmem>> -> memref<16x128xf32, #tpu.memory_space<vmem>>
    %dma_start3A_347 = arith.constant 0 : i32
    %dma_start3A_348 = tpu.memref_slice %arg2[%dma_start3A_347, %mul3A_341] : memref<16x1000000xf32, #tpu.memory_space<any>> -> memref<16x128xf32, #tpu.memory_space<any>>
    tpu.enqueue_dma source(%dma_start3A_348 : memref<16x128xf32, #tpu.memory_space<any>>) target(%dma_start3A_346 : memref<16x128xf32, #tpu.memory_space<vmem>>) target_semaphore(%arg12 : memref<!tpu.dma_semaphore, #tpu.memory_space<semaphore_mem>>)
    %get3A_349 = arith.constant 10 : index
    %get3A_350 = arith.constant 0 : index
    %get3A_351 = memref.load %arg1[%get3A_349, %get3A_350] : memref<32x16xi32, #tpu.memory_space<smem>>
    %jit3A_352 = arith.constant 128 : i32
    %div3A_353 = arith.divsi %get3A_351, %jit3A_352 : i32
    %sign3A_354 = arith.constant 0 : i32
    %sign3A_355 = arith.cmpi sgt, %get3A_351, %sign3A_354 : i32
    %sign3A_356 = arith.extui %sign3A_355 : i1 to i32
    %sign3A_357 = arith.constant 0 : i32
    %sign3A_358 = arith.cmpi slt, %get3A_351, %sign3A_357 : i32
    %sign3A_359 = arith.extui %sign3A_358 : i1 to i32
    %sign3A_360 = arith.subi %sign3A_356, %sign3A_359 : i32
    %sign3A_361 = arith.constant 0 : i32
    %sign3A_362 = arith.cmpi sgt, %jit3A_352, %sign3A_361 : i32
    %sign3A_363 = arith.extui %sign3A_362 : i1 to i32
    %sign3A_364 = arith.constant 0 : i32
    %sign3A_365 = arith.cmpi slt, %jit3A_352, %sign3A_364 : i32
    %sign3A_366 = arith.extui %sign3A_365 : i1 to i32
    %sign3A_367 = arith.subi %sign3A_363, %sign3A_366 : i32
    %ne3A_368 = arith.cmpi ne, %sign3A_360, %sign3A_367 : i32
    %rem3A_369 = arith.remsi %get3A_351, %jit3A_352 : i32
    %ne3A_370 = arith.constant 0 : i32
    %ne3A_371 = arith.cmpi ne, %rem3A_369, %ne3A_370 : i32
    %and3A_372 = arith.andi %ne3A_368, %ne3A_371 : i1
    %sub3A_373 = arith.constant 1 : i32
    %sub3A_374 = arith.subi %div3A_353, %sub3A_373 : i32
    %select_n3A_375 = arith.select %and3A_372, %sub3A_374, %div3A_353 : i32
    %mul3A_376 = arith.constant 128 : i32
    %mul3A_377 = arith.muli %select_n3A_375, %mul3A_376 : i32
    %dma_start3A_378 = arith.constant 10 : i32
    %dma_start3A_379 = arith.constant 0 : i32
    %dma_start3A_380 = arith.constant 0 : i32
    %dma_start3A_381 = tpu.memref_slice %arg11[%dma_start3A_378, %dma_start3A_379, %dma_start3A_380] : memref<32x16x128xf32, #tpu.memory_space<vmem>> -> memref<1x16x128xf32, #tpu.memory_space<vmem>>
    %dma_start3A_382 = tpu.memref_squeeze %dma_start3A_381 : memref<1x16x128xf32, #tpu.memory_space<vmem>> -> memref<16x128xf32, #tpu.memory_space<vmem>>
    %dma_start3A_383 = arith.constant 0 : i32
    %dma_start3A_384 = tpu.memref_slice %arg2[%dma_start3A_383, %mul3A_377] : memref<16x1000000xf32, #tpu.memory_space<any>> -> memref<16x128xf32, #tpu.memory_space<any>>
    tpu.enqueue_dma source(%dma_start3A_384 : memref<16x128xf32, #tpu.memory_space<any>>) target(%dma_start3A_382 : memref<16x128xf32, #tpu.memory_space<vmem>>) target_semaphore(%arg12 : memref<!tpu.dma_semaphore, #tpu.memory_space<semaphore_mem>>)
    %get3A_385 = arith.constant 11 : index
    %get3A_386 = arith.constant 0 : index
    %get3A_387 = memref.load %arg1[%get3A_385, %get3A_386] : memref<32x16xi32, #tpu.memory_space<smem>>
    %jit3A_388 = arith.constant 128 : i32
    %div3A_389 = arith.divsi %get3A_387, %jit3A_388 : i32
    %sign3A_390 = arith.constant 0 : i32
    %sign3A_391 = arith.cmpi sgt, %get3A_387, %sign3A_390 : i32
    %sign3A_392 = arith.extui %sign3A_391 : i1 to i32
    %sign3A_393 = arith.constant 0 : i32
    %sign3A_394 = arith.cmpi slt, %get3A_387, %sign3A_393 : i32
    %sign3A_395 = arith.extui %sign3A_394 : i1 to i32
    %sign3A_396 = arith.subi %sign3A_392, %sign3A_395 : i32
    %sign3A_397 = arith.constant 0 : i32
    %sign3A_398 = arith.cmpi sgt, %jit3A_388, %sign3A_397 : i32
    %sign3A_399 = arith.extui %sign3A_398 : i1 to i32
    %sign3A_400 = arith.constant 0 : i32
    %sign3A_401 = arith.cmpi slt, %jit3A_388, %sign3A_400 : i32
    %sign3A_402 = arith.extui %sign3A_401 : i1 to i32
    %sign3A_403 = arith.subi %sign3A_399, %sign3A_402 : i32
    %ne3A_404 = arith.cmpi ne, %sign3A_396, %sign3A_403 : i32
    %rem3A_405 = arith.remsi %get3A_387, %jit3A_388 : i32
    %ne3A_406 = arith.constant 0 : i32
    %ne3A_407 = arith.cmpi ne, %rem3A_405, %ne3A_406 : i32
    %and3A_408 = arith.andi %ne3A_404, %ne3A_407 : i1
    %sub3A_409 = arith.constant 1 : i32
    %sub3A_410 = arith.subi %div3A_389, %sub3A_409 : i32
    %select_n3A_411 = arith.select %and3A_408, %sub3A_410, %div3A_389 : i32
    %mul3A_412 = arith.constant 128 : i32
    %mul3A_413 = arith.muli %select_n3A_411, %mul3A_412 : i32
    %dma_start3A_414 = arith.constant 11 : i32
    %dma_start3A_415 = arith.constant 0 : i32
    %dma_start3A_416 = arith.constant 0 : i32
    %dma_start3A_417 = tpu.memref_slice %arg11[%dma_start3A_414, %dma_start3A_415, %dma_start3A_416] : memref<32x16x128xf32, #tpu.memory_space<vmem>> -> memref<1x16x128xf32, #tpu.memory_space<vmem>>
    %dma_start3A_418 = tpu.memref_squeeze %dma_start3A_417 : memref<1x16x128xf32, #tpu.memory_space<vmem>> -> memref<16x128xf32, #tpu.memory_space<vmem>>
    %dma_start3A_419 = arith.constant 0 : i32
    %dma_start3A_420 = tpu.memref_slice %arg2[%dma_start3A_419, %mul3A_413] : memref<16x1000000xf32, #tpu.memory_space<any>> -> memref<16x128xf32, #tpu.memory_space<any>>
    tpu.enqueue_dma source(%dma_start3A_420 : memref<16x128xf32, #tpu.memory_space<any>>) target(%dma_start3A_418 : memref<16x128xf32, #tpu.memory_space<vmem>>) target_semaphore(%arg12 : memref<!tpu.dma_semaphore, #tpu.memory_space<semaphore_mem>>)
    %get3A_421 = arith.constant 12 : index
    %get3A_422 = arith.constant 0 : index
    %get3A_423 = memref.load %arg1[%get3A_421, %get3A_422] : memref<32x16xi32, #tpu.memory_space<smem>>
    %jit3A_424 = arith.constant 128 : i32
    %div3A_425 = arith.divsi %get3A_423, %jit3A_424 : i32
    %sign3A_426 = arith.constant 0 : i32
    %sign3A_427 = arith.cmpi sgt, %get3A_423, %sign3A_426 : i32
    %sign3A_428 = arith.extui %sign3A_427 : i1 to i32
    %sign3A_429 = arith.constant 0 : i32
    %sign3A_430 = arith.cmpi slt, %get3A_423, %sign3A_429 : i32
    %sign3A_431 = arith.extui %sign3A_430 : i1 to i32
    %sign3A_432 = arith.subi %sign3A_428, %sign3A_431 : i32
    %sign3A_433 = arith.constant 0 : i32
    %sign3A_434 = arith.cmpi sgt, %jit3A_424, %sign3A_433 : i32
    %sign3A_435 = arith.extui %sign3A_434 : i1 to i32
    %sign3A_436 = arith.constant 0 : i32
    %sign3A_437 = arith.cmpi slt, %jit3A_424, %sign3A_436 : i32
    %sign3A_438 = arith.extui %sign3A_437 : i1 to i32
    %sign3A_439 = arith.subi %sign3A_435, %sign3A_438 : i32
    %ne3A_440 = arith.cmpi ne, %sign3A_432, %sign3A_439 : i32
    %rem3A_441 = arith.remsi %get3A_423, %jit3A_424 : i32
    %ne3A_442 = arith.constant 0 : i32
    %ne3A_443 = arith.cmpi ne, %rem3A_441, %ne3A_442 : i32
    %and3A_444 = arith.andi %ne3A_440, %ne3A_443 : i1
    %sub3A_445 = arith.constant 1 : i32
    %sub3A_446 = arith.subi %div3A_425, %sub3A_445 : i32
    %select_n3A_447 = arith.select %and3A_444, %sub3A_446, %div3A_425 : i32
    %mul3A_448 = arith.constant 128 : i32
    %mul3A_449 = arith.muli %select_n3A_447, %mul3A_448 : i32
    %dma_start3A_450 = arith.constant 12 : i32
    %dma_start3A_451 = arith.constant 0 : i32
    %dma_start3A_452 = arith.constant 0 : i32
    %dma_start3A_453 = tpu.memref_slice %arg11[%dma_start3A_450, %dma_start3A_451, %dma_start3A_452] : memref<32x16x128xf32, #tpu.memory_space<vmem>> -> memref<1x16x128xf32, #tpu.memory_space<vmem>>
    %dma_start3A_454 = tpu.memref_squeeze %dma_start3A_453 : memref<1x16x128xf32, #tpu.memory_space<vmem>> -> memref<16x128xf32, #tpu.memory_space<vmem>>
    %dma_start3A_455 = arith.constant 0 : i32
    %dma_start3A_456 = tpu.memref_slice %arg2[%dma_start3A_455, %mul3A_449] : memref<16x1000000xf32, #tpu.memory_space<any>> -> memref<16x128xf32, #tpu.memory_space<any>>
    tpu.enqueue_dma source(%dma_start3A_456 : memref<16x128xf32, #tpu.memory_space<any>>) target(%dma_start3A_454 : memref<16x128xf32, #tpu.memory_space<vmem>>) target_semaphore(%arg12 : memref<!tpu.dma_semaphore, #tpu.memory_space<semaphore_mem>>)
    %get3A_457 = arith.constant 13 : index
    %get3A_458 = arith.constant 0 : index
    %get3A_459 = memref.load %arg1[%get3A_457, %get3A_458] : memref<32x16xi32, #tpu.memory_space<smem>>
    %jit3A_460 = arith.constant 128 : i32
    %div3A_461 = arith.divsi %get3A_459, %jit3A_460 : i32
    %sign3A_462 = arith.constant 0 : i32
    %sign3A_463 = arith.cmpi sgt, %get3A_459, %sign3A_462 : i32
    %sign3A_464 = arith.extui %sign3A_463 : i1 to i32
    %sign3A_465 = arith.constant 0 : i32
    %sign3A_466 = arith.cmpi slt, %get3A_459, %sign3A_465 : i32
    %sign3A_467 = arith.extui %sign3A_466 : i1 to i32
    %sign3A_468 = arith.subi %sign3A_464, %sign3A_467 : i32
    %sign3A_469 = arith.constant 0 : i32
    %sign3A_470 = arith.cmpi sgt, %jit3A_460, %sign3A_469 : i32
    %sign3A_471 = arith.extui %sign3A_470 : i1 to i32
    %sign3A_472 = arith.constant 0 : i32
    %sign3A_473 = arith.cmpi slt, %jit3A_460, %sign3A_472 : i32
    %sign3A_474 = arith.extui %sign3A_473 : i1 to i32
    %sign3A_475 = arith.subi %sign3A_471, %sign3A_474 : i32
    %ne3A_476 = arith.cmpi ne, %sign3A_468, %sign3A_475 : i32
    %rem3A_477 = arith.remsi %get3A_459, %jit3A_460 : i32
    %ne3A_478 = arith.constant 0 : i32
    %ne3A_479 = arith.cmpi ne, %rem3A_477, %ne3A_478 : i32
    %and3A_480 = arith.andi %ne3A_476, %ne3A_479 : i1
    %sub3A_481 = arith.constant 1 : i32
    %sub3A_482 = arith.subi %div3A_461, %sub3A_481 : i32
    %select_n3A_483 = arith.select %and3A_480, %sub3A_482, %div3A_461 : i32
    %mul3A_484 = arith.constant 128 : i32
    %mul3A_485 = arith.muli %select_n3A_483, %mul3A_484 : i32
    %dma_start3A_486 = arith.constant 13 : i32
    %dma_start3A_487 = arith.constant 0 : i32
    %dma_start3A_488 = arith.constant 0 : i32
    %dma_start3A_489 = tpu.memref_slice %arg11[%dma_start3A_486, %dma_start3A_487, %dma_start3A_488] : memref<32x16x128xf32, #tpu.memory_space<vmem>> -> memref<1x16x128xf32, #tpu.memory_space<vmem>>
    %dma_start3A_490 = tpu.memref_squeeze %dma_start3A_489 : memref<1x16x128xf32, #tpu.memory_space<vmem>> -> memref<16x128xf32, #tpu.memory_space<vmem>>
    %dma_start3A_491 = arith.constant 0 : i32
    %dma_start3A_492 = tpu.memref_slice %arg2[%dma_start3A_491, %mul3A_485] : memref<16x1000000xf32, #tpu.memory_space<any>> -> memref<16x128xf32, #tpu.memory_space<any>>
    tpu.enqueue_dma source(%dma_start3A_492 : memref<16x128xf32, #tpu.memory_space<any>>) target(%dma_start3A_490 : memref<16x128xf32, #tpu.memory_space<vmem>>) target_semaphore(%arg12 : memref<!tpu.dma_semaphore, #tpu.memory_space<semaphore_mem>>)
    %get3A_493 = arith.constant 14 : index
    %get3A_494 = arith.constant 0 : index
    %get3A_495 = memref.load %arg1[%get3A_493, %get3A_494] : memref<32x16xi32, #tpu.memory_space<smem>>
    %jit3A_496 = arith.constant 128 : i32
    %div3A_497 = arith.divsi %get3A_495, %jit3A_496 : i32
    %sign3A_498 = arith.constant 0 : i32
    %sign3A_499 = arith.cmpi sgt, %get3A_495, %sign3A_498 : i32
    %sign3A_500 = arith.extui %sign3A_499 : i1 to i32
    %sign3A_501 = arith.constant 0 : i32
    %sign3A_502 = arith.cmpi slt, %get3A_495, %sign3A_501 : i32
    %sign3A_503 = arith.extui %sign3A_502 : i1 to i32
    %sign3A_504 = arith.subi %sign3A_500, %sign3A_503 : i32
    %sign3A_505 = arith.constant 0 : i32
    %sign3A_506 = arith.cmpi sgt, %jit3A_496, %sign3A_505 : i32
    %sign3A_507 = arith.extui %sign3A_506 : i1 to i32
    %sign3A_508 = arith.constant 0 : i32
    %sign3A_509 = arith.cmpi slt, %jit3A_496, %sign3A_508 : i32
    %sign3A_510 = arith.extui %sign3A_509 : i1 to i32
    %sign3A_511 = arith.subi %sign3A_507, %sign3A_510 : i32
    %ne3A_512 = arith.cmpi ne, %sign3A_504, %sign3A_511 : i32
    %rem3A_513 = arith.remsi %get3A_495, %jit3A_496 : i32
    %ne3A_514 = arith.constant 0 : i32
    %ne3A_515 = arith.cmpi ne, %rem3A_513, %ne3A_514 : i32
    %and3A_516 = arith.andi %ne3A_512, %ne3A_515 : i1
    %sub3A_517 = arith.constant 1 : i32
    %sub3A_518 = arith.subi %div3A_497, %sub3A_517 : i32
    %select_n3A_519 = arith.select %and3A_516, %sub3A_518, %div3A_497 : i32
    %mul3A_520 = arith.constant 128 : i32
    %mul3A_521 = arith.muli %select_n3A_519, %mul3A_520 : i32
    %dma_start3A_522 = arith.constant 14 : i32
    %dma_start3A_523 = arith.constant 0 : i32
    %dma_start3A_524 = arith.constant 0 : i32
    %dma_start3A_525 = tpu.memref_slice %arg11[%dma_start3A_522, %dma_start3A_523, %dma_start3A_524] : memref<32x16x128xf32, #tpu.memory_space<vmem>> -> memref<1x16x128xf32, #tpu.memory_space<vmem>>
    %dma_start3A_526 = tpu.memref_squeeze %dma_start3A_525 : memref<1x16x128xf32, #tpu.memory_space<vmem>> -> memref<16x128xf32, #tpu.memory_space<vmem>>
    %dma_start3A_527 = arith.constant 0 : i32
    %dma_start3A_528 = tpu.memref_slice %arg2[%dma_start3A_527, %mul3A_521] : memref<16x1000000xf32, #tpu.memory_space<any>> -> memref<16x128xf32, #tpu.memory_space<any>>
    tpu.enqueue_dma source(%dma_start3A_528 : memref<16x128xf32, #tpu.memory_space<any>>) target(%dma_start3A_526 : memref<16x128xf32, #tpu.memory_space<vmem>>) target_semaphore(%arg12 : memref<!tpu.dma_semaphore, #tpu.memory_space<semaphore_mem>>)
    %get3A_529 = arith.constant 15 : index
    %get3A_530 = arith.constant 0 : index
    %get3A_531 = memref.load %arg1[%get3A_529, %get3A_530] : memref<32x16xi32, #tpu.memory_space<smem>>
    %jit3A_532 = arith.constant 128 : i32
    %div3A_533 = arith.divsi %get3A_531, %jit3A_532 : i32
    %sign3A_534 = arith.constant 0 : i32
    %sign3A_535 = arith.cmpi sgt, %get3A_531, %sign3A_534 : i32
    %sign3A_536 = arith.extui %sign3A_535 : i1 to i32
    %sign3A_537 = arith.constant 0 : i32
    %sign3A_538 = arith.cmpi slt, %get3A_531, %sign3A_537 : i32
    %sign3A_539 = arith.extui %sign3A_538 : i1 to i32
    %sign3A_540 = arith.subi %sign3A_536, %sign3A_539 : i32
    %sign3A_541 = arith.constant 0 : i32
    %sign3A_542 = arith.cmpi sgt, %jit3A_532, %sign3A_541 : i32
    %sign3A_543 = arith.extui %sign3A_542 : i1 to i32
    %sign3A_544 = arith.constant 0 : i32
    %sign3A_545 = arith.cmpi slt, %jit3A_532, %sign3A_544 : i32
    %sign3A_546 = arith.extui %sign3A_545 : i1 to i32
    %sign3A_547 = arith.subi %sign3A_543, %sign3A_546 : i32
    %ne3A_548 = arith.cmpi ne, %sign3A_540, %sign3A_547 : i32
    %rem3A_549 = arith.remsi %get3A_531, %jit3A_532 : i32
    %ne3A_550 = arith.constant 0 : i32
    %ne3A_551 = arith.cmpi ne, %rem3A_549, %ne3A_550 : i32
    %and3A_552 = arith.andi %ne3A_548, %ne3A_551 : i1
    %sub3A_553 = arith.constant 1 : i32
    %sub3A_554 = arith.subi %div3A_533, %sub3A_553 : i32
    %select_n3A_555 = arith.select %and3A_552, %sub3A_554, %div3A_533 : i32
    %mul3A_556 = arith.constant 128 : i32
    %mul3A_557 = arith.muli %select_n3A_555, %mul3A_556 : i32
    %dma_start3A_558 = arith.constant 15 : i32
    %dma_start3A_559 = arith.constant 0 : i32
    %dma_start3A_560 = arith.constant 0 : i32
    %dma_start3A_561 = tpu.memref_slice %arg11[%dma_start3A_558, %dma_start3A_559, %dma_start3A_560] : memref<32x16x128xf32, #tpu.memory_space<vmem>> -> memref<1x16x128xf32, #tpu.memory_space<vmem>>
    %dma_start3A_562 = tpu.memref_squeeze %dma_start3A_561 : memref<1x16x128xf32, #tpu.memory_space<vmem>> -> memref<16x128xf32, #tpu.memory_space<vmem>>
    %dma_start3A_563 = arith.constant 0 : i32
    %dma_start3A_564 = tpu.memref_slice %arg2[%dma_start3A_563, %mul3A_557] : memref<16x1000000xf32, #tpu.memory_space<any>> -> memref<16x128xf32, #tpu.memory_space<any>>
    tpu.enqueue_dma source(%dma_start3A_564 : memref<16x128xf32, #tpu.memory_space<any>>) target(%dma_start3A_562 : memref<16x128xf32, #tpu.memory_space<vmem>>) target_semaphore(%arg12 : memref<!tpu.dma_semaphore, #tpu.memory_space<semaphore_mem>>)
    %get3A_565 = arith.constant 16 : index
    %get3A_566 = arith.constant 0 : index
    %get3A_567 = memref.load %arg1[%get3A_565, %get3A_566] : memref<32x16xi32, #tpu.memory_space<smem>>
    %jit3A_568 = arith.constant 128 : i32
    %div3A_569 = arith.divsi %get3A_567, %jit3A_568 : i32
    %sign3A_570 = arith.constant 0 : i32
    %sign3A_571 = arith.cmpi sgt, %get3A_567, %sign3A_570 : i32
    %sign3A_572 = arith.extui %sign3A_571 : i1 to i32
    %sign3A_573 = arith.constant 0 : i32
    %sign3A_574 = arith.cmpi slt, %get3A_567, %sign3A_573 : i32
    %sign3A_575 = arith.extui %sign3A_574 : i1 to i32
    %sign3A_576 = arith.subi %sign3A_572, %sign3A_575 : i32
    %sign3A_577 = arith.constant 0 : i32
    %sign3A_578 = arith.cmpi sgt, %jit3A_568, %sign3A_577 : i32
    %sign3A_579 = arith.extui %sign3A_578 : i1 to i32
    %sign3A_580 = arith.constant 0 : i32
    %sign3A_581 = arith.cmpi slt, %jit3A_568, %sign3A_580 : i32
    %sign3A_582 = arith.extui %sign3A_581 : i1 to i32
    %sign3A_583 = arith.subi %sign3A_579, %sign3A_582 : i32
    %ne3A_584 = arith.cmpi ne, %sign3A_576, %sign3A_583 : i32
    %rem3A_585 = arith.remsi %get3A_567, %jit3A_568 : i32
    %ne3A_586 = arith.constant 0 : i32
    %ne3A_587 = arith.cmpi ne, %rem3A_585, %ne3A_586 : i32
    %and3A_588 = arith.andi %ne3A_584, %ne3A_587 : i1
    %sub3A_589 = arith.constant 1 : i32
    %sub3A_590 = arith.subi %div3A_569, %sub3A_589 : i32
    %select_n3A_591 = arith.select %and3A_588, %sub3A_590, %div3A_569 : i32
    %mul3A_592 = arith.constant 128 : i32
    %mul3A_593 = arith.muli %select_n3A_591, %mul3A_592 : i32
    %dma_start3A_594 = arith.constant 16 : i32
    %dma_start3A_595 = arith.constant 0 : i32
    %dma_start3A_596 = arith.constant 0 : i32
    %dma_start3A_597 = tpu.memref_slice %arg11[%dma_start3A_594, %dma_start3A_595, %dma_start3A_596] : memref<32x16x128xf32, #tpu.memory_space<vmem>> -> memref<1x16x128xf32, #tpu.memory_space<vmem>>
    %dma_start3A_598 = tpu.memref_squeeze %dma_start3A_597 : memref<1x16x128xf32, #tpu.memory_space<vmem>> -> memref<16x128xf32, #tpu.memory_space<vmem>>
    %dma_start3A_599 = arith.constant 0 : i32
    %dma_start3A_600 = tpu.memref_slice %arg2[%dma_start3A_599, %mul3A_593] : memref<16x1000000xf32, #tpu.memory_space<any>> -> memref<16x128xf32, #tpu.memory_space<any>>
    tpu.enqueue_dma source(%dma_start3A_600 : memref<16x128xf32, #tpu.memory_space<any>>) target(%dma_start3A_598 : memref<16x128xf32, #tpu.memory_space<vmem>>) target_semaphore(%arg12 : memref<!tpu.dma_semaphore, #tpu.memory_space<semaphore_mem>>)
    %get3A_601 = arith.constant 17 : index
    %get3A_602 = arith.constant 0 : index
    %get3A_603 = memref.load %arg1[%get3A_601, %get3A_602] : memref<32x16xi32, #tpu.memory_space<smem>>
    %jit3A_604 = arith.constant 128 : i32
    %div3A_605 = arith.divsi %get3A_603, %jit3A_604 : i32
    %sign3A_606 = arith.constant 0 : i32
    %sign3A_607 = arith.cmpi sgt, %get3A_603, %sign3A_606 : i32
    %sign3A_608 = arith.extui %sign3A_607 : i1 to i32
    %sign3A_609 = arith.constant 0 : i32
    %sign3A_610 = arith.cmpi slt, %get3A_603, %sign3A_609 : i32
    %sign3A_611 = arith.extui %sign3A_610 : i1 to i32
    %sign3A_612 = arith.subi %sign3A_608, %sign3A_611 : i32
    %sign3A_613 = arith.constant 0 : i32
    %sign3A_614 = arith.cmpi sgt, %jit3A_604, %sign3A_613 : i32
    %sign3A_615 = arith.extui %sign3A_614 : i1 to i32
    %sign3A_616 = arith.constant 0 : i32
    %sign3A_617 = arith.cmpi slt, %jit3A_604, %sign3A_616 : i32
    %sign3A_618 = arith.extui %sign3A_617 : i1 to i32
    %sign3A_619 = arith.subi %sign3A_615, %sign3A_618 : i32
    %ne3A_620 = arith.cmpi ne, %sign3A_612, %sign3A_619 : i32
    %rem3A_621 = arith.remsi %get3A_603, %jit3A_604 : i32
    %ne3A_622 = arith.constant 0 : i32
    %ne3A_623 = arith.cmpi ne, %rem3A_621, %ne3A_622 : i32
    %and3A_624 = arith.andi %ne3A_620, %ne3A_623 : i1
    %sub3A_625 = arith.constant 1 : i32
    %sub3A_626 = arith.subi %div3A_605, %sub3A_625 : i32
    %select_n3A_627 = arith.select %and3A_624, %sub3A_626, %div3A_605 : i32
    %mul3A_628 = arith.constant 128 : i32
    %mul3A_629 = arith.muli %select_n3A_627, %mul3A_628 : i32
    %dma_start3A_630 = arith.constant 17 : i32
    %dma_start3A_631 = arith.constant 0 : i32
    %dma_start3A_632 = arith.constant 0 : i32
    %dma_start3A_633 = tpu.memref_slice %arg11[%dma_start3A_630, %dma_start3A_631, %dma_start3A_632] : memref<32x16x128xf32, #tpu.memory_space<vmem>> -> memref<1x16x128xf32, #tpu.memory_space<vmem>>
    %dma_start3A_634 = tpu.memref_squeeze %dma_start3A_633 : memref<1x16x128xf32, #tpu.memory_space<vmem>> -> memref<16x128xf32, #tpu.memory_space<vmem>>
    %dma_start3A_635 = arith.constant 0 : i32
    %dma_start3A_636 = tpu.memref_slice %arg2[%dma_start3A_635, %mul3A_629] : memref<16x1000000xf32, #tpu.memory_space<any>> -> memref<16x128xf32, #tpu.memory_space<any>>
    tpu.enqueue_dma source(%dma_start3A_636 : memref<16x128xf32, #tpu.memory_space<any>>) target(%dma_start3A_634 : memref<16x128xf32, #tpu.memory_space<vmem>>) target_semaphore(%arg12 : memref<!tpu.dma_semaphore, #tpu.memory_space<semaphore_mem>>)
    %get3A_637 = arith.constant 18 : index
    %get3A_638 = arith.constant 0 : index
    %get3A_639 = memref.load %arg1[%get3A_637, %get3A_638] : memref<32x16xi32, #tpu.memory_space<smem>>
    %jit3A_640 = arith.constant 128 : i32
    %div3A_641 = arith.divsi %get3A_639, %jit3A_640 : i32
    %sign3A_642 = arith.constant 0 : i32
    %sign3A_643 = arith.cmpi sgt, %get3A_639, %sign3A_642 : i32
    %sign3A_644 = arith.extui %sign3A_643 : i1 to i32
    %sign3A_645 = arith.constant 0 : i32
    %sign3A_646 = arith.cmpi slt, %get3A_639, %sign3A_645 : i32
    %sign3A_647 = arith.extui %sign3A_646 : i1 to i32
    %sign3A_648 = arith.subi %sign3A_644, %sign3A_647 : i32
    %sign3A_649 = arith.constant 0 : i32
    %sign3A_650 = arith.cmpi sgt, %jit3A_640, %sign3A_649 : i32
    %sign3A_651 = arith.extui %sign3A_650 : i1 to i32
    %sign3A_652 = arith.constant 0 : i32
    %sign3A_653 = arith.cmpi slt, %jit3A_640, %sign3A_652 : i32
    %sign3A_654 = arith.extui %sign3A_653 : i1 to i32
    %sign3A_655 = arith.subi %sign3A_651, %sign3A_654 : i32
    %ne3A_656 = arith.cmpi ne, %sign3A_648, %sign3A_655 : i32
    %rem3A_657 = arith.remsi %get3A_639, %jit3A_640 : i32
    %ne3A_658 = arith.constant 0 : i32
    %ne3A_659 = arith.cmpi ne, %rem3A_657, %ne3A_658 : i32
    %and3A_660 = arith.andi %ne3A_656, %ne3A_659 : i1
    %sub3A_661 = arith.constant 1 : i32
    %sub3A_662 = arith.subi %div3A_641, %sub3A_661 : i32
    %select_n3A_663 = arith.select %and3A_660, %sub3A_662, %div3A_641 : i32
    %mul3A_664 = arith.constant 128 : i32
    %mul3A_665 = arith.muli %select_n3A_663, %mul3A_664 : i32
    %dma_start3A_666 = arith.constant 18 : i32
    %dma_start3A_667 = arith.constant 0 : i32
    %dma_start3A_668 = arith.constant 0 : i32
    %dma_start3A_669 = tpu.memref_slice %arg11[%dma_start3A_666, %dma_start3A_667, %dma_start3A_668] : memref<32x16x128xf32, #tpu.memory_space<vmem>> -> memref<1x16x128xf32, #tpu.memory_space<vmem>>
    %dma_start3A_670 = tpu.memref_squeeze %dma_start3A_669 : memref<1x16x128xf32, #tpu.memory_space<vmem>> -> memref<16x128xf32, #tpu.memory_space<vmem>>
    %dma_start3A_671 = arith.constant 0 : i32
    %dma_start3A_672 = tpu.memref_slice %arg2[%dma_start3A_671, %mul3A_665] : memref<16x1000000xf32, #tpu.memory_space<any>> -> memref<16x128xf32, #tpu.memory_space<any>>
    tpu.enqueue_dma source(%dma_start3A_672 : memref<16x128xf32, #tpu.memory_space<any>>) target(%dma_start3A_670 : memref<16x128xf32, #tpu.memory_space<vmem>>) target_semaphore(%arg12 : memref<!tpu.dma_semaphore, #tpu.memory_space<semaphore_mem>>)
    %get3A_673 = arith.constant 19 : index
    %get3A_674 = arith.constant 0 : index
    %get3A_675 = memref.load %arg1[%get3A_673, %get3A_674] : memref<32x16xi32, #tpu.memory_space<smem>>
    %jit3A_676 = arith.constant 128 : i32
    %div3A_677 = arith.divsi %get3A_675, %jit3A_676 : i32
    %sign3A_678 = arith.constant 0 : i32
    %sign3A_679 = arith.cmpi sgt, %get3A_675, %sign3A_678 : i32
    %sign3A_680 = arith.extui %sign3A_679 : i1 to i32
    %sign3A_681 = arith.constant 0 : i32
    %sign3A_682 = arith.cmpi slt, %get3A_675, %sign3A_681 : i32
    %sign3A_683 = arith.extui %sign3A_682 : i1 to i32
    %sign3A_684 = arith.subi %sign3A_680, %sign3A_683 : i32
    %sign3A_685 = arith.constant 0 : i32
    %sign3A_686 = arith.cmpi sgt, %jit3A_676, %sign3A_685 : i32
    %sign3A_687 = arith.extui %sign3A_686 : i1 to i32
    %sign3A_688 = arith.constant 0 : i32
    %sign3A_689 = arith.cmpi slt, %jit3A_676, %sign3A_688 : i32
    %sign3A_690 = arith.extui %sign3A_689 : i1 to i32
    %sign3A_691 = arith.subi %sign3A_687, %sign3A_690 : i32
    %ne3A_692 = arith.cmpi ne, %sign3A_684, %sign3A_691 : i32
    %rem3A_693 = arith.remsi %get3A_675, %jit3A_676 : i32
    %ne3A_694 = arith.constant 0 : i32
    %ne3A_695 = arith.cmpi ne, %rem3A_693, %ne3A_694 : i32
    %and3A_696 = arith.andi %ne3A_692, %ne3A_695 : i1
    %sub3A_697 = arith.constant 1 : i32
    %sub3A_698 = arith.subi %div3A_677, %sub3A_697 : i32
    %select_n3A_699 = arith.select %and3A_696, %sub3A_698, %div3A_677 : i32
    %mul3A_700 = arith.constant 128 : i32
    %mul3A_701 = arith.muli %select_n3A_699, %mul3A_700 : i32
    %dma_start3A_702 = arith.constant 19 : i32
    %dma_start3A_703 = arith.constant 0 : i32
    %dma_start3A_704 = arith.constant 0 : i32
    %dma_start3A_705 = tpu.memref_slice %arg11[%dma_start3A_702, %dma_start3A_703, %dma_start3A_704] : memref<32x16x128xf32, #tpu.memory_space<vmem>> -> memref<1x16x128xf32, #tpu.memory_space<vmem>>
    %dma_start3A_706 = tpu.memref_squeeze %dma_start3A_705 : memref<1x16x128xf32, #tpu.memory_space<vmem>> -> memref<16x128xf32, #tpu.memory_space<vmem>>
    %dma_start3A_707 = arith.constant 0 : i32
    %dma_start3A_708 = tpu.memref_slice %arg2[%dma_start3A_707, %mul3A_701] : memref<16x1000000xf32, #tpu.memory_space<any>> -> memref<16x128xf32, #tpu.memory_space<any>>
    tpu.enqueue_dma source(%dma_start3A_708 : memref<16x128xf32, #tpu.memory_space<any>>) target(%dma_start3A_706 : memref<16x128xf32, #tpu.memory_space<vmem>>) target_semaphore(%arg12 : memref<!tpu.dma_semaphore, #tpu.memory_space<semaphore_mem>>)
    %get3A_709 = arith.constant 20 : index
    %get3A_710 = arith.constant 0 : index
    %get3A_711 = memref.load %arg1[%get3A_709, %get3A_710] : memref<32x16xi32, #tpu.memory_space<smem>>
    %jit3A_712 = arith.constant 128 : i32
    %div3A_713 = arith.divsi %get3A_711, %jit3A_712 : i32
    %sign3A_714 = arith.constant 0 : i32
    %sign3A_715 = arith.cmpi sgt, %get3A_711, %sign3A_714 : i32
    %sign3A_716 = arith.extui %sign3A_715 : i1 to i32
    %sign3A_717 = arith.constant 0 : i32
    %sign3A_718 = arith.cmpi slt, %get3A_711, %sign3A_717 : i32
    %sign3A_719 = arith.extui %sign3A_718 : i1 to i32
    %sign3A_720 = arith.subi %sign3A_716, %sign3A_719 : i32
    %sign3A_721 = arith.constant 0 : i32
    %sign3A_722 = arith.cmpi sgt, %jit3A_712, %sign3A_721 : i32
    %sign3A_723 = arith.extui %sign3A_722 : i1 to i32
    %sign3A_724 = arith.constant 0 : i32
    %sign3A_725 = arith.cmpi slt, %jit3A_712, %sign3A_724 : i32
    %sign3A_726 = arith.extui %sign3A_725 : i1 to i32
    %sign3A_727 = arith.subi %sign3A_723, %sign3A_726 : i32
    %ne3A_728 = arith.cmpi ne, %sign3A_720, %sign3A_727 : i32
    %rem3A_729 = arith.remsi %get3A_711, %jit3A_712 : i32
    %ne3A_730 = arith.constant 0 : i32
    %ne3A_731 = arith.cmpi ne, %rem3A_729, %ne3A_730 : i32
    %and3A_732 = arith.andi %ne3A_728, %ne3A_731 : i1
    %sub3A_733 = arith.constant 1 : i32
    %sub3A_734 = arith.subi %div3A_713, %sub3A_733 : i32
    %select_n3A_735 = arith.select %and3A_732, %sub3A_734, %div3A_713 : i32
    %mul3A_736 = arith.constant 128 : i32
    %mul3A_737 = arith.muli %select_n3A_735, %mul3A_736 : i32
    %dma_start3A_738 = arith.constant 20 : i32
    %dma_start3A_739 = arith.constant 0 : i32
    %dma_start3A_740 = arith.constant 0 : i32
    %dma_start3A_741 = tpu.memref_slice %arg11[%dma_start3A_738, %dma_start3A_739, %dma_start3A_740] : memref<32x16x128xf32, #tpu.memory_space<vmem>> -> memref<1x16x128xf32, #tpu.memory_space<vmem>>
    %dma_start3A_742 = tpu.memref_squeeze %dma_start3A_741 : memref<1x16x128xf32, #tpu.memory_space<vmem>> -> memref<16x128xf32, #tpu.memory_space<vmem>>
    %dma_start3A_743 = arith.constant 0 : i32
    %dma_start3A_744 = tpu.memref_slice %arg2[%dma_start3A_743, %mul3A_737] : memref<16x1000000xf32, #tpu.memory_space<any>> -> memref<16x128xf32, #tpu.memory_space<any>>
    tpu.enqueue_dma source(%dma_start3A_744 : memref<16x128xf32, #tpu.memory_space<any>>) target(%dma_start3A_742 : memref<16x128xf32, #tpu.memory_space<vmem>>) target_semaphore(%arg12 : memref<!tpu.dma_semaphore, #tpu.memory_space<semaphore_mem>>)
    %get3A_745 = arith.constant 21 : index
    %get3A_746 = arith.constant 0 : index
    %get3A_747 = memref.load %arg1[%get3A_745, %get3A_746] : memref<32x16xi32, #tpu.memory_space<smem>>
    %jit3A_748 = arith.constant 128 : i32
    %div3A_749 = arith.divsi %get3A_747, %jit3A_748 : i32
    %sign3A_750 = arith.constant 0 : i32
    %sign3A_751 = arith.cmpi sgt, %get3A_747, %sign3A_750 : i32
    %sign3A_752 = arith.extui %sign3A_751 : i1 to i32
    %sign3A_753 = arith.constant 0 : i32
    %sign3A_754 = arith.cmpi slt, %get3A_747, %sign3A_753 : i32
    %sign3A_755 = arith.extui %sign3A_754 : i1 to i32
    %sign3A_756 = arith.subi %sign3A_752, %sign3A_755 : i32
    %sign3A_757 = arith.constant 0 : i32
    %sign3A_758 = arith.cmpi sgt, %jit3A_748, %sign3A_757 : i32
    %sign3A_759 = arith.extui %sign3A_758 : i1 to i32
    %sign3A_760 = arith.constant 0 : i32
    %sign3A_761 = arith.cmpi slt, %jit3A_748, %sign3A_760 : i32
    %sign3A_762 = arith.extui %sign3A_761 : i1 to i32
    %sign3A_763 = arith.subi %sign3A_759, %sign3A_762 : i32
    %ne3A_764 = arith.cmpi ne, %sign3A_756, %sign3A_763 : i32
    %rem3A_765 = arith.remsi %get3A_747, %jit3A_748 : i32
    %ne3A_766 = arith.constant 0 : i32
    %ne3A_767 = arith.cmpi ne, %rem3A_765, %ne3A_766 : i32
    %and3A_768 = arith.andi %ne3A_764, %ne3A_767 : i1
    %sub3A_769 = arith.constant 1 : i32
    %sub3A_770 = arith.subi %div3A_749, %sub3A_769 : i32
    %select_n3A_771 = arith.select %and3A_768, %sub3A_770, %div3A_749 : i32
    %mul3A_772 = arith.constant 128 : i32
    %mul3A_773 = arith.muli %select_n3A_771, %mul3A_772 : i32
    %dma_start3A_774 = arith.constant 21 : i32
    %dma_start3A_775 = arith.constant 0 : i32
    %dma_start3A_776 = arith.constant 0 : i32
    %dma_start3A_777 = tpu.memref_slice %arg11[%dma_start3A_774, %dma_start3A_775, %dma_start3A_776] : memref<32x16x128xf32, #tpu.memory_space<vmem>> -> memref<1x16x128xf32, #tpu.memory_space<vmem>>
    %dma_start3A_778 = tpu.memref_squeeze %dma_start3A_777 : memref<1x16x128xf32, #tpu.memory_space<vmem>> -> memref<16x128xf32, #tpu.memory_space<vmem>>
    %dma_start3A_779 = arith.constant 0 : i32
    %dma_start3A_780 = tpu.memref_slice %arg2[%dma_start3A_779, %mul3A_773] : memref<16x1000000xf32, #tpu.memory_space<any>> -> memref<16x128xf32, #tpu.memory_space<any>>
    tpu.enqueue_dma source(%dma_start3A_780 : memref<16x128xf32, #tpu.memory_space<any>>) target(%dma_start3A_778 : memref<16x128xf32, #tpu.memory_space<vmem>>) target_semaphore(%arg12 : memref<!tpu.dma_semaphore, #tpu.memory_space<semaphore_mem>>)
    %get3A_781 = arith.constant 22 : index
    %get3A_782 = arith.constant 0 : index
    %get3A_783 = memref.load %arg1[%get3A_781, %get3A_782] : memref<32x16xi32, #tpu.memory_space<smem>>
    %jit3A_784 = arith.constant 128 : i32
    %div3A_785 = arith.divsi %get3A_783, %jit3A_784 : i32
    %sign3A_786 = arith.constant 0 : i32
    %sign3A_787 = arith.cmpi sgt, %get3A_783, %sign3A_786 : i32
    %sign3A_788 = arith.extui %sign3A_787 : i1 to i32
    %sign3A_789 = arith.constant 0 : i32
    %sign3A_790 = arith.cmpi slt, %get3A_783, %sign3A_789 : i32
    %sign3A_791 = arith.extui %sign3A_790 : i1 to i32
    %sign3A_792 = arith.subi %sign3A_788, %sign3A_791 : i32
    %sign3A_793 = arith.constant 0 : i32
    %sign3A_794 = arith.cmpi sgt, %jit3A_784, %sign3A_793 : i32
    %sign3A_795 = arith.extui %sign3A_794 : i1 to i32
    %sign3A_796 = arith.constant 0 : i32
    %sign3A_797 = arith.cmpi slt, %jit3A_784, %sign3A_796 : i32
    %sign3A_798 = arith.extui %sign3A_797 : i1 to i32
    %sign3A_799 = arith.subi %sign3A_795, %sign3A_798 : i32
    %ne3A_800 = arith.cmpi ne, %sign3A_792, %sign3A_799 : i32
    %rem3A_801 = arith.remsi %get3A_783, %jit3A_784 : i32
    %ne3A_802 = arith.constant 0 : i32
    %ne3A_803 = arith.cmpi ne, %rem3A_801, %ne3A_802 : i32
    %and3A_804 = arith.andi %ne3A_800, %ne3A_803 : i1
    %sub3A_805 = arith.constant 1 : i32
    %sub3A_806 = arith.subi %div3A_785, %sub3A_805 : i32
    %select_n3A_807 = arith.select %and3A_804, %sub3A_806, %div3A_785 : i32
    %mul3A_808 = arith.constant 128 : i32
    %mul3A_809 = arith.muli %select_n3A_807, %mul3A_808 : i32
    %dma_start3A_810 = arith.constant 22 : i32
    %dma_start3A_811 = arith.constant 0 : i32
    %dma_start3A_812 = arith.constant 0 : i32
    %dma_start3A_813 = tpu.memref_slice %arg11[%dma_start3A_810, %dma_start3A_811, %dma_start3A_812] : memref<32x16x128xf32, #tpu.memory_space<vmem>> -> memref<1x16x128xf32, #tpu.memory_space<vmem>>
    %dma_start3A_814 = tpu.memref_squeeze %dma_start3A_813 : memref<1x16x128xf32, #tpu.memory_space<vmem>> -> memref<16x128xf32, #tpu.memory_space<vmem>>
    %dma_start3A_815 = arith.constant 0 : i32
    %dma_start3A_816 = tpu.memref_slice %arg2[%dma_start3A_815, %mul3A_809] : memref<16x1000000xf32, #tpu.memory_space<any>> -> memref<16x128xf32, #tpu.memory_space<any>>
    tpu.enqueue_dma source(%dma_start3A_816 : memref<16x128xf32, #tpu.memory_space<any>>) target(%dma_start3A_814 : memref<16x128xf32, #tpu.memory_space<vmem>>) target_semaphore(%arg12 : memref<!tpu.dma_semaphore, #tpu.memory_space<semaphore_mem>>)
    %get3A_817 = arith.constant 23 : index
    %get3A_818 = arith.constant 0 : index
    %get3A_819 = memref.load %arg1[%get3A_817, %get3A_818] : memref<32x16xi32, #tpu.memory_space<smem>>
    %jit3A_820 = arith.constant 128 : i32
    %div3A_821 = arith.divsi %get3A_819, %jit3A_820 : i32
    %sign3A_822 = arith.constant 0 : i32
    %sign3A_823 = arith.cmpi sgt, %get3A_819, %sign3A_822 : i32
    %sign3A_824 = arith.extui %sign3A_823 : i1 to i32
    %sign3A_825 = arith.constant 0 : i32
    %sign3A_826 = arith.cmpi slt, %get3A_819, %sign3A_825 : i32
    %sign3A_827 = arith.extui %sign3A_826 : i1 to i32
    %sign3A_828 = arith.subi %sign3A_824, %sign3A_827 : i32
    %sign3A_829 = arith.constant 0 : i32
    %sign3A_830 = arith.cmpi sgt, %jit3A_820, %sign3A_829 : i32
    %sign3A_831 = arith.extui %sign3A_830 : i1 to i32
    %sign3A_832 = arith.constant 0 : i32
    %sign3A_833 = arith.cmpi slt, %jit3A_820, %sign3A_832 : i32
    %sign3A_834 = arith.extui %sign3A_833 : i1 to i32
    %sign3A_835 = arith.subi %sign3A_831, %sign3A_834 : i32
    %ne3A_836 = arith.cmpi ne, %sign3A_828, %sign3A_835 : i32
    %rem3A_837 = arith.remsi %get3A_819, %jit3A_820 : i32
    %ne3A_838 = arith.constant 0 : i32
    %ne3A_839 = arith.cmpi ne, %rem3A_837, %ne3A_838 : i32
    %and3A_840 = arith.andi %ne3A_836, %ne3A_839 : i1
    %sub3A_841 = arith.constant 1 : i32
    %sub3A_842 = arith.subi %div3A_821, %sub3A_841 : i32
    %select_n3A_843 = arith.select %and3A_840, %sub3A_842, %div3A_821 : i32
    %mul3A_844 = arith.constant 128 : i32
    %mul3A_845 = arith.muli %select_n3A_843, %mul3A_844 : i32
    %dma_start3A_846 = arith.constant 23 : i32
    %dma_start3A_847 = arith.constant 0 : i32
    %dma_start3A_848 = arith.constant 0 : i32
    %dma_start3A_849 = tpu.memref_slice %arg11[%dma_start3A_846, %dma_start3A_847, %dma_start3A_848] : memref<32x16x128xf32, #tpu.memory_space<vmem>> -> memref<1x16x128xf32, #tpu.memory_space<vmem>>
    %dma_start3A_850 = tpu.memref_squeeze %dma_start3A_849 : memref<1x16x128xf32, #tpu.memory_space<vmem>> -> memref<16x128xf32, #tpu.memory_space<vmem>>
    %dma_start3A_851 = arith.constant 0 : i32
    %dma_start3A_852 = tpu.memref_slice %arg2[%dma_start3A_851, %mul3A_845] : memref<16x1000000xf32, #tpu.memory_space<any>> -> memref<16x128xf32, #tpu.memory_space<any>>
    tpu.enqueue_dma source(%dma_start3A_852 : memref<16x128xf32, #tpu.memory_space<any>>) target(%dma_start3A_850 : memref<16x128xf32, #tpu.memory_space<vmem>>) target_semaphore(%arg12 : memref<!tpu.dma_semaphore, #tpu.memory_space<semaphore_mem>>)
    %get3A_853 = arith.constant 24 : index
    %get3A_854 = arith.constant 0 : index
    %get3A_855 = memref.load %arg1[%get3A_853, %get3A_854] : memref<32x16xi32, #tpu.memory_space<smem>>
    %jit3A_856 = arith.constant 128 : i32
    %div3A_857 = arith.divsi %get3A_855, %jit3A_856 : i32
    %sign3A_858 = arith.constant 0 : i32
    %sign3A_859 = arith.cmpi sgt, %get3A_855, %sign3A_858 : i32
    %sign3A_860 = arith.extui %sign3A_859 : i1 to i32
    %sign3A_861 = arith.constant 0 : i32
    %sign3A_862 = arith.cmpi slt, %get3A_855, %sign3A_861 : i32
    %sign3A_863 = arith.extui %sign3A_862 : i1 to i32
    %sign3A_864 = arith.subi %sign3A_860, %sign3A_863 : i32
    %sign3A_865 = arith.constant 0 : i32
    %sign3A_866 = arith.cmpi sgt, %jit3A_856, %sign3A_865 : i32
    %sign3A_867 = arith.extui %sign3A_866 : i1 to i32
    %sign3A_868 = arith.constant 0 : i32
    %sign3A_869 = arith.cmpi slt, %jit3A_856, %sign3A_868 : i32
    %sign3A_870 = arith.extui %sign3A_869 : i1 to i32
    %sign3A_871 = arith.subi %sign3A_867, %sign3A_870 : i32
    %ne3A_872 = arith.cmpi ne, %sign3A_864, %sign3A_871 : i32
    %rem3A_873 = arith.remsi %get3A_855, %jit3A_856 : i32
    %ne3A_874 = arith.constant 0 : i32
    %ne3A_875 = arith.cmpi ne, %rem3A_873, %ne3A_874 : i32
    %and3A_876 = arith.andi %ne3A_872, %ne3A_875 : i1
    %sub3A_877 = arith.constant 1 : i32
    %sub3A_878 = arith.subi %div3A_857, %sub3A_877 : i32
    %select_n3A_879 = arith.select %and3A_876, %sub3A_878, %div3A_857 : i32
    %mul3A_880 = arith.constant 128 : i32
    %mul3A_881 = arith.muli %select_n3A_879, %mul3A_880 : i32
    %dma_start3A_882 = arith.constant 24 : i32
    %dma_start3A_883 = arith.constant 0 : i32
    %dma_start3A_884 = arith.constant 0 : i32
    %dma_start3A_885 = tpu.memref_slice %arg11[%dma_start3A_882, %dma_start3A_883, %dma_start3A_884] : memref<32x16x128xf32, #tpu.memory_space<vmem>> -> memref<1x16x128xf32, #tpu.memory_space<vmem>>
    %dma_start3A_886 = tpu.memref_squeeze %dma_start3A_885 : memref<1x16x128xf32, #tpu.memory_space<vmem>> -> memref<16x128xf32, #tpu.memory_space<vmem>>
    %dma_start3A_887 = arith.constant 0 : i32
    %dma_start3A_888 = tpu.memref_slice %arg2[%dma_start3A_887, %mul3A_881] : memref<16x1000000xf32, #tpu.memory_space<any>> -> memref<16x128xf32, #tpu.memory_space<any>>
    tpu.enqueue_dma source(%dma_start3A_888 : memref<16x128xf32, #tpu.memory_space<any>>) target(%dma_start3A_886 : memref<16x128xf32, #tpu.memory_space<vmem>>) target_semaphore(%arg12 : memref<!tpu.dma_semaphore, #tpu.memory_space<semaphore_mem>>)
    %get3A_889 = arith.constant 25 : index
    %get3A_890 = arith.constant 0 : index
    %get3A_891 = memref.load %arg1[%get3A_889, %get3A_890] : memref<32x16xi32, #tpu.memory_space<smem>>
    %jit3A_892 = arith.constant 128 : i32
    %div3A_893 = arith.divsi %get3A_891, %jit3A_892 : i32
    %sign3A_894 = arith.constant 0 : i32
    %sign3A_895 = arith.cmpi sgt, %get3A_891, %sign3A_894 : i32
    %sign3A_896 = arith.extui %sign3A_895 : i1 to i32
    %sign3A_897 = arith.constant 0 : i32
    %sign3A_898 = arith.cmpi slt, %get3A_891, %sign3A_897 : i32
    %sign3A_899 = arith.extui %sign3A_898 : i1 to i32
    %sign3A_900 = arith.subi %sign3A_896, %sign3A_899 : i32
    %sign3A_901 = arith.constant 0 : i32
    %sign3A_902 = arith.cmpi sgt, %jit3A_892, %sign3A_901 : i32
    %sign3A_903 = arith.extui %sign3A_902 : i1 to i32
    %sign3A_904 = arith.constant 0 : i32
    %sign3A_905 = arith.cmpi slt, %jit3A_892, %sign3A_904 : i32
    %sign3A_906 = arith.extui %sign3A_905 : i1 to i32
    %sign3A_907 = arith.subi %sign3A_903, %sign3A_906 : i32
    %ne3A_908 = arith.cmpi ne, %sign3A_900, %sign3A_907 : i32
    %rem3A_909 = arith.remsi %get3A_891, %jit3A_892 : i32
    %ne3A_910 = arith.constant 0 : i32
    %ne3A_911 = arith.cmpi ne, %rem3A_909, %ne3A_910 : i32
    %and3A_912 = arith.andi %ne3A_908, %ne3A_911 : i1
    %sub3A_913 = arith.constant 1 : i32
    %sub3A_914 = arith.subi %div3A_893, %sub3A_913 : i32
    %select_n3A_915 = arith.select %and3A_912, %sub3A_914, %div3A_893 : i32
    %mul3A_916 = arith.constant 128 : i32
    %mul3A_917 = arith.muli %select_n3A_915, %mul3A_916 : i32
    %dma_start3A_918 = arith.constant 25 : i32
    %dma_start3A_919 = arith.constant 0 : i32
    %dma_start3A_920 = arith.constant 0 : i32
    %dma_start3A_921 = tpu.memref_slice %arg11[%dma_start3A_918, %dma_start3A_919, %dma_start3A_920] : memref<32x16x128xf32, #tpu.memory_space<vmem>> -> memref<1x16x128xf32, #tpu.memory_space<vmem>>
    %dma_start3A_922 = tpu.memref_squeeze %dma_start3A_921 : memref<1x16x128xf32, #tpu.memory_space<vmem>> -> memref<16x128xf32, #tpu.memory_space<vmem>>
    %dma_start3A_923 = arith.constant 0 : i32
    %dma_start3A_924 = tpu.memref_slice %arg2[%dma_start3A_923, %mul3A_917] : memref<16x1000000xf32, #tpu.memory_space<any>> -> memref<16x128xf32, #tpu.memory_space<any>>
    tpu.enqueue_dma source(%dma_start3A_924 : memref<16x128xf32, #tpu.memory_space<any>>) target(%dma_start3A_922 : memref<16x128xf32, #tpu.memory_space<vmem>>) target_semaphore(%arg12 : memref<!tpu.dma_semaphore, #tpu.memory_space<semaphore_mem>>)
    %get3A_925 = arith.constant 26 : index
    %get3A_926 = arith.constant 0 : index
    %get3A_927 = memref.load %arg1[%get3A_925, %get3A_926] : memref<32x16xi32, #tpu.memory_space<smem>>
    %jit3A_928 = arith.constant 128 : i32
    %div3A_929 = arith.divsi %get3A_927, %jit3A_928 : i32
    %sign3A_930 = arith.constant 0 : i32
    %sign3A_931 = arith.cmpi sgt, %get3A_927, %sign3A_930 : i32
    %sign3A_932 = arith.extui %sign3A_931 : i1 to i32
    %sign3A_933 = arith.constant 0 : i32
    %sign3A_934 = arith.cmpi slt, %get3A_927, %sign3A_933 : i32
    %sign3A_935 = arith.extui %sign3A_934 : i1 to i32
    %sign3A_936 = arith.subi %sign3A_932, %sign3A_935 : i32
    %sign3A_937 = arith.constant 0 : i32
    %sign3A_938 = arith.cmpi sgt, %jit3A_928, %sign3A_937 : i32
    %sign3A_939 = arith.extui %sign3A_938 : i1 to i32
    %sign3A_940 = arith.constant 0 : i32
    %sign3A_941 = arith.cmpi slt, %jit3A_928, %sign3A_940 : i32
    %sign3A_942 = arith.extui %sign3A_941 : i1 to i32
    %sign3A_943 = arith.subi %sign3A_939, %sign3A_942 : i32
    %ne3A_944 = arith.cmpi ne, %sign3A_936, %sign3A_943 : i32
    %rem3A_945 = arith.remsi %get3A_927, %jit3A_928 : i32
    %ne3A_946 = arith.constant 0 : i32
    %ne3A_947 = arith.cmpi ne, %rem3A_945, %ne3A_946 : i32
    %and3A_948 = arith.andi %ne3A_944, %ne3A_947 : i1
    %sub3A_949 = arith.constant 1 : i32
    %sub3A_950 = arith.subi %div3A_929, %sub3A_949 : i32
    %select_n3A_951 = arith.select %and3A_948, %sub3A_950, %div3A_929 : i32
    %mul3A_952 = arith.constant 128 : i32
    %mul3A_953 = arith.muli %select_n3A_951, %mul3A_952 : i32
    %dma_start3A_954 = arith.constant 26 : i32
    %dma_start3A_955 = arith.constant 0 : i32
    %dma_start3A_956 = arith.constant 0 : i32
    %dma_start3A_957 = tpu.memref_slice %arg11[%dma_start3A_954, %dma_start3A_955, %dma_start3A_956] : memref<32x16x128xf32, #tpu.memory_space<vmem>> -> memref<1x16x128xf32, #tpu.memory_space<vmem>>
    %dma_start3A_958 = tpu.memref_squeeze %dma_start3A_957 : memref<1x16x128xf32, #tpu.memory_space<vmem>> -> memref<16x128xf32, #tpu.memory_space<vmem>>
    %dma_start3A_959 = arith.constant 0 : i32
    %dma_start3A_960 = tpu.memref_slice %arg2[%dma_start3A_959, %mul3A_953] : memref<16x1000000xf32, #tpu.memory_space<any>> -> memref<16x128xf32, #tpu.memory_space<any>>
    tpu.enqueue_dma source(%dma_start3A_960 : memref<16x128xf32, #tpu.memory_space<any>>) target(%dma_start3A_958 : memref<16x128xf32, #tpu.memory_space<vmem>>) target_semaphore(%arg12 : memref<!tpu.dma_semaphore, #tpu.memory_space<semaphore_mem>>)
    %get3A_961 = arith.constant 27 : index
    %get3A_962 = arith.constant 0 : index
    %get3A_963 = memref.load %arg1[%get3A_961, %get3A_962] : memref<32x16xi32, #tpu.memory_space<smem>>
    %jit3A_964 = arith.constant 128 : i32
    %div3A_965 = arith.divsi %get3A_963, %jit3A_964 : i32
    %sign3A_966 = arith.constant 0 : i32
    %sign3A_967 = arith.cmpi sgt, %get3A_963, %sign3A_966 : i32
    %sign3A_968 = arith.extui %sign3A_967 : i1 to i32
    %sign3A_969 = arith.constant 0 : i32
    %sign3A_970 = arith.cmpi slt, %get3A_963, %sign3A_969 : i32
    %sign3A_971 = arith.extui %sign3A_970 : i1 to i32
    %sign3A_972 = arith.subi %sign3A_968, %sign3A_971 : i32
    %sign3A_973 = arith.constant 0 : i32
    %sign3A_974 = arith.cmpi sgt, %jit3A_964, %sign3A_973 : i32
    %sign3A_975 = arith.extui %sign3A_974 : i1 to i32
    %sign3A_976 = arith.constant 0 : i32
    %sign3A_977 = arith.cmpi slt, %jit3A_964, %sign3A_976 : i32
    %sign3A_978 = arith.extui %sign3A_977 : i1 to i32
    %sign3A_979 = arith.subi %sign3A_975, %sign3A_978 : i32
    %ne3A_980 = arith.cmpi ne, %sign3A_972, %sign3A_979 : i32
    %rem3A_981 = arith.remsi %get3A_963, %jit3A_964 : i32
    %ne3A_982 = arith.constant 0 : i32
    %ne3A_983 = arith.cmpi ne, %rem3A_981, %ne3A_982 : i32
    %and3A_984 = arith.andi %ne3A_980, %ne3A_983 : i1
    %sub3A_985 = arith.constant 1 : i32
    %sub3A_986 = arith.subi %div3A_965, %sub3A_985 : i32
    %select_n3A_987 = arith.select %and3A_984, %sub3A_986, %div3A_965 : i32
    %mul3A_988 = arith.constant 128 : i32
    %mul3A_989 = arith.muli %select_n3A_987, %mul3A_988 : i32
    %dma_start3A_990 = arith.constant 27 : i32
    %dma_start3A_991 = arith.constant 0 : i32
    %dma_start3A_992 = arith.constant 0 : i32
    %dma_start3A_993 = tpu.memref_slice %arg11[%dma_start3A_990, %dma_start3A_991, %dma_start3A_992] : memref<32x16x128xf32, #tpu.memory_space<vmem>> -> memref<1x16x128xf32, #tpu.memory_space<vmem>>
    %dma_start3A_994 = tpu.memref_squeeze %dma_start3A_993 : memref<1x16x128xf32, #tpu.memory_space<vmem>> -> memref<16x128xf32, #tpu.memory_space<vmem>>
    %dma_start3A_995 = arith.constant 0 : i32
    %dma_start3A_996 = tpu.memref_slice %arg2[%dma_start3A_995, %mul3A_989] : memref<16x1000000xf32, #tpu.memory_space<any>> -> memref<16x128xf32, #tpu.memory_space<any>>
    tpu.enqueue_dma source(%dma_start3A_996 : memref<16x128xf32, #tpu.memory_space<any>>) target(%dma_start3A_994 : memref<16x128xf32, #tpu.memory_space<vmem>>) target_semaphore(%arg12 : memref<!tpu.dma_semaphore, #tpu.memory_space<semaphore_mem>>)
    %get3A_997 = arith.constant 28 : index
    %get3A_998 = arith.constant 0 : index
    %get3A_999 = memref.load %arg1[%get3A_997, %get3A_998] : memref<32x16xi32, #tpu.memory_space<smem>>
    %jit3A_1000 = arith.constant 128 : i32
    %div3A_1001 = arith.divsi %get3A_999, %jit3A_1000 : i32
    %sign3A_1002 = arith.constant 0 : i32
    %sign3A_1003 = arith.cmpi sgt, %get3A_999, %sign3A_1002 : i32
    %sign3A_1004 = arith.extui %sign3A_1003 : i1 to i32
    %sign3A_1005 = arith.constant 0 : i32
    %sign3A_1006 = arith.cmpi slt, %get3A_999, %sign3A_1005 : i32
    %sign3A_1007 = arith.extui %sign3A_1006 : i1 to i32
    %sign3A_1008 = arith.subi %sign3A_1004, %sign3A_1007 : i32
    %sign3A_1009 = arith.constant 0 : i32
    %sign3A_1010 = arith.cmpi sgt, %jit3A_1000, %sign3A_1009 : i32
    %sign3A_1011 = arith.extui %sign3A_1010 : i1 to i32
    %sign3A_1012 = arith.constant 0 : i32
    %sign3A_1013 = arith.cmpi slt, %jit3A_1000, %sign3A_1012 : i32
    %sign3A_1014 = arith.extui %sign3A_1013 : i1 to i32
    %sign3A_1015 = arith.subi %sign3A_1011, %sign3A_1014 : i32
    %ne3A_1016 = arith.cmpi ne, %sign3A_1008, %sign3A_1015 : i32
    %rem3A_1017 = arith.remsi %get3A_999, %jit3A_1000 : i32
    %ne3A_1018 = arith.constant 0 : i32
    %ne3A_1019 = arith.cmpi ne, %rem3A_1017, %ne3A_1018 : i32
    %and3A_1020 = arith.andi %ne3A_1016, %ne3A_1019 : i1
    %sub3A_1021 = arith.constant 1 : i32
    %sub3A_1022 = arith.subi %div3A_1001, %sub3A_1021 : i32
    %select_n3A_1023 = arith.select %and3A_1020, %sub3A_1022, %div3A_1001 : i32
    %mul3A_1024 = arith.constant 128 : i32
    %mul3A_1025 = arith.muli %select_n3A_1023, %mul3A_1024 : i32
    %dma_start3A_1026 = arith.constant 28 : i32
    %dma_start3A_1027 = arith.constant 0 : i32
    %dma_start3A_1028 = arith.constant 0 : i32
    %dma_start3A_1029 = tpu.memref_slice %arg11[%dma_start3A_1026, %dma_start3A_1027, %dma_start3A_1028] : memref<32x16x128xf32, #tpu.memory_space<vmem>> -> memref<1x16x128xf32, #tpu.memory_space<vmem>>
    %dma_start3A_1030 = tpu.memref_squeeze %dma_start3A_1029 : memref<1x16x128xf32, #tpu.memory_space<vmem>> -> memref<16x128xf32, #tpu.memory_space<vmem>>
    %dma_start3A_1031 = arith.constant 0 : i32
    %dma_start3A_1032 = tpu.memref_slice %arg2[%dma_start3A_1031, %mul3A_1025] : memref<16x1000000xf32, #tpu.memory_space<any>> -> memref<16x128xf32, #tpu.memory_space<any>>
    tpu.enqueue_dma source(%dma_start3A_1032 : memref<16x128xf32, #tpu.memory_space<any>>) target(%dma_start3A_1030 : memref<16x128xf32, #tpu.memory_space<vmem>>) target_semaphore(%arg12 : memref<!tpu.dma_semaphore, #tpu.memory_space<semaphore_mem>>)
    %get3A_1033 = arith.constant 29 : index
    %get3A_1034 = arith.constant 0 : index
    %get3A_1035 = memref.load %arg1[%get3A_1033, %get3A_1034] : memref<32x16xi32, #tpu.memory_space<smem>>
    %jit3A_1036 = arith.constant 128 : i32
    %div3A_1037 = arith.divsi %get3A_1035, %jit3A_1036 : i32
    %sign3A_1038 = arith.constant 0 : i32
    %sign3A_1039 = arith.cmpi sgt, %get3A_1035, %sign3A_1038 : i32
    %sign3A_1040 = arith.extui %sign3A_1039 : i1 to i32
    %sign3A_1041 = arith.constant 0 : i32
    %sign3A_1042 = arith.cmpi slt, %get3A_1035, %sign3A_1041 : i32
    %sign3A_1043 = arith.extui %sign3A_1042 : i1 to i32
    %sign3A_1044 = arith.subi %sign3A_1040, %sign3A_1043 : i32
    %sign3A_1045 = arith.constant 0 : i32
    %sign3A_1046 = arith.cmpi sgt, %jit3A_1036, %sign3A_1045 : i32
    %sign3A_1047 = arith.extui %sign3A_1046 : i1 to i32
    %sign3A_1048 = arith.constant 0 : i32
    %sign3A_1049 = arith.cmpi slt, %jit3A_1036, %sign3A_1048 : i32
    %sign3A_1050 = arith.extui %sign3A_1049 : i1 to i32
    %sign3A_1051 = arith.subi %sign3A_1047, %sign3A_1050 : i32
    %ne3A_1052 = arith.cmpi ne, %sign3A_1044, %sign3A_1051 : i32
    %rem3A_1053 = arith.remsi %get3A_1035, %jit3A_1036 : i32
    %ne3A_1054 = arith.constant 0 : i32
    %ne3A_1055 = arith.cmpi ne, %rem3A_1053, %ne3A_1054 : i32
    %and3A_1056 = arith.andi %ne3A_1052, %ne3A_1055 : i1
    %sub3A_1057 = arith.constant 1 : i32
    %sub3A_1058 = arith.subi %div3A_1037, %sub3A_1057 : i32
    %select_n3A_1059 = arith.select %and3A_1056, %sub3A_1058, %div3A_1037 : i32
    %mul3A_1060 = arith.constant 128 : i32
    %mul3A_1061 = arith.muli %select_n3A_1059, %mul3A_1060 : i32
    %dma_start3A_1062 = arith.constant 29 : i32
    %dma_start3A_1063 = arith.constant 0 : i32
    %dma_start3A_1064 = arith.constant 0 : i32
    %dma_start3A_1065 = tpu.memref_slice %arg11[%dma_start3A_1062, %dma_start3A_1063, %dma_start3A_1064] : memref<32x16x128xf32, #tpu.memory_space<vmem>> -> memref<1x16x128xf32, #tpu.memory_space<vmem>>
    %dma_start3A_1066 = tpu.memref_squeeze %dma_start3A_1065 : memref<1x16x128xf32, #tpu.memory_space<vmem>> -> memref<16x128xf32, #tpu.memory_space<vmem>>
    %dma_start3A_1067 = arith.constant 0 : i32
    %dma_start3A_1068 = tpu.memref_slice %arg2[%dma_start3A_1067, %mul3A_1061] : memref<16x1000000xf32, #tpu.memory_space<any>> -> memref<16x128xf32, #tpu.memory_space<any>>
    tpu.enqueue_dma source(%dma_start3A_1068 : memref<16x128xf32, #tpu.memory_space<any>>) target(%dma_start3A_1066 : memref<16x128xf32, #tpu.memory_space<vmem>>) target_semaphore(%arg12 : memref<!tpu.dma_semaphore, #tpu.memory_space<semaphore_mem>>)
    %get3A_1069 = arith.constant 30 : index
    %get3A_1070 = arith.constant 0 : index
    %get3A_1071 = memref.load %arg1[%get3A_1069, %get3A_1070] : memref<32x16xi32, #tpu.memory_space<smem>>
    %jit3A_1072 = arith.constant 128 : i32
    %div3A_1073 = arith.divsi %get3A_1071, %jit3A_1072 : i32
    %sign3A_1074 = arith.constant 0 : i32
    %sign3A_1075 = arith.cmpi sgt, %get3A_1071, %sign3A_1074 : i32
    %sign3A_1076 = arith.extui %sign3A_1075 : i1 to i32
    %sign3A_1077 = arith.constant 0 : i32
    %sign3A_1078 = arith.cmpi slt, %get3A_1071, %sign3A_1077 : i32
    %sign3A_1079 = arith.extui %sign3A_1078 : i1 to i32
    %sign3A_1080 = arith.subi %sign3A_1076, %sign3A_1079 : i32
    %sign3A_1081 = arith.constant 0 : i32
    %sign3A_1082 = arith.cmpi sgt, %jit3A_1072, %sign3A_1081 : i32
    %sign3A_1083 = arith.extui %sign3A_1082 : i1 to i32
    %sign3A_1084 = arith.constant 0 : i32
    %sign3A_1085 = arith.cmpi slt, %jit3A_1072, %sign3A_1084 : i32
    %sign3A_1086 = arith.extui %sign3A_1085 : i1 to i32
    %sign3A_1087 = arith.subi %sign3A_1083, %sign3A_1086 : i32
    %ne3A_1088 = arith.cmpi ne, %sign3A_1080, %sign3A_1087 : i32
    %rem3A_1089 = arith.remsi %get3A_1071, %jit3A_1072 : i32
    %ne3A_1090 = arith.constant 0 : i32
    %ne3A_1091 = arith.cmpi ne, %rem3A_1089, %ne3A_1090 : i32
    %and3A_1092 = arith.andi %ne3A_1088, %ne3A_1091 : i1
    %sub3A_1093 = arith.constant 1 : i32
    %sub3A_1094 = arith.subi %div3A_1073, %sub3A_1093 : i32
    %select_n3A_1095 = arith.select %and3A_1092, %sub3A_1094, %div3A_1073 : i32
    %mul3A_1096 = arith.constant 128 : i32
    %mul3A_1097 = arith.muli %select_n3A_1095, %mul3A_1096 : i32
    %dma_start3A_1098 = arith.constant 30 : i32
    %dma_start3A_1099 = arith.constant 0 : i32
    %dma_start3A_1100 = arith.constant 0 : i32
    %dma_start3A_1101 = tpu.memref_slice %arg11[%dma_start3A_1098, %dma_start3A_1099, %dma_start3A_1100] : memref<32x16x128xf32, #tpu.memory_space<vmem>> -> memref<1x16x128xf32, #tpu.memory_space<vmem>>
    %dma_start3A_1102 = tpu.memref_squeeze %dma_start3A_1101 : memref<1x16x128xf32, #tpu.memory_space<vmem>> -> memref<16x128xf32, #tpu.memory_space<vmem>>
    %dma_start3A_1103 = arith.constant 0 : i32
    %dma_start3A_1104 = tpu.memref_slice %arg2[%dma_start3A_1103, %mul3A_1097] : memref<16x1000000xf32, #tpu.memory_space<any>> -> memref<16x128xf32, #tpu.memory_space<any>>
    tpu.enqueue_dma source(%dma_start3A_1104 : memref<16x128xf32, #tpu.memory_space<any>>) target(%dma_start3A_1102 : memref<16x128xf32, #tpu.memory_space<vmem>>) target_semaphore(%arg12 : memref<!tpu.dma_semaphore, #tpu.memory_space<semaphore_mem>>)
    %get3A_1105 = arith.constant 31 : index
    %get3A_1106 = arith.constant 0 : index
    %get3A_1107 = memref.load %arg1[%get3A_1105, %get3A_1106] : memref<32x16xi32, #tpu.memory_space<smem>>
    %jit3A_1108 = arith.constant 128 : i32
    %div3A_1109 = arith.divsi %get3A_1107, %jit3A_1108 : i32
    %sign3A_1110 = arith.constant 0 : i32
    %sign3A_1111 = arith.cmpi sgt, %get3A_1107, %sign3A_1110 : i32
    %sign3A_1112 = arith.extui %sign3A_1111 : i1 to i32
    %sign3A_1113 = arith.constant 0 : i32
    %sign3A_1114 = arith.cmpi slt, %get3A_1107, %sign3A_1113 : i32
    %sign3A_1115 = arith.extui %sign3A_1114 : i1 to i32
    %sign3A_1116 = arith.subi %sign3A_1112, %sign3A_1115 : i32
    %sign3A_1117 = arith.constant 0 : i32
    %sign3A_1118 = arith.cmpi sgt, %jit3A_1108, %sign3A_1117 : i32
    %sign3A_1119 = arith.extui %sign3A_1118 : i1 to i32
    %sign3A_1120 = arith.constant 0 : i32
    %sign3A_1121 = arith.cmpi slt, %jit3A_1108, %sign3A_1120 : i32
    %sign3A_1122 = arith.extui %sign3A_1121 : i1 to i32
    %sign3A_1123 = arith.subi %sign3A_1119, %sign3A_1122 : i32
    %ne3A_1124 = arith.cmpi ne, %sign3A_1116, %sign3A_1123 : i32
    %rem3A_1125 = arith.remsi %get3A_1107, %jit3A_1108 : i32
    %ne3A_1126 = arith.constant 0 : i32
    %ne3A_1127 = arith.cmpi ne, %rem3A_1125, %ne3A_1126 : i32
    %and3A_1128 = arith.andi %ne3A_1124, %ne3A_1127 : i1
    %sub3A_1129 = arith.constant 1 : i32
    %sub3A_1130 = arith.subi %div3A_1109, %sub3A_1129 : i32
    %select_n3A_1131 = arith.select %and3A_1128, %sub3A_1130, %div3A_1109 : i32
    %mul3A_1132 = arith.constant 128 : i32
    %mul3A_1133 = arith.muli %select_n3A_1131, %mul3A_1132 : i32
    %dma_start3A_1134 = arith.constant 31 : i32
    %dma_start3A_1135 = arith.constant 0 : i32
    %dma_start3A_1136 = arith.constant 0 : i32
    %dma_start3A_1137 = tpu.memref_slice %arg11[%dma_start3A_1134, %dma_start3A_1135, %dma_start3A_1136] : memref<32x16x128xf32, #tpu.memory_space<vmem>> -> memref<1x16x128xf32, #tpu.memory_space<vmem>>
    %dma_start3A_1138 = tpu.memref_squeeze %dma_start3A_1137 : memref<1x16x128xf32, #tpu.memory_space<vmem>> -> memref<16x128xf32, #tpu.memory_space<vmem>>
    %dma_start3A_1139 = arith.constant 0 : i32
    %dma_start3A_1140 = tpu.memref_slice %arg2[%dma_start3A_1139, %mul3A_1133] : memref<16x1000000xf32, #tpu.memory_space<any>> -> memref<16x128xf32, #tpu.memory_space<any>>
    tpu.enqueue_dma source(%dma_start3A_1140 : memref<16x128xf32, #tpu.memory_space<any>>) target(%dma_start3A_1138 : memref<16x128xf32, #tpu.memory_space<vmem>>) target_semaphore(%arg12 : memref<!tpu.dma_semaphore, #tpu.memory_space<semaphore_mem>>)
    %dma_wait3A = arith.constant 0 : i32
    %dma_wait3A_1141 = arith.constant 0 : i32
    %dma_wait3A_1142 = arith.constant 0 : i32
    %dma_wait3A_1143 = tpu.memref_slice %arg11[%dma_wait3A, %dma_wait3A_1141, %dma_wait3A_1142] : memref<32x16x128xf32, #tpu.memory_space<vmem>> -> memref<1x16x128xf32, #tpu.memory_space<vmem>>
    %dma_wait3A_1144 = tpu.memref_squeeze %dma_wait3A_1143 : memref<1x16x128xf32, #tpu.memory_space<vmem>> -> memref<16x128xf32, #tpu.memory_space<vmem>>
    %dma_wait3A_1145 = arith.constant 0 : i32
    %dma_wait3A_1146 = arith.constant 0 : i32
    %dma_wait3A_1147 = tpu.memref_slice %arg2[%dma_wait3A_1145, %dma_wait3A_1146] : memref<16x1000000xf32, #tpu.memory_space<any>> -> memref<16x128xf32, #tpu.memory_space<any>>
    tpu.wait_dma2 semaphore(%arg12 : memref<!tpu.dma_semaphore, #tpu.memory_space<semaphore_mem>>) src(%dma_wait3A_1147 : memref<16x128xf32, #tpu.memory_space<any>>) dst(%dma_wait3A_1144 : memref<16x128xf32, #tpu.memory_space<vmem>>)
    %dma_wait3A_1148 = arith.constant 1 : i32
    %dma_wait3A_1149 = arith.constant 0 : i32
    %dma_wait3A_1150 = arith.constant 0 : i32
    %dma_wait3A_1151 = tpu.memref_slice %arg11[%dma_wait3A_1148, %dma_wait3A_1149, %dma_wait3A_1150] : memref<32x16x128xf32, #tpu.memory_space<vmem>> -> memref<1x16x128xf32, #tpu.memory_space<vmem>>
    %dma_wait3A_1152 = tpu.memref_squeeze %dma_wait3A_1151 : memref<1x16x128xf32, #tpu.memory_space<vmem>> -> memref<16x128xf32, #tpu.memory_space<vmem>>
    %dma_wait3A_1153 = arith.constant 0 : i32
    %dma_wait3A_1154 = arith.constant 0 : i32
    %dma_wait3A_1155 = tpu.memref_slice %arg2[%dma_wait3A_1153, %dma_wait3A_1154] : memref<16x1000000xf32, #tpu.memory_space<any>> -> memref<16x128xf32, #tpu.memory_space<any>>
    tpu.wait_dma2 semaphore(%arg12 : memref<!tpu.dma_semaphore, #tpu.memory_space<semaphore_mem>>) src(%dma_wait3A_1155 : memref<16x128xf32, #tpu.memory_space<any>>) dst(%dma_wait3A_1152 : memref<16x128xf32, #tpu.memory_space<vmem>>)
    %dma_wait3A_1156 = arith.constant 2 : i32
    %dma_wait3A_1157 = arith.constant 0 : i32
    %dma_wait3A_1158 = arith.constant 0 : i32
    %dma_wait3A_1159 = tpu.memref_slice %arg11[%dma_wait3A_1156, %dma_wait3A_1157, %dma_wait3A_1158] : memref<32x16x128xf32, #tpu.memory_space<vmem>> -> memref<1x16x128xf32, #tpu.memory_space<vmem>>
    %dma_wait3A_1160 = tpu.memref_squeeze %dma_wait3A_1159 : memref<1x16x128xf32, #tpu.memory_space<vmem>> -> memref<16x128xf32, #tpu.memory_space<vmem>>
    %dma_wait3A_1161 = arith.constant 0 : i32
    %dma_wait3A_1162 = arith.constant 0 : i32
    %dma_wait3A_1163 = tpu.memref_slice %arg2[%dma_wait3A_1161, %dma_wait3A_1162] : memref<16x1000000xf32, #tpu.memory_space<any>> -> memref<16x128xf32, #tpu.memory_space<any>>
    tpu.wait_dma2 semaphore(%arg12 : memref<!tpu.dma_semaphore, #tpu.memory_space<semaphore_mem>>) src(%dma_wait3A_1163 : memref<16x128xf32, #tpu.memory_space<any>>) dst(%dma_wait3A_1160 : memref<16x128xf32, #tpu.memory_space<vmem>>)
    %dma_wait3A_1164 = arith.constant 3 : i32
    %dma_wait3A_1165 = arith.constant 0 : i32
    %dma_wait3A_1166 = arith.constant 0 : i32
    %dma_wait3A_1167 = tpu.memref_slice %arg11[%dma_wait3A_1164, %dma_wait3A_1165, %dma_wait3A_1166] : memref<32x16x128xf32, #tpu.memory_space<vmem>> -> memref<1x16x128xf32, #tpu.memory_space<vmem>>
    %dma_wait3A_1168 = tpu.memref_squeeze %dma_wait3A_1167 : memref<1x16x128xf32, #tpu.memory_space<vmem>> -> memref<16x128xf32, #tpu.memory_space<vmem>>
    %dma_wait3A_1169 = arith.constant 0 : i32
    %dma_wait3A_1170 = arith.constant 0 : i32
    %dma_wait3A_1171 = tpu.memref_slice %arg2[%dma_wait3A_1169, %dma_wait3A_1170] : memref<16x1000000xf32, #tpu.memory_space<any>> -> memref<16x128xf32, #tpu.memory_space<any>>
    tpu.wait_dma2 semaphore(%arg12 : memref<!tpu.dma_semaphore, #tpu.memory_space<semaphore_mem>>) src(%dma_wait3A_1171 : memref<16x128xf32, #tpu.memory_space<any>>) dst(%dma_wait3A_1168 : memref<16x128xf32, #tpu.memory_space<vmem>>)
    %dma_wait3A_1172 = arith.constant 4 : i32
    %dma_wait3A_1173 = arith.constant 0 : i32
    %dma_wait3A_1174 = arith.constant 0 : i32
    %dma_wait3A_1175 = tpu.memref_slice %arg11[%dma_wait3A_1172, %dma_wait3A_1173, %dma_wait3A_1174] : memref<32x16x128xf32, #tpu.memory_space<vmem>> -> memref<1x16x128xf32, #tpu.memory_space<vmem>>
    %dma_wait3A_1176 = tpu.memref_squeeze %dma_wait3A_1175 : memref<1x16x128xf32, #tpu.memory_space<vmem>> -> memref<16x128xf32, #tpu.memory_space<vmem>>
    %dma_wait3A_1177 = arith.constant 0 : i32
    %dma_wait3A_1178 = arith.constant 0 : i32
    %dma_wait3A_1179 = tpu.memref_slice %arg2[%dma_wait3A_1177, %dma_wait3A_1178] : memref<16x1000000xf32, #tpu.memory_space<any>> -> memref<16x128xf32, #tpu.memory_space<any>>
    tpu.wait_dma2 semaphore(%arg12 : memref<!tpu.dma_semaphore, #tpu.memory_space<semaphore_mem>>) src(%dma_wait3A_1179 : memref<16x128xf32, #tpu.memory_space<any>>) dst(%dma_wait3A_1176 : memref<16x128xf32, #tpu.memory_space<vmem>>)
    %dma_wait3A_1180 = arith.constant 5 : i32
    %dma_wait3A_1181 = arith.constant 0 : i32
    %dma_wait3A_1182 = arith.constant 0 : i32
    %dma_wait3A_1183 = tpu.memref_slice %arg11[%dma_wait3A_1180, %dma_wait3A_1181, %dma_wait3A_1182] : memref<32x16x128xf32, #tpu.memory_space<vmem>> -> memref<1x16x128xf32, #tpu.memory_space<vmem>>
    %dma_wait3A_1184 = tpu.memref_squeeze %dma_wait3A_1183 : memref<1x16x128xf32, #tpu.memory_space<vmem>> -> memref<16x128xf32, #tpu.memory_space<vmem>>
    %dma_wait3A_1185 = arith.constant 0 : i32
    %dma_wait3A_1186 = arith.constant 0 : i32
    %dma_wait3A_1187 = tpu.memref_slice %arg2[%dma_wait3A_1185, %dma_wait3A_1186] : memref<16x1000000xf32, #tpu.memory_space<any>> -> memref<16x128xf32, #tpu.memory_space<any>>
    tpu.wait_dma2 semaphore(%arg12 : memref<!tpu.dma_semaphore, #tpu.memory_space<semaphore_mem>>) src(%dma_wait3A_1187 : memref<16x128xf32, #tpu.memory_space<any>>) dst(%dma_wait3A_1184 : memref<16x128xf32, #tpu.memory_space<vmem>>)
    %dma_wait3A_1188 = arith.constant 6 : i32
    %dma_wait3A_1189 = arith.constant 0 : i32
    %dma_wait3A_1190 = arith.constant 0 : i32
    %dma_wait3A_1191 = tpu.memref_slice %arg11[%dma_wait3A_1188, %dma_wait3A_1189, %dma_wait3A_1190] : memref<32x16x128xf32, #tpu.memory_space<vmem>> -> memref<1x16x128xf32, #tpu.memory_space<vmem>>
    %dma_wait3A_1192 = tpu.memref_squeeze %dma_wait3A_1191 : memref<1x16x128xf32, #tpu.memory_space<vmem>> -> memref<16x128xf32, #tpu.memory_space<vmem>>
    %dma_wait3A_1193 = arith.constant 0 : i32
    %dma_wait3A_1194 = arith.constant 0 : i32
    %dma_wait3A_1195 = tpu.memref_slice %arg2[%dma_wait3A_1193, %dma_wait3A_1194] : memref<16x1000000xf32, #tpu.memory_space<any>> -> memref<16x128xf32, #tpu.memory_space<any>>
    tpu.wait_dma2 semaphore(%arg12 : memref<!tpu.dma_semaphore, #tpu.memory_space<semaphore_mem>>) src(%dma_wait3A_1195 : memref<16x128xf32, #tpu.memory_space<any>>) dst(%dma_wait3A_1192 : memref<16x128xf32, #tpu.memory_space<vmem>>)
    %dma_wait3A_1196 = arith.constant 7 : i32
    %dma_wait3A_1197 = arith.constant 0 : i32
    %dma_wait3A_1198 = arith.constant 0 : i32
    %dma_wait3A_1199 = tpu.memref_slice %arg11[%dma_wait3A_1196, %dma_wait3A_1197, %dma_wait3A_1198] : memref<32x16x128xf32, #tpu.memory_space<vmem>> -> memref<1x16x128xf32, #tpu.memory_space<vmem>>
    %dma_wait3A_1200 = tpu.memref_squeeze %dma_wait3A_1199 : memref<1x16x128xf32, #tpu.memory_space<vmem>> -> memref<16x128xf32, #tpu.memory_space<vmem>>
    %dma_wait3A_1201 = arith.constant 0 : i32
    %dma_wait3A_1202 = arith.constant 0 : i32
    %dma_wait3A_1203 = tpu.memref_slice %arg2[%dma_wait3A_1201, %dma_wait3A_1202] : memref<16x1000000xf32, #tpu.memory_space<any>> -> memref<16x128xf32, #tpu.memory_space<any>>
    tpu.wait_dma2 semaphore(%arg12 : memref<!tpu.dma_semaphore, #tpu.memory_space<semaphore_mem>>) src(%dma_wait3A_1203 : memref<16x128xf32, #tpu.memory_space<any>>) dst(%dma_wait3A_1200 : memref<16x128xf32, #tpu.memory_space<vmem>>)
    %dma_wait3A_1204 = arith.constant 8 : i32
    %dma_wait3A_1205 = arith.constant 0 : i32
    %dma_wait3A_1206 = arith.constant 0 : i32
    %dma_wait3A_1207 = tpu.memref_slice %arg11[%dma_wait3A_1204, %dma_wait3A_1205, %dma_wait3A_1206] : memref<32x16x128xf32, #tpu.memory_space<vmem>> -> memref<1x16x128xf32, #tpu.memory_space<vmem>>
    %dma_wait3A_1208 = tpu.memref_squeeze %dma_wait3A_1207 : memref<1x16x128xf32, #tpu.memory_space<vmem>> -> memref<16x128xf32, #tpu.memory_space<vmem>>
    %dma_wait3A_1209 = arith.constant 0 : i32
    %dma_wait3A_1210 = arith.constant 0 : i32
    %dma_wait3A_1211 = tpu.memref_slice %arg2[%dma_wait3A_1209, %dma_wait3A_1210] : memref<16x1000000xf32, #tpu.memory_space<any>> -> memref<16x128xf32, #tpu.memory_space<any>>
    tpu.wait_dma2 semaphore(%arg12 : memref<!tpu.dma_semaphore, #tpu.memory_space<semaphore_mem>>) src(%dma_wait3A_1211 : memref<16x128xf32, #tpu.memory_space<any>>) dst(%dma_wait3A_1208 : memref<16x128xf32, #tpu.memory_space<vmem>>)
    %dma_wait3A_1212 = arith.constant 9 : i32
    %dma_wait3A_1213 = arith.constant 0 : i32
    %dma_wait3A_1214 = arith.constant 0 : i32
    %dma_wait3A_1215 = tpu.memref_slice %arg11[%dma_wait3A_1212, %dma_wait3A_1213, %dma_wait3A_1214] : memref<32x16x128xf32, #tpu.memory_space<vmem>> -> memref<1x16x128xf32, #tpu.memory_space<vmem>>
    %dma_wait3A_1216 = tpu.memref_squeeze %dma_wait3A_1215 : memref<1x16x128xf32, #tpu.memory_space<vmem>> -> memref<16x128xf32, #tpu.memory_space<vmem>>
    %dma_wait3A_1217 = arith.constant 0 : i32
    %dma_wait3A_1218 = arith.constant 0 : i32
    %dma_wait3A_1219 = tpu.memref_slice %arg2[%dma_wait3A_1217, %dma_wait3A_1218] : memref<16x1000000xf32, #tpu.memory_space<any>> -> memref<16x128xf32, #tpu.memory_space<any>>
    tpu.wait_dma2 semaphore(%arg12 : memref<!tpu.dma_semaphore, #tpu.memory_space<semaphore_mem>>) src(%dma_wait3A_1219 : memref<16x128xf32, #tpu.memory_space<any>>) dst(%dma_wait3A_1216 : memref<16x128xf32, #tpu.memory_space<vmem>>)
    %dma_wait3A_1220 = arith.constant 10 : i32
    %dma_wait3A_1221 = arith.constant 0 : i32
    %dma_wait3A_1222 = arith.constant 0 : i32
    %dma_wait3A_1223 = tpu.memref_slice %arg11[%dma_wait3A_1220, %dma_wait3A_1221, %dma_wait3A_1222] : memref<32x16x128xf32, #tpu.memory_space<vmem>> -> memref<1x16x128xf32, #tpu.memory_space<vmem>>
    %dma_wait3A_1224 = tpu.memref_squeeze %dma_wait3A_1223 : memref<1x16x128xf32, #tpu.memory_space<vmem>> -> memref<16x128xf32, #tpu.memory_space<vmem>>
    %dma_wait3A_1225 = arith.constant 0 : i32
    %dma_wait3A_1226 = arith.constant 0 : i32
    %dma_wait3A_1227 = tpu.memref_slice %arg2[%dma_wait3A_1225, %dma_wait3A_1226] : memref<16x1000000xf32, #tpu.memory_space<any>> -> memref<16x128xf32, #tpu.memory_space<any>>
    tpu.wait_dma2 semaphore(%arg12 : memref<!tpu.dma_semaphore, #tpu.memory_space<semaphore_mem>>) src(%dma_wait3A_1227 : memref<16x128xf32, #tpu.memory_space<any>>) dst(%dma_wait3A_1224 : memref<16x128xf32, #tpu.memory_space<vmem>>)
    %dma_wait3A_1228 = arith.constant 11 : i32
    %dma_wait3A_1229 = arith.constant 0 : i32
    %dma_wait3A_1230 = arith.constant 0 : i32
    %dma_wait3A_1231 = tpu.memref_slice %arg11[%dma_wait3A_1228, %dma_wait3A_1229, %dma_wait3A_1230] : memref<32x16x128xf32, #tpu.memory_space<vmem>> -> memref<1x16x128xf32, #tpu.memory_space<vmem>>
    %dma_wait3A_1232 = tpu.memref_squeeze %dma_wait3A_1231 : memref<1x16x128xf32, #tpu.memory_space<vmem>> -> memref<16x128xf32, #tpu.memory_space<vmem>>
    %dma_wait3A_1233 = arith.constant 0 : i32
    %dma_wait3A_1234 = arith.constant 0 : i32
    %dma_wait3A_1235 = tpu.memref_slice %arg2[%dma_wait3A_1233, %dma_wait3A_1234] : memref<16x1000000xf32, #tpu.memory_space<any>> -> memref<16x128xf32, #tpu.memory_space<any>>
    tpu.wait_dma2 semaphore(%arg12 : memref<!tpu.dma_semaphore, #tpu.memory_space<semaphore_mem>>) src(%dma_wait3A_1235 : memref<16x128xf32, #tpu.memory_space<any>>) dst(%dma_wait3A_1232 : memref<16x128xf32, #tpu.memory_space<vmem>>)
    %dma_wait3A_1236 = arith.constant 12 : i32
    %dma_wait3A_1237 = arith.constant 0 : i32
    %dma_wait3A_1238 = arith.constant 0 : i32
    %dma_wait3A_1239 = tpu.memref_slice %arg11[%dma_wait3A_1236, %dma_wait3A_1237, %dma_wait3A_1238] : memref<32x16x128xf32, #tpu.memory_space<vmem>> -> memref<1x16x128xf32, #tpu.memory_space<vmem>>
    %dma_wait3A_1240 = tpu.memref_squeeze %dma_wait3A_1239 : memref<1x16x128xf32, #tpu.memory_space<vmem>> -> memref<16x128xf32, #tpu.memory_space<vmem>>
    %dma_wait3A_1241 = arith.constant 0 : i32
    %dma_wait3A_1242 = arith.constant 0 : i32
    %dma_wait3A_1243 = tpu.memref_slice %arg2[%dma_wait3A_1241, %dma_wait3A_1242] : memref<16x1000000xf32, #tpu.memory_space<any>> -> memref<16x128xf32, #tpu.memory_space<any>>
    tpu.wait_dma2 semaphore(%arg12 : memref<!tpu.dma_semaphore, #tpu.memory_space<semaphore_mem>>) src(%dma_wait3A_1243 : memref<16x128xf32, #tpu.memory_space<any>>) dst(%dma_wait3A_1240 : memref<16x128xf32, #tpu.memory_space<vmem>>)
    %dma_wait3A_1244 = arith.constant 13 : i32
    %dma_wait3A_1245 = arith.constant 0 : i32
    %dma_wait3A_1246 = arith.constant 0 : i32
    %dma_wait3A_1247 = tpu.memref_slice %arg11[%dma_wait3A_1244, %dma_wait3A_1245, %dma_wait3A_1246] : memref<32x16x128xf32, #tpu.memory_space<vmem>> -> memref<1x16x128xf32, #tpu.memory_space<vmem>>
    %dma_wait3A_1248 = tpu.memref_squeeze %dma_wait3A_1247 : memref<1x16x128xf32, #tpu.memory_space<vmem>> -> memref<16x128xf32, #tpu.memory_space<vmem>>
    %dma_wait3A_1249 = arith.constant 0 : i32
    %dma_wait3A_1250 = arith.constant 0 : i32
    %dma_wait3A_1251 = tpu.memref_slice %arg2[%dma_wait3A_1249, %dma_wait3A_1250] : memref<16x1000000xf32, #tpu.memory_space<any>> -> memref<16x128xf32, #tpu.memory_space<any>>
    tpu.wait_dma2 semaphore(%arg12 : memref<!tpu.dma_semaphore, #tpu.memory_space<semaphore_mem>>) src(%dma_wait3A_1251 : memref<16x128xf32, #tpu.memory_space<any>>) dst(%dma_wait3A_1248 : memref<16x128xf32, #tpu.memory_space<vmem>>)
    %dma_wait3A_1252 = arith.constant 14 : i32
    %dma_wait3A_1253 = arith.constant 0 : i32
    %dma_wait3A_1254 = arith.constant 0 : i32
    %dma_wait3A_1255 = tpu.memref_slice %arg11[%dma_wait3A_1252, %dma_wait3A_1253, %dma_wait3A_1254] : memref<32x16x128xf32, #tpu.memory_space<vmem>> -> memref<1x16x128xf32, #tpu.memory_space<vmem>>
    %dma_wait3A_1256 = tpu.memref_squeeze %dma_wait3A_1255 : memref<1x16x128xf32, #tpu.memory_space<vmem>> -> memref<16x128xf32, #tpu.memory_space<vmem>>
    %dma_wait3A_1257 = arith.constant 0 : i32
    %dma_wait3A_1258 = arith.constant 0 : i32
    %dma_wait3A_1259 = tpu.memref_slice %arg2[%dma_wait3A_1257, %dma_wait3A_1258] : memref<16x1000000xf32, #tpu.memory_space<any>> -> memref<16x128xf32, #tpu.memory_space<any>>
    tpu.wait_dma2 semaphore(%arg12 : memref<!tpu.dma_semaphore, #tpu.memory_space<semaphore_mem>>) src(%dma_wait3A_1259 : memref<16x128xf32, #tpu.memory_space<any>>) dst(%dma_wait3A_1256 : memref<16x128xf32, #tpu.memory_space<vmem>>)
    %dma_wait3A_1260 = arith.constant 15 : i32
    %dma_wait3A_1261 = arith.constant 0 : i32
    %dma_wait3A_1262 = arith.constant 0 : i32
    %dma_wait3A_1263 = tpu.memref_slice %arg11[%dma_wait3A_1260, %dma_wait3A_1261, %dma_wait3A_1262] : memref<32x16x128xf32, #tpu.memory_space<vmem>> -> memref<1x16x128xf32, #tpu.memory_space<vmem>>
    %dma_wait3A_1264 = tpu.memref_squeeze %dma_wait3A_1263 : memref<1x16x128xf32, #tpu.memory_space<vmem>> -> memref<16x128xf32, #tpu.memory_space<vmem>>
    %dma_wait3A_1265 = arith.constant 0 : i32
    %dma_wait3A_1266 = arith.constant 0 : i32
    %dma_wait3A_1267 = tpu.memref_slice %arg2[%dma_wait3A_1265, %dma_wait3A_1266] : memref<16x1000000xf32, #tpu.memory_space<any>> -> memref<16x128xf32, #tpu.memory_space<any>>
    tpu.wait_dma2 semaphore(%arg12 : memref<!tpu.dma_semaphore, #tpu.memory_space<semaphore_mem>>) src(%dma_wait3A_1267 : memref<16x128xf32, #tpu.memory_space<any>>) dst(%dma_wait3A_1264 : memref<16x128xf32, #tpu.memory_space<vmem>>)
    %dma_wait3A_1268 = arith.constant 16 : i32
    %dma_wait3A_1269 = arith.constant 0 : i32
    %dma_wait3A_1270 = arith.constant 0 : i32
    %dma_wait3A_1271 = tpu.memref_slice %arg11[%dma_wait3A_1268, %dma_wait3A_1269, %dma_wait3A_1270] : memref<32x16x128xf32, #tpu.memory_space<vmem>> -> memref<1x16x128xf32, #tpu.memory_space<vmem>>
    %dma_wait3A_1272 = tpu.memref_squeeze %dma_wait3A_1271 : memref<1x16x128xf32, #tpu.memory_space<vmem>> -> memref<16x128xf32, #tpu.memory_space<vmem>>
    %dma_wait3A_1273 = arith.constant 0 : i32
    %dma_wait3A_1274 = arith.constant 0 : i32
    %dma_wait3A_1275 = tpu.memref_slice %arg2[%dma_wait3A_1273, %dma_wait3A_1274] : memref<16x1000000xf32, #tpu.memory_space<any>> -> memref<16x128xf32, #tpu.memory_space<any>>
    tpu.wait_dma2 semaphore(%arg12 : memref<!tpu.dma_semaphore, #tpu.memory_space<semaphore_mem>>) src(%dma_wait3A_1275 : memref<16x128xf32, #tpu.memory_space<any>>) dst(%dma_wait3A_1272 : memref<16x128xf32, #tpu.memory_space<vmem>>)
    %dma_wait3A_1276 = arith.constant 17 : i32
    %dma_wait3A_1277 = arith.constant 0 : i32
    %dma_wait3A_1278 = arith.constant 0 : i32
    %dma_wait3A_1279 = tpu.memref_slice %arg11[%dma_wait3A_1276, %dma_wait3A_1277, %dma_wait3A_1278] : memref<32x16x128xf32, #tpu.memory_space<vmem>> -> memref<1x16x128xf32, #tpu.memory_space<vmem>>
    %dma_wait3A_1280 = tpu.memref_squeeze %dma_wait3A_1279 : memref<1x16x128xf32, #tpu.memory_space<vmem>> -> memref<16x128xf32, #tpu.memory_space<vmem>>
    %dma_wait3A_1281 = arith.constant 0 : i32
    %dma_wait3A_1282 = arith.constant 0 : i32
    %dma_wait3A_1283 = tpu.memref_slice %arg2[%dma_wait3A_1281, %dma_wait3A_1282] : memref<16x1000000xf32, #tpu.memory_space<any>> -> memref<16x128xf32, #tpu.memory_space<any>>
    tpu.wait_dma2 semaphore(%arg12 : memref<!tpu.dma_semaphore, #tpu.memory_space<semaphore_mem>>) src(%dma_wait3A_1283 : memref<16x128xf32, #tpu.memory_space<any>>) dst(%dma_wait3A_1280 : memref<16x128xf32, #tpu.memory_space<vmem>>)
    %dma_wait3A_1284 = arith.constant 18 : i32
    %dma_wait3A_1285 = arith.constant 0 : i32
    %dma_wait3A_1286 = arith.constant 0 : i32
    %dma_wait3A_1287 = tpu.memref_slice %arg11[%dma_wait3A_1284, %dma_wait3A_1285, %dma_wait3A_1286] : memref<32x16x128xf32, #tpu.memory_space<vmem>> -> memref<1x16x128xf32, #tpu.memory_space<vmem>>
    %dma_wait3A_1288 = tpu.memref_squeeze %dma_wait3A_1287 : memref<1x16x128xf32, #tpu.memory_space<vmem>> -> memref<16x128xf32, #tpu.memory_space<vmem>>
    %dma_wait3A_1289 = arith.constant 0 : i32
    %dma_wait3A_1290 = arith.constant 0 : i32
    %dma_wait3A_1291 = tpu.memref_slice %arg2[%dma_wait3A_1289, %dma_wait3A_1290] : memref<16x1000000xf32, #tpu.memory_space<any>> -> memref<16x128xf32, #tpu.memory_space<any>>
    tpu.wait_dma2 semaphore(%arg12 : memref<!tpu.dma_semaphore, #tpu.memory_space<semaphore_mem>>) src(%dma_wait3A_1291 : memref<16x128xf32, #tpu.memory_space<any>>) dst(%dma_wait3A_1288 : memref<16x128xf32, #tpu.memory_space<vmem>>)
    %dma_wait3A_1292 = arith.constant 19 : i32
    %dma_wait3A_1293 = arith.constant 0 : i32
    %dma_wait3A_1294 = arith.constant 0 : i32
    %dma_wait3A_1295 = tpu.memref_slice %arg11[%dma_wait3A_1292, %dma_wait3A_1293, %dma_wait3A_1294] : memref<32x16x128xf32, #tpu.memory_space<vmem>> -> memref<1x16x128xf32, #tpu.memory_space<vmem>>
    %dma_wait3A_1296 = tpu.memref_squeeze %dma_wait3A_1295 : memref<1x16x128xf32, #tpu.memory_space<vmem>> -> memref<16x128xf32, #tpu.memory_space<vmem>>
    %dma_wait3A_1297 = arith.constant 0 : i32
    %dma_wait3A_1298 = arith.constant 0 : i32
    %dma_wait3A_1299 = tpu.memref_slice %arg2[%dma_wait3A_1297, %dma_wait3A_1298] : memref<16x1000000xf32, #tpu.memory_space<any>> -> memref<16x128xf32, #tpu.memory_space<any>>
    tpu.wait_dma2 semaphore(%arg12 : memref<!tpu.dma_semaphore, #tpu.memory_space<semaphore_mem>>) src(%dma_wait3A_1299 : memref<16x128xf32, #tpu.memory_space<any>>) dst(%dma_wait3A_1296 : memref<16x128xf32, #tpu.memory_space<vmem>>)
    %dma_wait3A_1300 = arith.constant 20 : i32
    %dma_wait3A_1301 = arith.constant 0 : i32
    %dma_wait3A_1302 = arith.constant 0 : i32
    %dma_wait3A_1303 = tpu.memref_slice %arg11[%dma_wait3A_1300, %dma_wait3A_1301, %dma_wait3A_1302] : memref<32x16x128xf32, #tpu.memory_space<vmem>> -> memref<1x16x128xf32, #tpu.memory_space<vmem>>
    %dma_wait3A_1304 = tpu.memref_squeeze %dma_wait3A_1303 : memref<1x16x128xf32, #tpu.memory_space<vmem>> -> memref<16x128xf32, #tpu.memory_space<vmem>>
    %dma_wait3A_1305 = arith.constant 0 : i32
    %dma_wait3A_1306 = arith.constant 0 : i32
    %dma_wait3A_1307 = tpu.memref_slice %arg2[%dma_wait3A_1305, %dma_wait3A_1306] : memref<16x1000000xf32, #tpu.memory_space<any>> -> memref<16x128xf32, #tpu.memory_space<any>>
    tpu.wait_dma2 semaphore(%arg12 : memref<!tpu.dma_semaphore, #tpu.memory_space<semaphore_mem>>) src(%dma_wait3A_1307 : memref<16x128xf32, #tpu.memory_space<any>>) dst(%dma_wait3A_1304 : memref<16x128xf32, #tpu.memory_space<vmem>>)
    %dma_wait3A_1308 = arith.constant 21 : i32
    %dma_wait3A_1309 = arith.constant 0 : i32
    %dma_wait3A_1310 = arith.constant 0 : i32
    %dma_wait3A_1311 = tpu.memref_slice %arg11[%dma_wait3A_1308, %dma_wait3A_1309, %dma_wait3A_1310] : memref<32x16x128xf32, #tpu.memory_space<vmem>> -> memref<1x16x128xf32, #tpu.memory_space<vmem>>
    %dma_wait3A_1312 = tpu.memref_squeeze %dma_wait3A_1311 : memref<1x16x128xf32, #tpu.memory_space<vmem>> -> memref<16x128xf32, #tpu.memory_space<vmem>>
    %dma_wait3A_1313 = arith.constant 0 : i32
    %dma_wait3A_1314 = arith.constant 0 : i32
    %dma_wait3A_1315 = tpu.memref_slice %arg2[%dma_wait3A_1313, %dma_wait3A_1314] : memref<16x1000000xf32, #tpu.memory_space<any>> -> memref<16x128xf32, #tpu.memory_space<any>>
    tpu.wait_dma2 semaphore(%arg12 : memref<!tpu.dma_semaphore, #tpu.memory_space<semaphore_mem>>) src(%dma_wait3A_1315 : memref<16x128xf32, #tpu.memory_space<any>>) dst(%dma_wait3A_1312 : memref<16x128xf32, #tpu.memory_space<vmem>>)
    %dma_wait3A_1316 = arith.constant 22 : i32
    %dma_wait3A_1317 = arith.constant 0 : i32
    %dma_wait3A_1318 = arith.constant 0 : i32
    %dma_wait3A_1319 = tpu.memref_slice %arg11[%dma_wait3A_1316, %dma_wait3A_1317, %dma_wait3A_1318] : memref<32x16x128xf32, #tpu.memory_space<vmem>> -> memref<1x16x128xf32, #tpu.memory_space<vmem>>
    %dma_wait3A_1320 = tpu.memref_squeeze %dma_wait3A_1319 : memref<1x16x128xf32, #tpu.memory_space<vmem>> -> memref<16x128xf32, #tpu.memory_space<vmem>>
    %dma_wait3A_1321 = arith.constant 0 : i32
    %dma_wait3A_1322 = arith.constant 0 : i32
    %dma_wait3A_1323 = tpu.memref_slice %arg2[%dma_wait3A_1321, %dma_wait3A_1322] : memref<16x1000000xf32, #tpu.memory_space<any>> -> memref<16x128xf32, #tpu.memory_space<any>>
    tpu.wait_dma2 semaphore(%arg12 : memref<!tpu.dma_semaphore, #tpu.memory_space<semaphore_mem>>) src(%dma_wait3A_1323 : memref<16x128xf32, #tpu.memory_space<any>>) dst(%dma_wait3A_1320 : memref<16x128xf32, #tpu.memory_space<vmem>>)
    %dma_wait3A_1324 = arith.constant 23 : i32
    %dma_wait3A_1325 = arith.constant 0 : i32
    %dma_wait3A_1326 = arith.constant 0 : i32
    %dma_wait3A_1327 = tpu.memref_slice %arg11[%dma_wait3A_1324, %dma_wait3A_1325, %dma_wait3A_1326] : memref<32x16x128xf32, #tpu.memory_space<vmem>> -> memref<1x16x128xf32, #tpu.memory_space<vmem>>
    %dma_wait3A_1328 = tpu.memref_squeeze %dma_wait3A_1327 : memref<1x16x128xf32, #tpu.memory_space<vmem>> -> memref<16x128xf32, #tpu.memory_space<vmem>>
    %dma_wait3A_1329 = arith.constant 0 : i32
    %dma_wait3A_1330 = arith.constant 0 : i32
    %dma_wait3A_1331 = tpu.memref_slice %arg2[%dma_wait3A_1329, %dma_wait3A_1330] : memref<16x1000000xf32, #tpu.memory_space<any>> -> memref<16x128xf32, #tpu.memory_space<any>>
    tpu.wait_dma2 semaphore(%arg12 : memref<!tpu.dma_semaphore, #tpu.memory_space<semaphore_mem>>) src(%dma_wait3A_1331 : memref<16x128xf32, #tpu.memory_space<any>>) dst(%dma_wait3A_1328 : memref<16x128xf32, #tpu.memory_space<vmem>>)
    %dma_wait3A_1332 = arith.constant 24 : i32
    %dma_wait3A_1333 = arith.constant 0 : i32
    %dma_wait3A_1334 = arith.constant 0 : i32
    %dma_wait3A_1335 = tpu.memref_slice %arg11[%dma_wait3A_1332, %dma_wait3A_1333, %dma_wait3A_1334] : memref<32x16x128xf32, #tpu.memory_space<vmem>> -> memref<1x16x128xf32, #tpu.memory_space<vmem>>
    %dma_wait3A_1336 = tpu.memref_squeeze %dma_wait3A_1335 : memref<1x16x128xf32, #tpu.memory_space<vmem>> -> memref<16x128xf32, #tpu.memory_space<vmem>>
    %dma_wait3A_1337 = arith.constant 0 : i32
    %dma_wait3A_1338 = arith.constant 0 : i32
    %dma_wait3A_1339 = tpu.memref_slice %arg2[%dma_wait3A_1337, %dma_wait3A_1338] : memref<16x1000000xf32, #tpu.memory_space<any>> -> memref<16x128xf32, #tpu.memory_space<any>>
    tpu.wait_dma2 semaphore(%arg12 : memref<!tpu.dma_semaphore, #tpu.memory_space<semaphore_mem>>) src(%dma_wait3A_1339 : memref<16x128xf32, #tpu.memory_space<any>>) dst(%dma_wait3A_1336 : memref<16x128xf32, #tpu.memory_space<vmem>>)
    %dma_wait3A_1340 = arith.constant 25 : i32
    %dma_wait3A_1341 = arith.constant 0 : i32
    %dma_wait3A_1342 = arith.constant 0 : i32
    %dma_wait3A_1343 = tpu.memref_slice %arg11[%dma_wait3A_1340, %dma_wait3A_1341, %dma_wait3A_1342] : memref<32x16x128xf32, #tpu.memory_space<vmem>> -> memref<1x16x128xf32, #tpu.memory_space<vmem>>
    %dma_wait3A_1344 = tpu.memref_squeeze %dma_wait3A_1343 : memref<1x16x128xf32, #tpu.memory_space<vmem>> -> memref<16x128xf32, #tpu.memory_space<vmem>>
    %dma_wait3A_1345 = arith.constant 0 : i32
    %dma_wait3A_1346 = arith.constant 0 : i32
    %dma_wait3A_1347 = tpu.memref_slice %arg2[%dma_wait3A_1345, %dma_wait3A_1346] : memref<16x1000000xf32, #tpu.memory_space<any>> -> memref<16x128xf32, #tpu.memory_space<any>>
    tpu.wait_dma2 semaphore(%arg12 : memref<!tpu.dma_semaphore, #tpu.memory_space<semaphore_mem>>) src(%dma_wait3A_1347 : memref<16x128xf32, #tpu.memory_space<any>>) dst(%dma_wait3A_1344 : memref<16x128xf32, #tpu.memory_space<vmem>>)
    %dma_wait3A_1348 = arith.constant 26 : i32
    %dma_wait3A_1349 = arith.constant 0 : i32
    %dma_wait3A_1350 = arith.constant 0 : i32
    %dma_wait3A_1351 = tpu.memref_slice %arg11[%dma_wait3A_1348, %dma_wait3A_1349, %dma_wait3A_1350] : memref<32x16x128xf32, #tpu.memory_space<vmem>> -> memref<1x16x128xf32, #tpu.memory_space<vmem>>
    %dma_wait3A_1352 = tpu.memref_squeeze %dma_wait3A_1351 : memref<1x16x128xf32, #tpu.memory_space<vmem>> -> memref<16x128xf32, #tpu.memory_space<vmem>>
    %dma_wait3A_1353 = arith.constant 0 : i32
    %dma_wait3A_1354 = arith.constant 0 : i32
    %dma_wait3A_1355 = tpu.memref_slice %arg2[%dma_wait3A_1353, %dma_wait3A_1354] : memref<16x1000000xf32, #tpu.memory_space<any>> -> memref<16x128xf32, #tpu.memory_space<any>>
    tpu.wait_dma2 semaphore(%arg12 : memref<!tpu.dma_semaphore, #tpu.memory_space<semaphore_mem>>) src(%dma_wait3A_1355 : memref<16x128xf32, #tpu.memory_space<any>>) dst(%dma_wait3A_1352 : memref<16x128xf32, #tpu.memory_space<vmem>>)
    %dma_wait3A_1356 = arith.constant 27 : i32
    %dma_wait3A_1357 = arith.constant 0 : i32
    %dma_wait3A_1358 = arith.constant 0 : i32
    %dma_wait3A_1359 = tpu.memref_slice %arg11[%dma_wait3A_1356, %dma_wait3A_1357, %dma_wait3A_1358] : memref<32x16x128xf32, #tpu.memory_space<vmem>> -> memref<1x16x128xf32, #tpu.memory_space<vmem>>
    %dma_wait3A_1360 = tpu.memref_squeeze %dma_wait3A_1359 : memref<1x16x128xf32, #tpu.memory_space<vmem>> -> memref<16x128xf32, #tpu.memory_space<vmem>>
    %dma_wait3A_1361 = arith.constant 0 : i32
    %dma_wait3A_1362 = arith.constant 0 : i32
    %dma_wait3A_1363 = tpu.memref_slice %arg2[%dma_wait3A_1361, %dma_wait3A_1362] : memref<16x1000000xf32, #tpu.memory_space<any>> -> memref<16x128xf32, #tpu.memory_space<any>>
    tpu.wait_dma2 semaphore(%arg12 : memref<!tpu.dma_semaphore, #tpu.memory_space<semaphore_mem>>) src(%dma_wait3A_1363 : memref<16x128xf32, #tpu.memory_space<any>>) dst(%dma_wait3A_1360 : memref<16x128xf32, #tpu.memory_space<vmem>>)
    %dma_wait3A_1364 = arith.constant 28 : i32
    %dma_wait3A_1365 = arith.constant 0 : i32
    %dma_wait3A_1366 = arith.constant 0 : i32
    %dma_wait3A_1367 = tpu.memref_slice %arg11[%dma_wait3A_1364, %dma_wait3A_1365, %dma_wait3A_1366] : memref<32x16x128xf32, #tpu.memory_space<vmem>> -> memref<1x16x128xf32, #tpu.memory_space<vmem>>
    %dma_wait3A_1368 = tpu.memref_squeeze %dma_wait3A_1367 : memref<1x16x128xf32, #tpu.memory_space<vmem>> -> memref<16x128xf32, #tpu.memory_space<vmem>>
    %dma_wait3A_1369 = arith.constant 0 : i32
    %dma_wait3A_1370 = arith.constant 0 : i32
    %dma_wait3A_1371 = tpu.memref_slice %arg2[%dma_wait3A_1369, %dma_wait3A_1370] : memref<16x1000000xf32, #tpu.memory_space<any>> -> memref<16x128xf32, #tpu.memory_space<any>>
    tpu.wait_dma2 semaphore(%arg12 : memref<!tpu.dma_semaphore, #tpu.memory_space<semaphore_mem>>) src(%dma_wait3A_1371 : memref<16x128xf32, #tpu.memory_space<any>>) dst(%dma_wait3A_1368 : memref<16x128xf32, #tpu.memory_space<vmem>>)
    %dma_wait3A_1372 = arith.constant 29 : i32
    %dma_wait3A_1373 = arith.constant 0 : i32
    %dma_wait3A_1374 = arith.constant 0 : i32
    %dma_wait3A_1375 = tpu.memref_slice %arg11[%dma_wait3A_1372, %dma_wait3A_1373, %dma_wait3A_1374] : memref<32x16x128xf32, #tpu.memory_space<vmem>> -> memref<1x16x128xf32, #tpu.memory_space<vmem>>
    %dma_wait3A_1376 = tpu.memref_squeeze %dma_wait3A_1375 : memref<1x16x128xf32, #tpu.memory_space<vmem>> -> memref<16x128xf32, #tpu.memory_space<vmem>>
    %dma_wait3A_1377 = arith.constant 0 : i32
    %dma_wait3A_1378 = arith.constant 0 : i32
    %dma_wait3A_1379 = tpu.memref_slice %arg2[%dma_wait3A_1377, %dma_wait3A_1378] : memref<16x1000000xf32, #tpu.memory_space<any>> -> memref<16x128xf32, #tpu.memory_space<any>>
    tpu.wait_dma2 semaphore(%arg12 : memref<!tpu.dma_semaphore, #tpu.memory_space<semaphore_mem>>) src(%dma_wait3A_1379 : memref<16x128xf32, #tpu.memory_space<any>>) dst(%dma_wait3A_1376 : memref<16x128xf32, #tpu.memory_space<vmem>>)
    %dma_wait3A_1380 = arith.constant 30 : i32
    %dma_wait3A_1381 = arith.constant 0 : i32
    %dma_wait3A_1382 = arith.constant 0 : i32
    %dma_wait3A_1383 = tpu.memref_slice %arg11[%dma_wait3A_1380, %dma_wait3A_1381, %dma_wait3A_1382] : memref<32x16x128xf32, #tpu.memory_space<vmem>> -> memref<1x16x128xf32, #tpu.memory_space<vmem>>
    %dma_wait3A_1384 = tpu.memref_squeeze %dma_wait3A_1383 : memref<1x16x128xf32, #tpu.memory_space<vmem>> -> memref<16x128xf32, #tpu.memory_space<vmem>>
    %dma_wait3A_1385 = arith.constant 0 : i32
    %dma_wait3A_1386 = arith.constant 0 : i32
    %dma_wait3A_1387 = tpu.memref_slice %arg2[%dma_wait3A_1385, %dma_wait3A_1386] : memref<16x1000000xf32, #tpu.memory_space<any>> -> memref<16x128xf32, #tpu.memory_space<any>>
    tpu.wait_dma2 semaphore(%arg12 : memref<!tpu.dma_semaphore, #tpu.memory_space<semaphore_mem>>) src(%dma_wait3A_1387 : memref<16x128xf32, #tpu.memory_space<any>>) dst(%dma_wait3A_1384 : memref<16x128xf32, #tpu.memory_space<vmem>>)
    %dma_wait3A_1388 = arith.constant 31 : i32
    %dma_wait3A_1389 = arith.constant 0 : i32
    %dma_wait3A_1390 = arith.constant 0 : i32
    %dma_wait3A_1391 = tpu.memref_slice %arg11[%dma_wait3A_1388, %dma_wait3A_1389, %dma_wait3A_1390] : memref<32x16x128xf32, #tpu.memory_space<vmem>> -> memref<1x16x128xf32, #tpu.memory_space<vmem>>
    %dma_wait3A_1392 = tpu.memref_squeeze %dma_wait3A_1391 : memref<1x16x128xf32, #tpu.memory_space<vmem>> -> memref<16x128xf32, #tpu.memory_space<vmem>>
    %dma_wait3A_1393 = arith.constant 0 : i32
    %dma_wait3A_1394 = arith.constant 0 : i32
    %dma_wait3A_1395 = tpu.memref_slice %arg2[%dma_wait3A_1393, %dma_wait3A_1394] : memref<16x1000000xf32, #tpu.memory_space<any>> -> memref<16x128xf32, #tpu.memory_space<any>>
    tpu.wait_dma2 semaphore(%arg12 : memref<!tpu.dma_semaphore, #tpu.memory_space<semaphore_mem>>) src(%dma_wait3A_1395 : memref<16x128xf32, #tpu.memory_space<any>>) dst(%dma_wait3A_1392 : memref<16x128xf32, #tpu.memory_space<vmem>>)
    %get3A_1396 = arith.constant 0 : index
    %get3A_1397 = arith.constant 0 : index
    %get3A_1398 = vector.load %arg3[%get3A_1396, %get3A_1397] : memref<32x16xi32, #tpu.memory_space<vmem>>, vector<32x16xi32>
    %slice3A = vector.extract_strided_slice %get3A_1398 {offsets = [0, 0], sizes = [32, 1], strides = [1, 1]} : vector<32x16xi32> to vector<32x1xi32>
    %squeeze3A = vector.shape_cast %slice3A : vector<32x1xi32> to vector<32xi32>
    %jit3A_1399 = arith.constant 128 : i32
    %eq3A = arith.constant 0 : i32
    %eq3A_1400 = arith.cmpi eq, %jit3A_1399, %eq3A : i32
    %jit3A_1401 = arith.constant 1 : i32
    %select_n3A_1402 = arith.select %eq3A_1400, %jit3A_1401, %jit3A_1399 : i32
    %rem3A_1403 = vector.broadcast %select_n3A_1402 : i32 to vector<32xi32>
    %rem3A_1404 = arith.remsi %squeeze3A, %rem3A_1403 : vector<32xi32>
    %ne3A_1405 = arith.constant 0 : i32
    %ne3A_1406 = vector.broadcast %ne3A_1405 : i32 to vector<32xi32>
    %ne3A_1407 = arith.cmpi ne, %rem3A_1404, %ne3A_1406 : vector<32xi32>
    %lt3A = arith.constant 0 : i32
    %lt3A_1408 = vector.broadcast %lt3A : i32 to vector<32xi32>
    %lt3A_1409 = arith.cmpi slt, %rem3A_1404, %lt3A_1408 : vector<32xi32>
    %lt3A_1410 = arith.constant 0 : i32
    %lt3A_1411 = arith.cmpi slt, %select_n3A_1402, %lt3A_1410 : i32
    %ne3A_1412 = vector.broadcast %lt3A_1411 : i1 to vector<32xi1>
    %ne3A_1413 = vector.broadcast %ne3A_1412 : vector<32xi1> to vector<32xi1>
    %ne3A_1414 = arith.xori %lt3A_1409, %ne3A_1413 : vector<32xi1>
    %and3A_1415 = arith.andi %ne3A_1414, %ne3A_1407 : vector<32xi1>
    %add3A = vector.broadcast %select_n3A_1402 : i32 to vector<32xi32>
    %add3A_1416 = arith.addi %rem3A_1404, %add3A : vector<32xi32>
    %select_n3A_1417 = arith.select %and3A_1415, %add3A_1416, %rem3A_1404 : vector<32xi1>, vector<32xi32>
    %iota3A = tpu.iota {dimensions = array<i32: 2>} : vector<32x16x128xi32>
    %broadcast_in_dim3A = vector.shape_cast %select_n3A_1417 : vector<32xi32> to vector<32x1x1xi32>
    %eq3A_1418 = vector.broadcast %broadcast_in_dim3A : vector<32x1x1xi32> to vector<32x16x128xi32>
    %eq3A_1419 = arith.cmpi eq, %iota3A, %eq3A_1418 : vector<32x16x128xi32>
    %get3A_1420 = arith.constant 0 : index
    %get3A_1421 = arith.constant 0 : index
    %get3A_1422 = arith.constant 0 : index
    %get3A_1423 = vector.load %arg11[%get3A_1420, %get3A_1421, %get3A_1422] : memref<32x16x128xf32, #tpu.memory_space<vmem>>, vector<32x16x128xf32>
    %jit3A_1424 = arith.constant 0.000000e+00 : f32
    %broadcast_in_dim3A_1425 = vector.broadcast %jit3A_1424 : f32 to vector<32x16x128xf32>
    %select_n3A_1426 = arith.select %eq3A_1419, %get3A_1423, %broadcast_in_dim3A_1425 : vector<32x16x128xi1>, vector<32x16x128xf32>
    %reduce_sum3A = arith.constant dense<0.000000e+00> : vector<32x16xf32>
    %reduce_sum3A_1427 = vector.multi_reduction <add>, %select_n3A_1426, %reduce_sum3A [2] : vector<32x16x128xf32> to vector<32x16xf32>
    %get3A_1428 = arith.constant 0 : index
    %get3A_1429 = arith.constant 0 : index
    %get3A_1430 = vector.load %arg4[%get3A_1428, %get3A_1429] : memref<32x64xf32, #tpu.memory_space<vmem>>, vector<32x64xf32>
    %get3A_1431 = arith.constant 0 : index
    %get3A_1432 = arith.constant 0 : index
    %get3A_1433 = vector.load %arg5[%get3A_1431, %get3A_1432] : memref<64x64xf32, #tpu.memory_space<vmem>>, vector<64x64xf32>
    %convert_element_type3A = arith.truncf %get3A_1430 : vector<32x64xf32> to vector<32x64xbf16>
    %convert_element_type3A_1434 = arith.truncf %get3A_1433 : vector<64x64xf32> to vector<64x64xbf16>
    %dot_general3A = arith.constant dense<0.000000e+00> : vector<32x64xf32>
    %dot_general3A_1435 = tpu.matmul %convert_element_type3A, %convert_element_type3A_1434, %dot_general3A {dimension_numbers = #tpu.dot_dimension_numbers<[1], [1], [0], [0], [0, 0, 1, 0], [], []>, transpose_lhs_hint = false} : vector<32x64xbf16>, vector<64x64xbf16>, vector<32x64xf32> -> vector<32x64xf32>
    %get3A_1436 = arith.constant 0 : index
    %get3A_1437 = arith.constant 0 : index
    %get3A_1438 = vector.load %arg6[%get3A_1436, %get3A_1437] : memref<1x64xf32, #tpu.memory_space<vmem>>, vector<1x64xf32>
    %add3A_1439 = vector.broadcast %get3A_1438 : vector<1x64xf32> to vector<32x64xf32>
    %add3A_1440 = arith.addf %dot_general3A_1435, %add3A_1439 : vector<32x64xf32>
    %tanh3A = math.tanh %add3A_1440 : vector<32x64xf32>
    %get3A_1441 = arith.constant 0 : index
    %get3A_1442 = arith.constant 0 : index
    %get3A_1443 = vector.load %arg7[%get3A_1441, %get3A_1442] : memref<64x64xf32, #tpu.memory_space<vmem>>, vector<64x64xf32>
    %convert_element_type3A_1444 = arith.truncf %tanh3A : vector<32x64xf32> to vector<32x64xbf16>
    %convert_element_type3A_1445 = arith.truncf %get3A_1443 : vector<64x64xf32> to vector<64x64xbf16>
    %dot_general3A_1446 = arith.constant dense<0.000000e+00> : vector<32x64xf32>
    %dot_general3A_1447 = tpu.matmul %convert_element_type3A_1444, %convert_element_type3A_1445, %dot_general3A_1446 {dimension_numbers = #tpu.dot_dimension_numbers<[1], [1], [0], [0], [0, 0, 1, 0], [], []>, transpose_lhs_hint = false} : vector<32x64xbf16>, vector<64x64xbf16>, vector<32x64xf32> -> vector<32x64xf32>
    %get3A_1448 = arith.constant 0 : index
    %get3A_1449 = arith.constant 0 : index
    %get3A_1450 = vector.load %arg8[%get3A_1448, %get3A_1449] : memref<64x16xf32, #tpu.memory_space<vmem>>, vector<64x16xf32>
    %convert_element_type3A_1451 = arith.truncf %reduce_sum3A_1427 : vector<32x16xf32> to vector<32x16xbf16>
    %convert_element_type3A_1452 = arith.truncf %get3A_1450 : vector<64x16xf32> to vector<64x16xbf16>
    %dot_general3A_1453 = arith.constant dense<0.000000e+00> : vector<32x64xf32>
    %dot_general3A_1454 = tpu.matmul %convert_element_type3A_1451, %convert_element_type3A_1452, %dot_general3A_1453 {dimension_numbers = #tpu.dot_dimension_numbers<[1], [1], [0], [0], [0, 0, 1, 0], [], []>, transpose_lhs_hint = false} : vector<32x16xbf16>, vector<64x16xbf16>, vector<32x64xf32> -> vector<32x64xf32>
    %add3A_1455 = arith.addf %dot_general3A_1447, %dot_general3A_1454 : vector<32x64xf32>
    %get3A_1456 = arith.constant 0 : index
    %get3A_1457 = arith.constant 0 : index
    %get3A_1458 = vector.load %arg9[%get3A_1456, %get3A_1457] : memref<1x64xf32, #tpu.memory_space<vmem>>, vector<1x64xf32>
    %add3A_1459 = vector.broadcast %get3A_1458 : vector<1x64xf32> to vector<32x64xf32>
    %add3A_1460 = arith.addf %add3A_1455, %add3A_1459 : vector<32x64xf32>
    %tanh3A_1461 = math.tanh %add3A_1460 : vector<32x64xf32>
    %swap3A = arith.constant 0 : index
    %swap3A_1462 = arith.constant 0 : index
    %swap3A_1463 = vector.load %arg10[%swap3A, %swap3A_1462] : memref<32x64xf32, #tpu.memory_space<vmem>>, vector<32x64xf32>
    tpu.vector_store %arg10[%swap3A, %swap3A_1462], %tanh3A_1461 {strides = array<i32>} : memref<32x64xf32, #tpu.memory_space<vmem>>, vector<32x64xf32>,
    return
  }
  func.func @transform_1(%arg0: i32, %arg1: memref<32x16xi32, #tpu.memory_space<smem>>) -> (i32, i32) {
    %c0_i32 = arith.constant 0 : i32
    %c0_i32_0 = arith.constant 0 : i32
    %c0_i32_1 = arith.constant 0 : i32
    return %c0_i32, %c0_i32_0 : i32, i32
  }
  func.func @transform_2(%arg0: i32, %arg1: memref<32x16xi32, #tpu.memory_space<smem>>) -> (i32, i32) {
    %c0_i32 = arith.constant 0 : i32
    %c0_i32_0 = arith.constant 0 : i32
    %c0_i32_1 = arith.constant 0 : i32
    return %c0_i32, %c0_i32_0 : i32, i32
  }
  func.func @transform_3(%arg0: i32, %arg1: memref<32x16xi32, #tpu.memory_space<smem>>) -> (i32, i32) {
    %c0_i32 = arith.constant 0 : i32
    %c0_i32_0 = arith.constant 0 : i32
    %c0_i32_1 = arith.constant 0 : i32
    return %c0_i32, %c0_i32_0 : i32, i32
  }
  func.func @transform_4(%arg0: i32, %arg1: memref<32x16xi32, #tpu.memory_space<smem>>) -> (i32, i32) {
    %c0_i32 = arith.constant 0 : i32
    %c0_i32_0 = arith.constant 0 : i32
    %c0_i32_1 = arith.constant 0 : i32
    return %c0_i32, %c0_i32_0 : i32, i32
  }
  func.func @transform_5(%arg0: i32, %arg1: memref<32x16xi32, #tpu.memory_space<smem>>) -> (i32, i32) {
    %c0_i32 = arith.constant 0 : i32
    %c0_i32_0 = arith.constant 0 : i32
    %c0_i32_1 = arith.constant 0 : i32
    return %c0_i32, %c0_i32_0 : i32, i32
  }
  func.func @transform_6(%arg0: i32, %arg1: memref<32x16xi32, #tpu.memory_space<smem>>) -> (i32, i32) {
    %c0_i32 = arith.constant 0 : i32
    %c0_i32_0 = arith.constant 0 : i32
    %c0_i32_1 = arith.constant 0 : i32
    return %c0_i32, %c0_i32_0 : i32, i32
  }
  func.func @transform_7(%arg0: i32, %arg1: memref<32x16xi32, #tpu.memory_space<smem>>) -> (i32, i32) {
    %c0_i32 = arith.constant 0 : i32
    %c0_i32_0 = arith.constant 0 : i32
    %c0_i32_1 = arith.constant 0 : i32
    return %c0_i32, %c0_i32_0 : i32, i32
  }
  func.func @transform_8(%arg0: i32, %arg1: memref<32x16xi32, #tpu.memory_space<smem>>) -> (i32, i32) {
    %c0_i32 = arith.constant 0 : i32
    %c0_i32_0 = arith.constant 0 : i32
    %c0_i32_1 = arith.constant 0 : i32
    return %c0_i32, %c0_i32_0 : i32, i32
  }
}

</mosaic_0001>

<sc_bundles>
// kernel: kernel.5.cloned.1.call-start
scs
__scs_entry_jumppad:
0x0: {  	(pc) =	sbr.rel $0x88, $3  }
0x1: {  	(tag) =	ssettag $0x0;
	lr =	simm.s32 $0x1  }
0x2: {  	[smem:$0x3F9B] =	sst lr;
	_ =	strace $0xD0000000  }
0x3: {  	_ = 	snop  }
0x4: {  	_ = 	snop  }
0x5: {  	_ = 	snop  }
0x6: {  	_ = 	snop  }
0x7: {  	_ = 	snop  }
__scs_overlays_trampoline_lowered:
0x8: {  	[smem:$0x3FAA] =	sst s0  }
0x9: {  	[smem:$0x3FAB] =	sst s1  }
0xa: {  	[smem:$0x3FAC] =	sst s2  }
0xb: {  	[smem:$0x3FAD] =	sst s3  }
0xc: {  	[smem:$0x3FAE] =	sst s4  }
0xd: {  	[smem:$0x3FAF] =	sst s5  }
0xe: {  	[smem:$0x3FB0] =	sst s6  }
0xf: {  	[smem:$0x3FB1] =	sst s7  }
0x10: {  	[smem:$0x3FB2] =	sst s8  }
0x11: {  	[smem:$0x3FB3] =	sst s9;
	s0 =	simm.s32 @!p0 $0x0  }
0x12: {  	s1 =	sld [smem:$0x3F99];
	s0 =	simm.s32 @p0 $0x1  }
0x13: {  	[smem:$0x3FB4] =	sst s0;
	s0 =	simm.s32 @!p1 $0x0  }
0x14: {  	s2 =	sld [smem:$0x3F98];
	s0 =	simm.s32 @p1 $0x1  }
0x15: {  	[smem:$0x3FB5] =	sst s0;
	s0 =	simm.s32 @!p2 $0x0  }
0x16: {  	s3 =	sld [smem:$0x3FDB];
	s0 =	simm.s32 @p2 $0x1  }
0x17: {  	s4 =	simm.s32 $0x1BF5;
	[smem:$0x3FB7] =	sst s0  }
0x18: {  	s0 =	sld [smem:$0x3F9A];
	_ =	swait.ge [sflag:s4], $0x0  }
0x19: {  	s7 =	sld [smem:$0x3F9B]  }
0x1a: {  	s8 =	sadd.s32 $0xFFFFE003, lr  }
0x1b: {  	s9 =	sadd.s32 $0xFFFFFEF7, lr;
	s5 =	simm.s32 $0xFFFFFFFF;
	p2 =	slt.u32 s8, $0xFFFFF086  }
0x1c: {  	p1 =	slt.u32 s9, $0xF7A;
	s5 =	simm.s32 @!p2 $0x0  }
0x1d: {  	s5 =	simm.s32 @p1 $0x1;
	p0 =	seq.s32 s7, s2  }
0x1e: {  	s7 =	smul.u32 @!p0 $0xF7A, s2;
	p2 =	seq.s32 @!p0 s5, $0x0  }
0x1f: {  	s9 =	smul.u32 $0xF7A, s1;
	s8 =	simm.s32 @!p0 $0x1BF5;
	p2 =	por !p2, p0  }
0x20: {  	[sflag:s8] =	ssyncset.s32 @!p0 $0xFFFFF086;
	s6 =	sadd.s32 @!p0 s3, s7;
	s7 =	simm.s32 @!p0 $0x108  }
0x21: {  	s3 =	sadd.s32 s3, s9;
	s6 =	sadd.s32 @!p0 $0x88, s6;
	s7 =	simm.s32 @p2 $0x1082  }
0x22: {  	[simem:s7], [sflag:s8] =	dma.local @!p0 [hbm:s6], $0xF7A  }
0x23: {  	s9 =	sor.u32 $0xD0000000, s2;
	s6 =	simm.s32 $0x108;
	_ =	swait.ge @!p0 [sflag:s8], $0x0  }
0x24: {  	s3 =	sadd.s32 $0x88, s3;
	s6 =	simm.s32 @!p1 $0x1082;
	[sflag:s4] =	ssyncset.s32 $0xFFFFF086  }
0x25: {  	[simem:s6], [sflag:s4] =	dma.local [hbm:s3], $0xF7A  }
0x26: {  	[smem:$0x3F9B] =	sst s1;
	(tag) =	ssettag s2;
	_ =	strace s9  }
0x27: {  	s1 =	sld [smem:$0x3FAB]  }
0x28: {  	s2 =	sld [smem:$0x3FAC]  }
0x29: {  	s4 =	sld [smem:$0x3FAE]  }
0x2a: {  	p0 =	seq.s32 s5, $0x0;
	s5 =	sld [smem:$0x3FAF]  }
0x2b: {  	s6 =	sld [smem:$0x3FB0]  }
0x2c: {  	s7 =	sld [smem:$0x3FB1]  }
0x2d: {  	s3 =	simm.s32 $0x108;
	s8 =	sld [smem:$0x3FB2]  }
0x2e: {  	s3 =	simm.s32 @!p0 $0x1082;
	s9 =	sld [smem:$0x3FB3]  }
0x2f: {  	lr =	sadd.s32 s0, s3;
	s0 =	sld [smem:$0x3FAA]  }
0x30: {  	s3 =	sld [smem:$0x3FAD]  }
0x31: {  	[smem:$0x3FB6] =	sst s10  }
0x32: {  	s10 =	sld [smem:$0x3FB4];
	_ =	sdelay $0x3  }
0x33: {  	p0 =	seq.s32 s10, $0x1;
	s10 =	sld [smem:$0x3FB6];
	_ =	sdelay $0x3  }
0x34: {  	[smem:$0x3FB6] =	sst s10  }
0x35: {  	s10 =	sld [smem:$0x3FB5];
	_ =	sdelay $0x3  }
0x36: {  	p1 =	seq.s32 s10, $0x1;
	s10 =	sld [smem:$0x3FB6];
	_ =	sdelay $0x3  }
0x37: {  	[smem:$0x3FB6] =	sst s10  }
0x38: {  	s10 =	sld [smem:$0x3FB7]  }
0x39: {  	_ = 	snop;
	(pc) =	sbr.ind lr, $3  }
0x3a: {  	_ = 	snop  }
0x3b: {  	_ = 	snop  }
0x3c: {  	p2 =	seq.s32 s10, $0x1;
	s10 =	sld [smem:$0x3FB6]  }
0x3d: {  	_ =	shalt  }
0x3e: {  	_ =	shalt  }
0x3f: {  	_ =	shalt  }
0x40: {  	_ =	shalt  }
0x41: {  	_ =	shalt  }
0x42: {  	_ =	shalt  }
0x43: {  	_ =	shalt  }
0x44: {  	_ =	shalt  }
0x45: {  	_ =	shalt  }
0x46: {  	_ =	shalt  }
0x47: {  	_ =	shalt  }
0x48: {  	_ =	shalt  }
0x49: {  	_ =	shalt  }
0x4a: {  	_ =	shalt  }
0x4b: {  	_ =	shalt  }
0x4c: {  	_ =	shalt  }
0x4d: {  	_ =	shalt  }
0x4e: {  	_ =	shalt  }
0x4f: {  	_ =	shalt  }
0x50: {  	_ =	shalt  }
0x51: {  	_ =	shalt  }
0x52: {  	_ =	shalt  }
0x53: {  	_ =	shalt  }
0x54: {  	_ =	shalt  }
0x55: {  	_ =	shalt  }
0x56: {  	_ =	shalt  }
0x57: {  	_ =	shalt  }
0x58: {  	_ =	shalt  }
0x59: {  	_ =	shalt  }
0x5a: {  	_ =	shalt  }
0x5b: {  	_ =	shalt  }
0x5c: {  	_ =	shalt  }
0x5d: {  	_ =	shalt  }
0x5e: {  	_ =	shalt  }
0x5f: {  	_ =	shalt  }
0x60: {  	_ =	shalt  }
0x61: {  	_ =	shalt  }
0x62: {  	_ =	shalt  }
0x63: {  	_ =	shalt  }
0x64: {  	_ =	shalt  }
0x65: {  	_ =	shalt  }
0x66: {  	_ =	shalt  }
0x67: {  	_ =	shalt  }
0x68: {  	_ =	shalt  }
0x69: {  	_ =	shalt  }
0x6a: {  	_ =	shalt  }
0x6b: {  	_ =	shalt  }
0x6c: {  	_ =	shalt  }
0x6d: {  	_ =	shalt  }
0x6e: {  	_ =	shalt  }
0x6f: {  	_ =	shalt  }
0x70: {  	_ =	shalt  }
0x71: {  	_ =	shalt  }
0x72: {  	_ =	shalt  }
0x73: {  	_ =	shalt  }
0x74: {  	_ =	shalt  }
0x75: {  	_ =	shalt  }
0x76: {  	_ =	shalt  }
0x77: {  	_ =	shalt  }
0x78: {  	_ =	shalt  }
0x79: {  	_ =	shalt  }
0x7a: {  	_ =	shalt  }
0x7b: {  	_ =	shalt  }
0x7c: {  	_ =	shalt  }
0x7d: {  	_ =	shalt  }
0x7e: {  	_ =	shalt  }
0x7f: {  	_ =	shalt  }
0x80: {  	_ =	shalt  }
0x81: {  	_ =	shalt  }
0x82: {  	_ =	shalt  }
0x83: {  	_ =	shalt  }
0x84: {  	_ =	shalt  }
0x85: {  	_ =	shalt  }
0x86: {  	_ =	shalt  }
0x87: {  	_ =	shalt  }
.Lfunc_end0:
.L_simem_size_0:
called_computation_lowered:
.L_overlay_start_0:
0x88: {  	s2 =	sld [smem:$0x3FD9]  }
0x89: {  	s3 =	sld [smem:$0x3FFE];
	_ =	sdelay $0x1  }
0x8a: {  	s1 =	srdreg.scid  }
0x8b: {  	s0 =	sand.u32 $0x1, s1  }
0x8c: {  	s17 =	sshll.u32 s0, $0xA;
	s2 =	sadd.s32 s3, s2  }
0x8d: {  	s2 =	sadd.s32 s2, s17  }
0x8e: {  	[smem:$0x3FC2] =	sst s2  }
0x8f: {  	_ = 	snop  }
0x90: {  	s2 =	sld [smem:$0x3FD0];
	(tm) =	ssettm $0x1  }
0x91: {  	s18 =	sld [smem:$0x3FFB];
	_ =	sdelay $0x3  }
0x92: {  	_ =	strace s18  }
0x93: {  	s3 =	sld [smem:$0x3FFC];
	_ =	sdelay $0x3  }
0x94: {  	_ =	strace s3  }
0x95: {  	s3 =	sld [smem:$0x3FFD];
	_ =	sdelay $0x3  }
0x96: {  	_ =	strace s3  }
0x97: {  	_ =	strace $0x8FFFFFFF  }
0x98: {  	s19 =	sld [smem:$0x3FDB];
	_ =	sdelay $0x1  }
0x99: {  	s4 =	simm.s32 $_scs_section_size  }
0x9a: {  	s5 =	simm.s32 $_size__tile_overlayer_lowered;
	s6 =	simm.s32 $_tile_overlayer_lowered  }
0x9b: {  	s22 =	simm.s32 $0x1BFF;
	s21 =	sshll.u32 s6, $0x1;
	s3 =	sadd.s32 s4, s19  }
0x9c: {  	s7 =	simm.s32 $0x0;
	s20 =	sshll.u32 s5, $0x1;
	s5 =	sadd.s32 s21, s3  }
0x9d: {  	[timem:s7], [sflag:s22] =	dma.local [hbm:s5], s20  }
0x9e: {  	_ =	swait.ge [sflag:s22], s20  }
0x9f: {  	s4 =	ssub.s32 $0x0, s20;
	[sflag:s22] =	ssyncset.done $0x0  }
0xa0: {  	[sflag:s22] =	ssyncadd.s32 s4;
	_ =	sdelay $0x1  }
0xa1: {  	s23 =	simm.s32 $0x1B8B  }
0xa2: {  	_ =	swait.ge [sflag:s23], $0x1  }
0xa3: {  	[sflag:s23] =	ssyncset.done $0x0  }
0xa4: {  	s25 =	simm.s32 $0x1B8E;
	s24 =	sld [smem:$0x3FFE];
	[sflag:s23] =	ssyncadd.s32 $0xFFFFFFFF  }
0xa5: {  	s26 =	simm.s32 $execute0_lowered;
	[smem:$0x3FD2] =	sst s25  }
0xa6: {  	s5 =	sshll.u32 s26, $0x1;
	_ =	strace $0x80000046;
	[dreg:$0x1] =	wrdreg $0xFFFFFFFF  }
0xa7: {  	s28 =	simm.s32 $_size_execute0_lowered;
	s3 =	sadd.s32 s3, s5;
	[dreg:$0x0] =	wrdreg $0x0  }
0xa8: {  	s5 =	sshll.u32 s28, $0x1;
	[dreg:$0x2] =	wrdreg s3  }
0xa9: {  	[dreg:$0x3] =	wrdreg s5  }
0xaa: {  	[dreg:$0x4] =	wrdreg $0xC0  }
0xab: {  	_ =	task [dreg:s7], $0x5FFFF  }
0xac: {  	[dreg:$0x1] =	wrdreg $0xFFFFFFFF  }
0xad: {  	[dreg:$0x0] =	wrdreg $0x60  }
0xae: {  	[dreg:$0x2] =	wrdreg s24  }
0xaf: {  	[dreg:$0x3] =	wrdreg s2  }
0xb0: {  	[dreg:$0x4] =	wrdreg $0x9  }
0xb1: {  	_ =	task.clear_ibuf [dreg:s7], $0x5FFFF;
	_ =	strace $0x90000046  }
0xb2: {  	s29 =	simm.s32 $0x9;
	_ =	strace $0x80000048  }
0xb3: {  	_ =	swait.ge [sflag:s29], $0x1  }
0xb4: {  	[sflag:s29] =	ssyncadd.s32 $0xFFFFFFFF  }
0xb5: {  	_ =	strace $0x90000048  }
0xb6: {  	_ =	sfence  }
0xb7: {  	s30 =	sld [smem:$0x0];
	_ =	sdelay $0x2  }
0xb8: {  	s31 =	sshll.u32 s1, $0xD;
	s1 =	sshrl.u32 s1, $0x2  }
0xb9: {  	s3 =	sand.u32 $0x4000, s31;
	s1 =	sadd.s32 s1, s30  }
0xba: {  	s0 =	sor.u32 s3, s0;
	s1 =	sshll.u32 s1, $0x11  }
0xbb: {  	s0 =	sor.u32 s1, s0  }
0xbc: {  	s0 =	sadd.s32 $0x8F2B, s0  }
0xbd: {  	[sflag:s0] =	ssyncadd.remote.s32 $0x1  }
0xbe: {  	_ =	sfence.sel $0xFFFF  }
0xbf: {  	[dreg:$0x0] =	wrdreg $0xFFFFFFFF;
	(pc) =	sbr.abs _section_cstart, $3  }
0xc0: {  	[dreg:$0x1] =	wrdreg $0xFFFFFFFF  }
0xc1: {  	_ =	task.clear_ibuf [dreg:s7], $0x2FFFF;
	_ =	strace $0x9FFFFFFF  }
0xc2: {  	(tm) =	ssettm $0x7FFFFFFF  }
0xc3: {  	_ =	shalt  }
tec
execute0_lowered:
.L_overlay_start_1:
0x0: {  	(tag) =	ssettag $0x1  }
0x1: {  	s1 =	srdreg.scid;
	s4 =	rddreg [dreg:$0x0]  }
0x2: {  	s0 =	stileid.u32;
	s6 =	rddreg [dreg:$0x1];
	s2 =	simm.s32 $0x0  }
0x3: {  	s10 =	simm.s32 $0x2F00;
	s11 =	simm.s32 $0x1F00;
	s12 =	simm.s32 $0x2F10  }
0x4: {  	s13 =	simm.s32 $0x2700;
	s3 =	sand.u32 $0x1, s1;
	s28 =	sshll.u32 s0, $0x1  }
0x5: {  	s14 =	simm.s32 $0x1;
	s15 =	simm.s32 $0x2F20;
	s5 =	sor.u32 s3, s28  }
0x6: {  	v1 =	vlaneseq.u32;
	vm0 =	vmmov $0x1;
	s16 =	simm.s32 $0x0;
	[smem:$0x7FF] =	sst s2;
	s7 =	smul.u32 $0x1F00, s5  }
0x7: {  	vm3 =	vcmask $0xB10;
	vm4 =	vcmask $0xF14;
	vm5 =	vcmask $0x1318;
	s1 =	rddreg [dreg:$0x2];
	_ =	strace $0x80000047;
	s9 =	ssub.s32 $0x2, s3  }
0x8: {  	vm6 =	vcmask $0x171C;
	vm7 =	vcmask $0x1B20;
	vm8 =	vcmask $0x1F24;
	s3 =	sadd.s32 $0x1200, s4;
	s31 =	sshll.u32 s5, $0x1;
	s8 =	sshrl.u32 s7, $0x3  }
0x9: {  	vm9 =	vcmask $0x2328;
	vm10 =	vcmask $0x272C;
	vm11 =	vcmask $0x2B30;
	s30 =	sshrl.u32 s9, $0x1;
	s6 =	sadd.s32 s6, s31;
	s29 =	sadd.s32 s8, s4  }
0xa: {  	vm12 =	vcmask $0x2F34;
	vm13 =	vcmask $0x3338;
	vm14 =	vcmask $0x373C;
	s4 =	sadd.s32 $0x3E1200, s4;
	s8 =	ssub.s32 s9, s30;
	s9 =	simm.s32 $0x10  }
0xb: {  	vm15 =	vmmov $0x7fff;
	v2 =	vimm.s32 $0x0;
	v0 =	vmov s7;
	s5 =	sadd.s32 $0x400200, s29;
	s7 =	smax.u32 s8, $0x1;
	s8 =	simm.s32 $0x2  }
.LBB2_1:
0xc: {  	[tilespmem:s2], [sflag:$0x2] =	stream.linear.gather [hbm4b:s5+s2], $0x1F00, $0x38;
	[tilespmem:$0x2F30] =	vst v63  }
0xd: {  	_ =	swait.ge [sflag:s8], $0x1F00  }
0xe: {  	[sflag:s8] =	ssyncset.done $0x0  }
0xf: {  	[sflag:s8] =	ssyncadd.s32 $0xFFFFE100  }
0x10: {  	v3 =	vld [tilespmem:s2+$0x0];
	_ =	sdelay $0x3  }
0x11: {  	v4 =	vor.u32 s2, v1  }
0x12: {  	(xrf1) =	vsort.dscd.msk.f32 $0xffff, v3, v4;
	_ =	sdelay $0x9  }
0x13: {  	s17 =	simm.s32 $0x10  }
0x14: {  	v3 =	vld [tilespmem:s17+$0x0];
	_ =	sdelay $0x2  }
0x15: {  	v4 =	vimm.f32 $-Inf;
	v5, v6, _ =	vpop (xrf1)  }
0x16: {  	v7 =	vor.u32 s17, v1;
	vm1 =	vgt.f32 v5, v4  }
0x17: {  	(xrf1) =	vsort.dscd.msk.f32 $0xffff, v3, v7;
	v3 =	vsel vm1, v5, v4;
	v4 =	vsel vm1, v6, v2  }
0x18: {  	(xrf1) =	vsort.ascd.msk.f32 $0xffff, v3, v4;
	_ =	sdelay $0x9  }
0x19: {  	s17 =	simm.s32 $0x20  }
0x1a: {  	v3 =	vld [tilespmem:s17+$0x0]  }
0x1b: {  	s18 =	simm.s32 $0x30;
	s19 =	simm.s32 $0x20  }
.LBB2_2:
0x1c: {  	p0 =	sne.s32 s18, $0x1EF0;
	v4, v5, _ =	vpop (xrf1)  }
0x1d: {  	v6, v7, _ =	vpop (xrf1)  }
0x1e: {  	v8 =	vor.u32 s17, v1;
	s17 =	smov.u32 s18;
	vm1 =	vgt.f32 v4, v6  }
0x1f: {  	(xrf1) =	vsort.dscd.msk.f32 $0xffff, v3, v8;
	v3 =	vsel vm1, v4, v6;
	v4 =	vsel vm1, v5, v7  }
0x20: {  	(xrf1) =	vsort.ascd.msk.f32 $0xffff, v3, v4;
	_ =	sdelay $0x7  }
.Ltmp0:
0x21: {  	(pc) =	sbr.rel @p0 .LBB2_2-.Ltmp0, $4  }
0x22: {  	_ = 	snop  }
0x23: {  	s19 =	sadd.s32 $0x10, s19  }
0x24: {  	v3 =	vld [tilespmem:s19+$0x0]  }
0x25: {  	s18 =	sadd.s32 $0x10, s18  }
0x26: {  	v4, v5, _ =	vpop (xrf1)  }
0x27: {  	v6, v7, _ =	vpop (xrf1)  }
0x28: {  	v8 =	vor.u32 s17, v1;
	vm1 =	vgt.f32 v4, v6  }
0x29: {  	(xrf1) =	vsort.dscd.msk.f32 $0xffff, v3, v8;
	v3 =	vsel vm1, v4, v6;
	v34 =	vsel vm1, v5, v7  }
0x2a: {  	(xrf1) =	vsort.ascd.msk.f32 $0xffff, v3, v34;
	_ =	sdelay $0xc  }
0x2b: {  	v3, v4, _ =	vpop (xrf1)  }
0x2c: {  	v36, v35, _ =	vpop (xrf1)  }
0x2d: {  	vm1 =	vgt.f32 v3, v36  }
0x2e: {  	v3 =	vsel vm1, v3, v36;
	v4 =	vsel vm1, v4, v35  }
0x2f: {  	(xrf1) =	vsort.ascd.msk.f32 $0xffff, v3, v4;
	_ =	sdelay $0xd  }
0x30: {  	v3, v4, _ =	vpop (xrf1)  }
0x31: {  	v3 =	vadd.s32 v0, v4;
	[tilespmem:$0x2F10] =	vst v4  }
0x32: {  	[tilespmem:$0x2F00] =	vst v3  }
0x33: {  	[tilespmem:s11], [sflag:$0x1] =	stream.indirect.gather [hbm4b:s3+s9], $0x80, s10, s9, $0xb8;
	[tilespmem:$0x2F30] =	vst v63  }
0x34: {  	_ = 	snop  }
0x35: {  	[tilespmem:s13], [sflag:$0x1] =	stream.indirect.gather [hbm4b:s4+s9], $0x80, s12, s9, $0xb8;
	[tilespmem:$0x2F30] =	vst v63  }
0x36: {  	_ =	swait.ge [sflag:s14], $0x800  }
0x37: {  	[sflag:s14] =	ssyncset.done $0x0  }
0x38: {  	[sflag:s14] =	ssyncadd.s32 $0xFFFFF800  }
0x39: {  	v3 =	vnsel vm0, $0x0, v4;
	_ =	swait.ge [sflag:s14], $0x800  }
0x3a: {  	(xrf0) =	vadd.scan.msk.s32 $0xffff, v3;
	_ =	sdelay $0x5  }
0x3b: {  	v3, _, _ =	vpop (xrf0)  }
0x3c: {  	(v2sf) =	vpush v3, $0xF;
	_ =	sdelay $0xa  }
0x3d: {  	[sflag:s14] =	ssyncset.done $0x0  }
0x3e: {  	[sflag:s14] =	ssyncadd.s32 $0xFFFFF800  }
0x3f: {  	v3 =	vld [tilespmem:$0x1F00];
	_ =	sdelay $0x1  }
0x40: {  	s18 =	spop (v2sf)  }
0x41: {  	s17 =	sshll.u32 s18, $0x7  }
0x42: {  	v37 =	vor.u32 s17, v1  }
0x43: {  	(xrf1) =	vsort.dscd.msk.f32 $0xffff, v3, v37;
	_ =	sdelay $0xd  }
0x44: {  	v38 =	vld [tilespmem:$0x1F10];
	v3, v5, _ =	vpop (xrf1)  }
0x45: {  	vm1 =	vlt.f32 v3, $-Inf;
	vm2 =	vgt.f32 v3, $-Inf  }
0x46: {  	vm1 =	vmor vm2, vm1  }
0x47: {  	s18 =	sor.u32 $0x10, s17;
	v3 =	vnsel vm1, $0xFF800000, v3;
	v5 =	vnsel vm1, $0x0, v5  }
0x48: {  	(xrf1) =	vsort.ascd.msk.f32 $0xffff, v3, v5;
	v3 =	vor.u32 s18, v1  }
0x49: {  	(xrf1) =	vsort.dscd.msk.f32 $0xffff, v38, v3;
	_ =	sdelay $0xc  }
0x4a: {  	v39 =	vld [tilespmem:$0x1F20];
	v3, v5, _ =	vpop (xrf1)  }
0x4b: {  	v41, v40, _ =	vpop (xrf1)  }
0x4c: {  	vm1 =	vgt.f32 v41, v3  }
0x4d: {  	s19 =	sor.u32 $0x20, s17;
	v3 =	vsel vm1, v41, v3;
	v5 =	vsel vm1, v40, v5  }
0x4e: {  	(xrf1) =	vsort.ascd.msk.f32 $0xffff, v3, v5;
	v3 =	vor.u32 s19, v1  }
0x4f: {  	(xrf1) =	vsort.dscd.msk.f32 $0xffff, v39, v3;
	_ =	sdelay $0xc  }
0x50: {  	v42 =	vld [tilespmem:$0x1F30];
	v3, v5, _ =	vpop (xrf1)  }
0x51: {  	v43, v44, _ =	vpop (xrf1)  }
0x52: {  	vm1 =	vgt.f32 v43, v3  }
0x53: {  	s20 =	sor.u32 $0x30, s17;
	v3 =	vsel vm1, v43, v3;
	v5 =	vsel vm1, v44, v5  }
0x54: {  	(xrf1) =	vsort.ascd.msk.f32 $0xffff, v3, v5;
	v3 =	vor.u32 s20, v1  }
0x55: {  	(xrf1) =	vsort.dscd.msk.f32 $0xffff, v42, v3;
	_ =	sdelay $0xc  }
0x56: {  	v45 =	vld [tilespmem:$0x1F40];
	v3, v5, _ =	vpop (xrf1)  }
0x57: {  	v46, v47, _ =	vpop (xrf1)  }
0x58: {  	vm1 =	vgt.f32 v46, v3  }
0x59: {  	s21 =	sor.u32 $0x40, s17;
	v3 =	vsel vm1, v46, v3;
	v5 =	vsel vm1, v47, v5  }
0x5a: {  	(xrf1) =	vsort.ascd.msk.f32 $0xffff, v3, v5;
	v3 =	vor.u32 s21, v1  }
0x5b: {  	(xrf1) =	vsort.dscd.msk.f32 $0xffff, v45, v3;
	_ =	sdelay $0xc  }
0x5c: {  	v48 =	vld [tilespmem:$0x1F50];
	v3, v5, _ =	vpop (xrf1)  }
0x5d: {  	v49, v50, _ =	vpop (xrf1)  }
0x5e: {  	vm1 =	vgt.f32 v49, v3  }
0x5f: {  	s22 =	sor.u32 $0x50, s17;
	v3 =	vsel vm1, v49, v3;
	v5 =	vsel vm1, v50, v5  }
0x60: {  	(xrf1) =	vsort.ascd.msk.f32 $0xffff, v3, v5;
	v3 =	vor.u32 s22, v1  }
0x61: {  	(xrf1) =	vsort.dscd.msk.f32 $0xffff, v48, v3;
	_ =	sdelay $0xc  }
0x62: {  	v51 =	vld [tilespmem:$0x1F60];
	v3, v5, _ =	vpop (xrf1)  }
0x63: {  	v52, v53, _ =	vpop (xrf1)  }
0x64: {  	vm1 =	vgt.f32 v52, v3  }
0x65: {  	s23 =	sor.u32 $0x60, s17;
	v3 =	vsel vm1, v52, v3;
	v5 =	vsel vm1, v53, v5  }
0x66: {  	(xrf1) =	vsort.ascd.msk.f32 $0xffff, v3, v5;
	v3 =	vor.u32 s23, v1  }
0x67: {  	(xrf1) =	vsort.dscd.msk.f32 $0xffff, v51, v3;
	_ =	sdelay $0x8  }
0x68: {  	vm1 =	vcmask $0x308  }
0x69: {  	v3 =	vsel vm1, $0x0, v4;
	_ =	sdelay $0x2  }
0x6a: {  	(xrf0) =	vadd.scan.msk.s32 $0xffff, v3;
	v3, v5, _ =	vpop (xrf1)  }
0x6b: {  	v55, v56, _ =	vpop (xrf1)  }
0x6c: {  	v54 =	vld [tilespmem:$0x1F70];
	vm1 =	vgt.f32 v55, v3  }
0x6d: {  	v3 =	vsel vm1, v55, v3;
	_ =	sdelay $0x1  }
0x6e: {  	s17 =	sor.u32 $0x70, s17;
	v5 =	vsel vm1, v56, v5  }
0x6f: {  	v57 =	vor.u32 s17, v1;
	(xrf1) =	vsort.ascd.msk.f32 $0xffff, v3, v5;
	v3, _, _ =	vpop (xrf0)  }
0x70: {  	(xrf1) =	vsort.dscd.msk.f32 $0xffff, v54, v57;
	(v2sf) =	vpush v3, $0xF;
	_ =	sdelay $0xc  }
0x71: {  	v58 =	vld [tilespmem:$0x1F80];
	v5, v6, _ =	vpop (xrf1)  }
0x72: {  	v59, v9, _ =	vpop (xrf1)  }
0x73: {  	vm1 =	vgt.f32 v59, v5;
	s24 =	spop (v2sf)  }
0x74: {  	v5 =	vsel vm1, v59, v5;
	v6 =	vsel vm1, v9, v6;
	s17 =	sshll.u32 s24, $0x7  }
0x75: {  	(xrf1) =	vsort.ascd.msk.f32 $0xffff, v5, v6;
	v60 =	vor.u32 s17, v1  }
0x76: {  	(xrf1) =	vsort.dscd.msk.f32 $0xffff, v58, v60;
	_ =	sdelay $0xc  }
0x77: {  	v62 =	vld [tilespmem:$0x1F90];
	v61, v6, _ =	vpop (xrf1)  }
0x78: {  	v63, v12, _ =	vpop (xrf1)  }
0x79: {  	vm1 =	vgt.f32 v63, v61  }
0x7a: {  	s25 =	sor.u32 $0x10, s17;
	v5 =	vsel vm1, v63, v61;
	v6 =	vsel vm1, v12, v6  }
0x7b: {  	v13 =	vor.u32 s25, v1;
	(xrf1) =	vsort.ascd.msk.f32 $0xffff, v5, v6  }
0x7c: {  	(xrf1) =	vsort.dscd.msk.f32 $0xffff, v62, v13;
	_ =	sdelay $0xc  }
0x7d: {  	v15 =	vld [tilespmem:$0x1FA0];
	v14, v6, _ =	vpop (xrf1)  }
0x7e: {  	v16, v17, _ =	vpop (xrf1)  }
0x7f: {  	vm1 =	vgt.f32 v16, v14  }
0x80: {  	s26 =	sor.u32 $0x20, s17;
	v5 =	vsel vm1, v16, v14;
	v6 =	vsel vm1, v17, v6  }
0x81: {  	v18 =	vor.u32 s26, v1;
	(xrf1) =	vsort.ascd.msk.f32 $0xffff, v5, v6  }
0x82: {  	(xrf1) =	vsort.dscd.msk.f32 $0xffff, v15, v18;
	_ =	sdelay $0xc  }
0x83: {  	v20 =	vld [tilespmem:$0x1FB0];
	v19, v6, _ =	vpop (xrf1)  }
0x84: {  	v21, v22, _ =	vpop (xrf1)  }
0x85: {  	vm1 =	vgt.f32 v21, v19  }
0x86: {  	s28 =	sor.u32 $0x30, s17;
	v5 =	vsel vm1, v21, v19;
	v6 =	vsel vm1, v22, v6  }
0x87: {  	v23 =	vor.u32 s28, v1;
	(xrf1) =	vsort.ascd.msk.f32 $0xffff, v5, v6  }
0x88: {  	(xrf1) =	vsort.dscd.msk.f32 $0xffff, v20, v23;
	_ =	sdelay $0xc  }
0x89: {  	v25 =	vld [tilespmem:$0x1FC0];
	v24, v6, _ =	vpop (xrf1)  }
0x8a: {  	v26, v27, _ =	vpop (xrf1)  }
0x8b: {  	vm1 =	vgt.f32 v26, v24  }
0x8c: {  	s29 =	sor.u32 $0x40, s17;
	v5 =	vsel vm1, v26, v24;
	v6 =	vsel vm1, v27, v6  }
0x8d: {  	v28 =	vor.u32 s29, v1;
	(xrf1) =	vsort.ascd.msk.f32 $0xffff, v5, v6  }
0x8e: {  	(xrf1) =	vsort.dscd.msk.f32 $0xffff, v25, v28;
	_ =	sdelay $0xc  }
0x8f: {  	v30 =	vld [tilespmem:$0x1FD0];
	v29, v6, _ =	vpop (xrf1)  }
0x90: {  	v31, v32, _ =	vpop (xrf1)  }
0x91: {  	vm1 =	vgt.f32 v31, v29  }
0x92: {  	s30 =	sor.u32 $0x50, s17;
	v5 =	vsel vm1, v31, v29;
	v6 =	vsel vm1, v32, v6  }
0x93: {  	v33 =	vor.u32 s30, v1;
	(xrf1) =	vsort.ascd.msk.f32 $0xffff, v5, v6  }
0x94: {  	(xrf1) =	vsort.dscd.msk.f32 $0xffff, v30, v33;
	_ =	sdelay $0xc  }
0x95: {  	v35 =	vld [tilespmem:$0x1FE0];
	v34, v6, _ =	vpop (xrf1)  }
0x96: {  	v36, v37, _ =	vpop (xrf1)  }
0x97: {  	vm1 =	vgt.f32 v36, v34  }
0x98: {  	s31 =	sor.u32 $0x60, s17;
	v5 =	vsel vm1, v36, v34;
	v6 =	vsel vm1, v37, v6  }
0x99: {  	v38 =	vor.u32 s31, v1;
	(xrf1) =	vsort.ascd.msk.f32 $0xffff, v5, v6  }
0x9a: {  	(xrf1) =	vsort.dscd.msk.f32 $0xffff, v35, v38;
	_ =	sdelay $0xa  }
0x9b: {  	vm1 =	vcmask $0x70C  }
0x9c: {  	v39 =	vsel vm1, $0x0, v4  }
0x9d: {  	(xrf0) =	vadd.scan.msk.s32 $0xffff, v39;
	v40, v6, _ =	vpop (xrf1)  }
0x9e: {  	v42, v43, _ =	vpop (xrf1)  }
0x9f: {  	v41 =	vld [tilespmem:$0x1FF0];
	vm1 =	vgt.f32 v42, v40  }
0xa0: {  	v5 =	vsel vm1, v42, v40;
	_ =	sdelay $0x1  }
0xa1: {  	s17 =	sor.u32 $0x70, s17;
	v6 =	vsel vm1, v43, v6  }
0xa2: {  	v44 =	vor.u32 s17, v1;
	(xrf1) =	vsort.ascd.msk.f32 $0xffff, v5, v6;
	v5, _, _ =	vpop (xrf0)  }
0xa3: {  	(xrf1) =	vsort.dscd.msk.f32 $0xffff, v41, v44;
	(v2sf) =	vpush v5, $0xF;
	_ =	sdelay $0xc  }
0xa4: {  	v45 =	vld [tilespmem:$0x2000];
	v6, v7, _ =	vpop (xrf1)  }
0xa5: {  	v46, v10, _ =	vpop (xrf1)  }
0xa6: {  	vm1 =	vgt.f32 v46, v6;
	s18 =	spop (v2sf)  }
0xa7: {  	v6 =	vsel vm1, v46, v6;
	v7 =	vsel vm1, v10, v7;
	s17 =	sshll.u32 s18, $0x7  }
0xa8: {  	(xrf1) =	vsort.ascd.msk.f32 $0xffff, v6, v7;
	v47 =	vor.u32 s17, v1  }
0xa9: {  	(xrf1) =	vsort.dscd.msk.f32 $0xffff, v45, v47;
	_ =	sdelay $0xc  }
0xaa: {  	v49 =	vld [tilespmem:$0x2010];
	v48, v7, _ =	vpop (xrf1)  }
0xab: {  	v50, v51, _ =	vpop (xrf1)  }
0xac: {  	vm1 =	vgt.f32 v50, v48  }
0xad: {  	s19 =	sor.u32 $0x10, s17;
	v6 =	vsel vm1, v50, v48;
	v7 =	vsel vm1, v51, v7  }
0xae: {  	v52 =	vor.u32 s19, v1;
	(xrf1) =	vsort.ascd.msk.f32 $0xffff, v6, v7  }
0xaf: {  	(xrf1) =	vsort.dscd.msk.f32 $0xffff, v49, v52;
	_ =	sdelay $0xc  }
0xb0: {  	v54 =	vld [tilespmem:$0x2020];
	v53, v7, _ =	vpop (xrf1)  }
0xb1: {  	v55, v56, _ =	vpop (xrf1)  }
0xb2: {  	vm1 =	vgt.f32 v55, v53  }
0xb3: {  	s20 =	sor.u32 $0x20, s17;
	v6 =	vsel vm1, v55, v53;
	v7 =	vsel vm1, v56, v7  }
0xb4: {  	v57 =	vor.u32 s20, v1;
	(xrf1) =	vsort.ascd.msk.f32 $0xffff, v6, v7  }
0xb5: {  	(xrf1) =	vsort.dscd.msk.f32 $0xffff, v54, v57;
	_ =	sdelay $0xc  }
0xb6: {  	v59 =	vld [tilespmem:$0x2030];
	v58, v7, _ =	vpop (xrf1)  }
0xb7: {  	v60, v61, _ =	vpop (xrf1)  }
0xb8: {  	vm1 =	vgt.f32 v60, v58  }
0xb9: {  	s21 =	sor.u32 $0x30, s17;
	v6 =	vsel vm1, v60, v58;
	v7 =	vsel vm1, v61, v7  }
0xba: {  	v62 =	vor.u32 s21, v1;
	(xrf1) =	vsort.ascd.msk.f32 $0xffff, v6, v7  }
0xbb: {  	(xrf1) =	vsort.dscd.msk.f32 $0xffff, v59, v62;
	_ =	sdelay $0xc  }
0xbc: {  	v12 =	vld [tilespmem:$0x2040];
	v63, v7, _ =	vpop (xrf1)  }
0xbd: {  	v13, v14, _ =	vpop (xrf1)  }
0xbe: {  	vm1 =	vgt.f32 v13, v63  }
0xbf: {  	s22 =	sor.u32 $0x40, s17;
	v6 =	vsel vm1, v13, v63;
	v7 =	vsel vm1, v14, v7  }
0xc0: {  	v15 =	vor.u32 s22, v1;
	(xrf1) =	vsort.ascd.msk.f32 $0xffff, v6, v7  }
0xc1: {  	(xrf1) =	vsort.dscd.msk.f32 $0xffff, v12, v15;
	_ =	sdelay $0xc  }
0xc2: {  	v17 =	vld [tilespmem:$0x2050];
	v16, v7, _ =	vpop (xrf1)  }
0xc3: {  	v18, v19, _ =	vpop (xrf1)  }
0xc4: {  	vm1 =	vgt.f32 v18, v16  }
0xc5: {  	s23 =	sor.u32 $0x50, s17;
	v6 =	vsel vm1, v18, v16;
	v7 =	vsel vm1, v19, v7  }
0xc6: {  	v20 =	vor.u32 s23, v1;
	(xrf1) =	vsort.ascd.msk.f32 $0xffff, v6, v7  }
0xc7: {  	(xrf1) =	vsort.dscd.msk.f32 $0xffff, v17, v20;
	_ =	sdelay $0xc  }
0xc8: {  	v22 =	vld [tilespmem:$0x2060];
	v21, v7, _ =	vpop (xrf1)  }
0xc9: {  	v23, v24, _ =	vpop (xrf1)  }
0xca: {  	vm1 =	vgt.f32 v23, v21  }
0xcb: {  	s24 =	sor.u32 $0x60, s17;
	v6 =	vsel vm1, v23, v21;
	v7 =	vsel vm1, v24, v7  }
0xcc: {  	v25 =	vor.u32 s24, v1;
	(xrf1) =	vsort.ascd.msk.f32 $0xffff, v6, v7  }
0xcd: {  	(xrf1) =	vsort.dscd.msk.f32 $0xffff, v22, v25;
	_ =	sdelay $0xb  }
0xce: {  	v26 =	vsel vm3, $0x0, v4  }
0xcf: {  	(xrf0) =	vadd.scan.msk.s32 $0xffff, v26;
	v27, v7, _ =	vpop (xrf1)  }
0xd0: {  	v29, v30, _ =	vpop (xrf1)  }
0xd1: {  	v28 =	vld [tilespmem:$0x2070];
	vm1 =	vgt.f32 v29, v27  }
0xd2: {  	v6 =	vsel vm1, v29, v27;
	_ =	sdelay $0x1  }
0xd3: {  	s17 =	sor.u32 $0x70, s17;
	v7 =	vsel vm1, v30, v7  }
0xd4: {  	v31 =	vor.u32 s17, v1;
	(xrf1) =	vsort.ascd.msk.f32 $0xffff, v6, v7;
	v6, _, _ =	vpop (xrf0)  }
0xd5: {  	(xrf1) =	vsort.dscd.msk.f32 $0xffff, v28, v31;
	(v2sf) =	vpush v6, $0xF;
	_ =	sdelay $0xc  }
0xd6: {  	v32 =	vld [tilespmem:$0x2080];
	v7, v8, _ =	vpop (xrf1)  }
0xd7: {  	v33, v11, _ =	vpop (xrf1)  }
0xd8: {  	vm1 =	vgt.f32 v33, v7;
	s25 =	spop (v2sf)  }
0xd9: {  	v7 =	vsel vm1, v33, v7;
	v8 =	vsel vm1, v11, v8;
	s17 =	sshll.u32 s25, $0x7  }
0xda: {  	(xrf1) =	vsort.ascd.msk.f32 $0xffff, v7, v8;
	v34 =	vor.u32 s17, v1  }
0xdb: {  	(xrf1) =	vsort.dscd.msk.f32 $0xffff, v32, v34;
	_ =	sdelay $0xc  }
0xdc: {  	v36 =	vld [tilespmem:$0x2090];
	v35, v8, _ =	vpop (xrf1)  }
0xdd: {  	v37, v38, _ =	vpop (xrf1)  }
0xde: {  	vm1 =	vgt.f32 v37, v35  }
0xdf: {  	s26 =	sor.u32 $0x10, s17;
	v7 =	vsel vm1, v37, v35;
	v8 =	vsel vm1, v38, v8  }
0xe0: {  	v39 =	vor.u32 s26, v1;
	(xrf1) =	vsort.ascd.msk.f32 $0xffff, v7, v8  }
0xe1: {  	(xrf1) =	vsort.dscd.msk.f32 $0xffff, v36, v39;
	_ =	sdelay $0xc  }
0xe2: {  	v41 =	vld [tilespmem:$0x20A0];
	v40, v8, _ =	vpop (xrf1)  }
0xe3: {  	v42, v43, _ =	vpop (xrf1)  }
0xe4: {  	vm1 =	vgt.f32 v42, v40  }
0xe5: {  	s28 =	sor.u32 $0x20, s17;
	v7 =	vsel vm1, v42, v40;
	v8 =	vsel vm1, v43, v8  }
0xe6: {  	v44 =	vor.u32 s28, v1;
	(xrf1) =	vsort.ascd.msk.f32 $0xffff, v7, v8  }
0xe7: {  	(xrf1) =	vsort.dscd.msk.f32 $0xffff, v41, v44;
	_ =	sdelay $0xc  }
0xe8: {  	v46 =	vld [tilespmem:$0x20B0];
	v45, v8, _ =	vpop (xrf1)  }
0xe9: {  	v47, v48, _ =	vpop (xrf1)  }
0xea: {  	vm1 =	vgt.f32 v47, v45  }
0xeb: {  	s29 =	sor.u32 $0x30, s17;
	v7 =	vsel vm1, v47, v45;
	v8 =	vsel vm1, v48, v8  }
0xec: {  	v49 =	vor.u32 s29, v1;
	(xrf1) =	vsort.ascd.msk.f32 $0xffff, v7, v8  }
0xed: {  	(xrf1) =	vsort.dscd.msk.f32 $0xffff, v46, v49;
	_ =	sdelay $0xc  }
0xee: {  	v51 =	vld [tilespmem:$0x20C0];
	v50, v8, _ =	vpop (xrf1)  }
0xef: {  	v52, v53, _ =	vpop (xrf1)  }
0xf0: {  	vm1 =	vgt.f32 v52, v50  }
0xf1: {  	s30 =	sor.u32 $0x40, s17;
	v7 =	vsel vm1, v52, v50;
	v8 =	vsel vm1, v53, v8  }
0xf2: {  	v54 =	vor.u32 s30, v1;
	(xrf1) =	vsort.ascd.msk.f32 $0xffff, v7, v8  }
0xf3: {  	(xrf1) =	vsort.dscd.msk.f32 $0xffff, v51, v54;
	_ =	sdelay $0xc  }
0xf4: {  	v56 =	vld [tilespmem:$0x20D0];
	v55, v8, _ =	vpop (xrf1)  }
0xf5: {  	v57, v58, _ =	vpop (xrf1)  }
0xf6: {  	vm1 =	vgt.f32 v57, v55  }
0xf7: {  	s31 =	sor.u32 $0x50, s17;
	v7 =	vsel vm1, v57, v55;
	v8 =	vsel vm1, v58, v8  }
0xf8: {  	v59 =	vor.u32 s31, v1;
	(xrf1) =	vsort.ascd.msk.f32 $0xffff, v7, v8  }
0xf9: {  	(xrf1) =	vsort.dscd.msk.f32 $0xffff, v56, v59;
	_ =	sdelay $0xc  }
0xfa: {  	v61 =	vld [tilespmem:$0x20E0];
	v60, v8, _ =	vpop (xrf1)  }
0xfb: {  	v62, v63, _ =	vpop (xrf1)  }
0xfc: {  	vm1 =	vgt.f32 v62, v60  }
0xfd: {  	s19 =	sor.u32 $0x60, s17;
	v7 =	vsel vm1, v62, v60;
	v8 =	vsel vm1, v63, v8  }
0xfe: {  	v12 =	vor.u32 s19, v1;
	(xrf1) =	vsort.ascd.msk.f32 $0xffff, v7, v8  }
0xff: {  	(xrf1) =	vsort.dscd.msk.f32 $0xffff, v61, v12;
	_ =	sdelay $0xb  }
0x100: {  	v13 =	vsel vm4, $0x0, v4  }
0x101: {  	(xrf0) =	vadd.scan.msk.s32 $0xffff, v13;
	v14, v8, _ =	vpop (xrf1)  }
0x102: {  	v16, v17, _ =	vpop (xrf1)  }
0x103: {  	v15 =	vld [tilespmem:$0x20F0];
	vm1 =	vgt.f32 v16, v14  }
0x104: {  	v7 =	vsel vm1, v16, v14;
	_ =	sdelay $0x1  }
0x105: {  	s17 =	sor.u32 $0x70, s17;
	v8 =	vsel vm1, v17, v8  }
0x106: {  	v18 =	vor.u32 s17, v1;
	(xrf1) =	vsort.ascd.msk.f32 $0xffff, v7, v8;
	v7, _, _ =	vpop (xrf0)  }
0x107: {  	(xrf1) =	vsort.dscd.msk.f32 $0xffff, v15, v18;
	(v2sf) =	vpush v7, $0xF;
	_ =	sdelay $0xc  }
0x108: {  	v19 =	vld [tilespmem:$0x2100];
	v8, v9, _ =	vpop (xrf1)  }
0x109: {  	v20, v12, _ =	vpop (xrf1)  }
0x10a: {  	vm1 =	vgt.f32 v20, v8;
	s20 =	spop (v2sf)  }
0x10b: {  	v8 =	vsel vm1, v20, v8;
	v9 =	vsel vm1, v12, v9;
	s17 =	sshll.u32 s20, $0x7  }
0x10c: {  	(xrf1) =	vsort.ascd.msk.f32 $0xffff, v8, v9;
	v21 =	vor.u32 s17, v1  }
0x10d: {  	(xrf1) =	vsort.dscd.msk.f32 $0xffff, v19, v21;
	_ =	sdelay $0xc  }
0x10e: {  	v23 =	vld [tilespmem:$0x2110];
	v22, v9, _ =	vpop (xrf1)  }
0x10f: {  	v24, v25, _ =	vpop (xrf1)  }
0x110: {  	vm1 =	vgt.f32 v24, v22  }
0x111: {  	s21 =	sor.u32 $0x10, s17;
	v8 =	vsel vm1, v24, v22;
	v9 =	vsel vm1, v25, v9  }
0x112: {  	v26 =	vor.u32 s21, v1;
	(xrf1) =	vsort.ascd.msk.f32 $0xffff, v8, v9  }
0x113: {  	(xrf1) =	vsort.dscd.msk.f32 $0xffff, v23, v26;
	_ =	sdelay $0xc  }
0x114: {  	v28 =	vld [tilespmem:$0x2120];
	v27, v9, _ =	vpop (xrf1)  }
0x115: {  	v29, v30, _ =	vpop (xrf1)  }
0x116: {  	vm1 =	vgt.f32 v29, v27  }
0x117: {  	s22 =	sor.u32 $0x20, s17;
	v8 =	vsel vm1, v29, v27;
	v9 =	vsel vm1, v30, v9  }
0x118: {  	v31 =	vor.u32 s22, v1;
	(xrf1) =	vsort.ascd.msk.f32 $0xffff, v8, v9  }
0x119: {  	(xrf1) =	vsort.dscd.msk.f32 $0xffff, v28, v31;
	_ =	sdelay $0xc  }
0x11a: {  	v33 =	vld [tilespmem:$0x2130];
	v32, v9, _ =	vpop (xrf1)  }
0x11b: {  	v34, v35, _ =	vpop (xrf1)  }
0x11c: {  	vm1 =	vgt.f32 v34, v32  }
0x11d: {  	s23 =	sor.u32 $0x30, s17;
	v8 =	vsel vm1, v34, v32;
	v9 =	vsel vm1, v35, v9  }
0x11e: {  	v36 =	vor.u32 s23, v1;
	(xrf1) =	vsort.ascd.msk.f32 $0xffff, v8, v9  }
0x11f: {  	(xrf1) =	vsort.dscd.msk.f32 $0xffff, v33, v36;
	_ =	sdelay $0xc  }
0x120: {  	v38 =	vld [tilespmem:$0x2140];
	v37, v9, _ =	vpop (xrf1)  }
0x121: {  	v39, v40, _ =	vpop (xrf1)  }
0x122: {  	vm1 =	vgt.f32 v39, v37  }
0x123: {  	s24 =	sor.u32 $0x40, s17;
	v8 =	vsel vm1, v39, v37;
	v9 =	vsel vm1, v40, v9  }
0x124: {  	v41 =	vor.u32 s24, v1;
	(xrf1) =	vsort.ascd.msk.f32 $0xffff, v8, v9  }
0x125: {  	(xrf1) =	vsort.dscd.msk.f32 $0xffff, v38, v41;
	_ =	sdelay $0xc  }
0x126: {  	v43 =	vld [tilespmem:$0x2150];
	v42, v9, _ =	vpop (xrf1)  }
0x127: {  	v44, v45, _ =	vpop (xrf1)  }
0x128: {  	vm1 =	vgt.f32 v44, v42  }
0x129: {  	s25 =	sor.u32 $0x50, s17;
	v8 =	vsel vm1, v44, v42;
	v9 =	vsel vm1, v45, v9  }
0x12a: {  	v46 =	vor.u32 s25, v1;
	(xrf1) =	vsort.ascd.msk.f32 $0xffff, v8, v9  }
0x12b: {  	(xrf1) =	vsort.dscd.msk.f32 $0xffff, v43, v46;
	_ =	sdelay $0xc  }
0x12c: {  	v48 =	vld [tilespmem:$0x2160];
	v47, v9, _ =	vpop (xrf1)  }
0x12d: {  	v49, v50, _ =	vpop (xrf1)  }
0x12e: {  	vm1 =	vgt.f32 v49, v47  }
0x12f: {  	s26 =	sor.u32 $0x60, s17;
	v8 =	vsel vm1, v49, v47;
	v9 =	vsel vm1, v50, v9  }
0x130: {  	v51 =	vor.u32 s26, v1;
	(xrf1) =	vsort.ascd.msk.f32 $0xffff, v8, v9  }
0x131: {  	(xrf1) =	vsort.dscd.msk.f32 $0xffff, v48, v51;
	_ =	sdelay $0xc  }
0x132: {  	v52, v9, _ =	vpop (xrf1)  }
0x133: {  	v10, v53, _ =	vpop (xrf1)  }
0x134: {  	vm1 =	vgt.f32 v10, v52  }
0x135: {  	v8 =	vsel vm1, v10, v52;
	v9 =	vsel vm1, v53, v9  }
0x136: {  	(xrf1) =	vsort.ascd.msk.f32 $0xffff, v8, v9;
	_ =	sdelay $0xd  }
0x137: {  	v56 =	vsel vm5, $0x0, v4;
	v9, v54, _ =	vpop (xrf1)  }
0x138: {  	v55 =	vld [tilespmem:$0x2170];
	(xrf0) =	vadd.scan.msk.s32 $0xffff, v56;
	_ =	sdelay $0x4  }
0x139: {  	s17 =	sor.u32 $0x70, s17  }
0x13a: {  	v57 =	vor.u32 s17, v1;
	v8, _, _ =	vpop (xrf0)  }
0x13b: {  	(xrf1) =	vsort.dscd.msk.f32 $0xffff, v55, v57;
	(v2sf) =	vpush v8, $0xF;
	_ =	sdelay $0xc  }
0x13c: {  	v58 =	vld [tilespmem:$0x2180]  }
0x13d: {  	v12, v13, _ =	vpop (xrf1)  }
0x13e: {  	vm1 =	vgt.f32 v12, v9;
	s28 =	spop (v2sf)  }
0x13f: {  	v9 =	vsel vm1, v12, v9;
	v10 =	vsel vm1, v13, v54;
	s17 =	sshll.u32 s28, $0x7  }
0x140: {  	(xrf1) =	vsort.ascd.msk.f32 $0xffff, v9, v10;
	v59 =	vor.u32 s17, v1  }
0x141: {  	(xrf1) =	vsort.dscd.msk.f32 $0xffff, v58, v59;
	_ =	sdelay $0xc  }
0x142: {  	v61 =	vld [tilespmem:$0x2190];
	v60, v10, _ =	vpop (xrf1)  }
0x143: {  	v62, v63, _ =	vpop (xrf1)  }
0x144: {  	vm1 =	vgt.f32 v62, v60  }
0x145: {  	s29 =	sor.u32 $0x10, s17;
	v9 =	vsel vm1, v62, v60;
	v10 =	vsel vm1, v63, v10  }
0x146: {  	v15 =	vor.u32 s29, v1;
	(xrf1) =	vsort.ascd.msk.f32 $0xffff, v9, v10  }
0x147: {  	(xrf1) =	vsort.dscd.msk.f32 $0xffff, v61, v15;
	_ =	sdelay $0xc  }
0x148: {  	v17 =	vld [tilespmem:$0x21A0];
	v16, v10, _ =	vpop (xrf1)  }
0x149: {  	v18, v19, _ =	vpop (xrf1)  }
0x14a: {  	vm1 =	vgt.f32 v18, v16  }
0x14b: {  	s30 =	sor.u32 $0x20, s17;
	v9 =	vsel vm1, v18, v16;
	v10 =	vsel vm1, v19, v10  }
0x14c: {  	v20 =	vor.u32 s30, v1;
	(xrf1) =	vsort.ascd.msk.f32 $0xffff, v9, v10  }
0x14d: {  	(xrf1) =	vsort.dscd.msk.f32 $0xffff, v17, v20;
	_ =	sdelay $0xc  }
0x14e: {  	v22 =	vld [tilespmem:$0x21B0];
	v21, v10, _ =	vpop (xrf1)  }
0x14f: {  	v23, v24, _ =	vpop (xrf1)  }
0x150: {  	vm1 =	vgt.f32 v23, v21  }
0x151: {  	s31 =	sor.u32 $0x30, s17;
	v9 =	vsel vm1, v23, v21;
	v10 =	vsel vm1, v24, v10  }
0x152: {  	v25 =	vor.u32 s31, v1;
	(xrf1) =	vsort.ascd.msk.f32 $0xffff, v9, v10  }
0x153: {  	(xrf1) =	vsort.dscd.msk.f32 $0xffff, v22, v25;
	_ =	sdelay $0xc  }
0x154: {  	v27 =	vld [tilespmem:$0x21C0];
	v26, v10, _ =	vpop (xrf1)  }
0x155: {  	v28, v29, _ =	vpop (xrf1)  }
0x156: {  	vm1 =	vgt.f32 v28, v26  }
0x157: {  	s19 =	sor.u32 $0x40, s17;
	v9 =	vsel vm1, v28, v26;
	v10 =	vsel vm1, v29, v10  }
0x158: {  	v30 =	vor.u32 s19, v1;
	(xrf1) =	vsort.ascd.msk.f32 $0xffff, v9, v10  }
0x159: {  	(xrf1) =	vsort.dscd.msk.f32 $0xffff, v27, v30;
	_ =	sdelay $0xc  }
0x15a: {  	v32 =	vld [tilespmem:$0x21D0];
	v31, v10, _ =	vpop (xrf1)  }
0x15b: {  	v33, v34, _ =	vpop (xrf1)  }
0x15c: {  	vm1 =	vgt.f32 v33, v31  }
0x15d: {  	s20 =	sor.u32 $0x50, s17;
	v9 =	vsel vm1, v33, v31;
	v10 =	vsel vm1, v34, v10  }
0x15e: {  	v35 =	vor.u32 s20, v1;
	(xrf1) =	vsort.ascd.msk.f32 $0xffff, v9, v10  }
0x15f: {  	(xrf1) =	vsort.dscd.msk.f32 $0xffff, v32, v35;
	_ =	sdelay $0xc  }
0x160: {  	v37 =	vld [tilespmem:$0x21E0];
	v36, v10, _ =	vpop (xrf1)  }
0x161: {  	v38, v39, _ =	vpop (xrf1)  }
0x162: {  	vm1 =	vgt.f32 v38, v36  }
0x163: {  	s21 =	sor.u32 $0x60, s17;
	v9 =	vsel vm1, v38, v36;
	v10 =	vsel vm1, v39, v10  }
0x164: {  	v40 =	vor.u32 s21, v1;
	(xrf1) =	vsort.ascd.msk.f32 $0xffff, v9, v10  }
0x165: {  	(xrf1) =	vsort.dscd.msk.f32 $0xffff, v37, v40;
	_ =	sdelay $0xb  }
0x166: {  	v41 =	vsel vm6, $0x0, v4  }
0x167: {  	(xrf0) =	vadd.scan.msk.s32 $0xffff, v41;
	v42, v10, _ =	vpop (xrf1)  }
0x168: {  	v44, v45, _ =	vpop (xrf1)  }
0x169: {  	v43 =	vld [tilespmem:$0x21F0];
	vm1 =	vgt.f32 v44, v42  }
0x16a: {  	v9 =	vsel vm1, v44, v42;
	_ =	sdelay $0x1  }
0x16b: {  	s17 =	sor.u32 $0x70, s17;
	v10 =	vsel vm1, v45, v10  }
0x16c: {  	v46 =	vor.u32 s17, v1;
	(xrf1) =	vsort.ascd.msk.f32 $0xffff, v9, v10;
	v9, _, _ =	vpop (xrf0)  }
0x16d: {  	(xrf1) =	vsort.dscd.msk.f32 $0xffff, v43, v46;
	(v2sf) =	vpush v9, $0xF;
	_ =	sdelay $0xc  }
0x16e: {  	v47 =	vld [tilespmem:$0x2200];
	v10, v11, _ =	vpop (xrf1)  }
0x16f: {  	v48, v14, _ =	vpop (xrf1)  }
0x170: {  	vm1 =	vgt.f32 v48, v10;
	s22 =	spop (v2sf)  }
0x171: {  	v10 =	vsel vm1, v48, v10;
	v11 =	vsel vm1, v14, v11;
	s17 =	sshll.u32 s22, $0x7  }
0x172: {  	(xrf1) =	vsort.ascd.msk.f32 $0xffff, v10, v11;
	v49 =	vor.u32 s17, v1  }
0x173: {  	(xrf1) =	vsort.dscd.msk.f32 $0xffff, v47, v49;
	_ =	sdelay $0xc  }
0x174: {  	v51 =	vld [tilespmem:$0x2210];
	v50, v11, _ =	vpop (xrf1)  }
0x175: {  	v52, v53, _ =	vpop (xrf1)  }
0x176: {  	vm1 =	vgt.f32 v52, v50  }
0x177: {  	s23 =	sor.u32 $0x10, s17;
	v10 =	vsel vm1, v52, v50;
	v11 =	vsel vm1, v53, v11  }
0x178: {  	v54 =	vor.u32 s23, v1;
	(xrf1) =	vsort.ascd.msk.f32 $0xffff, v10, v11  }
0x179: {  	(xrf1) =	vsort.dscd.msk.f32 $0xffff, v51, v54;
	_ =	sdelay $0xc  }
0x17a: {  	v56 =	vld [tilespmem:$0x2220];
	v55, v11, _ =	vpop (xrf1)  }
0x17b: {  	v57, v58, _ =	vpop (xrf1)  }
0x17c: {  	vm1 =	vgt.f32 v57, v55  }
0x17d: {  	s24 =	sor.u32 $0x20, s17;
	v10 =	vsel vm1, v57, v55;
	v11 =	vsel vm1, v58, v11  }
0x17e: {  	v59 =	vor.u32 s24, v1;
	(xrf1) =	vsort.ascd.msk.f32 $0xffff, v10, v11  }
0x17f: {  	(xrf1) =	vsort.dscd.msk.f32 $0xffff, v56, v59;
	_ =	sdelay $0xc  }
0x180: {  	v61 =	vld [tilespmem:$0x2230];
	v60, v11, _ =	vpop (xrf1)  }
0x181: {  	v62, v63, _ =	vpop (xrf1)  }
0x182: {  	vm1 =	vgt.f32 v62, v60  }
0x183: {  	s25 =	sor.u32 $0x30, s17;
	v10 =	vsel vm1, v62, v60;
	v11 =	vsel vm1, v63, v11  }
0x184: {  	v15 =	vor.u32 s25, v1;
	(xrf1) =	vsort.ascd.msk.f32 $0xffff, v10, v11  }
0x185: {  	(xrf1) =	vsort.dscd.msk.f32 $0xffff, v61, v15;
	_ =	sdelay $0xc  }
0x186: {  	v17 =	vld [tilespmem:$0x2240];
	v16, v11, _ =	vpop (xrf1)  }
0x187: {  	v18, v19, _ =	vpop (xrf1)  }
0x188: {  	vm1 =	vgt.f32 v18, v16  }
0x189: {  	s26 =	sor.u32 $0x40, s17;
	v10 =	vsel vm1, v18, v16;
	v11 =	vsel vm1, v19, v11  }
0x18a: {  	v20 =	vor.u32 s26, v1;
	(xrf1) =	vsort.ascd.msk.f32 $0xffff, v10, v11  }
0x18b: {  	(xrf1) =	vsort.dscd.msk.f32 $0xffff, v17, v20;
	_ =	sdelay $0xc  }
0x18c: {  	v22 =	vld [tilespmem:$0x2250];
	v21, v11, _ =	vpop (xrf1)  }
0x18d: {  	v23, v24, _ =	vpop (xrf1)  }
0x18e: {  	vm1 =	vgt.f32 v23, v21  }
0x18f: {  	s28 =	sor.u32 $0x50, s17;
	v10 =	vsel vm1, v23, v21;
	v11 =	vsel vm1, v24, v11  }
0x190: {  	v25 =	vor.u32 s28, v1;
	(xrf1) =	vsort.ascd.msk.f32 $0xffff, v10, v11  }
0x191: {  	(xrf1) =	vsort.dscd.msk.f32 $0xffff, v22, v25;
	_ =	sdelay $0xc  }
0x192: {  	v27 =	vld [tilespmem:$0x2260];
	v26, v11, _ =	vpop (xrf1)  }
0x193: {  	v28, v29, _ =	vpop (xrf1)  }
0x194: {  	vm1 =	vgt.f32 v28, v26  }
0x195: {  	s29 =	sor.u32 $0x60, s17;
	v10 =	vsel vm1, v28, v26;
	v11 =	vsel vm1, v29, v11  }
0x196: {  	v30 =	vor.u32 s29, v1;
	(xrf1) =	vsort.ascd.msk.f32 $0xffff, v10, v11  }
0x197: {  	(xrf1) =	vsort.dscd.msk.f32 $0xffff, v27, v30;
	_ =	sdelay $0xb  }
0x198: {  	v31 =	vsel vm7, $0x0, v4  }
0x199: {  	(xrf0) =	vadd.scan.msk.s32 $0xffff, v31;
	v32, v11, _ =	vpop (xrf1)  }
0x19a: {  	v34, v35, _ =	vpop (xrf1)  }
0x19b: {  	v33 =	vld [tilespmem:$0x2270];
	vm1 =	vgt.f32 v34, v32  }
0x19c: {  	v10 =	vsel vm1, v34, v32;
	_ =	sdelay $0x1  }
0x19d: {  	s17 =	sor.u32 $0x70, s17;
	v11 =	vsel vm1, v35, v11  }
0x19e: {  	v36 =	vor.u32 s17, v1;
	(xrf1) =	vsort.ascd.msk.f32 $0xffff, v10, v11;
	v10, _, _ =	vpop (xrf0)  }
0x19f: {  	(xrf1) =	vsort.dscd.msk.f32 $0xffff, v33, v36;
	(v2sf) =	vpush v10, $0xF;
	_ =	sdelay $0xc  }
0x1a0: {  	v37 =	vld [tilespmem:$0x2280];
	v11, v12, _ =	vpop (xrf1)  }
0x1a1: {  	v38, v15, _ =	vpop (xrf1)  }
0x1a2: {  	vm1 =	vgt.f32 v38, v11;
	s30 =	spop (v2sf)  }
0x1a3: {  	v11 =	vsel vm1, v38, v11;
	v12 =	vsel vm1, v15, v12;
	s17 =	sshll.u32 s30, $0x7  }
0x1a4: {  	(xrf1) =	vsort.ascd.msk.f32 $0xffff, v11, v12;
	v39 =	vor.u32 s17, v1  }
0x1a5: {  	(xrf1) =	vsort.dscd.msk.f32 $0xffff, v37, v39;
	_ =	sdelay $0xc  }
0x1a6: {  	v41 =	vld [tilespmem:$0x2290];
	v40, v12, _ =	vpop (xrf1)  }
0x1a7: {  	v42, v43, _ =	vpop (xrf1)  }
0x1a8: {  	vm1 =	vgt.f32 v42, v40  }
0x1a9: {  	s31 =	sor.u32 $0x10, s17;
	v11 =	vsel vm1, v42, v40;
	v12 =	vsel vm1, v43, v12  }
0x1aa: {  	v44 =	vor.u32 s31, v1;
	(xrf1) =	vsort.ascd.msk.f32 $0xffff, v11, v12  }
0x1ab: {  	(xrf1) =	vsort.dscd.msk.f32 $0xffff, v41, v44;
	_ =	sdelay $0xc  }
0x1ac: {  	v46 =	vld [tilespmem:$0x22A0];
	v45, v12, _ =	vpop (xrf1)  }
0x1ad: {  	v47, v48, _ =	vpop (xrf1)  }
0x1ae: {  	vm1 =	vgt.f32 v47, v45  }
0x1af: {  	s19 =	sor.u32 $0x20, s17;
	v11 =	vsel vm1, v47, v45;
	v12 =	vsel vm1, v48, v12  }
0x1b0: {  	v49 =	vor.u32 s19, v1;
	(xrf1) =	vsort.ascd.msk.f32 $0xffff, v11, v12  }
0x1b1: {  	(xrf1) =	vsort.dscd.msk.f32 $0xffff, v46, v49;
	_ =	sdelay $0xc  }
0x1b2: {  	v51 =	vld [tilespmem:$0x22B0];
	v50, v12, _ =	vpop (xrf1)  }
0x1b3: {  	v52, v53, _ =	vpop (xrf1)  }
0x1b4: {  	vm1 =	vgt.f32 v52, v50  }
0x1b5: {  	s20 =	sor.u32 $0x30, s17;
	v11 =	vsel vm1, v52, v50;
	v12 =	vsel vm1, v53, v12  }
0x1b6: {  	v54 =	vor.u32 s20, v1;
	(xrf1) =	vsort.ascd.msk.f32 $0xffff, v11, v12  }
0x1b7: {  	(xrf1) =	vsort.dscd.msk.f32 $0xffff, v51, v54;
	_ =	sdelay $0xc  }
0x1b8: {  	v56 =	vld [tilespmem:$0x22C0];
	v55, v12, _ =	vpop (xrf1)  }
0x1b9: {  	v57, v58, _ =	vpop (xrf1)  }
0x1ba: {  	vm1 =	vgt.f32 v57, v55  }
0x1bb: {  	s21 =	sor.u32 $0x40, s17;
	v11 =	vsel vm1, v57, v55;
	v12 =	vsel vm1, v58, v12  }
0x1bc: {  	v59 =	vor.u32 s21, v1;
	(xrf1) =	vsort.ascd.msk.f32 $0xffff, v11, v12  }
0x1bd: {  	(xrf1) =	vsort.dscd.msk.f32 $0xffff, v56, v59;
	_ =	sdelay $0xc  }
0x1be: {  	v61 =	vld [tilespmem:$0x22D0];
	v60, v12, _ =	vpop (xrf1)  }
0x1bf: {  	v62, v63, _ =	vpop (xrf1)  }
0x1c0: {  	vm1 =	vgt.f32 v62, v60  }
0x1c1: {  	s22 =	sor.u32 $0x50, s17;
	v11 =	vsel vm1, v62, v60;
	v12 =	vsel vm1, v63, v12  }
0x1c2: {  	v17 =	vor.u32 s22, v1;
	(xrf1) =	vsort.ascd.msk.f32 $0xffff, v11, v12  }
0x1c3: {  	(xrf1) =	vsort.dscd.msk.f32 $0xffff, v61, v17;
	_ =	sdelay $0xc  }
0x1c4: {  	v19 =	vld [tilespmem:$0x22E0];
	v18, v12, _ =	vpop (xrf1)  }
0x1c5: {  	v20, v21, _ =	vpop (xrf1)  }
0x1c6: {  	vm1 =	vgt.f32 v20, v18  }
0x1c7: {  	s23 =	sor.u32 $0x60, s17;
	v11 =	vsel vm1, v20, v18;
	v12 =	vsel vm1, v21, v12  }
0x1c8: {  	v22 =	vor.u32 s23, v1;
	(xrf1) =	vsort.ascd.msk.f32 $0xffff, v11, v12  }
0x1c9: {  	(xrf1) =	vsort.dscd.msk.f32 $0xffff, v19, v22;
	_ =	sdelay $0xb  }
0x1ca: {  	v23 =	vsel vm8, $0x0, v4  }
0x1cb: {  	(xrf0) =	vadd.scan.msk.s32 $0xffff, v23;
	v24, v12, _ =	vpop (xrf1)  }
0x1cc: {  	v26, v27, _ =	vpop (xrf1)  }
0x1cd: {  	v25 =	vld [tilespmem:$0x22F0];
	vm1 =	vgt.f32 v26, v24  }
0x1ce: {  	v11 =	vsel vm1, v26, v24;
	_ =	sdelay $0x1  }
0x1cf: {  	s17 =	sor.u32 $0x70, s17;
	v12 =	vsel vm1, v27, v12  }
0x1d0: {  	v28 =	vor.u32 s17, v1;
	(xrf1) =	vsort.ascd.msk.f32 $0xffff, v11, v12;
	v11, _, _ =	vpop (xrf0)  }
0x1d1: {  	(xrf1) =	vsort.dscd.msk.f32 $0xffff, v25, v28;
	(v2sf) =	vpush v11, $0xF;
	_ =	sdelay $0xc  }
0x1d2: {  	v29 =	vld [tilespmem:$0x2300];
	v12, v13, _ =	vpop (xrf1)  }
0x1d3: {  	v30, v16, _ =	vpop (xrf1)  }
0x1d4: {  	vm1 =	vgt.f32 v30, v12;
	s24 =	spop (v2sf)  }
0x1d5: {  	v12 =	vsel vm1, v30, v12;
	v13 =	vsel vm1, v16, v13;
	s17 =	sshll.u32 s24, $0x7  }
0x1d6: {  	(xrf1) =	vsort.ascd.msk.f32 $0xffff, v12, v13;
	v31 =	vor.u32 s17, v1  }
0x1d7: {  	(xrf1) =	vsort.dscd.msk.f32 $0xffff, v29, v31;
	_ =	sdelay $0xc  }
0x1d8: {  	v33 =	vld [tilespmem:$0x2310];
	v32, v13, _ =	vpop (xrf1)  }
0x1d9: {  	v34, v35, _ =	vpop (xrf1)  }
0x1da: {  	vm1 =	vgt.f32 v34, v32  }
0x1db: {  	s25 =	sor.u32 $0x10, s17;
	v12 =	vsel vm1, v34, v32;
	v13 =	vsel vm1, v35, v13  }
0x1dc: {  	v36 =	vor.u32 s25, v1;
	(xrf1) =	vsort.ascd.msk.f32 $0xffff, v12, v13  }
0x1dd: {  	(xrf1) =	vsort.dscd.msk.f32 $0xffff, v33, v36;
	_ =	sdelay $0xc  }
0x1de: {  	v38 =	vld [tilespmem:$0x2320];
	v37, v13, _ =	vpop (xrf1)  }
0x1df: {  	v39, v40, _ =	vpop (xrf1)  }
0x1e0: {  	vm1 =	vgt.f32 v39, v37  }
0x1e1: {  	s26 =	sor.u32 $0x20, s17;
	v12 =	vsel vm1, v39, v37;
	v13 =	vsel vm1, v40, v13  }
0x1e2: {  	v41 =	vor.u32 s26, v1;
	(xrf1) =	vsort.ascd.msk.f32 $0xffff, v12, v13  }
0x1e3: {  	(xrf1) =	vsort.dscd.msk.f32 $0xffff, v38, v41;
	_ =	sdelay $0xc  }
0x1e4: {  	v43 =	vld [tilespmem:$0x2330];
	v42, v13, _ =	vpop (xrf1)  }
0x1e5: {  	v44, v45, _ =	vpop (xrf1)  }
0x1e6: {  	vm1 =	vgt.f32 v44, v42  }
0x1e7: {  	s28 =	sor.u32 $0x30, s17;
	v12 =	vsel vm1, v44, v42;
	v13 =	vsel vm1, v45, v13  }
0x1e8: {  	v46 =	vor.u32 s28, v1;
	(xrf1) =	vsort.ascd.msk.f32 $0xffff, v12, v13  }
0x1e9: {  	(xrf1) =	vsort.dscd.msk.f32 $0xffff, v43, v46;
	_ =	sdelay $0xc  }
0x1ea: {  	v48 =	vld [tilespmem:$0x2340];
	v47, v13, _ =	vpop (xrf1)  }
0x1eb: {  	v49, v50, _ =	vpop (xrf1)  }
0x1ec: {  	vm1 =	vgt.f32 v49, v47  }
0x1ed: {  	s29 =	sor.u32 $0x40, s17;
	v12 =	vsel vm1, v49, v47;
	v13 =	vsel vm1, v50, v13  }
0x1ee: {  	v51 =	vor.u32 s29, v1;
	(xrf1) =	vsort.ascd.msk.f32 $0xffff, v12, v13  }
0x1ef: {  	(xrf1) =	vsort.dscd.msk.f32 $0xffff, v48, v51;
	_ =	sdelay $0xc  }
0x1f0: {  	v53 =	vld [tilespmem:$0x2350];
	v52, v13, _ =	vpop (xrf1)  }
0x1f1: {  	v54, v55, _ =	vpop (xrf1)  }
0x1f2: {  	vm1 =	vgt.f32 v54, v52  }
0x1f3: {  	s30 =	sor.u32 $0x50, s17;
	v12 =	vsel vm1, v54, v52;
	v13 =	vsel vm1, v55, v13  }
0x1f4: {  	v56 =	vor.u32 s30, v1;
	(xrf1) =	vsort.ascd.msk.f32 $0xffff, v12, v13  }
0x1f5: {  	(xrf1) =	vsort.dscd.msk.f32 $0xffff, v53, v56;
	_ =	sdelay $0xc  }
0x1f6: {  	v58 =	vld [tilespmem:$0x2360];
	v57, v13, _ =	vpop (xrf1)  }
0x1f7: {  	v59, v60, _ =	vpop (xrf1)  }
0x1f8: {  	vm1 =	vgt.f32 v59, v57  }
0x1f9: {  	s31 =	sor.u32 $0x60, s17;
	v12 =	vsel vm1, v59, v57;
	v13 =	vsel vm1, v60, v13  }
0x1fa: {  	v61 =	vor.u32 s31, v1;
	(xrf1) =	vsort.ascd.msk.f32 $0xffff, v12, v13  }
0x1fb: {  	(xrf1) =	vsort.dscd.msk.f32 $0xffff, v58, v61;
	_ =	sdelay $0xb  }
0x1fc: {  	v62 =	vsel vm9, $0x0, v4  }
0x1fd: {  	(xrf0) =	vadd.scan.msk.s32 $0xffff, v62;
	v63, v13, _ =	vpop (xrf1)  }
0x1fe: {  	v21, v22, _ =	vpop (xrf1)  }
0x1ff: {  	v20 =	vld [tilespmem:$0x2370];
	vm1 =	vgt.f32 v21, v63  }
0x200: {  	v12 =	vsel vm1, v21, v63;
	_ =	sdelay $0x1  }
0x201: {  	s17 =	sor.u32 $0x70, s17;
	v13 =	vsel vm1, v22, v13  }
0x202: {  	v23 =	vor.u32 s17, v1;
	(xrf1) =	vsort.ascd.msk.f32 $0xffff, v12, v13;
	v12, _, _ =	vpop (xrf0)  }
0x203: {  	(xrf1) =	vsort.dscd.msk.f32 $0xffff, v20, v23;
	(v2sf) =	vpush v12, $0xF;
	_ =	sdelay $0xc  }
0x204: {  	v24 =	vld [tilespmem:$0x2380];
	v13, v14, _ =	vpop (xrf1)  }
0x205: {  	v25, v17, _ =	vpop (xrf1)  }
0x206: {  	vm1 =	vgt.f32 v25, v13;
	s18 =	spop (v2sf)  }
0x207: {  	v13 =	vsel vm1, v25, v13;
	v14 =	vsel vm1, v17, v14;
	s17 =	sshll.u32 s18, $0x7  }
0x208: {  	(xrf1) =	vsort.ascd.msk.f32 $0xffff, v13, v14;
	v26 =	vor.u32 s17, v1  }
0x209: {  	(xrf1) =	vsort.dscd.msk.f32 $0xffff, v24, v26;
	_ =	sdelay $0xc  }
0x20a: {  	v28 =	vld [tilespmem:$0x2390];
	v27, v14, _ =	vpop (xrf1)  }
0x20b: {  	v29, v30, _ =	vpop (xrf1)  }
0x20c: {  	vm1 =	vgt.f32 v29, v27  }
0x20d: {  	s19 =	sor.u32 $0x10, s17;
	v13 =	vsel vm1, v29, v27;
	v14 =	vsel vm1, v30, v14  }
0x20e: {  	v31 =	vor.u32 s19, v1;
	(xrf1) =	vsort.ascd.msk.f32 $0xffff, v13, v14  }
0x20f: {  	(xrf1) =	vsort.dscd.msk.f32 $0xffff, v28, v31;
	_ =	sdelay $0xc  }
0x210: {  	v33 =	vld [tilespmem:$0x23A0];
	v32, v14, _ =	vpop (xrf1)  }
0x211: {  	v34, v35, _ =	vpop (xrf1)  }
0x212: {  	vm1 =	vgt.f32 v34, v32  }
0x213: {  	s20 =	sor.u32 $0x20, s17;
	v13 =	vsel vm1, v34, v32;
	v14 =	vsel vm1, v35, v14  }
0x214: {  	v36 =	vor.u32 s20, v1;
	(xrf1) =	vsort.ascd.msk.f32 $0xffff, v13, v14  }
0x215: {  	(xrf1) =	vsort.dscd.msk.f32 $0xffff, v33, v36;
	_ =	sdelay $0xc  }
0x216: {  	v38 =	vld [tilespmem:$0x23B0];
	v37, v14, _ =	vpop (xrf1)  }
0x217: {  	v39, v40, _ =	vpop (xrf1)  }
0x218: {  	vm1 =	vgt.f32 v39, v37  }
0x219: {  	s21 =	sor.u32 $0x30, s17;
	v13 =	vsel vm1, v39, v37;
	v14 =	vsel vm1, v40, v14  }
0x21a: {  	v41 =	vor.u32 s21, v1;
	(xrf1) =	vsort.ascd.msk.f32 $0xffff, v13, v14  }
0x21b: {  	(xrf1) =	vsort.dscd.msk.f32 $0xffff, v38, v41;
	_ =	sdelay $0xc  }
0x21c: {  	v43 =	vld [tilespmem:$0x23C0];
	v42, v14, _ =	vpop (xrf1)  }
0x21d: {  	v44, v45, _ =	vpop (xrf1)  }
0x21e: {  	vm1 =	vgt.f32 v44, v42  }
0x21f: {  	s22 =	sor.u32 $0x40, s17;
	v13 =	vsel vm1, v44, v42;
	v14 =	vsel vm1, v45, v14  }
0x220: {  	v46 =	vor.u32 s22, v1;
	(xrf1) =	vsort.ascd.msk.f32 $0xffff, v13, v14  }
0x221: {  	(xrf1) =	vsort.dscd.msk.f32 $0xffff, v43, v46;
	_ =	sdelay $0xc  }
0x222: {  	v48 =	vld [tilespmem:$0x23D0];
	v47, v14, _ =	vpop (xrf1)  }
0x223: {  	v49, v50, _ =	vpop (xrf1)  }
0x224: {  	vm1 =	vgt.f32 v49, v47  }
0x225: {  	s23 =	sor.u32 $0x50, s17;
	v13 =	vsel vm1, v49, v47;
	v14 =	vsel vm1, v50, v14  }
0x226: {  	v51 =	vor.u32 s23, v1;
	(xrf1) =	vsort.ascd.msk.f32 $0xffff, v13, v14  }
0x227: {  	(xrf1) =	vsort.dscd.msk.f32 $0xffff, v48, v51;
	_ =	sdelay $0xc  }
0x228: {  	v53 =	vld [tilespmem:$0x23E0];
	v52, v14, _ =	vpop (xrf1)  }
0x229: {  	v54, v55, _ =	vpop (xrf1)  }
0x22a: {  	vm1 =	vgt.f32 v54, v52  }
0x22b: {  	s24 =	sor.u32 $0x60, s17;
	v13 =	vsel vm1, v54, v52;
	v14 =	vsel vm1, v55, v14  }
0x22c: {  	v56 =	vor.u32 s24, v1;
	(xrf1) =	vsort.ascd.msk.f32 $0xffff, v13, v14  }
0x22d: {  	(xrf1) =	vsort.dscd.msk.f32 $0xffff, v53, v56;
	_ =	sdelay $0xb  }
0x22e: {  	v57 =	vsel vm10, $0x0, v4  }
0x22f: {  	(xrf0) =	vadd.scan.msk.s32 $0xffff, v57;
	v58, v14, _ =	vpop (xrf1)  }
0x230: {  	v60, v61, _ =	vpop (xrf1)  }
0x231: {  	v59 =	vld [tilespmem:$0x23F0];
	vm1 =	vgt.f32 v60, v58  }
0x232: {  	v13 =	vsel vm1, v60, v58;
	_ =	sdelay $0x1  }
0x233: {  	s17 =	sor.u32 $0x70, s17;
	v14 =	vsel vm1, v61, v14  }
0x234: {  	v62 =	vor.u32 s17, v1;
	(xrf1) =	vsort.ascd.msk.f32 $0xffff, v13, v14;
	v13, _, _ =	vpop (xrf0)  }
0x235: {  	(xrf1) =	vsort.dscd.msk.f32 $0xffff, v59, v62;
	(v2sf) =	vpush v13, $0xF;
	_ =	sdelay $0xc  }
0x236: {  	v63 =	vld [tilespmem:$0x2400];
	v14, v15, _ =	vpop (xrf1)  }
0x237: {  	v21, v18, _ =	vpop (xrf1)  }
0x238: {  	vm1 =	vgt.f32 v21, v14;
	s25 =	spop (v2sf)  }
0x239: {  	v14 =	vsel vm1, v21, v14;
	v15 =	vsel vm1, v18, v15;
	s17 =	sshll.u32 s25, $0x7  }
0x23a: {  	(xrf1) =	vsort.ascd.msk.f32 $0xffff, v14, v15;
	v22 =	vor.u32 s17, v1  }
0x23b: {  	(xrf1) =	vsort.dscd.msk.f32 $0xffff, v63, v22;
	_ =	sdelay $0xc  }
0x23c: {  	v24 =	vld [tilespmem:$0x2410];
	v23, v15, _ =	vpop (xrf1)  }
0x23d: {  	v25, v26, _ =	vpop (xrf1)  }
0x23e: {  	vm1 =	vgt.f32 v25, v23  }
0x23f: {  	s26 =	sor.u32 $0x10, s17;
	v14 =	vsel vm1, v25, v23;
	v15 =	vsel vm1, v26, v15  }
0x240: {  	v27 =	vor.u32 s26, v1;
	(xrf1) =	vsort.ascd.msk.f32 $0xffff, v14, v15  }
0x241: {  	(xrf1) =	vsort.dscd.msk.f32 $0xffff, v24, v27;
	_ =	sdelay $0xc  }
0x242: {  	v29 =	vld [tilespmem:$0x2420];
	v28, v15, _ =	vpop (xrf1)  }
0x243: {  	v30, v31, _ =	vpop (xrf1)  }
0x244: {  	vm1 =	vgt.f32 v30, v28  }
0x245: {  	s28 =	sor.u32 $0x20, s17;
	v14 =	vsel vm1, v30, v28;
	v15 =	vsel vm1, v31, v15  }
0x246: {  	v32 =	vor.u32 s28, v1;
	(xrf1) =	vsort.ascd.msk.f32 $0xffff, v14, v15  }
0x247: {  	(xrf1) =	vsort.dscd.msk.f32 $0xffff, v29, v32;
	_ =	sdelay $0xc  }
0x248: {  	v34 =	vld [tilespmem:$0x2430];
	v33, v15, _ =	vpop (xrf1)  }
0x249: {  	v35, v36, _ =	vpop (xrf1)  }
0x24a: {  	vm1 =	vgt.f32 v35, v33  }
0x24b: {  	s29 =	sor.u32 $0x30, s17;
	v14 =	vsel vm1, v35, v33;
	v15 =	vsel vm1, v36, v15  }
0x24c: {  	v37 =	vor.u32 s29, v1;
	(xrf1) =	vsort.ascd.msk.f32 $0xffff, v14, v15  }
0x24d: {  	(xrf1) =	vsort.dscd.msk.f32 $0xffff, v34, v37;
	_ =	sdelay $0xc  }
0x24e: {  	v39 =	vld [tilespmem:$0x2440];
	v38, v15, _ =	vpop (xrf1)  }
0x24f: {  	v40, v41, _ =	vpop (xrf1)  }
0x250: {  	vm1 =	vgt.f32 v40, v38  }
0x251: {  	s30 =	sor.u32 $0x40, s17;
	v14 =	vsel vm1, v40, v38;
	v15 =	vsel vm1, v41, v15  }
0x252: {  	v42 =	vor.u32 s30, v1;
	(xrf1) =	vsort.ascd.msk.f32 $0xffff, v14, v15  }
0x253: {  	(xrf1) =	vsort.dscd.msk.f32 $0xffff, v39, v42;
	_ =	sdelay $0xc  }
0x254: {  	v44 =	vld [tilespmem:$0x2450];
	v43, v15, _ =	vpop (xrf1)  }
0x255: {  	v45, v46, _ =	vpop (xrf1)  }
0x256: {  	vm1 =	vgt.f32 v45, v43  }
0x257: {  	s31 =	sor.u32 $0x50, s17;
	v14 =	vsel vm1, v45, v43;
	v15 =	vsel vm1, v46, v15  }
0x258: {  	v47 =	vor.u32 s31, v1;
	(xrf1) =	vsort.ascd.msk.f32 $0xffff, v14, v15  }
0x259: {  	(xrf1) =	vsort.dscd.msk.f32 $0xffff, v44, v47;
	_ =	sdelay $0xc  }
0x25a: {  	v49 =	vld [tilespmem:$0x2460];
	v48, v15, _ =	vpop (xrf1)  }
0x25b: {  	v50, v51, _ =	vpop (xrf1)  }
0x25c: {  	vm1 =	vgt.f32 v50, v48  }
0x25d: {  	s19 =	sor.u32 $0x60, s17;
	v14 =	vsel vm1, v50, v48;
	v15 =	vsel vm1, v51, v15  }
0x25e: {  	v52 =	vor.u32 s19, v1;
	(xrf1) =	vsort.ascd.msk.f32 $0xffff, v14, v15  }
0x25f: {  	(xrf1) =	vsort.dscd.msk.f32 $0xffff, v49, v52;
	_ =	sdelay $0xb  }
0x260: {  	v53 =	vsel vm11, $0x0, v4  }
0x261: {  	(xrf0) =	vadd.scan.msk.s32 $0xffff, v53;
	v54, v15, _ =	vpop (xrf1)  }
0x262: {  	v56, v57, _ =	vpop (xrf1)  }
0x263: {  	v55 =	vld [tilespmem:$0x2470];
	vm1 =	vgt.f32 v56, v54  }
0x264: {  	v14 =	vsel vm1, v56, v54;
	_ =	sdelay $0x1  }
0x265: {  	s17 =	sor.u32 $0x70, s17;
	v15 =	vsel vm1, v57, v15  }
0x266: {  	v58 =	vor.u32 s17, v1;
	(xrf1) =	vsort.ascd.msk.f32 $0xffff, v14, v15;
	v14, _, _ =	vpop (xrf0)  }
0x267: {  	(xrf1) =	vsort.dscd.msk.f32 $0xffff, v55, v58;
	(v2sf) =	vpush v14, $0xF;
	_ =	sdelay $0xc  }
0x268: {  	v59 =	vld [tilespmem:$0x2480];
	v15, v16, _ =	vpop (xrf1)  }
0x269: {  	v60, v19, _ =	vpop (xrf1)  }
0x26a: {  	vm1 =	vgt.f32 v60, v15;
	s20 =	spop (v2sf)  }
0x26b: {  	v15 =	vsel vm1, v60, v15;
	v16 =	vsel vm1, v19, v16;
	s17 =	sshll.u32 s20, $0x7  }
0x26c: {  	(xrf1) =	vsort.ascd.msk.f32 $0xffff, v15, v16;
	v61 =	vor.u32 s17, v1  }
0x26d: {  	(xrf1) =	vsort.dscd.msk.f32 $0xffff, v59, v61;
	_ =	sdelay $0xc  }
0x26e: {  	v63 =	vld [tilespmem:$0x2490];
	v62, v16, _ =	vpop (xrf1)  }
0x26f: {  	v21, v22, _ =	vpop (xrf1)  }
0x270: {  	vm1 =	vgt.f32 v21, v62  }
0x271: {  	s21 =	sor.u32 $0x10, s17;
	v15 =	vsel vm1, v21, v62;
	v16 =	vsel vm1, v22, v16  }
0x272: {  	v23 =	vor.u32 s21, v1;
	(xrf1) =	vsort.ascd.msk.f32 $0xffff, v15, v16  }
0x273: {  	(xrf1) =	vsort.dscd.msk.f32 $0xffff, v63, v23;
	_ =	sdelay $0xc  }
0x274: {  	v25 =	vld [tilespmem:$0x24A0];
	v24, v16, _ =	vpop (xrf1)  }
0x275: {  	v26, v27, _ =	vpop (xrf1)  }
0x276: {  	vm1 =	vgt.f32 v26, v24  }
0x277: {  	s22 =	sor.u32 $0x20, s17;
	v15 =	vsel vm1, v26, v24;
	v16 =	vsel vm1, v27, v16  }
0x278: {  	v28 =	vor.u32 s22, v1;
	(xrf1) =	vsort.ascd.msk.f32 $0xffff, v15, v16  }
0x279: {  	(xrf1) =	vsort.dscd.msk.f32 $0xffff, v25, v28;
	_ =	sdelay $0xc  }
0x27a: {  	v30 =	vld [tilespmem:$0x24B0];
	v29, v16, _ =	vpop (xrf1)  }
0x27b: {  	v31, v32, _ =	vpop (xrf1)  }
0x27c: {  	vm1 =	vgt.f32 v31, v29  }
0x27d: {  	s23 =	sor.u32 $0x30, s17;
	v15 =	vsel vm1, v31, v29;
	v16 =	vsel vm1, v32, v16  }
0x27e: {  	v33 =	vor.u32 s23, v1;
	(xrf1) =	vsort.ascd.msk.f32 $0xffff, v15, v16  }
0x27f: {  	(xrf1) =	vsort.dscd.msk.f32 $0xffff, v30, v33;
	_ =	sdelay $0xc  }
0x280: {  	v35 =	vld [tilespmem:$0x24C0];
	v34, v16, _ =	vpop (xrf1)  }
0x281: {  	v36, v37, _ =	vpop (xrf1)  }
0x282: {  	vm1 =	vgt.f32 v36, v34  }
0x283: {  	s24 =	sor.u32 $0x40, s17;
	v15 =	vsel vm1, v36, v34;
	v16 =	vsel vm1, v37, v16  }
0x284: {  	v38 =	vor.u32 s24, v1;
	(xrf1) =	vsort.ascd.msk.f32 $0xffff, v15, v16  }
0x285: {  	(xrf1) =	vsort.dscd.msk.f32 $0xffff, v35, v38;
	_ =	sdelay $0xc  }
0x286: {  	v40 =	vld [tilespmem:$0x24D0];
	v39, v16, _ =	vpop (xrf1)  }
0x287: {  	v41, v42, _ =	vpop (xrf1)  }
0x288: {  	vm1 =	vgt.f32 v41, v39  }
0x289: {  	s25 =	sor.u32 $0x50, s17;
	v15 =	vsel vm1, v41, v39;
	v16 =	vsel vm1, v42, v16  }
0x28a: {  	v43 =	vor.u32 s25, v1;
	(xrf1) =	vsort.ascd.msk.f32 $0xffff, v15, v16  }
0x28b: {  	(xrf1) =	vsort.dscd.msk.f32 $0xffff, v40, v43;
	_ =	sdelay $0xc  }
0x28c: {  	v45 =	vld [tilespmem:$0x24E0];
	v44, v16, _ =	vpop (xrf1)  }
0x28d: {  	v46, v47, _ =	vpop (xrf1)  }
0x28e: {  	vm1 =	vgt.f32 v46, v44  }
0x28f: {  	s26 =	sor.u32 $0x60, s17;
	v15 =	vsel vm1, v46, v44;
	v16 =	vsel vm1, v47, v16  }
0x290: {  	v48 =	vor.u32 s26, v1;
	(xrf1) =	vsort.ascd.msk.f32 $0xffff, v15, v16  }
0x291: {  	(xrf1) =	vsort.dscd.msk.f32 $0xffff, v45, v48;
	_ =	sdelay $0xb  }
0x292: {  	v49 =	vsel vm12, $0x0, v4  }
0x293: {  	(xrf0) =	vadd.scan.msk.s32 $0xffff, v49;
	v50, v16, _ =	vpop (xrf1)  }
0x294: {  	v52, v53, _ =	vpop (xrf1)  }
0x295: {  	v51 =	vld [tilespmem:$0x24F0];
	vm1 =	vgt.f32 v52, v50  }
0x296: {  	v15 =	vsel vm1, v52, v50;
	_ =	sdelay $0x1  }
0x297: {  	s17 =	sor.u32 $0x70, s17;
	v16 =	vsel vm1, v53, v16  }
0x298: {  	v54 =	vor.u32 s17, v1;
	(xrf1) =	vsort.ascd.msk.f32 $0xffff, v15, v16;
	v15, _, _ =	vpop (xrf0)  }
0x299: {  	(xrf1) =	vsort.dscd.msk.f32 $0xffff, v51, v54;
	(v2sf) =	vpush v15, $0xF;
	_ =	sdelay $0xc  }
0x29a: {  	v55 =	vld [tilespmem:$0x2500];
	v16, v17, _ =	vpop (xrf1)  }
0x29b: {  	v56, v20, _ =	vpop (xrf1)  }
0x29c: {  	vm1 =	vgt.f32 v56, v16;
	s28 =	spop (v2sf)  }
0x29d: {  	v16 =	vsel vm1, v56, v16;
	v17 =	vsel vm1, v20, v17;
	s17 =	sshll.u32 s28, $0x7  }
0x29e: {  	(xrf1) =	vsort.ascd.msk.f32 $0xffff, v16, v17;
	v57 =	vor.u32 s17, v1  }
0x29f: {  	(xrf1) =	vsort.dscd.msk.f32 $0xffff, v55, v57;
	_ =	sdelay $0xc  }
0x2a0: {  	v59 =	vld [tilespmem:$0x2510];
	v58, v17, _ =	vpop (xrf1)  }
0x2a1: {  	v60, v61, _ =	vpop (xrf1)  }
0x2a2: {  	vm1 =	vgt.f32 v60, v58  }
0x2a3: {  	s29 =	sor.u32 $0x10, s17;
	v16 =	vsel vm1, v60, v58;
	v17 =	vsel vm1, v61, v17  }
0x2a4: {  	v62 =	vor.u32 s29, v1;
	(xrf1) =	vsort.ascd.msk.f32 $0xffff, v16, v17  }
0x2a5: {  	(xrf1) =	vsort.dscd.msk.f32 $0xffff, v59, v62;
	_ =	sdelay $0xc  }
0x2a6: {  	v24 =	vld [tilespmem:$0x2520];
	v63, v17, _ =	vpop (xrf1)  }
0x2a7: {  	v25, v26, _ =	vpop (xrf1)  }
0x2a8: {  	vm1 =	vgt.f32 v25, v63  }
0x2a9: {  	s30 =	sor.u32 $0x20, s17;
	v16 =	vsel vm1, v25, v63;
	v17 =	vsel vm1, v26, v17  }
0x2aa: {  	v27 =	vor.u32 s30, v1;
	(xrf1) =	vsort.ascd.msk.f32 $0xffff, v16, v17  }
0x2ab: {  	(xrf1) =	vsort.dscd.msk.f32 $0xffff, v24, v27;
	_ =	sdelay $0xc  }
0x2ac: {  	v29 =	vld [tilespmem:$0x2530];
	v28, v17, _ =	vpop (xrf1)  }
0x2ad: {  	v30, v31, _ =	vpop (xrf1)  }
0x2ae: {  	vm1 =	vgt.f32 v30, v28  }
0x2af: {  	s31 =	sor.u32 $0x30, s17;
	v16 =	vsel vm1, v30, v28;
	v17 =	vsel vm1, v31, v17  }
0x2b0: {  	v32 =	vor.u32 s31, v1;
	(xrf1) =	vsort.ascd.msk.f32 $0xffff, v16, v17  }
0x2b1: {  	(xrf1) =	vsort.dscd.msk.f32 $0xffff, v29, v32;
	_ =	sdelay $0xc  }
0x2b2: {  	v34 =	vld [tilespmem:$0x2540];
	v33, v17, _ =	vpop (xrf1)  }
0x2b3: {  	v35, v36, _ =	vpop (xrf1)  }
0x2b4: {  	vm1 =	vgt.f32 v35, v33  }
0x2b5: {  	s19 =	sor.u32 $0x40, s17;
	v16 =	vsel vm1, v35, v33;
	v17 =	vsel vm1, v36, v17  }
0x2b6: {  	v37 =	vor.u32 s19, v1;
	(xrf1) =	vsort.ascd.msk.f32 $0xffff, v16, v17  }
0x2b7: {  	(xrf1) =	vsort.dscd.msk.f32 $0xffff, v34, v37;
	_ =	sdelay $0xc  }
0x2b8: {  	v39 =	vld [tilespmem:$0x2550];
	v38, v17, _ =	vpop (xrf1)  }
0x2b9: {  	v40, v41, _ =	vpop (xrf1)  }
0x2ba: {  	vm1 =	vgt.f32 v40, v38  }
0x2bb: {  	s20 =	sor.u32 $0x50, s17;
	v16 =	vsel vm1, v40, v38;
	v17 =	vsel vm1, v41, v17  }
0x2bc: {  	v42 =	vor.u32 s20, v1;
	(xrf1) =	vsort.ascd.msk.f32 $0xffff, v16, v17  }
0x2bd: {  	(xrf1) =	vsort.dscd.msk.f32 $0xffff, v39, v42;
	_ =	sdelay $0xc  }
0x2be: {  	v44 =	vld [tilespmem:$0x2560];
	v43, v17, _ =	vpop (xrf1)  }
0x2bf: {  	v45, v46, _ =	vpop (xrf1)  }
0x2c0: {  	vm1 =	vgt.f32 v45, v43  }
0x2c1: {  	s21 =	sor.u32 $0x60, s17;
	v16 =	vsel vm1, v45, v43;
	v17 =	vsel vm1, v46, v17  }
0x2c2: {  	v47 =	vor.u32 s21, v1;
	(xrf1) =	vsort.ascd.msk.f32 $0xffff, v16, v17  }
0x2c3: {  	(xrf1) =	vsort.dscd.msk.f32 $0xffff, v44, v47;
	_ =	sdelay $0xb  }
0x2c4: {  	v48 =	vsel vm13, $0x0, v4  }
0x2c5: {  	(xrf0) =	vadd.scan.msk.s32 $0xffff, v48;
	v49, v17, _ =	vpop (xrf1)  }
0x2c6: {  	v51, v52, _ =	vpop (xrf1)  }
0x2c7: {  	v50 =	vld [tilespmem:$0x2570];
	vm1 =	vgt.f32 v51, v49  }
0x2c8: {  	v16 =	vsel vm1, v51, v49;
	_ =	sdelay $0x1  }
0x2c9: {  	s17 =	sor.u32 $0x70, s17;
	v17 =	vsel vm1, v52, v17  }
0x2ca: {  	v53 =	vor.u32 s17, v1;
	(xrf1) =	vsort.ascd.msk.f32 $0xffff, v16, v17;
	v16, _, _ =	vpop (xrf0)  }
0x2cb: {  	(xrf1) =	vsort.dscd.msk.f32 $0xffff, v50, v53;
	(v2sf) =	vpush v16, $0xF;
	_ =	sdelay $0xc  }
0x2cc: {  	v54 =	vld [tilespmem:$0x2580];
	v17, v18, _ =	vpop (xrf1)  }
0x2cd: {  	v55, v21, _ =	vpop (xrf1)  }
0x2ce: {  	vm1 =	vgt.f32 v55, v17;
	s22 =	spop (v2sf)  }
0x2cf: {  	v17 =	vsel vm1, v55, v17;
	v18 =	vsel vm1, v21, v18;
	s17 =	sshll.u32 s22, $0x7  }
0x2d0: {  	(xrf1) =	vsort.ascd.msk.f32 $0xffff, v17, v18;
	v56 =	vor.u32 s17, v1  }
0x2d1: {  	(xrf1) =	vsort.dscd.msk.f32 $0xffff, v54, v56;
	_ =	sdelay $0xc  }
0x2d2: {  	v58 =	vld [tilespmem:$0x2590];
	v57, v18, _ =	vpop (xrf1)  }
0x2d3: {  	v59, v60, _ =	vpop (xrf1)  }
0x2d4: {  	vm1 =	vgt.f32 v59, v57  }
0x2d5: {  	s23 =	sor.u32 $0x10, s17;
	v17 =	vsel vm1, v59, v57;
	v18 =	vsel vm1, v60, v18  }
0x2d6: {  	v61 =	vor.u32 s23, v1;
	(xrf1) =	vsort.ascd.msk.f32 $0xffff, v17, v18  }
0x2d7: {  	(xrf1) =	vsort.dscd.msk.f32 $0xffff, v58, v61;
	_ =	sdelay $0xc  }
0x2d8: {  	v63 =	vld [tilespmem:$0x25A0];
	v62, v18, _ =	vpop (xrf1)  }
0x2d9: {  	v24, v25, _ =	vpop (xrf1)  }
0x2da: {  	vm1 =	vgt.f32 v24, v62  }
0x2db: {  	s24 =	sor.u32 $0x20, s17;
	v17 =	vsel vm1, v24, v62;
	v18 =	vsel vm1, v25, v18  }
0x2dc: {  	v26 =	vor.u32 s24, v1;
	(xrf1) =	vsort.ascd.msk.f32 $0xffff, v17, v18  }
0x2dd: {  	(xrf1) =	vsort.dscd.msk.f32 $0xffff, v63, v26;
	_ =	sdelay $0xc  }
0x2de: {  	v28 =	vld [tilespmem:$0x25B0];
	v27, v18, _ =	vpop (xrf1)  }
0x2df: {  	v29, v30, _ =	vpop (xrf1)  }
0x2e0: {  	vm1 =	vgt.f32 v29, v27  }
0x2e1: {  	s25 =	sor.u32 $0x30, s17;
	v17 =	vsel vm1, v29, v27;
	v18 =	vsel vm1, v30, v18  }
0x2e2: {  	v31 =	vor.u32 s25, v1;
	(xrf1) =	vsort.ascd.msk.f32 $0xffff, v17, v18  }
0x2e3: {  	(xrf1) =	vsort.dscd.msk.f32 $0xffff, v28, v31;
	_ =	sdelay $0xc  }
0x2e4: {  	v33 =	vld [tilespmem:$0x25C0];
	v32, v18, _ =	vpop (xrf1)  }
0x2e5: {  	v34, v35, _ =	vpop (xrf1)  }
0x2e6: {  	vm1 =	vgt.f32 v34, v32  }
0x2e7: {  	s26 =	sor.u32 $0x40, s17;
	v17 =	vsel vm1, v34, v32;
	v18 =	vsel vm1, v35, v18  }
0x2e8: {  	v36 =	vor.u32 s26, v1;
	(xrf1) =	vsort.ascd.msk.f32 $0xffff, v17, v18  }
0x2e9: {  	(xrf1) =	vsort.dscd.msk.f32 $0xffff, v33, v36;
	_ =	sdelay $0xc  }
0x2ea: {  	v38 =	vld [tilespmem:$0x25D0];
	v37, v18, _ =	vpop (xrf1)  }
0x2eb: {  	v39, v40, _ =	vpop (xrf1)  }
0x2ec: {  	vm1 =	vgt.f32 v39, v37  }
0x2ed: {  	s28 =	sor.u32 $0x50, s17;
	v17 =	vsel vm1, v39, v37;
	v18 =	vsel vm1, v40, v18  }
0x2ee: {  	v41 =	vor.u32 s28, v1;
	(xrf1) =	vsort.ascd.msk.f32 $0xffff, v17, v18  }
0x2ef: {  	(xrf1) =	vsort.dscd.msk.f32 $0xffff, v38, v41;
	_ =	sdelay $0xc  }
0x2f0: {  	v43 =	vld [tilespmem:$0x25E0];
	v42, v18, _ =	vpop (xrf1)  }
0x2f1: {  	v44, v45, _ =	vpop (xrf1)  }
0x2f2: {  	vm1 =	vgt.f32 v44, v42  }
0x2f3: {  	s29 =	sor.u32 $0x60, s17;
	v17 =	vsel vm1, v44, v42;
	v18 =	vsel vm1, v45, v18  }
0x2f4: {  	v46 =	vor.u32 s29, v1;
	(xrf1) =	vsort.ascd.msk.f32 $0xffff, v17, v18  }
0x2f5: {  	(xrf1) =	vsort.dscd.msk.f32 $0xffff, v43, v46;
	_ =	sdelay $0xb  }
0x2f6: {  	v47 =	vsel vm14, $0x0, v4  }
0x2f7: {  	(xrf0) =	vadd.scan.msk.s32 $0xffff, v47;
	v48, v18, _ =	vpop (xrf1)  }
0x2f8: {  	v50, v51, _ =	vpop (xrf1)  }
0x2f9: {  	v49 =	vld [tilespmem:$0x25F0];
	vm1 =	vgt.f32 v50, v48  }
0x2fa: {  	v17 =	vsel vm1, v50, v48;
	_ =	sdelay $0x1  }
0x2fb: {  	s17 =	sor.u32 $0x70, s17;
	v18 =	vsel vm1, v51, v18  }
0x2fc: {  	v52 =	vor.u32 s17, v1;
	(xrf1) =	vsort.ascd.msk.f32 $0xffff, v17, v18;
	v17, _, _ =	vpop (xrf0)  }
0x2fd: {  	(xrf1) =	vsort.dscd.msk.f32 $0xffff, v49, v52;
	(v2sf) =	vpush v17, $0xF;
	_ =	sdelay $0xc  }
0x2fe: {  	v53 =	vld [tilespmem:$0x2600];
	v18, v19, _ =	vpop (xrf1)  }
0x2ff: {  	v54, v22, _ =	vpop (xrf1)  }
0x300: {  	vm1 =	vgt.f32 v54, v18;
	s30 =	spop (v2sf)  }
0x301: {  	v18 =	vsel vm1, v54, v18;
	v19 =	vsel vm1, v22, v19;
	s17 =	sshll.u32 s30, $0x7  }
0x302: {  	(xrf1) =	vsort.ascd.msk.f32 $0xffff, v18, v19;
	v55 =	vor.u32 s17, v1  }
0x303: {  	(xrf1) =	vsort.dscd.msk.f32 $0xffff, v53, v55;
	_ =	sdelay $0xc  }
0x304: {  	v57 =	vld [tilespmem:$0x2610];
	v56, v19, _ =	vpop (xrf1)  }
0x305: {  	v58, v59, _ =	vpop (xrf1)  }
0x306: {  	vm1 =	vgt.f32 v58, v56  }
0x307: {  	s31 =	sor.u32 $0x10, s17;
	v18 =	vsel vm1, v58, v56;
	v19 =	vsel vm1, v59, v19  }
0x308: {  	v60 =	vor.u32 s31, v1;
	(xrf1) =	vsort.ascd.msk.f32 $0xffff, v18, v19  }
0x309: {  	(xrf1) =	vsort.dscd.msk.f32 $0xffff, v57, v60;
	_ =	sdelay $0xc  }
0x30a: {  	v62 =	vld [tilespmem:$0x2620];
	v61, v19, _ =	vpop (xrf1)  }
0x30b: {  	v63, v24, _ =	vpop (xrf1)  }
0x30c: {  	vm1 =	vgt.f32 v63, v61  }
0x30d: {  	s19 =	sor.u32 $0x20, s17;
	v18 =	vsel vm1, v63, v61;
	v19 =	vsel vm1, v24, v19  }
0x30e: {  	v25 =	vor.u32 s19, v1;
	(xrf1) =	vsort.ascd.msk.f32 $0xffff, v18, v19  }
0x30f: {  	(xrf1) =	vsort.dscd.msk.f32 $0xffff, v62, v25;
	_ =	sdelay $0xc  }
0x310: {  	v27 =	vld [tilespmem:$0x2630];
	v26, v19, _ =	vpop (xrf1)  }
0x311: {  	v28, v29, _ =	vpop (xrf1)  }
0x312: {  	vm1 =	vgt.f32 v28, v26  }
0x313: {  	s20 =	sor.u32 $0x30, s17;
	v18 =	vsel vm1, v28, v26;
	v19 =	vsel vm1, v29, v19  }
0x314: {  	v30 =	vor.u32 s20, v1;
	(xrf1) =	vsort.ascd.msk.f32 $0xffff, v18, v19  }
0x315: {  	(xrf1) =	vsort.dscd.msk.f32 $0xffff, v27, v30;
	_ =	sdelay $0xc  }
0x316: {  	v32 =	vld [tilespmem:$0x2640];
	v31, v19, _ =	vpop (xrf1)  }
0x317: {  	v33, v34, _ =	vpop (xrf1)  }
0x318: {  	vm1 =	vgt.f32 v33, v31  }
0x319: {  	s21 =	sor.u32 $0x40, s17;
	v18 =	vsel vm1, v33, v31;
	v19 =	vsel vm1, v34, v19  }
0x31a: {  	v35 =	vor.u32 s21, v1;
	(xrf1) =	vsort.ascd.msk.f32 $0xffff, v18, v19  }
0x31b: {  	(xrf1) =	vsort.dscd.msk.f32 $0xffff, v32, v35;
	_ =	sdelay $0xc  }
0x31c: {  	v37 =	vld [tilespmem:$0x2650];
	v36, v19, _ =	vpop (xrf1)  }
0x31d: {  	v38, v39, _ =	vpop (xrf1)  }
0x31e: {  	vm1 =	vgt.f32 v38, v36  }
0x31f: {  	s22 =	sor.u32 $0x50, s17;
	v18 =	vsel vm1, v38, v36;
	v19 =	vsel vm1, v39, v19  }
0x320: {  	v40 =	vor.u32 s22, v1;
	(xrf1) =	vsort.ascd.msk.f32 $0xffff, v18, v19  }
0x321: {  	(xrf1) =	vsort.dscd.msk.f32 $0xffff, v37, v40;
	_ =	sdelay $0xc  }
0x322: {  	v42 =	vld [tilespmem:$0x2660];
	v41, v19, _ =	vpop (xrf1)  }
0x323: {  	v43, v44, _ =	vpop (xrf1)  }
0x324: {  	vm1 =	vgt.f32 v43, v41  }
0x325: {  	s23 =	sor.u32 $0x60, s17;
	v18 =	vsel vm1, v43, v41;
	v19 =	vsel vm1, v44, v19  }
0x326: {  	v45 =	vor.u32 s23, v1;
	(xrf1) =	vsort.ascd.msk.f32 $0xffff, v18, v19  }
0x327: {  	(xrf1) =	vsort.dscd.msk.f32 $0xffff, v42, v45;
	_ =	sdelay $0xb  }
0x328: {  	v4 =	vsel vm15, $0x0, v4  }
0x329: {  	(xrf0) =	vadd.scan.msk.s32 $0xffff, v4;
	v47, v46, _ =	vpop (xrf1)  }
0x32a: {  	v20, v49, _ =	vpop (xrf1)  }
0x32b: {  	v48 =	vld [tilespmem:$0x2670];
	vm1 =	vgt.f32 v20, v47  }
0x32c: {  	v4 =	vsel vm1, v20, v47;
	_ =	sdelay $0x1  }
0x32d: {  	s17 =	sor.u32 $0x70, s17;
	v18 =	vsel vm1, v49, v46  }
0x32e: {  	v50 =	vor.u32 s17, v1;
	(xrf1) =	vsort.ascd.msk.f32 $0xffff, v4, v18;
	v4, _, _ =	vpop (xrf0)  }
0x32f: {  	(xrf1) =	vsort.dscd.msk.f32 $0xffff, v48, v50;
	(v2sf) =	vpush v4, $0xF;
	_ =	sdelay $0xc  }
0x330: {  	v51 =	vld [tilespmem:$0x2680];
	v18, v19, _ =	vpop (xrf1)  }
0x331: {  	v53, v52, _ =	vpop (xrf1)  }
0x332: {  	vm1 =	vgt.f32 v53, v18;
	s24 =	spop (v2sf)  }
0x333: {  	v18 =	vsel vm1, v53, v18;
	v19 =	vsel vm1, v52, v19;
	s17 =	sshll.u32 s24, $0x7  }
0x334: {  	(xrf1) =	vsort.ascd.msk.f32 $0xffff, v18, v19;
	v54 =	vor.u32 s17, v1  }
0x335: {  	(xrf1) =	vsort.dscd.msk.f32 $0xffff, v51, v54;
	_ =	sdelay $0xc  }
0x336: {  	v56 =	vld [tilespmem:$0x2690];
	v55, v19, _ =	vpop (xrf1)  }
0x337: {  	v57, v58, _ =	vpop (xrf1)  }
0x338: {  	vm1 =	vgt.f32 v57, v55  }
0x339: {  	s25 =	sor.u32 $0x10, s17;
	v18 =	vsel vm1, v57, v55;
	v19 =	vsel vm1, v58, v19  }
0x33a: {  	v59 =	vor.u32 s25, v1;
	(xrf1) =	vsort.ascd.msk.f32 $0xffff, v18, v19  }
0x33b: {  	(xrf1) =	vsort.dscd.msk.f32 $0xffff, v56, v59;
	_ =	sdelay $0xc  }
0x33c: {  	v61 =	vld [tilespmem:$0x26A0];
	v60, v19, _ =	vpop (xrf1)  }
0x33d: {  	v62, v63, _ =	vpop (xrf1)  }
0x33e: {  	vm1 =	vgt.f32 v62, v60  }
0x33f: {  	s26 =	sor.u32 $0x20, s17;
	v18 =	vsel vm1, v62, v60;
	v19 =	vsel vm1, v63, v19  }
0x340: {  	v23 =	vor.u32 s26, v1;
	(xrf1) =	vsort.ascd.msk.f32 $0xffff, v18, v19  }
0x341: {  	(xrf1) =	vsort.dscd.msk.f32 $0xffff, v61, v23;
	_ =	sdelay $0xc  }
0x342: {  	v25 =	vld [tilespmem:$0x26B0];
	v24, v19, _ =	vpop (xrf1)  }
0x343: {  	v26, v27, _ =	vpop (xrf1)  }
0x344: {  	vm1 =	vgt.f32 v26, v24  }
0x345: {  	s28 =	sor.u32 $0x30, s17;
	v18 =	vsel vm1, v26, v24;
	v19 =	vsel vm1, v27, v19  }
0x346: {  	v28 =	vor.u32 s28, v1;
	(xrf1) =	vsort.ascd.msk.f32 $0xffff, v18, v19  }
0x347: {  	(xrf1) =	vsort.dscd.msk.f32 $0xffff, v25, v28;
	_ =	sdelay $0xc  }
0x348: {  	v30 =	vld [tilespmem:$0x26C0];
	v29, v19, _ =	vpop (xrf1)  }
0x349: {  	v31, v32, _ =	vpop (xrf1)  }
0x34a: {  	vm1 =	vgt.f32 v31, v29  }
0x34b: {  	s29 =	sor.u32 $0x40, s17;
	v18 =	vsel vm1, v31, v29;
	v19 =	vsel vm1, v32, v19  }
0x34c: {  	v33 =	vor.u32 s29, v1;
	(xrf1) =	vsort.ascd.msk.f32 $0xffff, v18, v19  }
0x34d: {  	(xrf1) =	vsort.dscd.msk.f32 $0xffff, v30, v33;
	_ =	sdelay $0xc  }
0x34e: {  	v35 =	vld [tilespmem:$0x26D0];
	v34, v19, _ =	vpop (xrf1)  }
0x34f: {  	v36, v37, _ =	vpop (xrf1)  }
0x350: {  	vm1 =	vgt.f32 v36, v34  }
0x351: {  	s30 =	sor.u32 $0x50, s17;
	v18 =	vsel vm1, v36, v34;
	v19 =	vsel vm1, v37, v19  }
0x352: {  	v38 =	vor.u32 s30, v1;
	(xrf1) =	vsort.ascd.msk.f32 $0xffff, v18, v19  }
0x353: {  	(xrf1) =	vsort.dscd.msk.f32 $0xffff, v35, v38;
	_ =	sdelay $0xc  }
0x354: {  	v40 =	vld [tilespmem:$0x26E0];
	v39, v19, _ =	vpop (xrf1)  }
0x355: {  	v41, v42, _ =	vpop (xrf1)  }
0x356: {  	vm1 =	vgt.f32 v41, v39  }
0x357: {  	s31 =	sor.u32 $0x60, s17;
	v18 =	vsel vm1, v41, v39;
	v19 =	vsel vm1, v42, v19  }
0x358: {  	v43 =	vor.u32 s31, v1;
	(xrf1) =	vsort.ascd.msk.f32 $0xffff, v18, v19  }
0x359: {  	(xrf1) =	vsort.dscd.msk.f32 $0xffff, v40, v43;
	_ =	sdelay $0xc  }
0x35a: {  	v45 =	vld [tilespmem:$0x26F0];
	v44, v19, _ =	vpop (xrf1)  }
0x35b: {  	v46, v47, _ =	vpop (xrf1)  }
0x35c: {  	vm1 =	vgt.f32 v46, v44  }
0x35d: {  	s17 =	sor.u32 $0x70, s17;
	v18 =	vsel vm1, v46, v44;
	v19 =	vsel vm1, v47, v19  }
0x35e: {  	v48 =	vor.u32 s17, v1;
	(xrf1) =	vsort.ascd.msk.f32 $0xffff, v18, v19  }
0x35f: {  	(xrf1) =	vsort.dscd.msk.f32 $0xffff, v45, v48;
	_ =	sdelay $0xc  }
0x360: {  	v49, v19, _ =	vpop (xrf1)  }
0x361: {  	v20, v50, _ =	vpop (xrf1)  }
0x362: {  	vm1 =	vgt.f32 v20, v49  }
0x363: {  	v18 =	vsel vm1, v20, v49;
	v19 =	vsel vm1, v50, v19  }
0x364: {  	(xrf1) =	vsort.ascd.msk.f32 $0xffff, v18, v19;
	_ =	sdelay $0xd  }
0x365: {  	_, v18, _ =	vpop (xrf1)  }
0x366: {  	v51 =	vshra.s32 v18, $0x1F  }
0x367: {  	v19 =	vshrl.u32 v51, $0x19  }
0x368: {  	v19 =	vadd.s32 v19, v18  }
0x369: {  	v19 =	vshra.s32 v19, $0x7  }
0x36a: {  	v52 =	vshll.u32 v19, $0x7  }
0x36b: {  	vm1 =	vlt.s32 v18, $0x1;
	vm2 =	vne.s32 v18, v52  }
0x36c: {  	vm1 =	vmand vm1, vm2  }
0x36d: {  	v3 =	vbroadcast v3, $0xF;
	v53 =	vsel vm1, $0xFFFFFFFF, v2  }
0x36e: {  	v5 =	vbroadcast v5, $0xF;
	v19 =	vadd.s32 v53, v19  }
0x36f: {  	vm1 =	veq.s32 v19, v3;
	v3 =	vbroadcast v6, $0xF  }
0x370: {  	v54 =	vbroadcast v7, $0xF;
	vm2 =	veq.s32 v19, v5;
	v55 =	vsel vm1, $0x80, v2  }
0x371: {  	vm1 =	veq.s32 v19, v3;
	v3 =	vbroadcast v8, $0xF;
	v6 =	vsel vm2, $0x100, v55  }
0x372: {  	v56 =	vbroadcast v9, $0xF;
	vm2 =	veq.s32 v19, v54;
	v6 =	vsel vm1, $0x180, v6  }
0x373: {  	vm1 =	veq.s32 v19, v3;
	v3 =	vbroadcast v10, $0xF;
	v6 =	vsel vm2, $0x200, v6  }
0x374: {  	v57 =	vbroadcast v11, $0xF;
	vm2 =	veq.s32 v19, v56;
	v6 =	vsel vm1, $0x280, v6  }
0x375: {  	vm1 =	veq.s32 v19, v3;
	v3 =	vbroadcast v12, $0xF;
	v6 =	vsel vm2, $0x300, v6  }
0x376: {  	v58 =	vbroadcast v13, $0xF;
	vm2 =	veq.s32 v19, v57;
	v6 =	vsel vm1, $0x380, v6  }
0x377: {  	vm1 =	veq.s32 v19, v3;
	v3 =	vbroadcast v14, $0xF;
	v6 =	vsel vm2, $0x400, v6  }
0x378: {  	v59 =	vbroadcast v15, $0xF;
	vm2 =	veq.s32 v19, v58;
	v6 =	vsel vm1, $0x480, v6  }
0x379: {  	vm1 =	veq.s32 v19, v3;
	v3 =	vbroadcast v16, $0xF;
	v6 =	vsel vm2, $0x500, v6  }
0x37a: {  	v60 =	vbroadcast v17, $0xF;
	vm2 =	veq.s32 v19, v59;
	v6 =	vsel vm1, $0x580, v6  }
0x37b: {  	vm1 =	veq.s32 v19, v3;
	v3 =	vbroadcast v4, $0xF;
	v61 =	vsel vm2, $0x600, v6  }
0x37c: {  	vm2 =	veq.s32 v19, v60;
	v4 =	vsel vm1, $0x680, v61  }
0x37d: {  	vm1 =	veq.s32 v19, v3;
	v3 =	vsel vm2, $0x700, v4  }
0x37e: {  	v62 =	vand.u32 $0x7F, v18;
	v3 =	vsel vm1, $0x780, v3  }
0x37f: {  	v3 =	vadd.s32 v3, v62;
	_ =	sdelay $0x4  }
0x380: {  	v3 =	vld.idx.msk [tilespmem:v3+s13+$0x0], $0xffff;
	_ =	sdelay $0x4  }
0x381: {  	(xrf0) =	vmax.scan.msk.f32 $0xffff, v3;
	_ =	sdelay $0x5  }
0x382: {  	v63, _, _ =	vpop (xrf0)  }
0x383: {  	v4 =	vbroadcast v63, $0xF;
	_ =	sdelay $0x1  }
0x384: {  	vm1 =	vge.f32 v3, v4  }
0x385: {  	v3 =	vsel vm1, $0x1, v2  }
0x386: {  	(xrf0) =	vadd.scan.msk.s32 $0xffff, v3;
	_ =	sdelay $0x5  }
0x387: {  	v3, _, _ =	vpop (xrf0)  }
0x388: {  	vm2 =	veq.s32 v3, $0x1  }
0x389: {  	vm1 =	vmand vm1, vm2  }
0x38a: {  	v3 =	vnsel vm1, $0x0, v18  }
0x38b: {  	(xrf0) =	vadd.scan.msk.s32 $0xffff, v3;
	_ =	sdelay $0x5  }
0x38c: {  	v3, _, _ =	vpop (xrf0)  }
0x38d: {  	s16 =	sadd.s32 $0x1, s16;
	v3 =	vbroadcast v3, $0xF  }
0x38e: {  	p0 =	sne.s32 s16, s7  }
.Ltmp1:
0x38f: {  	[tilespmem:$0x2F20] =	vst v3;
	(pc) =	sbr.rel @p0 .LBB2_1-.Ltmp1, $4  }
0x390: {  	[hbm4b:s6+s2] =	stream.linear.scatter [tilespmem:s15], [sflag:$0x2], $0x10, $0x38;
	[tilespmem:$0x2F30] =	vst v63  }
0x391: {  	_ =	swait.ge [sflag:s8], $0x10  }
0x392: {  	[sflag:s8] =	ssyncset.done $0x0  }
0x393: {  	[sflag:s8] =	ssyncadd.s32 $0xFFFFFFF0  }
0x394: {  	_ =	sfence.sel $0x180000  }
0x395: {  	[bflag:$0x0] =	sbarrier.arrive $0xFFFF  }
0x396: {  	p0 =	sne.s32 s0, $0x0;
	_ =	strace $0x90000047  }
0x397: {  	s0 =	sadd.s32 @!p0 $0x100000, s1;
	[bflag:$0x2] =	sbarrier.arrive $0xFFFF  }
0x398: {  	[sflag:s0] =	ssyncadd.tile.s32 @!p0 $0x1;
	_ =	shalt  }
.Lfunc_end2:
_tile_overlayer_lowered:
.L_overlay_start_2:
0x399: {  	(tag) =	ssettag $0x2  }
0x39a: {  	s0 =	rddreg [dreg:$0x0];
	s2 =	stileid.u32  }
0x39b: {  	s1 =	rddreg [dreg:$0x1];
	p0 =	sne.s32 s2, $0x0  }
0x39c: {  	s3 =	rddreg [dreg:$0x2];
	[bflag:$0x3] =	sbarrier.arrive $0xFFFF;
	s2 =	simm.s32 @!p0 $0x1C02  }
0x39d: {  	[timem:s3], [sflag:s2] =	dma.local @!p0 [hbm:s0], s1  }
0x39e: {  	s0 =	simm.s32 @!p0 $0x2  }
0x39f: {  	_ =	swait.ge @!p0 [sflag:s0], s1  }
0x3a0: {  	s1 =	ssub.s32 @!p0 $0x0, s1;
	[sflag:s0] =	ssyncset.done @!p0 $0x0  }
0x3a1: {  	[sflag:s0] =	ssyncadd.s32 @!p0 s1  }
0x3a2: {  	[bflag:$0x3] =	sbarrier.arrive $0xFFFF  }
0x3a3: {  	_ =	shalt  }

</sc_bundles>
